<compile_context>
chip_gen: v7x
topology: tpu7x:2x2x1
jax: 0.10.2.dev20260603
libtpu: 0.0.44.dev20260713+nightly
codegen_flags: <defaults>
</compile_context>

<pallas_src>
import functools

import jax
import jax.numpy as jnp
from jax import lax
from jax.experimental import pallas as pl
from jax.experimental.pallas import tpu as pltpu
from jax.experimental.pallas import tpu_sc as plsc

_ALPHABET = 33
_OUT_CH = _ALPHABET + 1
_LANES = 16
_NUM_CORES = 2
_NUM_SUBCORES = 16
_NUM_WORKERS = _NUM_CORES * _NUM_SUBCORES
_TR = 8
_TC = 128
_NBUF = 3
_NTOK = 5


@functools.cache
def _build(b: int, t: int):
    rblocks = b // _TR
    w_per_row = max(_NUM_WORKERS // rblocks, 1)
    cb_per_w = (t // _TC) // w_per_row
    cpw = _TC // _LANES

    mesh = plsc.VectorSubcoreMesh(
        core_axis_name="c", subcore_axis_name="s",
        num_cores=_NUM_CORES, num_subcores=_NUM_SUBCORES)

    @functools.partial(
        pl.kernel,
        out_type=jax.ShapeDtypeStruct((_OUT_CH, b, t), jnp.float32),
        mesh=mesh,
        scratch_types=(
            [pltpu.VMEM((_TR, _TC), jnp.int32) for _ in range(_NTOK)]
            + [pltpu.VMEM((_TR, _TC), jnp.float32) for _ in range(2)]
            + [pltpu.VMEM((_OUT_CH, _TR, _TC), jnp.float32)
               for _ in range(_NBUF)]
            + [pltpu.SemaphoreType.DMA for _ in range(_NBUF + 2)]
        ),
        compiler_params=pltpu.CompilerParams(needs_layout_passes=False),
    )
    def sc_kernel(tok_hbm, eng_hbm, out_hbm,
                  tv0, tv1, tv2, tv3, tv4, ev0, ev1, ob0, ob1, ob2,
                  so0, so1, so2, si0, si1):
        wid = lax.axis_index("s") * _NUM_CORES + lax.axis_index("c")
        rb = wid // w_per_row
        cb0 = (wid % w_per_row) * cb_per_w
        r0 = rb * _TR
        iota = lax.iota(jnp.int32, _LANES)
        ones = jnp.full((_LANES,), 1.0, jnp.float32)
        zeros = jnp.zeros((_LANES,), jnp.float32)
        obufs = (ob0, ob1, ob2)
        osems = (so0, so1, so2)
        tbufs = (tv0, tv1, tv2, tv3, tv4)
        ebufs = (ev0, ev1)
        isems = (si0, si1)
        odescs = [None] * _NBUF
        idescs = [None, None]

        def start_inputs(k):
            c0 = (cb0 + k) * _TC
            d1 = pltpu.async_copy(
                tok_hbm.at[pl.ds(r0, _TR), pl.ds(c0, _TC)],
                tbufs[k % _NTOK], isems[k % 2])
            d2 = pltpu.async_copy(
                eng_hbm.at[pl.ds(r0, _TR), pl.ds(c0, _TC)],
                ebufs[k % 2], isems[k % 2])
            idescs[k % 2] = (d1, d2)

        start_inputs(0)
        for k in range(cb_per_w):
            ob = obufs[k % _NBUF]
            if odescs[k % _NBUF] is not None:
                odescs[k % _NBUF].wait()

            if k < _NBUF:
                @plsc.parallel_loop(0, _ALPHABET, unroll=3)
                def zero_body(ch, ob=ob):
                    for r in range(_TR):
                        for cblk in range(cpw):
                            ob[ch, r, pl.ds(cblk * _LANES, _LANES)] = zeros

            for d in idescs[k % 2]:
                d.wait()
            tok_v = tbufs[k % _NTOK]
            eng_v = ebufs[k % 2]
            tok_p = tbufs[(k - _NBUF) % _NTOK]
            if k + 1 < cb_per_w:
                start_inputs(k + 1)

            @plsc.parallel_loop(0, _TR * cpw, unroll=4)
            def col_body(g, ob=ob, tok_v=tok_v, eng_v=eng_v,
                         tok_p=tok_p, undo=(k >= _NBUF)):
                r = g // cpw
                cstart = (g % cpw) * _LANES
                rvec = jnp.full((_LANES,), 1, jnp.int32) * r
                cvec = cstart + iota
                tok = tok_v[r, pl.ds(cstart, _LANES)]
                valid = jnp.logical_and(tok >= 0, tok < _ALPHABET)
                if undo:
                    tp = tok_p[r, pl.ds(cstart, _LANES)]
                    validp = jnp.logical_and(tp >= 0, tp < _ALPHABET)
                    prev = jnp.where(tp == tok, jnp.float32(1.0),
                                     jnp.float32(0.0))
                    plsc.store_scatter(ob, [tp, rvec, cvec], prev,
                                       mask=validp)
                plsc.store_scatter(ob, [tok, rvec, cvec], ones,
                                   mask=valid)
                eng = eng_v[r, pl.ds(cstart, _LANES)]
                motif = jnp.where(eng <= -1.0, jnp.float32(1.0),
                                  jnp.float32(0.0))
                ob[_ALPHABET, r, pl.ds(cstart, _LANES)] = motif

            c0 = (cb0 + k) * _TC
            odescs[k % _NBUF] = pltpu.async_copy(
                ob, out_hbm.at[:, pl.ds(r0, _TR), pl.ds(c0, _TC)],
                osems[k % _NBUF])

        for d in odescs:
            if d is not None:
                d.wait()

    return sc_kernel


def kernel(tokens, energy_scores):
    b, t = tokens.shape
    out = _build(b, t)(tokens.astype(jnp.int32), energy_scores)
    return jnp.transpose(out, (1, 2, 0))

# --- scband reference (transcript-rebuilt; emitter-appended) ---
"""Pipeline reference for scband-refined-representation-32109175505548 (READ-ONLY COPY).

The authoritative reference and input builder live on the scoring server;
editing this copy changes nothing except your own understanding.
"""

import jax, jax.numpy as jnp
import numpy as np

ALPHABET_SIZE = 33  # len(esm_model.alphabet) for ESM-1/2 alphabet


def setup_inputs(seed: int = 0) -> dict:
    key = jax.random.key(seed)
    k1, k2 = jax.random.split(key)
    tokens = jax.random.randint(k1, (128, 2048), 0, ALPHABET_SIZE, dtype=jnp.int64 if jax.config.jax_enable_x64 else jnp.int32)
    energy_scores = jax.random.normal(k2, (128, 2048), dtype=jnp.float32)
    return {"tokens": tokens, "energy_scores": energy_scores}


def reference(tokens, energy_scores):
    # one_hot = F.one_hot(tokens, num_classes=len(esm_model.alphabet))
    one_hot = jax.nn.one_hot(tokens, ALPHABET_SIZE, dtype=jnp.float32)
    # motif_channel = (energy_scores <= -1).float().unsqueeze(-1)
    motif_channel = (energy_scores <= -1.0).astype(jnp.float32)[..., None]
    # combined = torch.cat([one_hot, motif_channel], dim=-1)
    combined = jnp.concatenate([one_hot, motif_channel], axis=-1)
    return combined

if __name__ == "__main__":
    import jax
    _d = setup_inputs()
    print(jax.jit(kernel)(*tuple(_d.values())))

</pallas_src>

<mosaic_0001>
#map = affine_map<(d0, d1) -> (0, 0)>
#map1 = affine_map<(d0, d1) -> (0, 0, 0)>
module attributes {stable_mosaic.version = 14 : i64} {
  func.func @sc_kernel(%arg0: i32, %arg1: i32, %arg2: memref<128x2048xi32, #tpu.memory_space<hbm>>, %arg3: memref<128x2048xf32, #tpu.memory_space<hbm>>, %arg4: memref<34x128x2048xf32, #tpu.memory_space<hbm>>, %arg5: memref<8x128xi32, #tpu.memory_space<vmem>>, %arg6: memref<8x128xi32, #tpu.memory_space<vmem>>, %arg7: memref<8x128xi32, #tpu.memory_space<vmem>>, %arg8: memref<8x128xi32, #tpu.memory_space<vmem>>, %arg9: memref<8x128xi32, #tpu.memory_space<vmem>>, %arg10: memref<8x128xf32, #tpu.memory_space<vmem>>, %arg11: memref<8x128xf32, #tpu.memory_space<vmem>>, %arg12: memref<34x8x128xf32, #tpu.memory_space<vmem>>, %arg13: memref<34x8x128xf32, #tpu.memory_space<vmem>>, %arg14: memref<34x8x128xf32, #tpu.memory_space<vmem>>, %arg15: memref<!tpu.dma_semaphore, #tpu.memory_space<semaphore_mem>>, %arg16: memref<!tpu.dma_semaphore, #tpu.memory_space<semaphore_mem>>, %arg17: memref<!tpu.dma_semaphore, #tpu.memory_space<semaphore_mem>>, %arg18: memref<!tpu.dma_semaphore, #tpu.memory_space<semaphore_mem>>, %arg19: memref<!tpu.dma_semaphore, #tpu.memory_space<semaphore_mem>>) attributes {dimension_semantics = [#tpu.dimension_semantics<core_parallel>, #tpu.dimension_semantics<subcore_parallel>], iteration_bounds = array<i64: 2, 16>, scalar_prefetch = 0 : i64, scratch_operands = 15 : i64, tpu.core_type = #tpu.core_type<sc_vector_subcore>, window_params = [{transform_indices = #map}, {transform_indices = #map}, {transform_indices = #map1}]} {
    %mul3A = arith.constant 2 : i32
    %mul3A_0 = arith.muli %arg1, %mul3A : i32
    %add3A = arith.addi %mul3A_0, %arg0 : i32
    %jit3A = arith.constant 2 : i32
    %div3A = arith.divsi %add3A, %jit3A : i32
    %sign3A = arith.constant 0 : i32
    %sign3A_1 = arith.cmpi sgt, %add3A, %sign3A : i32
    %sign3A_2 = arith.extui %sign3A_1 : i1 to i32
    %sign3A_3 = arith.constant 0 : i32
    %sign3A_4 = arith.cmpi slt, %add3A, %sign3A_3 : i32
    %sign3A_5 = arith.extui %sign3A_4 : i1 to i32
    %sign3A_6 = arith.subi %sign3A_2, %sign3A_5 : i32
    %sign3A_7 = arith.constant 0 : i32
    %sign3A_8 = arith.cmpi sgt, %jit3A, %sign3A_7 : i32
    %sign3A_9 = arith.extui %sign3A_8 : i1 to i32
    %sign3A_10 = arith.constant 0 : i32
    %sign3A_11 = arith.cmpi slt, %jit3A, %sign3A_10 : i32
    %sign3A_12 = arith.extui %sign3A_11 : i1 to i32
    %sign3A_13 = arith.subi %sign3A_9, %sign3A_12 : i32
    %ne3A = arith.cmpi ne, %sign3A_6, %sign3A_13 : i32
    %rem3A = arith.remsi %add3A, %jit3A : i32
    %ne3A_14 = arith.constant 0 : i32
    %ne3A_15 = arith.cmpi ne, %rem3A, %ne3A_14 : i32
    %and3A = arith.andi %ne3A, %ne3A_15 : i1
    %sub3A = arith.constant 1 : i32
    %sub3A_16 = arith.subi %div3A, %sub3A : i32
    %select_n3A = arith.select %and3A, %sub3A_16, %div3A : i32
    %jit3A_17 = arith.constant 2 : i32
    %eq3A = arith.constant 0 : i32
    %eq3A_18 = arith.cmpi eq, %jit3A_17, %eq3A : i32
    %jit3A_19 = arith.constant 1 : i32
    %select_n3A_20 = arith.select %eq3A_18, %jit3A_19, %jit3A_17 : i32
    %rem3A_21 = arith.remsi %add3A, %select_n3A_20 : i32
    %ne3A_22 = arith.constant 0 : i32
    %ne3A_23 = arith.cmpi ne, %rem3A_21, %ne3A_22 : i32
    %lt3A = arith.constant 0 : i32
    %lt3A_24 = arith.cmpi slt, %rem3A_21, %lt3A : i32
    %lt3A_25 = arith.constant 0 : i32
    %lt3A_26 = arith.cmpi slt, %select_n3A_20, %lt3A_25 : i32
    %ne3A_27 = arith.xori %lt3A_24, %lt3A_26 : i1
    %and3A_28 = arith.andi %ne3A_27, %ne3A_23 : i1
    %add3A_29 = arith.addi %rem3A_21, %select_n3A_20 : i32
    %select_n3A_30 = arith.select %and3A_28, %add3A_29, %rem3A_21 : i32
    %mul3A_31 = arith.constant 8 : i32
    %mul3A_32 = arith.muli %select_n3A_30, %mul3A_31 : i32
    %mul3A_33 = arith.constant 8 : i32
    %mul3A_34 = arith.muli %select_n3A, %mul3A_33 : i32
    %iota3A = tpu.iota {dimensions = array<i32: 0>} : vector<16xi32>
    %broadcast_in_dim3A = arith.constant 1.000000e+00 : f32
    %broadcast_in_dim3A_35 = vector.broadcast %broadcast_in_dim3A : f32 to vector<16xf32>
    %broadcast_in_dim3A_36 = arith.constant 0.000000e+00 : f32
    %broadcast_in_dim3A_37 = vector.broadcast %broadcast_in_dim3A_36 : f32 to vector<16xf32>
    %add3A_38 = arith.constant 0 : i32
    %add3A_39 = arith.addi %mul3A_32, %add3A_38 : i32
    %mul3A_40 = arith.constant 128 : i32
    %mul3A_41 = arith.muli %add3A_39, %mul3A_40 : i32
    %dma_start3A = tpu.memref_slice %arg2[%mul3A_34, %mul3A_41] : memref<128x2048xi32, #tpu.memory_space<hbm>> -> memref<8x128xi32, #tpu.memory_space<hbm>>
    %dma_start3A_42 = tpu.memref_slice %arg2[%mul3A_34, %mul3A_41] : memref<128x2048xi32, #tpu.memory_space<hbm>> -> memref<8x128xi32, #tpu.memory_space<hbm>>
    tpu.enqueue_dma source(%dma_start3A_42 : memref<8x128xi32, #tpu.memory_space<hbm>>) target(%arg5 : memref<8x128xi32, #tpu.memory_space<vmem>>) target_semaphore(%arg18 : memref<!tpu.dma_semaphore, #tpu.memory_space<semaphore_mem>>)
    %dma_start3A_43 = tpu.memref_slice %arg3[%mul3A_34, %mul3A_41] : memref<128x2048xf32, #tpu.memory_space<hbm>> -> memref<8x128xf32, #tpu.memory_space<hbm>>
    %dma_start3A_44 = tpu.memref_slice %arg3[%mul3A_34, %mul3A_41] : memref<128x2048xf32, #tpu.memory_space<hbm>> -> memref<8x128xf32, #tpu.memory_space<hbm>>
    tpu.enqueue_dma source(%dma_start3A_44 : memref<8x128xf32, #tpu.memory_space<hbm>>) target(%arg10 : memref<8x128xf32, #tpu.memory_space<vmem>>) target_semaphore(%arg18 : memref<!tpu.dma_semaphore, #tpu.memory_space<semaphore_mem>>)
    %parallel_loop3A = arith.constant 0 : i32
    %parallel_loop3A_45 = arith.constant 33 : i32
    %parallel_loop3A_46 = arith.constant 1 : i32
    scf.for %parallel_loop3A_260 = %parallel_loop3A to %parallel_loop3A_45 step %parallel_loop3A_46  : i32 {
      %parallel_loop3A_261 = arith.constant 0 : i32
      %parallel_loop3A_262 = arith.index_cast %parallel_loop3A_260 : i32 to index
      %parallel_loop3A_263 = arith.index_cast %parallel_loop3A_261 : i32 to index
      %parallel_loop3A_264 = arith.constant 0 : index
      %parallel_loop3A_265 = tpu.vector_load %arg12[%parallel_loop3A_262, %parallel_loop3A_263, %parallel_loop3A_264] {strides = array<i32>} : memref<34x8x128xf32, #tpu.memory_space<vmem>>, vector<16xf32>,
      tpu.vector_store %arg12[%parallel_loop3A_262, %parallel_loop3A_263, %parallel_loop3A_264], %broadcast_in_dim3A_37 {strides = array<i32>} : memref<34x8x128xf32, #tpu.memory_space<vmem>>, vector<16xf32>,
      %parallel_loop3A_266 = arith.constant 0 : i32
      %parallel_loop3A_267 = arith.index_cast %parallel_loop3A_260 : i32 to index
      %parallel_loop3A_268 = arith.index_cast %parallel_loop3A_266 : i32 to index
      %parallel_loop3A_269 = arith.constant 16 : index
      %parallel_loop3A_270 = tpu.vector_load %arg12[%parallel_loop3A_267, %parallel_loop3A_268, %parallel_loop3A_269] {strides = array<i32>} : memref<34x8x128xf32, #tpu.memory_space<vmem>>, vector<16xf32>,
      tpu.vector_store %arg12[%parallel_loop3A_267, %parallel_loop3A_268, %parallel_loop3A_269], %broadcast_in_dim3A_37 {strides = array<i32>} : memref<34x8x128xf32, #tpu.memory_space<vmem>>, vector<16xf32>,
      %parallel_loop3A_271 = arith.constant 0 : i32
      %parallel_loop3A_272 = arith.index_cast %parallel_loop3A_260 : i32 to index
      %parallel_loop3A_273 = arith.index_cast %parallel_loop3A_271 : i32 to index
      %parallel_loop3A_274 = arith.constant 32 : index
      %parallel_loop3A_275 = tpu.vector_load %arg12[%parallel_loop3A_272, %parallel_loop3A_273, %parallel_loop3A_274] {strides = array<i32>} : memref<34x8x128xf32, #tpu.memory_space<vmem>>, vector<16xf32>,
      tpu.vector_store %arg12[%parallel_loop3A_272, %parallel_loop3A_273, %parallel_loop3A_274], %broadcast_in_dim3A_37 {strides = array<i32>} : memref<34x8x128xf32, #tpu.memory_space<vmem>>, vector<16xf32>,
      %parallel_loop3A_276 = arith.constant 0 : i32
      %parallel_loop3A_277 = arith.index_cast %parallel_loop3A_260 : i32 to index
      %parallel_loop3A_278 = arith.index_cast %parallel_loop3A_276 : i32 to index
      %parallel_loop3A_279 = arith.constant 48 : index
      %parallel_loop3A_280 = tpu.vector_load %arg12[%parallel_loop3A_277, %parallel_loop3A_278, %parallel_loop3A_279] {strides = array<i32>} : memref<34x8x128xf32, #tpu.memory_space<vmem>>, vector<16xf32>,
      tpu.vector_store %arg12[%parallel_loop3A_277, %parallel_loop3A_278, %parallel_loop3A_279], %broadcast_in_dim3A_37 {strides = array<i32>} : memref<34x8x128xf32, #tpu.memory_space<vmem>>, vector<16xf32>,
      %parallel_loop3A_281 = arith.constant 0 : i32
      %parallel_loop3A_282 = arith.index_cast %parallel_loop3A_260 : i32 to index
      %parallel_loop3A_283 = arith.index_cast %parallel_loop3A_281 : i32 to index
      %parallel_loop3A_284 = arith.constant 64 : index
      %parallel_loop3A_285 = tpu.vector_load %arg12[%parallel_loop3A_282, %parallel_loop3A_283, %parallel_loop3A_284] {strides = array<i32>} : memref<34x8x128xf32, #tpu.memory_space<vmem>>, vector<16xf32>,
      tpu.vector_store %arg12[%parallel_loop3A_282, %parallel_loop3A_283, %parallel_loop3A_284], %broadcast_in_dim3A_37 {strides = array<i32>} : memref<34x8x128xf32, #tpu.memory_space<vmem>>, vector<16xf32>,
      %parallel_loop3A_286 = arith.constant 0 : i32
      %parallel_loop3A_287 = arith.index_cast %parallel_loop3A_260 : i32 to index
      %parallel_loop3A_288 = arith.index_cast %parallel_loop3A_286 : i32 to index
      %parallel_loop3A_289 = arith.constant 80 : index
      %parallel_loop3A_290 = tpu.vector_load %arg12[%parallel_loop3A_287, %parallel_loop3A_288, %parallel_loop3A_289] {strides = array<i32>} : memref<34x8x128xf32, #tpu.memory_space<vmem>>, vector<16xf32>,
      tpu.vector_store %arg12[%parallel_loop3A_287, %parallel_loop3A_288, %parallel_loop3A_289], %broadcast_in_dim3A_37 {strides = array<i32>} : memref<34x8x128xf32, #tpu.memory_space<vmem>>, vector<16xf32>,
      %parallel_loop3A_291 = arith.constant 0 : i32
      %parallel_loop3A_292 = arith.index_cast %parallel_loop3A_260 : i32 to index
      %parallel_loop3A_293 = arith.index_cast %parallel_loop3A_291 : i32 to index
      %parallel_loop3A_294 = arith.constant 96 : index
      %parallel_loop3A_295 = tpu.vector_load %arg12[%parallel_loop3A_292, %parallel_loop3A_293, %parallel_loop3A_294] {strides = array<i32>} : memref<34x8x128xf32, #tpu.memory_space<vmem>>, vector<16xf32>,
      tpu.vector_store %arg12[%parallel_loop3A_292, %parallel_loop3A_293, %parallel_loop3A_294], %broadcast_in_dim3A_37 {strides = array<i32>} : memref<34x8x128xf32, #tpu.memory_space<vmem>>, vector<16xf32>,
      %parallel_loop3A_296 = arith.constant 0 : i32
      %parallel_loop3A_297 = arith.index_cast %parallel_loop3A_260 : i32 to index
      %parallel_loop3A_298 = arith.index_cast %parallel_loop3A_296 : i32 to index
      %parallel_loop3A_299 = arith.constant 112 : index
      %parallel_loop3A_300 = tpu.vector_load %arg12[%parallel_loop3A_297, %parallel_loop3A_298, %parallel_loop3A_299] {strides = array<i32>} : memref<34x8x128xf32, #tpu.memory_space<vmem>>, vector<16xf32>,
      tpu.vector_store %arg12[%parallel_loop3A_297, %parallel_loop3A_298, %parallel_loop3A_299], %broadcast_in_dim3A_37 {strides = array<i32>} : memref<34x8x128xf32, #tpu.memory_space<vmem>>, vector<16xf32>,
      %parallel_loop3A_301 = arith.constant 1 : i32
      %parallel_loop3A_302 = arith.index_cast %parallel_loop3A_260 : i32 to index
      %parallel_loop3A_303 = arith.index_cast %parallel_loop3A_301 : i32 to index
      %parallel_loop3A_304 = arith.constant 0 : index
      %parallel_loop3A_305 = tpu.vector_load %arg12[%parallel_loop3A_302, %parallel_loop3A_303, %parallel_loop3A_304] {strides = array<i32>} : memref<34x8x128xf32, #tpu.memory_space<vmem>>, vector<16xf32>,
      tpu.vector_store %arg12[%parallel_loop3A_302, %parallel_loop3A_303, %parallel_loop3A_304], %broadcast_in_dim3A_37 {strides = array<i32>} : memref<34x8x128xf32, #tpu.memory_space<vmem>>, vector<16xf32>,
      %parallel_loop3A_306 = arith.constant 1 : i32
      %parallel_loop3A_307 = arith.index_cast %parallel_loop3A_260 : i32 to index
      %parallel_loop3A_308 = arith.index_cast %parallel_loop3A_306 : i32 to index
      %parallel_loop3A_309 = arith.constant 16 : index
      %parallel_loop3A_310 = tpu.vector_load %arg12[%parallel_loop3A_307, %parallel_loop3A_308, %parallel_loop3A_309] {strides = array<i32>} : memref<34x8x128xf32, #tpu.memory_space<vmem>>, vector<16xf32>,
      tpu.vector_store %arg12[%parallel_loop3A_307, %parallel_loop3A_308, %parallel_loop3A_309], %broadcast_in_dim3A_37 {strides = array<i32>} : memref<34x8x128xf32, #tpu.memory_space<vmem>>, vector<16xf32>,
      %parallel_loop3A_311 = arith.constant 1 : i32
      %parallel_loop3A_312 = arith.index_cast %parallel_loop3A_260 : i32 to index
      %parallel_loop3A_313 = arith.index_cast %parallel_loop3A_311 : i32 to index
      %parallel_loop3A_314 = arith.constant 32 : index
      %parallel_loop3A_315 = tpu.vector_load %arg12[%parallel_loop3A_312, %parallel_loop3A_313, %parallel_loop3A_314] {strides = array<i32>} : memref<34x8x128xf32, #tpu.memory_space<vmem>>, vector<16xf32>,
      tpu.vector_store %arg12[%parallel_loop3A_312, %parallel_loop3A_313, %parallel_loop3A_314], %broadcast_in_dim3A_37 {strides = array<i32>} : memref<34x8x128xf32, #tpu.memory_space<vmem>>, vector<16xf32>,
      %parallel_loop3A_316 = arith.constant 1 : i32
      %parallel_loop3A_317 = arith.index_cast %parallel_loop3A_260 : i32 to index
      %parallel_loop3A_318 = arith.index_cast %parallel_loop3A_316 : i32 to index
      %parallel_loop3A_319 = arith.constant 48 : index
      %parallel_loop3A_320 = tpu.vector_load %arg12[%parallel_loop3A_317, %parallel_loop3A_318, %parallel_loop3A_319] {strides = array<i32>} : memref<34x8x128xf32, #tpu.memory_space<vmem>>, vector<16xf32>,
      tpu.vector_store %arg12[%parallel_loop3A_317, %parallel_loop3A_318, %parallel_loop3A_319], %broadcast_in_dim3A_37 {strides = array<i32>} : memref<34x8x128xf32, #tpu.memory_space<vmem>>, vector<16xf32>,
      %parallel_loop3A_321 = arith.constant 1 : i32
      %parallel_loop3A_322 = arith.index_cast %parallel_loop3A_260 : i32 to index
      %parallel_loop3A_323 = arith.index_cast %parallel_loop3A_321 : i32 to index
      %parallel_loop3A_324 = arith.constant 64 : index
      %parallel_loop3A_325 = tpu.vector_load %arg12[%parallel_loop3A_322, %parallel_loop3A_323, %parallel_loop3A_324] {strides = array<i32>} : memref<34x8x128xf32, #tpu.memory_space<vmem>>, vector<16xf32>,
      tpu.vector_store %arg12[%parallel_loop3A_322, %parallel_loop3A_323, %parallel_loop3A_324], %broadcast_in_dim3A_37 {strides = array<i32>} : memref<34x8x128xf32, #tpu.memory_space<vmem>>, vector<16xf32>,
      %parallel_loop3A_326 = arith.constant 1 : i32
      %parallel_loop3A_327 = arith.index_cast %parallel_loop3A_260 : i32 to index
      %parallel_loop3A_328 = arith.index_cast %parallel_loop3A_326 : i32 to index
      %parallel_loop3A_329 = arith.constant 80 : index
      %parallel_loop3A_330 = tpu.vector_load %arg12[%parallel_loop3A_327, %parallel_loop3A_328, %parallel_loop3A_329] {strides = array<i32>} : memref<34x8x128xf32, #tpu.memory_space<vmem>>, vector<16xf32>,
      tpu.vector_store %arg12[%parallel_loop3A_327, %parallel_loop3A_328, %parallel_loop3A_329], %broadcast_in_dim3A_37 {strides = array<i32>} : memref<34x8x128xf32, #tpu.memory_space<vmem>>, vector<16xf32>,
      %parallel_loop3A_331 = arith.constant 1 : i32
      %parallel_loop3A_332 = arith.index_cast %parallel_loop3A_260 : i32 to index
      %parallel_loop3A_333 = arith.index_cast %parallel_loop3A_331 : i32 to index
      %parallel_loop3A_334 = arith.constant 96 : index
      %parallel_loop3A_335 = tpu.vector_load %arg12[%parallel_loop3A_332, %parallel_loop3A_333, %parallel_loop3A_334] {strides = array<i32>} : memref<34x8x128xf32, #tpu.memory_space<vmem>>, vector<16xf32>,
      tpu.vector_store %arg12[%parallel_loop3A_332, %parallel_loop3A_333, %parallel_loop3A_334], %broadcast_in_dim3A_37 {strides = array<i32>} : memref<34x8x128xf32, #tpu.memory_space<vmem>>, vector<16xf32>,
      %parallel_loop3A_336 = arith.constant 1 : i32
      %parallel_loop3A_337 = arith.index_cast %parallel_loop3A_260 : i32 to index
      %parallel_loop3A_338 = arith.index_cast %parallel_loop3A_336 : i32 to index
      %parallel_loop3A_339 = arith.constant 112 : index
      %parallel_loop3A_340 = tpu.vector_load %arg12[%parallel_loop3A_337, %parallel_loop3A_338, %parallel_loop3A_339] {strides = array<i32>} : memref<34x8x128xf32, #tpu.memory_space<vmem>>, vector<16xf32>,
      tpu.vector_store %arg12[%parallel_loop3A_337, %parallel_loop3A_338, %parallel_loop3A_339], %broadcast_in_dim3A_37 {strides = array<i32>} : memref<34x8x128xf32, #tpu.memory_space<vmem>>, vector<16xf32>,
      %parallel_loop3A_341 = arith.constant 2 : i32
      %parallel_loop3A_342 = arith.index_cast %parallel_loop3A_260 : i32 to index
      %parallel_loop3A_343 = arith.index_cast %parallel_loop3A_341 : i32 to index
      %parallel_loop3A_344 = arith.constant 0 : index
      %parallel_loop3A_345 = tpu.vector_load %arg12[%parallel_loop3A_342, %parallel_loop3A_343, %parallel_loop3A_344] {strides = array<i32>} : memref<34x8x128xf32, #tpu.memory_space<vmem>>, vector<16xf32>,
      tpu.vector_store %arg12[%parallel_loop3A_342, %parallel_loop3A_343, %parallel_loop3A_344], %broadcast_in_dim3A_37 {strides = array<i32>} : memref<34x8x128xf32, #tpu.memory_space<vmem>>, vector<16xf32>,
      %parallel_loop3A_346 = arith.constant 2 : i32
      %parallel_loop3A_347 = arith.index_cast %parallel_loop3A_260 : i32 to index
      %parallel_loop3A_348 = arith.index_cast %parallel_loop3A_346 : i32 to index
      %parallel_loop3A_349 = arith.constant 16 : index
      %parallel_loop3A_350 = tpu.vector_load %arg12[%parallel_loop3A_347, %parallel_loop3A_348, %parallel_loop3A_349] {strides = array<i32>} : memref<34x8x128xf32, #tpu.memory_space<vmem>>, vector<16xf32>,
      tpu.vector_store %arg12[%parallel_loop3A_347, %parallel_loop3A_348, %parallel_loop3A_349], %broadcast_in_dim3A_37 {strides = array<i32>} : memref<34x8x128xf32, #tpu.memory_space<vmem>>, vector<16xf32>,
      %parallel_loop3A_351 = arith.constant 2 : i32
      %parallel_loop3A_352 = arith.index_cast %parallel_loop3A_260 : i32 to index
      %parallel_loop3A_353 = arith.index_cast %parallel_loop3A_351 : i32 to index
      %parallel_loop3A_354 = arith.constant 32 : index
      %parallel_loop3A_355 = tpu.vector_load %arg12[%parallel_loop3A_352, %parallel_loop3A_353, %parallel_loop3A_354] {strides = array<i32>} : memref<34x8x128xf32, #tpu.memory_space<vmem>>, vector<16xf32>,
      tpu.vector_store %arg12[%parallel_loop3A_352, %parallel_loop3A_353, %parallel_loop3A_354], %broadcast_in_dim3A_37 {strides = array<i32>} : memref<34x8x128xf32, #tpu.memory_space<vmem>>, vector<16xf32>,
      %parallel_loop3A_356 = arith.constant 2 : i32
      %parallel_loop3A_357 = arith.index_cast %parallel_loop3A_260 : i32 to index
      %parallel_loop3A_358 = arith.index_cast %parallel_loop3A_356 : i32 to index
      %parallel_loop3A_359 = arith.constant 48 : index
      %parallel_loop3A_360 = tpu.vector_load %arg12[%parallel_loop3A_357, %parallel_loop3A_358, %parallel_loop3A_359] {strides = array<i32>} : memref<34x8x128xf32, #tpu.memory_space<vmem>>, vector<16xf32>,
      tpu.vector_store %arg12[%parallel_loop3A_357, %parallel_loop3A_358, %parallel_loop3A_359], %broadcast_in_dim3A_37 {strides = array<i32>} : memref<34x8x128xf32, #tpu.memory_space<vmem>>, vector<16xf32>,
      %parallel_loop3A_361 = arith.constant 2 : i32
      %parallel_loop3A_362 = arith.index_cast %parallel_loop3A_260 : i32 to index
      %parallel_loop3A_363 = arith.index_cast %parallel_loop3A_361 : i32 to index
      %parallel_loop3A_364 = arith.constant 64 : index
      %parallel_loop3A_365 = tpu.vector_load %arg12[%parallel_loop3A_362, %parallel_loop3A_363, %parallel_loop3A_364] {strides = array<i32>} : memref<34x8x128xf32, #tpu.memory_space<vmem>>, vector<16xf32>,
      tpu.vector_store %arg12[%parallel_loop3A_362, %parallel_loop3A_363, %parallel_loop3A_364], %broadcast_in_dim3A_37 {strides = array<i32>} : memref<34x8x128xf32, #tpu.memory_space<vmem>>, vector<16xf32>,
      %parallel_loop3A_366 = arith.constant 2 : i32
      %parallel_loop3A_367 = arith.index_cast %parallel_loop3A_260 : i32 to index
      %parallel_loop3A_368 = arith.index_cast %parallel_loop3A_366 : i32 to index
      %parallel_loop3A_369 = arith.constant 80 : index
      %parallel_loop3A_370 = tpu.vector_load %arg12[%parallel_loop3A_367, %parallel_loop3A_368, %parallel_loop3A_369] {strides = array<i32>} : memref<34x8x128xf32, #tpu.memory_space<vmem>>, vector<16xf32>,
      tpu.vector_store %arg12[%parallel_loop3A_367, %parallel_loop3A_368, %parallel_loop3A_369], %broadcast_in_dim3A_37 {strides = array<i32>} : memref<34x8x128xf32, #tpu.memory_space<vmem>>, vector<16xf32>,
      %parallel_loop3A_371 = arith.constant 2 : i32
      %parallel_loop3A_372 = arith.index_cast %parallel_loop3A_260 : i32 to index
      %parallel_loop3A_373 = arith.index_cast %parallel_loop3A_371 : i32 to index
      %parallel_loop3A_374 = arith.constant 96 : index
      %parallel_loop3A_375 = tpu.vector_load %arg12[%parallel_loop3A_372, %parallel_loop3A_373, %parallel_loop3A_374] {strides = array<i32>} : memref<34x8x128xf32, #tpu.memory_space<vmem>>, vector<16xf32>,
      tpu.vector_store %arg12[%parallel_loop3A_372, %parallel_loop3A_373, %parallel_loop3A_374], %broadcast_in_dim3A_37 {strides = array<i32>} : memref<34x8x128xf32, #tpu.memory_space<vmem>>, vector<16xf32>,
      %parallel_loop3A_376 = arith.constant 2 : i32
      %parallel_loop3A_377 = arith.index_cast %parallel_loop3A_260 : i32 to index
      %parallel_loop3A_378 = arith.index_cast %parallel_loop3A_376 : i32 to index
      %parallel_loop3A_379 = arith.constant 112 : index
      %parallel_loop3A_380 = tpu.vector_load %arg12[%parallel_loop3A_377, %parallel_loop3A_378, %parallel_loop3A_379] {strides = array<i32>} : memref<34x8x128xf32, #tpu.memory_space<vmem>>, vector<16xf32>,
      tpu.vector_store %arg12[%parallel_loop3A_377, %parallel_loop3A_378, %parallel_loop3A_379], %broadcast_in_dim3A_37 {strides = array<i32>} : memref<34x8x128xf32, #tpu.memory_space<vmem>>, vector<16xf32>,
      %parallel_loop3A_381 = arith.constant 3 : i32
      %parallel_loop3A_382 = arith.index_cast %parallel_loop3A_260 : i32 to index
      %parallel_loop3A_383 = arith.index_cast %parallel_loop3A_381 : i32 to index
      %parallel_loop3A_384 = arith.constant 0 : index
      %parallel_loop3A_385 = tpu.vector_load %arg12[%parallel_loop3A_382, %parallel_loop3A_383, %parallel_loop3A_384] {strides = array<i32>} : memref<34x8x128xf32, #tpu.memory_space<vmem>>, vector<16xf32>,
      tpu.vector_store %arg12[%parallel_loop3A_382, %parallel_loop3A_383, %parallel_loop3A_384], %broadcast_in_dim3A_37 {strides = array<i32>} : memref<34x8x128xf32, #tpu.memory_space<vmem>>, vector<16xf32>,
      %parallel_loop3A_386 = arith.constant 3 : i32
      %parallel_loop3A_387 = arith.index_cast %parallel_loop3A_260 : i32 to index
      %parallel_loop3A_388 = arith.index_cast %parallel_loop3A_386 : i32 to index
      %parallel_loop3A_389 = arith.constant 16 : index
      %parallel_loop3A_390 = tpu.vector_load %arg12[%parallel_loop3A_387, %parallel_loop3A_388, %parallel_loop3A_389] {strides = array<i32>} : memref<34x8x128xf32, #tpu.memory_space<vmem>>, vector<16xf32>,
      tpu.vector_store %arg12[%parallel_loop3A_387, %parallel_loop3A_388, %parallel_loop3A_389], %broadcast_in_dim3A_37 {strides = array<i32>} : memref<34x8x128xf32, #tpu.memory_space<vmem>>, vector<16xf32>,
      %parallel_loop3A_391 = arith.constant 3 : i32
      %parallel_loop3A_392 = arith.index_cast %parallel_loop3A_260 : i32 to index
      %parallel_loop3A_393 = arith.index_cast %parallel_loop3A_391 : i32 to index
      %parallel_loop3A_394 = arith.constant 32 : index
      %parallel_loop3A_395 = tpu.vector_load %arg12[%parallel_loop3A_392, %parallel_loop3A_393, %parallel_loop3A_394] {strides = array<i32>} : memref<34x8x128xf32, #tpu.memory_space<vmem>>, vector<16xf32>,
      tpu.vector_store %arg12[%parallel_loop3A_392, %parallel_loop3A_393, %parallel_loop3A_394], %broadcast_in_dim3A_37 {strides = array<i32>} : memref<34x8x128xf32, #tpu.memory_space<vmem>>, vector<16xf32>,
      %parallel_loop3A_396 = arith.constant 3 : i32
      %parallel_loop3A_397 = arith.index_cast %parallel_loop3A_260 : i32 to index
      %parallel_loop3A_398 = arith.index_cast %parallel_loop3A_396 : i32 to index
      %parallel_loop3A_399 = arith.constant 48 : index
      %parallel_loop3A_400 = tpu.vector_load %arg12[%parallel_loop3A_397, %parallel_loop3A_398, %parallel_loop3A_399] {strides = array<i32>} : memref<34x8x128xf32, #tpu.memory_space<vmem>>, vector<16xf32>,
      tpu.vector_store %arg12[%parallel_loop3A_397, %parallel_loop3A_398, %parallel_loop3A_399], %broadcast_in_dim3A_37 {strides = array<i32>} : memref<34x8x128xf32, #tpu.memory_space<vmem>>, vector<16xf32>,
      %parallel_loop3A_401 = arith.constant 3 : i32
      %parallel_loop3A_402 = arith.index_cast %parallel_loop3A_260 : i32 to index
      %parallel_loop3A_403 = arith.index_cast %parallel_loop3A_401 : i32 to index
      %parallel_loop3A_404 = arith.constant 64 : index
      %parallel_loop3A_405 = tpu.vector_load %arg12[%parallel_loop3A_402, %parallel_loop3A_403, %parallel_loop3A_404] {strides = array<i32>} : memref<34x8x128xf32, #tpu.memory_space<vmem>>, vector<16xf32>,
      tpu.vector_store %arg12[%parallel_loop3A_402, %parallel_loop3A_403, %parallel_loop3A_404], %broadcast_in_dim3A_37 {strides = array<i32>} : memref<34x8x128xf32, #tpu.memory_space<vmem>>, vector<16xf32>,
      %parallel_loop3A_406 = arith.constant 3 : i32
      %parallel_loop3A_407 = arith.index_cast %parallel_loop3A_260 : i32 to index
      %parallel_loop3A_408 = arith.index_cast %parallel_loop3A_406 : i32 to index
      %parallel_loop3A_409 = arith.constant 80 : index
      %parallel_loop3A_410 = tpu.vector_load %arg12[%parallel_loop3A_407, %parallel_loop3A_408, %parallel_loop3A_409] {strides = array<i32>} : memref<34x8x128xf32, #tpu.memory_space<vmem>>, vector<16xf32>,
      tpu.vector_store %arg12[%parallel_loop3A_407, %parallel_loop3A_408, %parallel_loop3A_409], %broadcast_in_dim3A_37 {strides = array<i32>} : memref<34x8x128xf32, #tpu.memory_space<vmem>>, vector<16xf32>,
      %parallel_loop3A_411 = arith.constant 3 : i32
      %parallel_loop3A_412 = arith.index_cast %parallel_loop3A_260 : i32 to index
      %parallel_loop3A_413 = arith.index_cast %parallel_loop3A_411 : i32 to index
      %parallel_loop3A_414 = arith.constant 96 : index
      %parallel_loop3A_415 = tpu.vector_load %arg12[%parallel_loop3A_412, %parallel_loop3A_413, %parallel_loop3A_414] {strides = array<i32>} : memref<34x8x128xf32, #tpu.memory_space<vmem>>, vector<16xf32>,
      tpu.vector_store %arg12[%parallel_loop3A_412, %parallel_loop3A_413, %parallel_loop3A_414], %broadcast_in_dim3A_37 {strides = array<i32>} : memref<34x8x128xf32, #tpu.memory_space<vmem>>, vector<16xf32>,
      %parallel_loop3A_416 = arith.constant 3 : i32
      %parallel_loop3A_417 = arith.index_cast %parallel_loop3A_260 : i32 to index
      %parallel_loop3A_418 = arith.index_cast %parallel_loop3A_416 : i32 to index
      %parallel_loop3A_419 = arith.constant 112 : index
      %parallel_loop3A_420 = tpu.vector_load %arg12[%parallel_loop3A_417, %parallel_loop3A_418, %parallel_loop3A_419] {strides = array<i32>} : memref<34x8x128xf32, #tpu.memory_space<vmem>>, vector<16xf32>,
      tpu.vector_store %arg12[%parallel_loop3A_417, %parallel_loop3A_418, %parallel_loop3A_419], %broadcast_in_dim3A_37 {strides = array<i32>} : memref<34x8x128xf32, #tpu.memory_space<vmem>>, vector<16xf32>,
      %parallel_loop3A_421 = arith.constant 4 : i32
      %parallel_loop3A_422 = arith.index_cast %parallel_loop3A_260 : i32 to index
      %parallel_loop3A_423 = arith.index_cast %parallel_loop3A_421 : i32 to index
      %parallel_loop3A_424 = arith.constant 0 : index
      %parallel_loop3A_425 = tpu.vector_load %arg12[%parallel_loop3A_422, %parallel_loop3A_423, %parallel_loop3A_424] {strides = array<i32>} : memref<34x8x128xf32, #tpu.memory_space<vmem>>, vector<16xf32>,
      tpu.vector_store %arg12[%parallel_loop3A_422, %parallel_loop3A_423, %parallel_loop3A_424], %broadcast_in_dim3A_37 {strides = array<i32>} : memref<34x8x128xf32, #tpu.memory_space<vmem>>, vector<16xf32>,
      %parallel_loop3A_426 = arith.constant 4 : i32
      %parallel_loop3A_427 = arith.index_cast %parallel_loop3A_260 : i32 to index
      %parallel_loop3A_428 = arith.index_cast %parallel_loop3A_426 : i32 to index
      %parallel_loop3A_429 = arith.constant 16 : index
      %parallel_loop3A_430 = tpu.vector_load %arg12[%parallel_loop3A_427, %parallel_loop3A_428, %parallel_loop3A_429] {strides = array<i32>} : memref<34x8x128xf32, #tpu.memory_space<vmem>>, vector<16xf32>,
      tpu.vector_store %arg12[%parallel_loop3A_427, %parallel_loop3A_428, %parallel_loop3A_429], %broadcast_in_dim3A_37 {strides = array<i32>} : memref<34x8x128xf32, #tpu.memory_space<vmem>>, vector<16xf32>,
      %parallel_loop3A_431 = arith.constant 4 : i32
      %parallel_loop3A_432 = arith.index_cast %parallel_loop3A_260 : i32 to index
      %parallel_loop3A_433 = arith.index_cast %parallel_loop3A_431 : i32 to index
      %parallel_loop3A_434 = arith.constant 32 : index
      %parallel_loop3A_435 = tpu.vector_load %arg12[%parallel_loop3A_432, %parallel_loop3A_433, %parallel_loop3A_434] {strides = array<i32>} : memref<34x8x128xf32, #tpu.memory_space<vmem>>, vector<16xf32>,
      tpu.vector_store %arg12[%parallel_loop3A_432, %parallel_loop3A_433, %parallel_loop3A_434], %broadcast_in_dim3A_37 {strides = array<i32>} : memref<34x8x128xf32, #tpu.memory_space<vmem>>, vector<16xf32>,
      %parallel_loop3A_436 = arith.constant 4 : i32
      %parallel_loop3A_437 = arith.index_cast %parallel_loop3A_260 : i32 to index
      %parallel_loop3A_438 = arith.index_cast %parallel_loop3A_436 : i32 to index
      %parallel_loop3A_439 = arith.constant 48 : index
      %parallel_loop3A_440 = tpu.vector_load %arg12[%parallel_loop3A_437, %parallel_loop3A_438, %parallel_loop3A_439] {strides = array<i32>} : memref<34x8x128xf32, #tpu.memory_space<vmem>>, vector<16xf32>,
      tpu.vector_store %arg12[%parallel_loop3A_437, %parallel_loop3A_438, %parallel_loop3A_439], %broadcast_in_dim3A_37 {strides = array<i32>} : memref<34x8x128xf32, #tpu.memory_space<vmem>>, vector<16xf32>,
      %parallel_loop3A_441 = arith.constant 4 : i32
      %parallel_loop3A_442 = arith.index_cast %parallel_loop3A_260 : i32 to index
      %parallel_loop3A_443 = arith.index_cast %parallel_loop3A_441 : i32 to index
      %parallel_loop3A_444 = arith.constant 64 : index
      %parallel_loop3A_445 = tpu.vector_load %arg12[%parallel_loop3A_442, %parallel_loop3A_443, %parallel_loop3A_444] {strides = array<i32>} : memref<34x8x128xf32, #tpu.memory_space<vmem>>, vector<16xf32>,
      tpu.vector_store %arg12[%parallel_loop3A_442, %parallel_loop3A_443, %parallel_loop3A_444], %broadcast_in_dim3A_37 {strides = array<i32>} : memref<34x8x128xf32, #tpu.memory_space<vmem>>, vector<16xf32>,
      %parallel_loop3A_446 = arith.constant 4 : i32
      %parallel_loop3A_447 = arith.index_cast %parallel_loop3A_260 : i32 to index
      %parallel_loop3A_448 = arith.index_cast %parallel_loop3A_446 : i32 to index
      %parallel_loop3A_449 = arith.constant 80 : index
      %parallel_loop3A_450 = tpu.vector_load %arg12[%parallel_loop3A_447, %parallel_loop3A_448, %parallel_loop3A_449] {strides = array<i32>} : memref<34x8x128xf32, #tpu.memory_space<vmem>>, vector<16xf32>,
      tpu.vector_store %arg12[%parallel_loop3A_447, %parallel_loop3A_448, %parallel_loop3A_449], %broadcast_in_dim3A_37 {strides = array<i32>} : memref<34x8x128xf32, #tpu.memory_space<vmem>>, vector<16xf32>,
      %parallel_loop3A_451 = arith.constant 4 : i32
      %parallel_loop3A_452 = arith.index_cast %parallel_loop3A_260 : i32 to index
      %parallel_loop3A_453 = arith.index_cast %parallel_loop3A_451 : i32 to index
      %parallel_loop3A_454 = arith.constant 96 : index
      %parallel_loop3A_455 = tpu.vector_load %arg12[%parallel_loop3A_452, %parallel_loop3A_453, %parallel_loop3A_454] {strides = array<i32>} : memref<34x8x128xf32, #tpu.memory_space<vmem>>, vector<16xf32>,
      tpu.vector_store %arg12[%parallel_loop3A_452, %parallel_loop3A_453, %parallel_loop3A_454], %broadcast_in_dim3A_37 {strides = array<i32>} : memref<34x8x128xf32, #tpu.memory_space<vmem>>, vector<16xf32>,
      %parallel_loop3A_456 = arith.constant 4 : i32
      %parallel_loop3A_457 = arith.index_cast %parallel_loop3A_260 : i32 to index
      %parallel_loop3A_458 = arith.index_cast %parallel_loop3A_456 : i32 to index
      %parallel_loop3A_459 = arith.constant 112 : index
      %parallel_loop3A_460 = tpu.vector_load %arg12[%parallel_loop3A_457, %parallel_loop3A_458, %parallel_loop3A_459] {strides = array<i32>} : memref<34x8x128xf32, #tpu.memory_space<vmem>>, vector<16xf32>,
      tpu.vector_store %arg12[%parallel_loop3A_457, %parallel_loop3A_458, %parallel_loop3A_459], %broadcast_in_dim3A_37 {strides = array<i32>} : memref<34x8x128xf32, #tpu.memory_space<vmem>>, vector<16xf32>,
      %parallel_loop3A_461 = arith.constant 5 : i32
      %parallel_loop3A_462 = arith.index_cast %parallel_loop3A_260 : i32 to index
      %parallel_loop3A_463 = arith.index_cast %parallel_loop3A_461 : i32 to index
      %parallel_loop3A_464 = arith.constant 0 : index
      %parallel_loop3A_465 = tpu.vector_load %arg12[%parallel_loop3A_462, %parallel_loop3A_463, %parallel_loop3A_464] {strides = array<i32>} : memref<34x8x128xf32, #tpu.memory_space<vmem>>, vector<16xf32>,
      tpu.vector_store %arg12[%parallel_loop3A_462, %parallel_loop3A_463, %parallel_loop3A_464], %broadcast_in_dim3A_37 {strides = array<i32>} : memref<34x8x128xf32, #tpu.memory_space<vmem>>, vector<16xf32>,
      %parallel_loop3A_466 = arith.constant 5 : i32
      %parallel_loop3A_467 = arith.index_cast %parallel_loop3A_260 : i32 to index
      %parallel_loop3A_468 = arith.index_cast %parallel_loop3A_466 : i32 to index
      %parallel_loop3A_469 = arith.constant 16 : index
      %parallel_loop3A_470 = tpu.vector_load %arg12[%parallel_loop3A_467, %parallel_loop3A_468, %parallel_loop3A_469] {strides = array<i32>} : memref<34x8x128xf32, #tpu.memory_space<vmem>>, vector<16xf32>,
      tpu.vector_store %arg12[%parallel_loop3A_467, %parallel_loop3A_468, %parallel_loop3A_469], %broadcast_in_dim3A_37 {strides = array<i32>} : memref<34x8x128xf32, #tpu.memory_space<vmem>>, vector<16xf32>,
      %parallel_loop3A_471 = arith.constant 5 : i32
      %parallel_loop3A_472 = arith.index_cast %parallel_loop3A_260 : i32 to index
      %parallel_loop3A_473 = arith.index_cast %parallel_loop3A_471 : i32 to index
      %parallel_loop3A_474 = arith.constant 32 : index
      %parallel_loop3A_475 = tpu.vector_load %arg12[%parallel_loop3A_472, %parallel_loop3A_473, %parallel_loop3A_474] {strides = array<i32>} : memref<34x8x128xf32, #tpu.memory_space<vmem>>, vector<16xf32>,
      tpu.vector_store %arg12[%parallel_loop3A_472, %parallel_loop3A_473, %parallel_loop3A_474], %broadcast_in_dim3A_37 {strides = array<i32>} : memref<34x8x128xf32, #tpu.memory_space<vmem>>, vector<16xf32>,
      %parallel_loop3A_476 = arith.constant 5 : i32
      %parallel_loop3A_477 = arith.index_cast %parallel_loop3A_260 : i32 to index
      %parallel_loop3A_478 = arith.index_cast %parallel_loop3A_476 : i32 to index
      %parallel_loop3A_479 = arith.constant 48 : index
      %parallel_loop3A_480 = tpu.vector_load %arg12[%parallel_loop3A_477, %parallel_loop3A_478, %parallel_loop3A_479] {strides = array<i32>} : memref<34x8x128xf32, #tpu.memory_space<vmem>>, vector<16xf32>,
      tpu.vector_store %arg12[%parallel_loop3A_477, %parallel_loop3A_478, %parallel_loop3A_479], %broadcast_in_dim3A_37 {strides = array<i32>} : memref<34x8x128xf32, #tpu.memory_space<vmem>>, vector<16xf32>,
      %parallel_loop3A_481 = arith.constant 5 : i32
      %parallel_loop3A_482 = arith.index_cast %parallel_loop3A_260 : i32 to index
      %parallel_loop3A_483 = arith.index_cast %parallel_loop3A_481 : i32 to index
      %parallel_loop3A_484 = arith.constant 64 : index
      %parallel_loop3A_485 = tpu.vector_load %arg12[%parallel_loop3A_482, %parallel_loop3A_483, %parallel_loop3A_484] {strides = array<i32>} : memref<34x8x128xf32, #tpu.memory_space<vmem>>, vector<16xf32>,
      tpu.vector_store %arg12[%parallel_loop3A_482, %parallel_loop3A_483, %parallel_loop3A_484], %broadcast_in_dim3A_37 {strides = array<i32>} : memref<34x8x128xf32, #tpu.memory_space<vmem>>, vector<16xf32>,
      %parallel_loop3A_486 = arith.constant 5 : i32
      %parallel_loop3A_487 = arith.index_cast %parallel_loop3A_260 : i32 to index
      %parallel_loop3A_488 = arith.index_cast %parallel_loop3A_486 : i32 to index
      %parallel_loop3A_489 = arith.constant 80 : index
      %parallel_loop3A_490 = tpu.vector_load %arg12[%parallel_loop3A_487, %parallel_loop3A_488, %parallel_loop3A_489] {strides = array<i32>} : memref<34x8x128xf32, #tpu.memory_space<vmem>>, vector<16xf32>,
      tpu.vector_store %arg12[%parallel_loop3A_487, %parallel_loop3A_488, %parallel_loop3A_489], %broadcast_in_dim3A_37 {strides = array<i32>} : memref<34x8x128xf32, #tpu.memory_space<vmem>>, vector<16xf32>,
      %parallel_loop3A_491 = arith.constant 5 : i32
      %parallel_loop3A_492 = arith.index_cast %parallel_loop3A_260 : i32 to index
      %parallel_loop3A_493 = arith.index_cast %parallel_loop3A_491 : i32 to index
      %parallel_loop3A_494 = arith.constant 96 : index
      %parallel_loop3A_495 = tpu.vector_load %arg12[%parallel_loop3A_492, %parallel_loop3A_493, %parallel_loop3A_494] {strides = array<i32>} : memref<34x8x128xf32, #tpu.memory_space<vmem>>, vector<16xf32>,
      tpu.vector_store %arg12[%parallel_loop3A_492, %parallel_loop3A_493, %parallel_loop3A_494], %broadcast_in_dim3A_37 {strides = array<i32>} : memref<34x8x128xf32, #tpu.memory_space<vmem>>, vector<16xf32>,
      %parallel_loop3A_496 = arith.constant 5 : i32
      %parallel_loop3A_497 = arith.index_cast %parallel_loop3A_260 : i32 to index
      %parallel_loop3A_498 = arith.index_cast %parallel_loop3A_496 : i32 to index
      %parallel_loop3A_499 = arith.constant 112 : index
      %parallel_loop3A_500 = tpu.vector_load %arg12[%parallel_loop3A_497, %parallel_loop3A_498, %parallel_loop3A_499] {strides = array<i32>} : memref<34x8x128xf32, #tpu.memory_space<vmem>>, vector<16xf32>,
      tpu.vector_store %arg12[%parallel_loop3A_497, %parallel_loop3A_498, %parallel_loop3A_499], %broadcast_in_dim3A_37 {strides = array<i32>} : memref<34x8x128xf32, #tpu.memory_space<vmem>>, vector<16xf32>,
      %parallel_loop3A_501 = arith.constant 6 : i32
      %parallel_loop3A_502 = arith.index_cast %parallel_loop3A_260 : i32 to index
      %parallel_loop3A_503 = arith.index_cast %parallel_loop3A_501 : i32 to index
      %parallel_loop3A_504 = arith.constant 0 : index
      %parallel_loop3A_505 = tpu.vector_load %arg12[%parallel_loop3A_502, %parallel_loop3A_503, %parallel_loop3A_504] {strides = array<i32>} : memref<34x8x128xf32, #tpu.memory_space<vmem>>, vector<16xf32>,
      tpu.vector_store %arg12[%parallel_loop3A_502, %parallel_loop3A_503, %parallel_loop3A_504], %broadcast_in_dim3A_37 {strides = array<i32>} : memref<34x8x128xf32, #tpu.memory_space<vmem>>, vector<16xf32>,
      %parallel_loop3A_506 = arith.constant 6 : i32
      %parallel_loop3A_507 = arith.index_cast %parallel_loop3A_260 : i32 to index
      %parallel_loop3A_508 = arith.index_cast %parallel_loop3A_506 : i32 to index
      %parallel_loop3A_509 = arith.constant 16 : index
      %parallel_loop3A_510 = tpu.vector_load %arg12[%parallel_loop3A_507, %parallel_loop3A_508, %parallel_loop3A_509] {strides = array<i32>} : memref<34x8x128xf32, #tpu.memory_space<vmem>>, vector<16xf32>,
      tpu.vector_store %arg12[%parallel_loop3A_507, %parallel_loop3A_508, %parallel_loop3A_509], %broadcast_in_dim3A_37 {strides = array<i32>} : memref<34x8x128xf32, #tpu.memory_space<vmem>>, vector<16xf32>,
      %parallel_loop3A_511 = arith.constant 6 : i32
      %parallel_loop3A_512 = arith.index_cast %parallel_loop3A_260 : i32 to index
      %parallel_loop3A_513 = arith.index_cast %parallel_loop3A_511 : i32 to index
      %parallel_loop3A_514 = arith.constant 32 : index
      %parallel_loop3A_515 = tpu.vector_load %arg12[%parallel_loop3A_512, %parallel_loop3A_513, %parallel_loop3A_514] {strides = array<i32>} : memref<34x8x128xf32, #tpu.memory_space<vmem>>, vector<16xf32>,
      tpu.vector_store %arg12[%parallel_loop3A_512, %parallel_loop3A_513, %parallel_loop3A_514], %broadcast_in_dim3A_37 {strides = array<i32>} : memref<34x8x128xf32, #tpu.memory_space<vmem>>, vector<16xf32>,
      %parallel_loop3A_516 = arith.constant 6 : i32
      %parallel_loop3A_517 = arith.index_cast %parallel_loop3A_260 : i32 to index
      %parallel_loop3A_518 = arith.index_cast %parallel_loop3A_516 : i32 to index
      %parallel_loop3A_519 = arith.constant 48 : index
      %parallel_loop3A_520 = tpu.vector_load %arg12[%parallel_loop3A_517, %parallel_loop3A_518, %parallel_loop3A_519] {strides = array<i32>} : memref<34x8x128xf32, #tpu.memory_space<vmem>>, vector<16xf32>,
      tpu.vector_store %arg12[%parallel_loop3A_517, %parallel_loop3A_518, %parallel_loop3A_519], %broadcast_in_dim3A_37 {strides = array<i32>} : memref<34x8x128xf32, #tpu.memory_space<vmem>>, vector<16xf32>,
      %parallel_loop3A_521 = arith.constant 6 : i32
      %parallel_loop3A_522 = arith.index_cast %parallel_loop3A_260 : i32 to index
      %parallel_loop3A_523 = arith.index_cast %parallel_loop3A_521 : i32 to index
      %parallel_loop3A_524 = arith.constant 64 : index
      %parallel_loop3A_525 = tpu.vector_load %arg12[%parallel_loop3A_522, %parallel_loop3A_523, %parallel_loop3A_524] {strides = array<i32>} : memref<34x8x128xf32, #tpu.memory_space<vmem>>, vector<16xf32>,
      tpu.vector_store %arg12[%parallel_loop3A_522, %parallel_loop3A_523, %parallel_loop3A_524], %broadcast_in_dim3A_37 {strides = array<i32>} : memref<34x8x128xf32, #tpu.memory_space<vmem>>, vector<16xf32>,
      %parallel_loop3A_526 = arith.constant 6 : i32
      %parallel_loop3A_527 = arith.index_cast %parallel_loop3A_260 : i32 to index
      %parallel_loop3A_528 = arith.index_cast %parallel_loop3A_526 : i32 to index
      %parallel_loop3A_529 = arith.constant 80 : index
      %parallel_loop3A_530 = tpu.vector_load %arg12[%parallel_loop3A_527, %parallel_loop3A_528, %parallel_loop3A_529] {strides = array<i32>} : memref<34x8x128xf32, #tpu.memory_space<vmem>>, vector<16xf32>,
      tpu.vector_store %arg12[%parallel_loop3A_527, %parallel_loop3A_528, %parallel_loop3A_529], %broadcast_in_dim3A_37 {strides = array<i32>} : memref<34x8x128xf32, #tpu.memory_space<vmem>>, vector<16xf32>,
      %parallel_loop3A_531 = arith.constant 6 : i32
      %parallel_loop3A_532 = arith.index_cast %parallel_loop3A_260 : i32 to index
      %parallel_loop3A_533 = arith.index_cast %parallel_loop3A_531 : i32 to index
      %parallel_loop3A_534 = arith.constant 96 : index
      %parallel_loop3A_535 = tpu.vector_load %arg12[%parallel_loop3A_532, %parallel_loop3A_533, %parallel_loop3A_534] {strides = array<i32>} : memref<34x8x128xf32, #tpu.memory_space<vmem>>, vector<16xf32>,
      tpu.vector_store %arg12[%parallel_loop3A_532, %parallel_loop3A_533, %parallel_loop3A_534], %broadcast_in_dim3A_37 {strides = array<i32>} : memref<34x8x128xf32, #tpu.memory_space<vmem>>, vector<16xf32>,
      %parallel_loop3A_536 = arith.constant 6 : i32
      %parallel_loop3A_537 = arith.index_cast %parallel_loop3A_260 : i32 to index
      %parallel_loop3A_538 = arith.index_cast %parallel_loop3A_536 : i32 to index
      %parallel_loop3A_539 = arith.constant 112 : index
      %parallel_loop3A_540 = tpu.vector_load %arg12[%parallel_loop3A_537, %parallel_loop3A_538, %parallel_loop3A_539] {strides = array<i32>} : memref<34x8x128xf32, #tpu.memory_space<vmem>>, vector<16xf32>,
      tpu.vector_store %arg12[%parallel_loop3A_537, %parallel_loop3A_538, %parallel_loop3A_539], %broadcast_in_dim3A_37 {strides = array<i32>} : memref<34x8x128xf32, #tpu.memory_space<vmem>>, vector<16xf32>,
      %parallel_loop3A_541 = arith.constant 7 : i32
      %parallel_loop3A_542 = arith.index_cast %parallel_loop3A_260 : i32 to index
      %parallel_loop3A_543 = arith.index_cast %parallel_loop3A_541 : i32 to index
      %parallel_loop3A_544 = arith.constant 0 : index
      %parallel_loop3A_545 = tpu.vector_load %arg12[%parallel_loop3A_542, %parallel_loop3A_543, %parallel_loop3A_544] {strides = array<i32>} : memref<34x8x128xf32, #tpu.memory_space<vmem>>, vector<16xf32>,
      tpu.vector_store %arg12[%parallel_loop3A_542, %parallel_loop3A_543, %parallel_loop3A_544], %broadcast_in_dim3A_37 {strides = array<i32>} : memref<34x8x128xf32, #tpu.memory_space<vmem>>, vector<16xf32>,
      %parallel_loop3A_546 = arith.constant 7 : i32
      %parallel_loop3A_547 = arith.index_cast %parallel_loop3A_260 : i32 to index
      %parallel_loop3A_548 = arith.index_cast %parallel_loop3A_546 : i32 to index
      %parallel_loop3A_549 = arith.constant 16 : index
      %parallel_loop3A_550 = tpu.vector_load %arg12[%parallel_loop3A_547, %parallel_loop3A_548, %parallel_loop3A_549] {strides = array<i32>} : memref<34x8x128xf32, #tpu.memory_space<vmem>>, vector<16xf32>,
      tpu.vector_store %arg12[%parallel_loop3A_547, %parallel_loop3A_548, %parallel_loop3A_549], %broadcast_in_dim3A_37 {strides = array<i32>} : memref<34x8x128xf32, #tpu.memory_space<vmem>>, vector<16xf32>,
      %parallel_loop3A_551 = arith.constant 7 : i32
      %parallel_loop3A_552 = arith.index_cast %parallel_loop3A_260 : i32 to index
      %parallel_loop3A_553 = arith.index_cast %parallel_loop3A_551 : i32 to index
      %parallel_loop3A_554 = arith.constant 32 : index
      %parallel_loop3A_555 = tpu.vector_load %arg12[%parallel_loop3A_552, %parallel_loop3A_553, %parallel_loop3A_554] {strides = array<i32>} : memref<34x8x128xf32, #tpu.memory_space<vmem>>, vector<16xf32>,
      tpu.vector_store %arg12[%parallel_loop3A_552, %parallel_loop3A_553, %parallel_loop3A_554], %broadcast_in_dim3A_37 {strides = array<i32>} : memref<34x8x128xf32, #tpu.memory_space<vmem>>, vector<16xf32>,
      %parallel_loop3A_556 = arith.constant 7 : i32
      %parallel_loop3A_557 = arith.index_cast %parallel_loop3A_260 : i32 to index
      %parallel_loop3A_558 = arith.index_cast %parallel_loop3A_556 : i32 to index
      %parallel_loop3A_559 = arith.constant 48 : index
      %parallel_loop3A_560 = tpu.vector_load %arg12[%parallel_loop3A_557, %parallel_loop3A_558, %parallel_loop3A_559] {strides = array<i32>} : memref<34x8x128xf32, #tpu.memory_space<vmem>>, vector<16xf32>,
      tpu.vector_store %arg12[%parallel_loop3A_557, %parallel_loop3A_558, %parallel_loop3A_559], %broadcast_in_dim3A_37 {strides = array<i32>} : memref<34x8x128xf32, #tpu.memory_space<vmem>>, vector<16xf32>,
      %parallel_loop3A_561 = arith.constant 7 : i32
      %parallel_loop3A_562 = arith.index_cast %parallel_loop3A_260 : i32 to index
      %parallel_loop3A_563 = arith.index_cast %parallel_loop3A_561 : i32 to index
      %parallel_loop3A_564 = arith.constant 64 : index
      %parallel_loop3A_565 = tpu.vector_load %arg12[%parallel_loop3A_562, %parallel_loop3A_563, %parallel_loop3A_564] {strides = array<i32>} : memref<34x8x128xf32, #tpu.memory_space<vmem>>, vector<16xf32>,
      tpu.vector_store %arg12[%parallel_loop3A_562, %parallel_loop3A_563, %parallel_loop3A_564], %broadcast_in_dim3A_37 {strides = array<i32>} : memref<34x8x128xf32, #tpu.memory_space<vmem>>, vector<16xf32>,
      %parallel_loop3A_566 = arith.constant 7 : i32
      %parallel_loop3A_567 = arith.index_cast %parallel_loop3A_260 : i32 to index
      %parallel_loop3A_568 = arith.index_cast %parallel_loop3A_566 : i32 to index
      %parallel_loop3A_569 = arith.constant 80 : index
      %parallel_loop3A_570 = tpu.vector_load %arg12[%parallel_loop3A_567, %parallel_loop3A_568, %parallel_loop3A_569] {strides = array<i32>} : memref<34x8x128xf32, #tpu.memory_space<vmem>>, vector<16xf32>,
      tpu.vector_store %arg12[%parallel_loop3A_567, %parallel_loop3A_568, %parallel_loop3A_569], %broadcast_in_dim3A_37 {strides = array<i32>} : memref<34x8x128xf32, #tpu.memory_space<vmem>>, vector<16xf32>,
      %parallel_loop3A_571 = arith.constant 7 : i32
      %parallel_loop3A_572 = arith.index_cast %parallel_loop3A_260 : i32 to index
      %parallel_loop3A_573 = arith.index_cast %parallel_loop3A_571 : i32 to index
      %parallel_loop3A_574 = arith.constant 96 : index
      %parallel_loop3A_575 = tpu.vector_load %arg12[%parallel_loop3A_572, %parallel_loop3A_573, %parallel_loop3A_574] {strides = array<i32>} : memref<34x8x128xf32, #tpu.memory_space<vmem>>, vector<16xf32>,
      tpu.vector_store %arg12[%parallel_loop3A_572, %parallel_loop3A_573, %parallel_loop3A_574], %broadcast_in_dim3A_37 {strides = array<i32>} : memref<34x8x128xf32, #tpu.memory_space<vmem>>, vector<16xf32>,
      %parallel_loop3A_576 = arith.constant 7 : i32
      %parallel_loop3A_577 = arith.index_cast %parallel_loop3A_260 : i32 to index
      %parallel_loop3A_578 = arith.index_cast %parallel_loop3A_576 : i32 to index
      %parallel_loop3A_579 = arith.constant 112 : index
      %parallel_loop3A_580 = tpu.vector_load %arg12[%parallel_loop3A_577, %parallel_loop3A_578, %parallel_loop3A_579] {strides = array<i32>} : memref<34x8x128xf32, #tpu.memory_space<vmem>>, vector<16xf32>,
      tpu.vector_store %arg12[%parallel_loop3A_577, %parallel_loop3A_578, %parallel_loop3A_579], %broadcast_in_dim3A_37 {strides = array<i32>} : memref<34x8x128xf32, #tpu.memory_space<vmem>>, vector<16xf32>,
    } {sc.loop_unroll_factor = 3 : i64, sc.parallel_access}
    %dma_wait3A = tpu.memref_slice %arg2[%mul3A_34, %mul3A_41] : memref<128x2048xi32, #tpu.memory_space<hbm>> -> memref<8x128xi32, #tpu.memory_space<hbm>>
    %dma_wait3A_47 = tpu.memref_slice %arg2[%mul3A_34, %mul3A_41] : memref<128x2048xi32, #tpu.memory_space<hbm>> -> memref<8x128xi32, #tpu.memory_space<hbm>>
    tpu.wait_dma2 semaphore(%arg18 : memref<!tpu.dma_semaphore, #tpu.memory_space<semaphore_mem>>) src(%dma_wait3A_47 : memref<8x128xi32, #tpu.memory_space<hbm>>) dst(%arg5 : memref<8x128xi32, #tpu.memory_space<vmem>>)
    %dma_wait3A_48 = tpu.memref_slice %arg3[%mul3A_34, %mul3A_41] : memref<128x2048xf32, #tpu.memory_space<hbm>> -> memref<8x128xf32, #tpu.memory_space<hbm>>
    %dma_wait3A_49 = tpu.memref_slice %arg3[%mul3A_34, %mul3A_41] : memref<128x2048xf32, #tpu.memory_space<hbm>> -> memref<8x128xf32, #tpu.memory_space<hbm>>
    tpu.wait_dma2 semaphore(%arg18 : memref<!tpu.dma_semaphore, #tpu.memory_space<semaphore_mem>>) src(%dma_wait3A_49 : memref<8x128xf32, #tpu.memory_space<hbm>>) dst(%arg10 : memref<8x128xf32, #tpu.memory_space<vmem>>)
    %add3A_50 = arith.constant 1 : i32
    %add3A_51 = arith.addi %mul3A_32, %add3A_50 : i32
    %mul3A_52 = arith.constant 128 : i32
    %mul3A_53 = arith.muli %add3A_51, %mul3A_52 : i32
    %dma_start3A_54 = tpu.memref_slice %arg2[%mul3A_34, %mul3A_53] : memref<128x2048xi32, #tpu.memory_space<hbm>> -> memref<8x128xi32, #tpu.memory_space<hbm>>
    %dma_start3A_55 = tpu.memref_slice %arg2[%mul3A_34, %mul3A_53] : memref<128x2048xi32, #tpu.memory_space<hbm>> -> memref<8x128xi32, #tpu.memory_space<hbm>>
    tpu.enqueue_dma source(%dma_start3A_55 : memref<8x128xi32, #tpu.memory_space<hbm>>) target(%arg6 : memref<8x128xi32, #tpu.memory_space<vmem>>) target_semaphore(%arg19 : memref<!tpu.dma_semaphore, #tpu.memory_space<semaphore_mem>>)
    %dma_start3A_56 = tpu.memref_slice %arg3[%mul3A_34, %mul3A_53] : memref<128x2048xf32, #tpu.memory_space<hbm>> -> memref<8x128xf32, #tpu.memory_space<hbm>>
    %dma_start3A_57 = tpu.memref_slice %arg3[%mul3A_34, %mul3A_53] : memref<128x2048xf32, #tpu.memory_space<hbm>> -> memref<8x128xf32, #tpu.memory_space<hbm>>
    tpu.enqueue_dma source(%dma_start3A_57 : memref<8x128xf32, #tpu.memory_space<hbm>>) target(%arg11 : memref<8x128xf32, #tpu.memory_space<vmem>>) target_semaphore(%arg19 : memref<!tpu.dma_semaphore, #tpu.memory_space<semaphore_mem>>)
    %parallel_loop3A_58 = arith.constant 0 : i32
    %parallel_loop3A_59 = arith.constant 64 : i32
    %parallel_loop3A_60 = arith.constant 1 : i32
    scf.for %parallel_loop3A_260 = %parallel_loop3A_58 to %parallel_loop3A_59 step %parallel_loop3A_60  : i32 {
      %parallel_loop3A_261 = arith.constant 8 : i32
      %parallel_loop3A_262 = arith.divsi %parallel_loop3A_260, %parallel_loop3A_261 : i32
      %parallel_loop3A_263 = arith.constant 0 : i32
      %parallel_loop3A_264 = arith.cmpi sgt, %parallel_loop3A_260, %parallel_loop3A_263 : i32
      %parallel_loop3A_265 = arith.extui %parallel_loop3A_264 : i1 to i32
      %parallel_loop3A_266 = arith.constant 0 : i32
      %parallel_loop3A_267 = arith.cmpi slt, %parallel_loop3A_260, %parallel_loop3A_266 : i32
      %parallel_loop3A_268 = arith.extui %parallel_loop3A_267 : i1 to i32
      %parallel_loop3A_269 = arith.subi %parallel_loop3A_265, %parallel_loop3A_268 : i32
      %parallel_loop3A_270 = arith.constant 0 : i32
      %parallel_loop3A_271 = arith.cmpi sgt, %parallel_loop3A_261, %parallel_loop3A_270 : i32
      %parallel_loop3A_272 = arith.extui %parallel_loop3A_271 : i1 to i32
      %parallel_loop3A_273 = arith.constant 0 : i32
      %parallel_loop3A_274 = arith.cmpi slt, %parallel_loop3A_261, %parallel_loop3A_273 : i32
      %parallel_loop3A_275 = arith.extui %parallel_loop3A_274 : i1 to i32
      %parallel_loop3A_276 = arith.subi %parallel_loop3A_272, %parallel_loop3A_275 : i32
      %parallel_loop3A_277 = arith.cmpi ne, %parallel_loop3A_269, %parallel_loop3A_276 : i32
      %parallel_loop3A_278 = arith.remsi %parallel_loop3A_260, %parallel_loop3A_261 : i32
      %parallel_loop3A_279 = arith.constant 0 : i32
      %parallel_loop3A_280 = arith.cmpi ne, %parallel_loop3A_278, %parallel_loop3A_279 : i32
      %parallel_loop3A_281 = arith.andi %parallel_loop3A_277, %parallel_loop3A_280 : i1
      %parallel_loop3A_282 = arith.constant 1 : i32
      %parallel_loop3A_283 = arith.subi %parallel_loop3A_262, %parallel_loop3A_282 : i32
      %parallel_loop3A_284 = arith.select %parallel_loop3A_281, %parallel_loop3A_283, %parallel_loop3A_262 : i32
      %parallel_loop3A_285 = arith.constant 8 : i32
      %parallel_loop3A_286 = arith.constant 0 : i32
      %parallel_loop3A_287 = arith.cmpi eq, %parallel_loop3A_285, %parallel_loop3A_286 : i32
      %parallel_loop3A_288 = arith.constant 1 : i32
      %parallel_loop3A_289 = arith.select %parallel_loop3A_287, %parallel_loop3A_288, %parallel_loop3A_285 : i32
      %parallel_loop3A_290 = arith.remsi %parallel_loop3A_260, %parallel_loop3A_289 : i32
      %parallel_loop3A_291 = arith.constant 0 : i32
      %parallel_loop3A_292 = arith.cmpi ne, %parallel_loop3A_290, %parallel_loop3A_291 : i32
      %parallel_loop3A_293 = arith.constant 0 : i32
      %parallel_loop3A_294 = arith.cmpi slt, %parallel_loop3A_290, %parallel_loop3A_293 : i32
      %parallel_loop3A_295 = arith.constant 0 : i32
      %parallel_loop3A_296 = arith.cmpi slt, %parallel_loop3A_289, %parallel_loop3A_295 : i32
      %parallel_loop3A_297 = arith.xori %parallel_loop3A_294, %parallel_loop3A_296 : i1
      %parallel_loop3A_298 = arith.andi %parallel_loop3A_297, %parallel_loop3A_292 : i1
      %parallel_loop3A_299 = arith.addi %parallel_loop3A_290, %parallel_loop3A_289 : i32
      %parallel_loop3A_300 = arith.select %parallel_loop3A_298, %parallel_loop3A_299, %parallel_loop3A_290 : i32
      %parallel_loop3A_301 = arith.constant 16 : i32
      %parallel_loop3A_302 = arith.muli %parallel_loop3A_300, %parallel_loop3A_301 : i32
      %parallel_loop3A_303 = arith.constant 1 : i32
      %parallel_loop3A_304 = vector.broadcast %parallel_loop3A_303 : i32 to vector<16xi32>
      %parallel_loop3A_305 = vector.broadcast %parallel_loop3A_284 : i32 to vector<16xi32>
      %parallel_loop3A_306 = arith.muli %parallel_loop3A_304, %parallel_loop3A_305 : vector<16xi32>
      %parallel_loop3A_307 = vector.broadcast %parallel_loop3A_302 : i32 to vector<16xi32>
      %parallel_loop3A_308 = arith.addi %parallel_loop3A_307, %iota3A : vector<16xi32>
      %parallel_loop3A_309 = arith.index_cast %parallel_loop3A_284 : i32 to index
      %parallel_loop3A_310 = arith.index_cast %parallel_loop3A_302 : i32 to index
      %parallel_loop3A_311 = tpu.vector_load %arg5[%parallel_loop3A_309, %parallel_loop3A_310] {strides = array<i32>} : memref<8x128xi32, #tpu.memory_space<vmem>>, vector<16xi32>,
      %parallel_loop3A_312 = arith.constant 0 : i32
      %parallel_loop3A_313 = vector.broadcast %parallel_loop3A_312 : i32 to vector<16xi32>
      %parallel_loop3A_314 = arith.cmpi sge, %parallel_loop3A_311, %parallel_loop3A_313 : vector<16xi32>
      %parallel_loop3A_315 = arith.constant 33 : i32
      %parallel_loop3A_316 = vector.broadcast %parallel_loop3A_315 : i32 to vector<16xi32>
      %parallel_loop3A_317 = arith.cmpi slt, %parallel_loop3A_311, %parallel_loop3A_316 : vector<16xi32>
      %parallel_loop3A_318 = arith.andi %parallel_loop3A_314, %parallel_loop3A_317 : vector<16xi1>
      tpu.vector_store_idx %arg12[%parallel_loop3A_311, %parallel_loop3A_306, %parallel_loop3A_308], %broadcast_in_dim3A_35 masked %parallel_loop3A_318 : memref<34x8x128xf32, #tpu.memory_space<vmem>>[vector<16xi32>, vector<16xi32>, vector<16xi32>], vector<16xf32>, vector<16xi1>
      %parallel_loop3A_319 = arith.index_cast %parallel_loop3A_284 : i32 to index
      %parallel_loop3A_320 = arith.index_cast %parallel_loop3A_302 : i32 to index
      %parallel_loop3A_321 = tpu.vector_load %arg10[%parallel_loop3A_319, %parallel_loop3A_320] {strides = array<i32>} : memref<8x128xf32, #tpu.memory_space<vmem>>, vector<16xf32>,
      %parallel_loop3A_322 = arith.constant -1.000000e+00 : f32
      %parallel_loop3A_323 = vector.broadcast %parallel_loop3A_322 : f32 to vector<16xf32>
      %parallel_loop3A_324 = arith.cmpf ole, %parallel_loop3A_321, %parallel_loop3A_323 : vector<16xf32>
      %parallel_loop3A_325 = arith.constant 1.000000e+00 : f32
      %parallel_loop3A_326 = arith.constant 0.000000e+00 : f32
      %parallel_loop3A_327 = vector.broadcast %parallel_loop3A_325 : f32 to vector<16xf32>
      %parallel_loop3A_328 = vector.broadcast %parallel_loop3A_326 : f32 to vector<16xf32>
      %parallel_loop3A_329 = arith.select %parallel_loop3A_324, %parallel_loop3A_327, %parallel_loop3A_328 : vector<16xi1>, vector<16xf32>
      %parallel_loop3A_330 = arith.constant 33 : i32
      %parallel_loop3A_331 = arith.index_cast %parallel_loop3A_330 : i32 to index
      %parallel_loop3A_332 = arith.index_cast %parallel_loop3A_284 : i32 to index
      %parallel_loop3A_333 = arith.index_cast %parallel_loop3A_302 : i32 to index
      %parallel_loop3A_334 = tpu.vector_load %arg12[%parallel_loop3A_331, %parallel_loop3A_332, %parallel_loop3A_333] {strides = array<i32>} : memref<34x8x128xf32, #tpu.memory_space<vmem>>, vector<16xf32>,
      tpu.vector_store %arg12[%parallel_loop3A_331, %parallel_loop3A_332, %parallel_loop3A_333], %parallel_loop3A_329 {strides = array<i32>} : memref<34x8x128xf32, #tpu.memory_space<vmem>>, vector<16xf32>,
    } {sc.loop_unroll_factor = 4 : i64, sc.parallel_access}
    %add3A_61 = arith.constant 0 : i32
    %add3A_62 = arith.addi %mul3A_32, %add3A_61 : i32
    %mul3A_63 = arith.constant 128 : i32
    %mul3A_64 = arith.muli %add3A_62, %mul3A_63 : i32
    %dma_start3A_65 = arith.constant 0 : i32
    %dma_start3A_66 = tpu.memref_slice %arg4[%dma_start3A_65, %mul3A_34, %mul3A_64] : memref<34x128x2048xf32, #tpu.memory_space<hbm>> -> memref<34x8x128xf32, #tpu.memory_space<hbm>>
    %dma_start3A_67 = arith.constant 0 : i32
    %dma_start3A_68 = tpu.memref_slice %arg4[%dma_start3A_67, %mul3A_34, %mul3A_64] : memref<34x128x2048xf32, #tpu.memory_space<hbm>> -> memref<34x8x128xf32, #tpu.memory_space<hbm>>
    tpu.enqueue_dma source(%arg12 : memref<34x8x128xf32, #tpu.memory_space<vmem>>) target(%dma_start3A_68 : memref<34x8x128xf32, #tpu.memory_space<hbm>>) target_semaphore(%arg15 : memref<!tpu.dma_semaphore, #tpu.memory_space<semaphore_mem>>)
    %parallel_loop3A_69 = arith.constant 0 : i32
    %parallel_loop3A_70 = arith.constant 33 : i32
    %parallel_loop3A_71 = arith.constant 1 : i32
    scf.for %parallel_loop3A_260 = %parallel_loop3A_69 to %parallel_loop3A_70 step %parallel_loop3A_71  : i32 {
      %parallel_loop3A_261 = arith.constant 0 : i32
      %parallel_loop3A_262 = arith.index_cast %parallel_loop3A_260 : i32 to index
      %parallel_loop3A_263 = arith.index_cast %parallel_loop3A_261 : i32 to index
      %parallel_loop3A_264 = arith.constant 0 : index
      %parallel_loop3A_265 = tpu.vector_load %arg13[%parallel_loop3A_262, %parallel_loop3A_263, %parallel_loop3A_264] {strides = array<i32>} : memref<34x8x128xf32, #tpu.memory_space<vmem>>, vector<16xf32>,
      tpu.vector_store %arg13[%parallel_loop3A_262, %parallel_loop3A_263, %parallel_loop3A_264], %broadcast_in_dim3A_37 {strides = array<i32>} : memref<34x8x128xf32, #tpu.memory_space<vmem>>, vector<16xf32>,
      %parallel_loop3A_266 = arith.constant 0 : i32
      %parallel_loop3A_267 = arith.index_cast %parallel_loop3A_260 : i32 to index
      %parallel_loop3A_268 = arith.index_cast %parallel_loop3A_266 : i32 to index
      %parallel_loop3A_269 = arith.constant 16 : index
      %parallel_loop3A_270 = tpu.vector_load %arg13[%parallel_loop3A_267, %parallel_loop3A_268, %parallel_loop3A_269] {strides = array<i32>} : memref<34x8x128xf32, #tpu.memory_space<vmem>>, vector<16xf32>,
      tpu.vector_store %arg13[%parallel_loop3A_267, %parallel_loop3A_268, %parallel_loop3A_269], %broadcast_in_dim3A_37 {strides = array<i32>} : memref<34x8x128xf32, #tpu.memory_space<vmem>>, vector<16xf32>,
      %parallel_loop3A_271 = arith.constant 0 : i32
      %parallel_loop3A_272 = arith.index_cast %parallel_loop3A_260 : i32 to index
      %parallel_loop3A_273 = arith.index_cast %parallel_loop3A_271 : i32 to index
      %parallel_loop3A_274 = arith.constant 32 : index
      %parallel_loop3A_275 = tpu.vector_load %arg13[%parallel_loop3A_272, %parallel_loop3A_273, %parallel_loop3A_274] {strides = array<i32>} : memref<34x8x128xf32, #tpu.memory_space<vmem>>, vector<16xf32>,
      tpu.vector_store %arg13[%parallel_loop3A_272, %parallel_loop3A_273, %parallel_loop3A_274], %broadcast_in_dim3A_37 {strides = array<i32>} : memref<34x8x128xf32, #tpu.memory_space<vmem>>, vector<16xf32>,
      %parallel_loop3A_276 = arith.constant 0 : i32
      %parallel_loop3A_277 = arith.index_cast %parallel_loop3A_260 : i32 to index
      %parallel_loop3A_278 = arith.index_cast %parallel_loop3A_276 : i32 to index
      %parallel_loop3A_279 = arith.constant 48 : index
      %parallel_loop3A_280 = tpu.vector_load %arg13[%parallel_loop3A_277, %parallel_loop3A_278, %parallel_loop3A_279] {strides = array<i32>} : memref<34x8x128xf32, #tpu.memory_space<vmem>>, vector<16xf32>,
      tpu.vector_store %arg13[%parallel_loop3A_277, %parallel_loop3A_278, %parallel_loop3A_279], %broadcast_in_dim3A_37 {strides = array<i32>} : memref<34x8x128xf32, #tpu.memory_space<vmem>>, vector<16xf32>,
      %parallel_loop3A_281 = arith.constant 0 : i32
      %parallel_loop3A_282 = arith.index_cast %parallel_loop3A_260 : i32 to index
      %parallel_loop3A_283 = arith.index_cast %parallel_loop3A_281 : i32 to index
      %parallel_loop3A_284 = arith.constant 64 : index
      %parallel_loop3A_285 = tpu.vector_load %arg13[%parallel_loop3A_282, %parallel_loop3A_283, %parallel_loop3A_284] {strides = array<i32>} : memref<34x8x128xf32, #tpu.memory_space<vmem>>, vector<16xf32>,
      tpu.vector_store %arg13[%parallel_loop3A_282, %parallel_loop3A_283, %parallel_loop3A_284], %broadcast_in_dim3A_37 {strides = array<i32>} : memref<34x8x128xf32, #tpu.memory_space<vmem>>, vector<16xf32>,
      %parallel_loop3A_286 = arith.constant 0 : i32
      %parallel_loop3A_287 = arith.index_cast %parallel_loop3A_260 : i32 to index
      %parallel_loop3A_288 = arith.index_cast %parallel_loop3A_286 : i32 to index
      %parallel_loop3A_289 = arith.constant 80 : index
      %parallel_loop3A_290 = tpu.vector_load %arg13[%parallel_loop3A_287, %parallel_loop3A_288, %parallel_loop3A_289] {strides = array<i32>} : memref<34x8x128xf32, #tpu.memory_space<vmem>>, vector<16xf32>,
      tpu.vector_store %arg13[%parallel_loop3A_287, %parallel_loop3A_288, %parallel_loop3A_289], %broadcast_in_dim3A_37 {strides = array<i32>} : memref<34x8x128xf32, #tpu.memory_space<vmem>>, vector<16xf32>,
      %parallel_loop3A_291 = arith.constant 0 : i32
      %parallel_loop3A_292 = arith.index_cast %parallel_loop3A_260 : i32 to index
      %parallel_loop3A_293 = arith.index_cast %parallel_loop3A_291 : i32 to index
      %parallel_loop3A_294 = arith.constant 96 : index
      %parallel_loop3A_295 = tpu.vector_load %arg13[%parallel_loop3A_292, %parallel_loop3A_293, %parallel_loop3A_294] {strides = array<i32>} : memref<34x8x128xf32, #tpu.memory_space<vmem>>, vector<16xf32>,
      tpu.vector_store %arg13[%parallel_loop3A_292, %parallel_loop3A_293, %parallel_loop3A_294], %broadcast_in_dim3A_37 {strides = array<i32>} : memref<34x8x128xf32, #tpu.memory_space<vmem>>, vector<16xf32>,
      %parallel_loop3A_296 = arith.constant 0 : i32
      %parallel_loop3A_297 = arith.index_cast %parallel_loop3A_260 : i32 to index
      %parallel_loop3A_298 = arith.index_cast %parallel_loop3A_296 : i32 to index
      %parallel_loop3A_299 = arith.constant 112 : index
      %parallel_loop3A_300 = tpu.vector_load %arg13[%parallel_loop3A_297, %parallel_loop3A_298, %parallel_loop3A_299] {strides = array<i32>} : memref<34x8x128xf32, #tpu.memory_space<vmem>>, vector<16xf32>,
      tpu.vector_store %arg13[%parallel_loop3A_297, %parallel_loop3A_298, %parallel_loop3A_299], %broadcast_in_dim3A_37 {strides = array<i32>} : memref<34x8x128xf32, #tpu.memory_space<vmem>>, vector<16xf32>,
      %parallel_loop3A_301 = arith.constant 1 : i32
      %parallel_loop3A_302 = arith.index_cast %parallel_loop3A_260 : i32 to index
      %parallel_loop3A_303 = arith.index_cast %parallel_loop3A_301 : i32 to index
      %parallel_loop3A_304 = arith.constant 0 : index
      %parallel_loop3A_305 = tpu.vector_load %arg13[%parallel_loop3A_302, %parallel_loop3A_303, %parallel_loop3A_304] {strides = array<i32>} : memref<34x8x128xf32, #tpu.memory_space<vmem>>, vector<16xf32>,
      tpu.vector_store %arg13[%parallel_loop3A_302, %parallel_loop3A_303, %parallel_loop3A_304], %broadcast_in_dim3A_37 {strides = array<i32>} : memref<34x8x128xf32, #tpu.memory_space<vmem>>, vector<16xf32>,
      %parallel_loop3A_306 = arith.constant 1 : i32
      %parallel_loop3A_307 = arith.index_cast %parallel_loop3A_260 : i32 to index
      %parallel_loop3A_308 = arith.index_cast %parallel_loop3A_306 : i32 to index
      %parallel_loop3A_309 = arith.constant 16 : index
      %parallel_loop3A_310 = tpu.vector_load %arg13[%parallel_loop3A_307, %parallel_loop3A_308, %parallel_loop3A_309] {strides = array<i32>} : memref<34x8x128xf32, #tpu.memory_space<vmem>>, vector<16xf32>,
      tpu.vector_store %arg13[%parallel_loop3A_307, %parallel_loop3A_308, %parallel_loop3A_309], %broadcast_in_dim3A_37 {strides = array<i32>} : memref<34x8x128xf32, #tpu.memory_space<vmem>>, vector<16xf32>,
      %parallel_loop3A_311 = arith.constant 1 : i32
      %parallel_loop3A_312 = arith.index_cast %parallel_loop3A_260 : i32 to index
      %parallel_loop3A_313 = arith.index_cast %parallel_loop3A_311 : i32 to index
      %parallel_loop3A_314 = arith.constant 32 : index
      %parallel_loop3A_315 = tpu.vector_load %arg13[%parallel_loop3A_312, %parallel_loop3A_313, %parallel_loop3A_314] {strides = array<i32>} : memref<34x8x128xf32, #tpu.memory_space<vmem>>, vector<16xf32>,
      tpu.vector_store %arg13[%parallel_loop3A_312, %parallel_loop3A_313, %parallel_loop3A_314], %broadcast_in_dim3A_37 {strides = array<i32>} : memref<34x8x128xf32, #tpu.memory_space<vmem>>, vector<16xf32>,
      %parallel_loop3A_316 = arith.constant 1 : i32
      %parallel_loop3A_317 = arith.index_cast %parallel_loop3A_260 : i32 to index
      %parallel_loop3A_318 = arith.index_cast %parallel_loop3A_316 : i32 to index
      %parallel_loop3A_319 = arith.constant 48 : index
      %parallel_loop3A_320 = tpu.vector_load %arg13[%parallel_loop3A_317, %parallel_loop3A_318, %parallel_loop3A_319] {strides = array<i32>} : memref<34x8x128xf32, #tpu.memory_space<vmem>>, vector<16xf32>,
      tpu.vector_store %arg13[%parallel_loop3A_317, %parallel_loop3A_318, %parallel_loop3A_319], %broadcast_in_dim3A_37 {strides = array<i32>} : memref<34x8x128xf32, #tpu.memory_space<vmem>>, vector<16xf32>,
      %parallel_loop3A_321 = arith.constant 1 : i32
      %parallel_loop3A_322 = arith.index_cast %parallel_loop3A_260 : i32 to index
      %parallel_loop3A_323 = arith.index_cast %parallel_loop3A_321 : i32 to index
      %parallel_loop3A_324 = arith.constant 64 : index
      %parallel_loop3A_325 = tpu.vector_load %arg13[%parallel_loop3A_322, %parallel_loop3A_323, %parallel_loop3A_324] {strides = array<i32>} : memref<34x8x128xf32, #tpu.memory_space<vmem>>, vector<16xf32>,
      tpu.vector_store %arg13[%parallel_loop3A_322, %parallel_loop3A_323, %parallel_loop3A_324], %broadcast_in_dim3A_37 {strides = array<i32>} : memref<34x8x128xf32, #tpu.memory_space<vmem>>, vector<16xf32>,
      %parallel_loop3A_326 = arith.constant 1 : i32
      %parallel_loop3A_327 = arith.index_cast %parallel_loop3A_260 : i32 to index
      %parallel_loop3A_328 = arith.index_cast %parallel_loop3A_326 : i32 to index
      %parallel_loop3A_329 = arith.constant 80 : index
      %parallel_loop3A_330 = tpu.vector_load %arg13[%parallel_loop3A_327, %parallel_loop3A_328, %parallel_loop3A_329] {strides = array<i32>} : memref<34x8x128xf32, #tpu.memory_space<vmem>>, vector<16xf32>,
      tpu.vector_store %arg13[%parallel_loop3A_327, %parallel_loop3A_328, %parallel_loop3A_329], %broadcast_in_dim3A_37 {strides = array<i32>} : memref<34x8x128xf32, #tpu.memory_space<vmem>>, vector<16xf32>,
      %parallel_loop3A_331 = arith.constant 1 : i32
      %parallel_loop3A_332 = arith.index_cast %parallel_loop3A_260 : i32 to index
      %parallel_loop3A_333 = arith.index_cast %parallel_loop3A_331 : i32 to index
      %parallel_loop3A_334 = arith.constant 96 : index
      %parallel_loop3A_335 = tpu.vector_load %arg13[%parallel_loop3A_332, %parallel_loop3A_333, %parallel_loop3A_334] {strides = array<i32>} : memref<34x8x128xf32, #tpu.memory_space<vmem>>, vector<16xf32>,
      tpu.vector_store %arg13[%parallel_loop3A_332, %parallel_loop3A_333, %parallel_loop3A_334], %broadcast_in_dim3A_37 {strides = array<i32>} : memref<34x8x128xf32, #tpu.memory_space<vmem>>, vector<16xf32>,
      %parallel_loop3A_336 = arith.constant 1 : i32
      %parallel_loop3A_337 = arith.index_cast %parallel_loop3A_260 : i32 to index
      %parallel_loop3A_338 = arith.index_cast %parallel_loop3A_336 : i32 to index
      %parallel_loop3A_339 = arith.constant 112 : index
      %parallel_loop3A_340 = tpu.vector_load %arg13[%parallel_loop3A_337, %parallel_loop3A_338, %parallel_loop3A_339] {strides = array<i32>} : memref<34x8x128xf32, #tpu.memory_space<vmem>>, vector<16xf32>,
      tpu.vector_store %arg13[%parallel_loop3A_337, %parallel_loop3A_338, %parallel_loop3A_339], %broadcast_in_dim3A_37 {strides = array<i32>} : memref<34x8x128xf32, #tpu.memory_space<vmem>>, vector<16xf32>,
      %parallel_loop3A_341 = arith.constant 2 : i32
      %parallel_loop3A_342 = arith.index_cast %parallel_loop3A_260 : i32 to index
      %parallel_loop3A_343 = arith.index_cast %parallel_loop3A_341 : i32 to index
      %parallel_loop3A_344 = arith.constant 0 : index
      %parallel_loop3A_345 = tpu.vector_load %arg13[%parallel_loop3A_342, %parallel_loop3A_343, %parallel_loop3A_344] {strides = array<i32>} : memref<34x8x128xf32, #tpu.memory_space<vmem>>, vector<16xf32>,
      tpu.vector_store %arg13[%parallel_loop3A_342, %parallel_loop3A_343, %parallel_loop3A_344], %broadcast_in_dim3A_37 {strides = array<i32>} : memref<34x8x128xf32, #tpu.memory_space<vmem>>, vector<16xf32>,
      %parallel_loop3A_346 = arith.constant 2 : i32
      %parallel_loop3A_347 = arith.index_cast %parallel_loop3A_260 : i32 to index
      %parallel_loop3A_348 = arith.index_cast %parallel_loop3A_346 : i32 to index
      %parallel_loop3A_349 = arith.constant 16 : index
      %parallel_loop3A_350 = tpu.vector_load %arg13[%parallel_loop3A_347, %parallel_loop3A_348, %parallel_loop3A_349] {strides = array<i32>} : memref<34x8x128xf32, #tpu.memory_space<vmem>>, vector<16xf32>,
      tpu.vector_store %arg13[%parallel_loop3A_347, %parallel_loop3A_348, %parallel_loop3A_349], %broadcast_in_dim3A_37 {strides = array<i32>} : memref<34x8x128xf32, #tpu.memory_space<vmem>>, vector<16xf32>,
      %parallel_loop3A_351 = arith.constant 2 : i32
      %parallel_loop3A_352 = arith.index_cast %parallel_loop3A_260 : i32 to index
      %parallel_loop3A_353 = arith.index_cast %parallel_loop3A_351 : i32 to index
      %parallel_loop3A_354 = arith.constant 32 : index
      %parallel_loop3A_355 = tpu.vector_load %arg13[%parallel_loop3A_352, %parallel_loop3A_353, %parallel_loop3A_354] {strides = array<i32>} : memref<34x8x128xf32, #tpu.memory_space<vmem>>, vector<16xf32>,
      tpu.vector_store %arg13[%parallel_loop3A_352, %parallel_loop3A_353, %parallel_loop3A_354], %broadcast_in_dim3A_37 {strides = array<i32>} : memref<34x8x128xf32, #tpu.memory_space<vmem>>, vector<16xf32>,
      %parallel_loop3A_356 = arith.constant 2 : i32
      %parallel_loop3A_357 = arith.index_cast %parallel_loop3A_260 : i32 to index
      %parallel_loop3A_358 = arith.index_cast %parallel_loop3A_356 : i32 to index
      %parallel_loop3A_359 = arith.constant 48 : index
      %parallel_loop3A_360 = tpu.vector_load %arg13[%parallel_loop3A_357, %parallel_loop3A_358, %parallel_loop3A_359] {strides = array<i32>} : memref<34x8x128xf32, #tpu.memory_space<vmem>>, vector<16xf32>,
      tpu.vector_store %arg13[%parallel_loop3A_357, %parallel_loop3A_358, %parallel_loop3A_359], %broadcast_in_dim3A_37 {strides = array<i32>} : memref<34x8x128xf32, #tpu.memory_space<vmem>>, vector<16xf32>,
      %parallel_loop3A_361 = arith.constant 2 : i32
      %parallel_loop3A_362 = arith.index_cast %parallel_loop3A_260 : i32 to index
      %parallel_loop3A_363 = arith.index_cast %parallel_loop3A_361 : i32 to index
      %parallel_loop3A_364 = arith.constant 64 : index
      %parallel_loop3A_365 = tpu.vector_load %arg13[%parallel_loop3A_362, %parallel_loop3A_363, %parallel_loop3A_364] {strides = array<i32>} : memref<34x8x128xf32, #tpu.memory_space<vmem>>, vector<16xf32>,
      tpu.vector_store %arg13[%parallel_loop3A_362, %parallel_loop3A_363, %parallel_loop3A_364], %broadcast_in_dim3A_37 {strides = array<i32>} : memref<34x8x128xf32, #tpu.memory_space<vmem>>, vector<16xf32>,
      %parallel_loop3A_366 = arith.constant 2 : i32
      %parallel_loop3A_367 = arith.index_cast %parallel_loop3A_260 : i32 to index
      %parallel_loop3A_368 = arith.index_cast %parallel_loop3A_366 : i32 to index
      %parallel_loop3A_369 = arith.constant 80 : index
      %parallel_loop3A_370 = tpu.vector_load %arg13[%parallel_loop3A_367, %parallel_loop3A_368, %parallel_loop3A_369] {strides = array<i32>} : memref<34x8x128xf32, #tpu.memory_space<vmem>>, vector<16xf32>,
      tpu.vector_store %arg13[%parallel_loop3A_367, %parallel_loop3A_368, %parallel_loop3A_369], %broadcast_in_dim3A_37 {strides = array<i32>} : memref<34x8x128xf32, #tpu.memory_space<vmem>>, vector<16xf32>,
      %parallel_loop3A_371 = arith.constant 2 : i32
      %parallel_loop3A_372 = arith.index_cast %parallel_loop3A_260 : i32 to index
      %parallel_loop3A_373 = arith.index_cast %parallel_loop3A_371 : i32 to index
      %parallel_loop3A_374 = arith.constant 96 : index
      %parallel_loop3A_375 = tpu.vector_load %arg13[%parallel_loop3A_372, %parallel_loop3A_373, %parallel_loop3A_374] {strides = array<i32>} : memref<34x8x128xf32, #tpu.memory_space<vmem>>, vector<16xf32>,
      tpu.vector_store %arg13[%parallel_loop3A_372, %parallel_loop3A_373, %parallel_loop3A_374], %broadcast_in_dim3A_37 {strides = array<i32>} : memref<34x8x128xf32, #tpu.memory_space<vmem>>, vector<16xf32>,
      %parallel_loop3A_376 = arith.constant 2 : i32
      %parallel_loop3A_377 = arith.index_cast %parallel_loop3A_260 : i32 to index
      %parallel_loop3A_378 = arith.index_cast %parallel_loop3A_376 : i32 to index
      %parallel_loop3A_379 = arith.constant 112 : index
      %parallel_loop3A_380 = tpu.vector_load %arg13[%parallel_loop3A_377, %parallel_loop3A_378, %parallel_loop3A_379] {strides = array<i32>} : memref<34x8x128xf32, #tpu.memory_space<vmem>>, vector<16xf32>,
      tpu.vector_store %arg13[%parallel_loop3A_377, %parallel_loop3A_378, %parallel_loop3A_379], %broadcast_in_dim3A_37 {strides = array<i32>} : memref<34x8x128xf32, #tpu.memory_space<vmem>>, vector<16xf32>,
      %parallel_loop3A_381 = arith.constant 3 : i32
      %parallel_loop3A_382 = arith.index_cast %parallel_loop3A_260 : i32 to index
      %parallel_loop3A_383 = arith.index_cast %parallel_loop3A_381 : i32 to index
      %parallel_loop3A_384 = arith.constant 0 : index
      %parallel_loop3A_385 = tpu.vector_load %arg13[%parallel_loop3A_382, %parallel_loop3A_383, %parallel_loop3A_384] {strides = array<i32>} : memref<34x8x128xf32, #tpu.memory_space<vmem>>, vector<16xf32>,
      tpu.vector_store %arg13[%parallel_loop3A_382, %parallel_loop3A_383, %parallel_loop3A_384], %broadcast_in_dim3A_37 {strides = array<i32>} : memref<34x8x128xf32, #tpu.memory_space<vmem>>, vector<16xf32>,
      %parallel_loop3A_386 = arith.constant 3 : i32
      %parallel_loop3A_387 = arith.index_cast %parallel_loop3A_260 : i32 to index
      %parallel_loop3A_388 = arith.index_cast %parallel_loop3A_386 : i32 to index
      %parallel_loop3A_389 = arith.constant 16 : index
      %parallel_loop3A_390 = tpu.vector_load %arg13[%parallel_loop3A_387, %parallel_loop3A_388, %parallel_loop3A_389] {strides = array<i32>} : memref<34x8x128xf32, #tpu.memory_space<vmem>>, vector<16xf32>,
      tpu.vector_store %arg13[%parallel_loop3A_387, %parallel_loop3A_388, %parallel_loop3A_389], %broadcast_in_dim3A_37 {strides = array<i32>} : memref<34x8x128xf32, #tpu.memory_space<vmem>>, vector<16xf32>,
      %parallel_loop3A_391 = arith.constant 3 : i32
      %parallel_loop3A_392 = arith.index_cast %parallel_loop3A_260 : i32 to index
      %parallel_loop3A_393 = arith.index_cast %parallel_loop3A_391 : i32 to index
      %parallel_loop3A_394 = arith.constant 32 : index
      %parallel_loop3A_395 = tpu.vector_load %arg13[%parallel_loop3A_392, %parallel_loop3A_393, %parallel_loop3A_394] {strides = array<i32>} : memref<34x8x128xf32, #tpu.memory_space<vmem>>, vector<16xf32>,
      tpu.vector_store %arg13[%parallel_loop3A_392, %parallel_loop3A_393, %parallel_loop3A_394], %broadcast_in_dim3A_37 {strides = array<i32>} : memref<34x8x128xf32, #tpu.memory_space<vmem>>, vector<16xf32>,
      %parallel_loop3A_396 = arith.constant 3 : i32
      %parallel_loop3A_397 = arith.index_cast %parallel_loop3A_260 : i32 to index
      %parallel_loop3A_398 = arith.index_cast %parallel_loop3A_396 : i32 to index
      %parallel_loop3A_399 = arith.constant 48 : index
      %parallel_loop3A_400 = tpu.vector_load %arg13[%parallel_loop3A_397, %parallel_loop3A_398, %parallel_loop3A_399] {strides = array<i32>} : memref<34x8x128xf32, #tpu.memory_space<vmem>>, vector<16xf32>,
      tpu.vector_store %arg13[%parallel_loop3A_397, %parallel_loop3A_398, %parallel_loop3A_399], %broadcast_in_dim3A_37 {strides = array<i32>} : memref<34x8x128xf32, #tpu.memory_space<vmem>>, vector<16xf32>,
      %parallel_loop3A_401 = arith.constant 3 : i32
      %parallel_loop3A_402 = arith.index_cast %parallel_loop3A_260 : i32 to index
      %parallel_loop3A_403 = arith.index_cast %parallel_loop3A_401 : i32 to index
      %parallel_loop3A_404 = arith.constant 64 : index
      %parallel_loop3A_405 = tpu.vector_load %arg13[%parallel_loop3A_402, %parallel_loop3A_403, %parallel_loop3A_404] {strides = array<i32>} : memref<34x8x128xf32, #tpu.memory_space<vmem>>, vector<16xf32>,
      tpu.vector_store %arg13[%parallel_loop3A_402, %parallel_loop3A_403, %parallel_loop3A_404], %broadcast_in_dim3A_37 {strides = array<i32>} : memref<34x8x128xf32, #tpu.memory_space<vmem>>, vector<16xf32>,
      %parallel_loop3A_406 = arith.constant 3 : i32
      %parallel_loop3A_407 = arith.index_cast %parallel_loop3A_260 : i32 to index
      %parallel_loop3A_408 = arith.index_cast %parallel_loop3A_406 : i32 to index
      %parallel_loop3A_409 = arith.constant 80 : index
      %parallel_loop3A_410 = tpu.vector_load %arg13[%parallel_loop3A_407, %parallel_loop3A_408, %parallel_loop3A_409] {strides = array<i32>} : memref<34x8x128xf32, #tpu.memory_space<vmem>>, vector<16xf32>,
      tpu.vector_store %arg13[%parallel_loop3A_407, %parallel_loop3A_408, %parallel_loop3A_409], %broadcast_in_dim3A_37 {strides = array<i32>} : memref<34x8x128xf32, #tpu.memory_space<vmem>>, vector<16xf32>,
      %parallel_loop3A_411 = arith.constant 3 : i32
      %parallel_loop3A_412 = arith.index_cast %parallel_loop3A_260 : i32 to index
      %parallel_loop3A_413 = arith.index_cast %parallel_loop3A_411 : i32 to index
      %parallel_loop3A_414 = arith.constant 96 : index
      %parallel_loop3A_415 = tpu.vector_load %arg13[%parallel_loop3A_412, %parallel_loop3A_413, %parallel_loop3A_414] {strides = array<i32>} : memref<34x8x128xf32, #tpu.memory_space<vmem>>, vector<16xf32>,
      tpu.vector_store %arg13[%parallel_loop3A_412, %parallel_loop3A_413, %parallel_loop3A_414], %broadcast_in_dim3A_37 {strides = array<i32>} : memref<34x8x128xf32, #tpu.memory_space<vmem>>, vector<16xf32>,
      %parallel_loop3A_416 = arith.constant 3 : i32
      %parallel_loop3A_417 = arith.index_cast %parallel_loop3A_260 : i32 to index
      %parallel_loop3A_418 = arith.index_cast %parallel_loop3A_416 : i32 to index
      %parallel_loop3A_419 = arith.constant 112 : index
      %parallel_loop3A_420 = tpu.vector_load %arg13[%parallel_loop3A_417, %parallel_loop3A_418, %parallel_loop3A_419] {strides = array<i32>} : memref<34x8x128xf32, #tpu.memory_space<vmem>>, vector<16xf32>,
      tpu.vector_store %arg13[%parallel_loop3A_417, %parallel_loop3A_418, %parallel_loop3A_419], %broadcast_in_dim3A_37 {strides = array<i32>} : memref<34x8x128xf32, #tpu.memory_space<vmem>>, vector<16xf32>,
      %parallel_loop3A_421 = arith.constant 4 : i32
      %parallel_loop3A_422 = arith.index_cast %parallel_loop3A_260 : i32 to index
      %parallel_loop3A_423 = arith.index_cast %parallel_loop3A_421 : i32 to index
      %parallel_loop3A_424 = arith.constant 0 : index
      %parallel_loop3A_425 = tpu.vector_load %arg13[%parallel_loop3A_422, %parallel_loop3A_423, %parallel_loop3A_424] {strides = array<i32>} : memref<34x8x128xf32, #tpu.memory_space<vmem>>, vector<16xf32>,
      tpu.vector_store %arg13[%parallel_loop3A_422, %parallel_loop3A_423, %parallel_loop3A_424], %broadcast_in_dim3A_37 {strides = array<i32>} : memref<34x8x128xf32, #tpu.memory_space<vmem>>, vector<16xf32>,
      %parallel_loop3A_426 = arith.constant 4 : i32
      %parallel_loop3A_427 = arith.index_cast %parallel_loop3A_260 : i32 to index
      %parallel_loop3A_428 = arith.index_cast %parallel_loop3A_426 : i32 to index
      %parallel_loop3A_429 = arith.constant 16 : index
      %parallel_loop3A_430 = tpu.vector_load %arg13[%parallel_loop3A_427, %parallel_loop3A_428, %parallel_loop3A_429] {strides = array<i32>} : memref<34x8x128xf32, #tpu.memory_space<vmem>>, vector<16xf32>,
      tpu.vector_store %arg13[%parallel_loop3A_427, %parallel_loop3A_428, %parallel_loop3A_429], %broadcast_in_dim3A_37 {strides = array<i32>} : memref<34x8x128xf32, #tpu.memory_space<vmem>>, vector<16xf32>,
      %parallel_loop3A_431 = arith.constant 4 : i32
      %parallel_loop3A_432 = arith.index_cast %parallel_loop3A_260 : i32 to index
      %parallel_loop3A_433 = arith.index_cast %parallel_loop3A_431 : i32 to index
      %parallel_loop3A_434 = arith.constant 32 : index
      %parallel_loop3A_435 = tpu.vector_load %arg13[%parallel_loop3A_432, %parallel_loop3A_433, %parallel_loop3A_434] {strides = array<i32>} : memref<34x8x128xf32, #tpu.memory_space<vmem>>, vector<16xf32>,
      tpu.vector_store %arg13[%parallel_loop3A_432, %parallel_loop3A_433, %parallel_loop3A_434], %broadcast_in_dim3A_37 {strides = array<i32>} : memref<34x8x128xf32, #tpu.memory_space<vmem>>, vector<16xf32>,
      %parallel_loop3A_436 = arith.constant 4 : i32
      %parallel_loop3A_437 = arith.index_cast %parallel_loop3A_260 : i32 to index
      %parallel_loop3A_438 = arith.index_cast %parallel_loop3A_436 : i32 to index
      %parallel_loop3A_439 = arith.constant 48 : index
      %parallel_loop3A_440 = tpu.vector_load %arg13[%parallel_loop3A_437, %parallel_loop3A_438, %parallel_loop3A_439] {strides = array<i32>} : memref<34x8x128xf32, #tpu.memory_space<vmem>>, vector<16xf32>,
      tpu.vector_store %arg13[%parallel_loop3A_437, %parallel_loop3A_438, %parallel_loop3A_439], %broadcast_in_dim3A_37 {strides = array<i32>} : memref<34x8x128xf32, #tpu.memory_space<vmem>>, vector<16xf32>,
      %parallel_loop3A_441 = arith.constant 4 : i32
      %parallel_loop3A_442 = arith.index_cast %parallel_loop3A_260 : i32 to index
      %parallel_loop3A_443 = arith.index_cast %parallel_loop3A_441 : i32 to index
      %parallel_loop3A_444 = arith.constant 64 : index
      %parallel_loop3A_445 = tpu.vector_load %arg13[%parallel_loop3A_442, %parallel_loop3A_443, %parallel_loop3A_444] {strides = array<i32>} : memref<34x8x128xf32, #tpu.memory_space<vmem>>, vector<16xf32>,
      tpu.vector_store %arg13[%parallel_loop3A_442, %parallel_loop3A_443, %parallel_loop3A_444], %broadcast_in_dim3A_37 {strides = array<i32>} : memref<34x8x128xf32, #tpu.memory_space<vmem>>, vector<16xf32>,
      %parallel_loop3A_446 = arith.constant 4 : i32
      %parallel_loop3A_447 = arith.index_cast %parallel_loop3A_260 : i32 to index
      %parallel_loop3A_448 = arith.index_cast %parallel_loop3A_446 : i32 to index
      %parallel_loop3A_449 = arith.constant 80 : index
      %parallel_loop3A_450 = tpu.vector_load %arg13[%parallel_loop3A_447, %parallel_loop3A_448, %parallel_loop3A_449] {strides = array<i32>} : memref<34x8x128xf32, #tpu.memory_space<vmem>>, vector<16xf32>,
      tpu.vector_store %arg13[%parallel_loop3A_447, %parallel_loop3A_448, %parallel_loop3A_449], %broadcast_in_dim3A_37 {strides = array<i32>} : memref<34x8x128xf32, #tpu.memory_space<vmem>>, vector<16xf32>,
      %parallel_loop3A_451 = arith.constant 4 : i32
      %parallel_loop3A_452 = arith.index_cast %parallel_loop3A_260 : i32 to index
      %parallel_loop3A_453 = arith.index_cast %parallel_loop3A_451 : i32 to index
      %parallel_loop3A_454 = arith.constant 96 : index
      %parallel_loop3A_455 = tpu.vector_load %arg13[%parallel_loop3A_452, %parallel_loop3A_453, %parallel_loop3A_454] {strides = array<i32>} : memref<34x8x128xf32, #tpu.memory_space<vmem>>, vector<16xf32>,
      tpu.vector_store %arg13[%parallel_loop3A_452, %parallel_loop3A_453, %parallel_loop3A_454], %broadcast_in_dim3A_37 {strides = array<i32>} : memref<34x8x128xf32, #tpu.memory_space<vmem>>, vector<16xf32>,
      %parallel_loop3A_456 = arith.constant 4 : i32
      %parallel_loop3A_457 = arith.index_cast %parallel_loop3A_260 : i32 to index
      %parallel_loop3A_458 = arith.index_cast %parallel_loop3A_456 : i32 to index
      %parallel_loop3A_459 = arith.constant 112 : index
      %parallel_loop3A_460 = tpu.vector_load %arg13[%parallel_loop3A_457, %parallel_loop3A_458, %parallel_loop3A_459] {strides = array<i32>} : memref<34x8x128xf32, #tpu.memory_space<vmem>>, vector<16xf32>,
      tpu.vector_store %arg13[%parallel_loop3A_457, %parallel_loop3A_458, %parallel_loop3A_459], %broadcast_in_dim3A_37 {strides = array<i32>} : memref<34x8x128xf32, #tpu.memory_space<vmem>>, vector<16xf32>,
      %parallel_loop3A_461 = arith.constant 5 : i32
      %parallel_loop3A_462 = arith.index_cast %parallel_loop3A_260 : i32 to index
      %parallel_loop3A_463 = arith.index_cast %parallel_loop3A_461 : i32 to index
      %parallel_loop3A_464 = arith.constant 0 : index
      %parallel_loop3A_465 = tpu.vector_load %arg13[%parallel_loop3A_462, %parallel_loop3A_463, %parallel_loop3A_464] {strides = array<i32>} : memref<34x8x128xf32, #tpu.memory_space<vmem>>, vector<16xf32>,
      tpu.vector_store %arg13[%parallel_loop3A_462, %parallel_loop3A_463, %parallel_loop3A_464], %broadcast_in_dim3A_37 {strides = array<i32>} : memref<34x8x128xf32, #tpu.memory_space<vmem>>, vector<16xf32>,
      %parallel_loop3A_466 = arith.constant 5 : i32
      %parallel_loop3A_467 = arith.index_cast %parallel_loop3A_260 : i32 to index
      %parallel_loop3A_468 = arith.index_cast %parallel_loop3A_466 : i32 to index
      %parallel_loop3A_469 = arith.constant 16 : index
      %parallel_loop3A_470 = tpu.vector_load %arg13[%parallel_loop3A_467, %parallel_loop3A_468, %parallel_loop3A_469] {strides = array<i32>} : memref<34x8x128xf32, #tpu.memory_space<vmem>>, vector<16xf32>,
      tpu.vector_store %arg13[%parallel_loop3A_467, %parallel_loop3A_468, %parallel_loop3A_469], %broadcast_in_dim3A_37 {strides = array<i32>} : memref<34x8x128xf32, #tpu.memory_space<vmem>>, vector<16xf32>,
      %parallel_loop3A_471 = arith.constant 5 : i32
      %parallel_loop3A_472 = arith.index_cast %parallel_loop3A_260 : i32 to index
      %parallel_loop3A_473 = arith.index_cast %parallel_loop3A_471 : i32 to index
      %parallel_loop3A_474 = arith.constant 32 : index
      %parallel_loop3A_475 = tpu.vector_load %arg13[%parallel_loop3A_472, %parallel_loop3A_473, %parallel_loop3A_474] {strides = array<i32>} : memref<34x8x128xf32, #tpu.memory_space<vmem>>, vector<16xf32>,
      tpu.vector_store %arg13[%parallel_loop3A_472, %parallel_loop3A_473, %parallel_loop3A_474], %broadcast_in_dim3A_37 {strides = array<i32>} : memref<34x8x128xf32, #tpu.memory_space<vmem>>, vector<16xf32>,
      %parallel_loop3A_476 = arith.constant 5 : i32
      %parallel_loop3A_477 = arith.index_cast %parallel_loop3A_260 : i32 to index
      %parallel_loop3A_478 = arith.index_cast %parallel_loop3A_476 : i32 to index
      %parallel_loop3A_479 = arith.constant 48 : index
      %parallel_loop3A_480 = tpu.vector_load %arg13[%parallel_loop3A_477, %parallel_loop3A_478, %parallel_loop3A_479] {strides = array<i32>} : memref<34x8x128xf32, #tpu.memory_space<vmem>>, vector<16xf32>,
      tpu.vector_store %arg13[%parallel_loop3A_477, %parallel_loop3A_478, %parallel_loop3A_479], %broadcast_in_dim3A_37 {strides = array<i32>} : memref<34x8x128xf32, #tpu.memory_space<vmem>>, vector<16xf32>,
      %parallel_loop3A_481 = arith.constant 5 : i32
      %parallel_loop3A_482 = arith.index_cast %parallel_loop3A_260 : i32 to index
      %parallel_loop3A_483 = arith.index_cast %parallel_loop3A_481 : i32 to index
      %parallel_loop3A_484 = arith.constant 64 : index
      %parallel_loop3A_485 = tpu.vector_load %arg13[%parallel_loop3A_482, %parallel_loop3A_483, %parallel_loop3A_484] {strides = array<i32>} : memref<34x8x128xf32, #tpu.memory_space<vmem>>, vector<16xf32>,
      tpu.vector_store %arg13[%parallel_loop3A_482, %parallel_loop3A_483, %parallel_loop3A_484], %broadcast_in_dim3A_37 {strides = array<i32>} : memref<34x8x128xf32, #tpu.memory_space<vmem>>, vector<16xf32>,
      %parallel_loop3A_486 = arith.constant 5 : i32
      %parallel_loop3A_487 = arith.index_cast %parallel_loop3A_260 : i32 to index
      %parallel_loop3A_488 = arith.index_cast %parallel_loop3A_486 : i32 to index
      %parallel_loop3A_489 = arith.constant 80 : index
      %parallel_loop3A_490 = tpu.vector_load %arg13[%parallel_loop3A_487, %parallel_loop3A_488, %parallel_loop3A_489] {strides = array<i32>} : memref<34x8x128xf32, #tpu.memory_space<vmem>>, vector<16xf32>,
      tpu.vector_store %arg13[%parallel_loop3A_487, %parallel_loop3A_488, %parallel_loop3A_489], %broadcast_in_dim3A_37 {strides = array<i32>} : memref<34x8x128xf32, #tpu.memory_space<vmem>>, vector<16xf32>,
      %parallel_loop3A_491 = arith.constant 5 : i32
      %parallel_loop3A_492 = arith.index_cast %parallel_loop3A_260 : i32 to index
      %parallel_loop3A_493 = arith.index_cast %parallel_loop3A_491 : i32 to index
      %parallel_loop3A_494 = arith.constant 96 : index
      %parallel_loop3A_495 = tpu.vector_load %arg13[%parallel_loop3A_492, %parallel_loop3A_493, %parallel_loop3A_494] {strides = array<i32>} : memref<34x8x128xf32, #tpu.memory_space<vmem>>, vector<16xf32>,
      tpu.vector_store %arg13[%parallel_loop3A_492, %parallel_loop3A_493, %parallel_loop3A_494], %broadcast_in_dim3A_37 {strides = array<i32>} : memref<34x8x128xf32, #tpu.memory_space<vmem>>, vector<16xf32>,
      %parallel_loop3A_496 = arith.constant 5 : i32
      %parallel_loop3A_497 = arith.index_cast %parallel_loop3A_260 : i32 to index
      %parallel_loop3A_498 = arith.index_cast %parallel_loop3A_496 : i32 to index
      %parallel_loop3A_499 = arith.constant 112 : index
      %parallel_loop3A_500 = tpu.vector_load %arg13[%parallel_loop3A_497, %parallel_loop3A_498, %parallel_loop3A_499] {strides = array<i32>} : memref<34x8x128xf32, #tpu.memory_space<vmem>>, vector<16xf32>,
      tpu.vector_store %arg13[%parallel_loop3A_497, %parallel_loop3A_498, %parallel_loop3A_499], %broadcast_in_dim3A_37 {strides = array<i32>} : memref<34x8x128xf32, #tpu.memory_space<vmem>>, vector<16xf32>,
      %parallel_loop3A_501 = arith.constant 6 : i32
      %parallel_loop3A_502 = arith.index_cast %parallel_loop3A_260 : i32 to index
      %parallel_loop3A_503 = arith.index_cast %parallel_loop3A_501 : i32 to index
      %parallel_loop3A_504 = arith.constant 0 : index
      %parallel_loop3A_505 = tpu.vector_load %arg13[%parallel_loop3A_502, %parallel_loop3A_503, %parallel_loop3A_504] {strides = array<i32>} : memref<34x8x128xf32, #tpu.memory_space<vmem>>, vector<16xf32>,
      tpu.vector_store %arg13[%parallel_loop3A_502, %parallel_loop3A_503, %parallel_loop3A_504], %broadcast_in_dim3A_37 {strides = array<i32>} : memref<34x8x128xf32, #tpu.memory_space<vmem>>, vector<16xf32>,
      %parallel_loop3A_506 = arith.constant 6 : i32
      %parallel_loop3A_507 = arith.index_cast %parallel_loop3A_260 : i32 to index
      %parallel_loop3A_508 = arith.index_cast %parallel_loop3A_506 : i32 to index
      %parallel_loop3A_509 = arith.constant 16 : index
      %parallel_loop3A_510 = tpu.vector_load %arg13[%parallel_loop3A_507, %parallel_loop3A_508, %parallel_loop3A_509] {strides = array<i32>} : memref<34x8x128xf32, #tpu.memory_space<vmem>>, vector<16xf32>,
      tpu.vector_store %arg13[%parallel_loop3A_507, %parallel_loop3A_508, %parallel_loop3A_509], %broadcast_in_dim3A_37 {strides = array<i32>} : memref<34x8x128xf32, #tpu.memory_space<vmem>>, vector<16xf32>,
      %parallel_loop3A_511 = arith.constant 6 : i32
      %parallel_loop3A_512 = arith.index_cast %parallel_loop3A_260 : i32 to index
      %parallel_loop3A_513 = arith.index_cast %parallel_loop3A_511 : i32 to index
      %parallel_loop3A_514 = arith.constant 32 : index
      %parallel_loop3A_515 = tpu.vector_load %arg13[%parallel_loop3A_512, %parallel_loop3A_513, %parallel_loop3A_514] {strides = array<i32>} : memref<34x8x128xf32, #tpu.memory_space<vmem>>, vector<16xf32>,
      tpu.vector_store %arg13[%parallel_loop3A_512, %parallel_loop3A_513, %parallel_loop3A_514], %broadcast_in_dim3A_37 {strides = array<i32>} : memref<34x8x128xf32, #tpu.memory_space<vmem>>, vector<16xf32>,
      %parallel_loop3A_516 = arith.constant 6 : i32
      %parallel_loop3A_517 = arith.index_cast %parallel_loop3A_260 : i32 to index
      %parallel_loop3A_518 = arith.index_cast %parallel_loop3A_516 : i32 to index
      %parallel_loop3A_519 = arith.constant 48 : index
      %parallel_loop3A_520 = tpu.vector_load %arg13[%parallel_loop3A_517, %parallel_loop3A_518, %parallel_loop3A_519] {strides = array<i32>} : memref<34x8x128xf32, #tpu.memory_space<vmem>>, vector<16xf32>,
      tpu.vector_store %arg13[%parallel_loop3A_517, %parallel_loop3A_518, %parallel_loop3A_519], %broadcast_in_dim3A_37 {strides = array<i32>} : memref<34x8x128xf32, #tpu.memory_space<vmem>>, vector<16xf32>,
      %parallel_loop3A_521 = arith.constant 6 : i32
      %parallel_loop3A_522 = arith.index_cast %parallel_loop3A_260 : i32 to index
      %parallel_loop3A_523 = arith.index_cast %parallel_loop3A_521 : i32 to index
      %parallel_loop3A_524 = arith.constant 64 : index
      %parallel_loop3A_525 = tpu.vector_load %arg13[%parallel_loop3A_522, %parallel_loop3A_523, %parallel_loop3A_524] {strides = array<i32>} : memref<34x8x128xf32, #tpu.memory_space<vmem>>, vector<16xf32>,
      tpu.vector_store %arg13[%parallel_loop3A_522, %parallel_loop3A_523, %parallel_loop3A_524], %broadcast_in_dim3A_37 {strides = array<i32>} : memref<34x8x128xf32, #tpu.memory_space<vmem>>, vector<16xf32>,
      %parallel_loop3A_526 = arith.constant 6 : i32
      %parallel_loop3A_527 = arith.index_cast %parallel_loop3A_260 : i32 to index
      %parallel_loop3A_528 = arith.index_cast %parallel_loop3A_526 : i32 to index
      %parallel_loop3A_529 = arith.constant 80 : index
      %parallel_loop3A_530 = tpu.vector_load %arg13[%parallel_loop3A_527, %parallel_loop3A_528, %parallel_loop3A_529] {strides = array<i32>} : memref<34x8x128xf32, #tpu.memory_space<vmem>>, vector<16xf32>,
      tpu.vector_store %arg13[%parallel_loop3A_527, %parallel_loop3A_528, %parallel_loop3A_529], %broadcast_in_dim3A_37 {strides = array<i32>} : memref<34x8x128xf32, #tpu.memory_space<vmem>>, vector<16xf32>,
      %parallel_loop3A_531 = arith.constant 6 : i32
      %parallel_loop3A_532 = arith.index_cast %parallel_loop3A_260 : i32 to index
      %parallel_loop3A_533 = arith.index_cast %parallel_loop3A_531 : i32 to index
      %parallel_loop3A_534 = arith.constant 96 : index
      %parallel_loop3A_535 = tpu.vector_load %arg13[%parallel_loop3A_532, %parallel_loop3A_533, %parallel_loop3A_534] {strides = array<i32>} : memref<34x8x128xf32, #tpu.memory_space<vmem>>, vector<16xf32>,
      tpu.vector_store %arg13[%parallel_loop3A_532, %parallel_loop3A_533, %parallel_loop3A_534], %broadcast_in_dim3A_37 {strides = array<i32>} : memref<34x8x128xf32, #tpu.memory_space<vmem>>, vector<16xf32>,
      %parallel_loop3A_536 = arith.constant 6 : i32
      %parallel_loop3A_537 = arith.index_cast %parallel_loop3A_260 : i32 to index
      %parallel_loop3A_538 = arith.index_cast %parallel_loop3A_536 : i32 to index
      %parallel_loop3A_539 = arith.constant 112 : index
      %parallel_loop3A_540 = tpu.vector_load %arg13[%parallel_loop3A_537, %parallel_loop3A_538, %parallel_loop3A_539] {strides = array<i32>} : memref<34x8x128xf32, #tpu.memory_space<vmem>>, vector<16xf32>,
      tpu.vector_store %arg13[%parallel_loop3A_537, %parallel_loop3A_538, %parallel_loop3A_539], %broadcast_in_dim3A_37 {strides = array<i32>} : memref<34x8x128xf32, #tpu.memory_space<vmem>>, vector<16xf32>,
      %parallel_loop3A_541 = arith.constant 7 : i32
      %parallel_loop3A_542 = arith.index_cast %parallel_loop3A_260 : i32 to index
      %parallel_loop3A_543 = arith.index_cast %parallel_loop3A_541 : i32 to index
      %parallel_loop3A_544 = arith.constant 0 : index
      %parallel_loop3A_545 = tpu.vector_load %arg13[%parallel_loop3A_542, %parallel_loop3A_543, %parallel_loop3A_544] {strides = array<i32>} : memref<34x8x128xf32, #tpu.memory_space<vmem>>, vector<16xf32>,
      tpu.vector_store %arg13[%parallel_loop3A_542, %parallel_loop3A_543, %parallel_loop3A_544], %broadcast_in_dim3A_37 {strides = array<i32>} : memref<34x8x128xf32, #tpu.memory_space<vmem>>, vector<16xf32>,
      %parallel_loop3A_546 = arith.constant 7 : i32
      %parallel_loop3A_547 = arith.index_cast %parallel_loop3A_260 : i32 to index
      %parallel_loop3A_548 = arith.index_cast %parallel_loop3A_546 : i32 to index
      %parallel_loop3A_549 = arith.constant 16 : index
      %parallel_loop3A_550 = tpu.vector_load %arg13[%parallel_loop3A_547, %parallel_loop3A_548, %parallel_loop3A_549] {strides = array<i32>} : memref<34x8x128xf32, #tpu.memory_space<vmem>>, vector<16xf32>,
      tpu.vector_store %arg13[%parallel_loop3A_547, %parallel_loop3A_548, %parallel_loop3A_549], %broadcast_in_dim3A_37 {strides = array<i32>} : memref<34x8x128xf32, #tpu.memory_space<vmem>>, vector<16xf32>,
      %parallel_loop3A_551 = arith.constant 7 : i32
      %parallel_loop3A_552 = arith.index_cast %parallel_loop3A_260 : i32 to index
      %parallel_loop3A_553 = arith.index_cast %parallel_loop3A_551 : i32 to index
      %parallel_loop3A_554 = arith.constant 32 : index
      %parallel_loop3A_555 = tpu.vector_load %arg13[%parallel_loop3A_552, %parallel_loop3A_553, %parallel_loop3A_554] {strides = array<i32>} : memref<34x8x128xf32, #tpu.memory_space<vmem>>, vector<16xf32>,
      tpu.vector_store %arg13[%parallel_loop3A_552, %parallel_loop3A_553, %parallel_loop3A_554], %broadcast_in_dim3A_37 {strides = array<i32>} : memref<34x8x128xf32, #tpu.memory_space<vmem>>, vector<16xf32>,
      %parallel_loop3A_556 = arith.constant 7 : i32
      %parallel_loop3A_557 = arith.index_cast %parallel_loop3A_260 : i32 to index
      %parallel_loop3A_558 = arith.index_cast %parallel_loop3A_556 : i32 to index
      %parallel_loop3A_559 = arith.constant 48 : index
      %parallel_loop3A_560 = tpu.vector_load %arg13[%parallel_loop3A_557, %parallel_loop3A_558, %parallel_loop3A_559] {strides = array<i32>} : memref<34x8x128xf32, #tpu.memory_space<vmem>>, vector<16xf32>,
      tpu.vector_store %arg13[%parallel_loop3A_557, %parallel_loop3A_558, %parallel_loop3A_559], %broadcast_in_dim3A_37 {strides = array<i32>} : memref<34x8x128xf32, #tpu.memory_space<vmem>>, vector<16xf32>,
      %parallel_loop3A_561 = arith.constant 7 : i32
      %parallel_loop3A_562 = arith.index_cast %parallel_loop3A_260 : i32 to index
      %parallel_loop3A_563 = arith.index_cast %parallel_loop3A_561 : i32 to index
      %parallel_loop3A_564 = arith.constant 64 : index
      %parallel_loop3A_565 = tpu.vector_load %arg13[%parallel_loop3A_562, %parallel_loop3A_563, %parallel_loop3A_564] {strides = array<i32>} : memref<34x8x128xf32, #tpu.memory_space<vmem>>, vector<16xf32>,
      tpu.vector_store %arg13[%parallel_loop3A_562, %parallel_loop3A_563, %parallel_loop3A_564], %broadcast_in_dim3A_37 {strides = array<i32>} : memref<34x8x128xf32, #tpu.memory_space<vmem>>, vector<16xf32>,
      %parallel_loop3A_566 = arith.constant 7 : i32
      %parallel_loop3A_567 = arith.index_cast %parallel_loop3A_260 : i32 to index
      %parallel_loop3A_568 = arith.index_cast %parallel_loop3A_566 : i32 to index
      %parallel_loop3A_569 = arith.constant 80 : index
      %parallel_loop3A_570 = tpu.vector_load %arg13[%parallel_loop3A_567, %parallel_loop3A_568, %parallel_loop3A_569] {strides = array<i32>} : memref<34x8x128xf32, #tpu.memory_space<vmem>>, vector<16xf32>,
      tpu.vector_store %arg13[%parallel_loop3A_567, %parallel_loop3A_568, %parallel_loop3A_569], %broadcast_in_dim3A_37 {strides = array<i32>} : memref<34x8x128xf32, #tpu.memory_space<vmem>>, vector<16xf32>,
      %parallel_loop3A_571 = arith.constant 7 : i32
      %parallel_loop3A_572 = arith.index_cast %parallel_loop3A_260 : i32 to index
      %parallel_loop3A_573 = arith.index_cast %parallel_loop3A_571 : i32 to index
      %parallel_loop3A_574 = arith.constant 96 : index
      %parallel_loop3A_575 = tpu.vector_load %arg13[%parallel_loop3A_572, %parallel_loop3A_573, %parallel_loop3A_574] {strides = array<i32>} : memref<34x8x128xf32, #tpu.memory_space<vmem>>, vector<16xf32>,
      tpu.vector_store %arg13[%parallel_loop3A_572, %parallel_loop3A_573, %parallel_loop3A_574], %broadcast_in_dim3A_37 {strides = array<i32>} : memref<34x8x128xf32, #tpu.memory_space<vmem>>, vector<16xf32>,
      %parallel_loop3A_576 = arith.constant 7 : i32
      %parallel_loop3A_577 = arith.index_cast %parallel_loop3A_260 : i32 to index
      %parallel_loop3A_578 = arith.index_cast %parallel_loop3A_576 : i32 to index
      %parallel_loop3A_579 = arith.constant 112 : index
      %parallel_loop3A_580 = tpu.vector_load %arg13[%parallel_loop3A_577, %parallel_loop3A_578, %parallel_loop3A_579] {strides = array<i32>} : memref<34x8x128xf32, #tpu.memory_space<vmem>>, vector<16xf32>,
      tpu.vector_store %arg13[%parallel_loop3A_577, %parallel_loop3A_578, %parallel_loop3A_579], %broadcast_in_dim3A_37 {strides = array<i32>} : memref<34x8x128xf32, #tpu.memory_space<vmem>>, vector<16xf32>,
    } {sc.loop_unroll_factor = 3 : i64, sc.parallel_access}
    %dma_wait3A_72 = tpu.memref_slice %arg2[%mul3A_34, %mul3A_53] : memref<128x2048xi32, #tpu.memory_space<hbm>> -> memref<8x128xi32, #tpu.memory_space<hbm>>
    %dma_wait3A_73 = tpu.memref_slice %arg2[%mul3A_34, %mul3A_53] : memref<128x2048xi32, #tpu.memory_space<hbm>> -> memref<8x128xi32, #tpu.memory_space<hbm>>
    tpu.wait_dma2 semaphore(%arg19 : memref<!tpu.dma_semaphore, #tpu.memory_space<semaphore_mem>>) src(%dma_wait3A_73 : memref<8x128xi32, #tpu.memory_space<hbm>>) dst(%arg6 : memref<8x128xi32, #tpu.memory_space<vmem>>)
    %dma_wait3A_74 = tpu.memref_slice %arg3[%mul3A_34, %mul3A_53] : memref<128x2048xf32, #tpu.memory_space<hbm>> -> memref<8x128xf32, #tpu.memory_space<hbm>>
    %dma_wait3A_75 = tpu.memref_slice %arg3[%mul3A_34, %mul3A_53] : memref<128x2048xf32, #tpu.memory_space<hbm>> -> memref<8x128xf32, #tpu.memory_space<hbm>>
    tpu.wait_dma2 semaphore(%arg19 : memref<!tpu.dma_semaphore, #tpu.memory_space<semaphore_mem>>) src(%dma_wait3A_75 : memref<8x128xf32, #tpu.memory_space<hbm>>) dst(%arg11 : memref<8x128xf32, #tpu.memory_space<vmem>>)
    %add3A_76 = arith.constant 2 : i32
    %add3A_77 = arith.addi %mul3A_32, %add3A_76 : i32
    %mul3A_78 = arith.constant 128 : i32
    %mul3A_79 = arith.muli %add3A_77, %mul3A_78 : i32
    %dma_start3A_80 = tpu.memref_slice %arg2[%mul3A_34, %mul3A_79] : memref<128x2048xi32, #tpu.memory_space<hbm>> -> memref<8x128xi32, #tpu.memory_space<hbm>>
    %dma_start3A_81 = tpu.memref_slice %arg2[%mul3A_34, %mul3A_79] : memref<128x2048xi32, #tpu.memory_space<hbm>> -> memref<8x128xi32, #tpu.memory_space<hbm>>
    tpu.enqueue_dma source(%dma_start3A_81 : memref<8x128xi32, #tpu.memory_space<hbm>>) target(%arg7 : memref<8x128xi32, #tpu.memory_space<vmem>>) target_semaphore(%arg18 : memref<!tpu.dma_semaphore, #tpu.memory_space<semaphore_mem>>)
    %dma_start3A_82 = tpu.memref_slice %arg3[%mul3A_34, %mul3A_79] : memref<128x2048xf32, #tpu.memory_space<hbm>> -> memref<8x128xf32, #tpu.memory_space<hbm>>
    %dma_start3A_83 = tpu.memref_slice %arg3[%mul3A_34, %mul3A_79] : memref<128x2048xf32, #tpu.memory_space<hbm>> -> memref<8x128xf32, #tpu.memory_space<hbm>>
    tpu.enqueue_dma source(%dma_start3A_83 : memref<8x128xf32, #tpu.memory_space<hbm>>) target(%arg10 : memref<8x128xf32, #tpu.memory_space<vmem>>) target_semaphore(%arg18 : memref<!tpu.dma_semaphore, #tpu.memory_space<semaphore_mem>>)
    %parallel_loop3A_84 = arith.constant 0 : i32
    %parallel_loop3A_85 = arith.constant 64 : i32
    %parallel_loop3A_86 = arith.constant 1 : i32
    scf.for %parallel_loop3A_260 = %parallel_loop3A_84 to %parallel_loop3A_85 step %parallel_loop3A_86  : i32 {
      %parallel_loop3A_261 = arith.constant 8 : i32
      %parallel_loop3A_262 = arith.divsi %parallel_loop3A_260, %parallel_loop3A_261 : i32
      %parallel_loop3A_263 = arith.constant 0 : i32
      %parallel_loop3A_264 = arith.cmpi sgt, %parallel_loop3A_260, %parallel_loop3A_263 : i32
      %parallel_loop3A_265 = arith.extui %parallel_loop3A_264 : i1 to i32
      %parallel_loop3A_266 = arith.constant 0 : i32
      %parallel_loop3A_267 = arith.cmpi slt, %parallel_loop3A_260, %parallel_loop3A_266 : i32
      %parallel_loop3A_268 = arith.extui %parallel_loop3A_267 : i1 to i32
      %parallel_loop3A_269 = arith.subi %parallel_loop3A_265, %parallel_loop3A_268 : i32
      %parallel_loop3A_270 = arith.constant 0 : i32
      %parallel_loop3A_271 = arith.cmpi sgt, %parallel_loop3A_261, %parallel_loop3A_270 : i32
      %parallel_loop3A_272 = arith.extui %parallel_loop3A_271 : i1 to i32
      %parallel_loop3A_273 = arith.constant 0 : i32
      %parallel_loop3A_274 = arith.cmpi slt, %parallel_loop3A_261, %parallel_loop3A_273 : i32
      %parallel_loop3A_275 = arith.extui %parallel_loop3A_274 : i1 to i32
      %parallel_loop3A_276 = arith.subi %parallel_loop3A_272, %parallel_loop3A_275 : i32
      %parallel_loop3A_277 = arith.cmpi ne, %parallel_loop3A_269, %parallel_loop3A_276 : i32
      %parallel_loop3A_278 = arith.remsi %parallel_loop3A_260, %parallel_loop3A_261 : i32
      %parallel_loop3A_279 = arith.constant 0 : i32
      %parallel_loop3A_280 = arith.cmpi ne, %parallel_loop3A_278, %parallel_loop3A_279 : i32
      %parallel_loop3A_281 = arith.andi %parallel_loop3A_277, %parallel_loop3A_280 : i1
      %parallel_loop3A_282 = arith.constant 1 : i32
      %parallel_loop3A_283 = arith.subi %parallel_loop3A_262, %parallel_loop3A_282 : i32
      %parallel_loop3A_284 = arith.select %parallel_loop3A_281, %parallel_loop3A_283, %parallel_loop3A_262 : i32
      %parallel_loop3A_285 = arith.constant 8 : i32
      %parallel_loop3A_286 = arith.constant 0 : i32
      %parallel_loop3A_287 = arith.cmpi eq, %parallel_loop3A_285, %parallel_loop3A_286 : i32
      %parallel_loop3A_288 = arith.constant 1 : i32
      %parallel_loop3A_289 = arith.select %parallel_loop3A_287, %parallel_loop3A_288, %parallel_loop3A_285 : i32
      %parallel_loop3A_290 = arith.remsi %parallel_loop3A_260, %parallel_loop3A_289 : i32
      %parallel_loop3A_291 = arith.constant 0 : i32
      %parallel_loop3A_292 = arith.cmpi ne, %parallel_loop3A_290, %parallel_loop3A_291 : i32
      %parallel_loop3A_293 = arith.constant 0 : i32
      %parallel_loop3A_294 = arith.cmpi slt, %parallel_loop3A_290, %parallel_loop3A_293 : i32
      %parallel_loop3A_295 = arith.constant 0 : i32
      %parallel_loop3A_296 = arith.cmpi slt, %parallel_loop3A_289, %parallel_loop3A_295 : i32
      %parallel_loop3A_297 = arith.xori %parallel_loop3A_294, %parallel_loop3A_296 : i1
      %parallel_loop3A_298 = arith.andi %parallel_loop3A_297, %parallel_loop3A_292 : i1
      %parallel_loop3A_299 = arith.addi %parallel_loop3A_290, %parallel_loop3A_289 : i32
      %parallel_loop3A_300 = arith.select %parallel_loop3A_298, %parallel_loop3A_299, %parallel_loop3A_290 : i32
      %parallel_loop3A_301 = arith.constant 16 : i32
      %parallel_loop3A_302 = arith.muli %parallel_loop3A_300, %parallel_loop3A_301 : i32
      %parallel_loop3A_303 = arith.constant 1 : i32
      %parallel_loop3A_304 = vector.broadcast %parallel_loop3A_303 : i32 to vector<16xi32>
      %parallel_loop3A_305 = vector.broadcast %parallel_loop3A_284 : i32 to vector<16xi32>
      %parallel_loop3A_306 = arith.muli %parallel_loop3A_304, %parallel_loop3A_305 : vector<16xi32>
      %parallel_loop3A_307 = vector.broadcast %parallel_loop3A_302 : i32 to vector<16xi32>
      %parallel_loop3A_308 = arith.addi %parallel_loop3A_307, %iota3A : vector<16xi32>
      %parallel_loop3A_309 = arith.index_cast %parallel_loop3A_284 : i32 to index
      %parallel_loop3A_310 = arith.index_cast %parallel_loop3A_302 : i32 to index
      %parallel_loop3A_311 = tpu.vector_load %arg6[%parallel_loop3A_309, %parallel_loop3A_310] {strides = array<i32>} : memref<8x128xi32, #tpu.memory_space<vmem>>, vector<16xi32>,
      %parallel_loop3A_312 = arith.constant 0 : i32
      %parallel_loop3A_313 = vector.broadcast %parallel_loop3A_312 : i32 to vector<16xi32>
      %parallel_loop3A_314 = arith.cmpi sge, %parallel_loop3A_311, %parallel_loop3A_313 : vector<16xi32>
      %parallel_loop3A_315 = arith.constant 33 : i32
      %parallel_loop3A_316 = vector.broadcast %parallel_loop3A_315 : i32 to vector<16xi32>
      %parallel_loop3A_317 = arith.cmpi slt, %parallel_loop3A_311, %parallel_loop3A_316 : vector<16xi32>
      %parallel_loop3A_318 = arith.andi %parallel_loop3A_314, %parallel_loop3A_317 : vector<16xi1>
      tpu.vector_store_idx %arg13[%parallel_loop3A_311, %parallel_loop3A_306, %parallel_loop3A_308], %broadcast_in_dim3A_35 masked %parallel_loop3A_318 : memref<34x8x128xf32, #tpu.memory_space<vmem>>[vector<16xi32>, vector<16xi32>, vector<16xi32>], vector<16xf32>, vector<16xi1>
      %parallel_loop3A_319 = arith.index_cast %parallel_loop3A_284 : i32 to index
      %parallel_loop3A_320 = arith.index_cast %parallel_loop3A_302 : i32 to index
      %parallel_loop3A_321 = tpu.vector_load %arg11[%parallel_loop3A_319, %parallel_loop3A_320] {strides = array<i32>} : memref<8x128xf32, #tpu.memory_space<vmem>>, vector<16xf32>,
      %parallel_loop3A_322 = arith.constant -1.000000e+00 : f32
      %parallel_loop3A_323 = vector.broadcast %parallel_loop3A_322 : f32 to vector<16xf32>
      %parallel_loop3A_324 = arith.cmpf ole, %parallel_loop3A_321, %parallel_loop3A_323 : vector<16xf32>
      %parallel_loop3A_325 = arith.constant 1.000000e+00 : f32
      %parallel_loop3A_326 = arith.constant 0.000000e+00 : f32
      %parallel_loop3A_327 = vector.broadcast %parallel_loop3A_325 : f32 to vector<16xf32>
      %parallel_loop3A_328 = vector.broadcast %parallel_loop3A_326 : f32 to vector<16xf32>
      %parallel_loop3A_329 = arith.select %parallel_loop3A_324, %parallel_loop3A_327, %parallel_loop3A_328 : vector<16xi1>, vector<16xf32>
      %parallel_loop3A_330 = arith.constant 33 : i32
      %parallel_loop3A_331 = arith.index_cast %parallel_loop3A_330 : i32 to index
      %parallel_loop3A_332 = arith.index_cast %parallel_loop3A_284 : i32 to index
      %parallel_loop3A_333 = arith.index_cast %parallel_loop3A_302 : i32 to index
      %parallel_loop3A_334 = tpu.vector_load %arg13[%parallel_loop3A_331, %parallel_loop3A_332, %parallel_loop3A_333] {strides = array<i32>} : memref<34x8x128xf32, #tpu.memory_space<vmem>>, vector<16xf32>,
      tpu.vector_store %arg13[%parallel_loop3A_331, %parallel_loop3A_332, %parallel_loop3A_333], %parallel_loop3A_329 {strides = array<i32>} : memref<34x8x128xf32, #tpu.memory_space<vmem>>, vector<16xf32>,
    } {sc.loop_unroll_factor = 4 : i64, sc.parallel_access}
    %add3A_87 = arith.constant 1 : i32
    %add3A_88 = arith.addi %mul3A_32, %add3A_87 : i32
    %mul3A_89 = arith.constant 128 : i32
    %mul3A_90 = arith.muli %add3A_88, %mul3A_89 : i32
    %dma_start3A_91 = arith.constant 0 : i32
    %dma_start3A_92 = tpu.memref_slice %arg4[%dma_start3A_91, %mul3A_34, %mul3A_90] : memref<34x128x2048xf32, #tpu.memory_space<hbm>> -> memref<34x8x128xf32, #tpu.memory_space<hbm>>
    %dma_start3A_93 = arith.constant 0 : i32
    %dma_start3A_94 = tpu.memref_slice %arg4[%dma_start3A_93, %mul3A_34, %mul3A_90] : memref<34x128x2048xf32, #tpu.memory_space<hbm>> -> memref<34x8x128xf32, #tpu.memory_space<hbm>>
    tpu.enqueue_dma source(%arg13 : memref<34x8x128xf32, #tpu.memory_space<vmem>>) target(%dma_start3A_94 : memref<34x8x128xf32, #tpu.memory_space<hbm>>) target_semaphore(%arg16 : memref<!tpu.dma_semaphore, #tpu.memory_space<semaphore_mem>>)
    %parallel_loop3A_95 = arith.constant 0 : i32
    %parallel_loop3A_96 = arith.constant 33 : i32
    %parallel_loop3A_97 = arith.constant 1 : i32
    scf.for %parallel_loop3A_260 = %parallel_loop3A_95 to %parallel_loop3A_96 step %parallel_loop3A_97  : i32 {
      %parallel_loop3A_261 = arith.constant 0 : i32
      %parallel_loop3A_262 = arith.index_cast %parallel_loop3A_260 : i32 to index
      %parallel_loop3A_263 = arith.index_cast %parallel_loop3A_261 : i32 to index
      %parallel_loop3A_264 = arith.constant 0 : index
      %parallel_loop3A_265 = tpu.vector_load %arg14[%parallel_loop3A_262, %parallel_loop3A_263, %parallel_loop3A_264] {strides = array<i32>} : memref<34x8x128xf32, #tpu.memory_space<vmem>>, vector<16xf32>,
      tpu.vector_store %arg14[%parallel_loop3A_262, %parallel_loop3A_263, %parallel_loop3A_264], %broadcast_in_dim3A_37 {strides = array<i32>} : memref<34x8x128xf32, #tpu.memory_space<vmem>>, vector<16xf32>,
      %parallel_loop3A_266 = arith.constant 0 : i32
      %parallel_loop3A_267 = arith.index_cast %parallel_loop3A_260 : i32 to index
      %parallel_loop3A_268 = arith.index_cast %parallel_loop3A_266 : i32 to index
      %parallel_loop3A_269 = arith.constant 16 : index
      %parallel_loop3A_270 = tpu.vector_load %arg14[%parallel_loop3A_267, %parallel_loop3A_268, %parallel_loop3A_269] {strides = array<i32>} : memref<34x8x128xf32, #tpu.memory_space<vmem>>, vector<16xf32>,
      tpu.vector_store %arg14[%parallel_loop3A_267, %parallel_loop3A_268, %parallel_loop3A_269], %broadcast_in_dim3A_37 {strides = array<i32>} : memref<34x8x128xf32, #tpu.memory_space<vmem>>, vector<16xf32>,
      %parallel_loop3A_271 = arith.constant 0 : i32
      %parallel_loop3A_272 = arith.index_cast %parallel_loop3A_260 : i32 to index
      %parallel_loop3A_273 = arith.index_cast %parallel_loop3A_271 : i32 to index
      %parallel_loop3A_274 = arith.constant 32 : index
      %parallel_loop3A_275 = tpu.vector_load %arg14[%parallel_loop3A_272, %parallel_loop3A_273, %parallel_loop3A_274] {strides = array<i32>} : memref<34x8x128xf32, #tpu.memory_space<vmem>>, vector<16xf32>,
      tpu.vector_store %arg14[%parallel_loop3A_272, %parallel_loop3A_273, %parallel_loop3A_274], %broadcast_in_dim3A_37 {strides = array<i32>} : memref<34x8x128xf32, #tpu.memory_space<vmem>>, vector<16xf32>,
      %parallel_loop3A_276 = arith.constant 0 : i32
      %parallel_loop3A_277 = arith.index_cast %parallel_loop3A_260 : i32 to index
      %parallel_loop3A_278 = arith.index_cast %parallel_loop3A_276 : i32 to index
      %parallel_loop3A_279 = arith.constant 48 : index
      %parallel_loop3A_280 = tpu.vector_load %arg14[%parallel_loop3A_277, %parallel_loop3A_278, %parallel_loop3A_279] {strides = array<i32>} : memref<34x8x128xf32, #tpu.memory_space<vmem>>, vector<16xf32>,
      tpu.vector_store %arg14[%parallel_loop3A_277, %parallel_loop3A_278, %parallel_loop3A_279], %broadcast_in_dim3A_37 {strides = array<i32>} : memref<34x8x128xf32, #tpu.memory_space<vmem>>, vector<16xf32>,
      %parallel_loop3A_281 = arith.constant 0 : i32
      %parallel_loop3A_282 = arith.index_cast %parallel_loop3A_260 : i32 to index
      %parallel_loop3A_283 = arith.index_cast %parallel_loop3A_281 : i32 to index
      %parallel_loop3A_284 = arith.constant 64 : index
      %parallel_loop3A_285 = tpu.vector_load %arg14[%parallel_loop3A_282, %parallel_loop3A_283, %parallel_loop3A_284] {strides = array<i32>} : memref<34x8x128xf32, #tpu.memory_space<vmem>>, vector<16xf32>,
      tpu.vector_store %arg14[%parallel_loop3A_282, %parallel_loop3A_283, %parallel_loop3A_284], %broadcast_in_dim3A_37 {strides = array<i32>} : memref<34x8x128xf32, #tpu.memory_space<vmem>>, vector<16xf32>,
      %parallel_loop3A_286 = arith.constant 0 : i32
      %parallel_loop3A_287 = arith.index_cast %parallel_loop3A_260 : i32 to index
      %parallel_loop3A_288 = arith.index_cast %parallel_loop3A_286 : i32 to index
      %parallel_loop3A_289 = arith.constant 80 : index
      %parallel_loop3A_290 = tpu.vector_load %arg14[%parallel_loop3A_287, %parallel_loop3A_288, %parallel_loop3A_289] {strides = array<i32>} : memref<34x8x128xf32, #tpu.memory_space<vmem>>, vector<16xf32>,
      tpu.vector_store %arg14[%parallel_loop3A_287, %parallel_loop3A_288, %parallel_loop3A_289], %broadcast_in_dim3A_37 {strides = array<i32>} : memref<34x8x128xf32, #tpu.memory_space<vmem>>, vector<16xf32>,
      %parallel_loop3A_291 = arith.constant 0 : i32
      %parallel_loop3A_292 = arith.index_cast %parallel_loop3A_260 : i32 to index
      %parallel_loop3A_293 = arith.index_cast %parallel_loop3A_291 : i32 to index
      %parallel_loop3A_294 = arith.constant 96 : index
      %parallel_loop3A_295 = tpu.vector_load %arg14[%parallel_loop3A_292, %parallel_loop3A_293, %parallel_loop3A_294] {strides = array<i32>} : memref<34x8x128xf32, #tpu.memory_space<vmem>>, vector<16xf32>,
      tpu.vector_store %arg14[%parallel_loop3A_292, %parallel_loop3A_293, %parallel_loop3A_294], %broadcast_in_dim3A_37 {strides = array<i32>} : memref<34x8x128xf32, #tpu.memory_space<vmem>>, vector<16xf32>,
      %parallel_loop3A_296 = arith.constant 0 : i32
      %parallel_loop3A_297 = arith.index_cast %parallel_loop3A_260 : i32 to index
      %parallel_loop3A_298 = arith.index_cast %parallel_loop3A_296 : i32 to index
      %parallel_loop3A_299 = arith.constant 112 : index
      %parallel_loop3A_300 = tpu.vector_load %arg14[%parallel_loop3A_297, %parallel_loop3A_298, %parallel_loop3A_299] {strides = array<i32>} : memref<34x8x128xf32, #tpu.memory_space<vmem>>, vector<16xf32>,
      tpu.vector_store %arg14[%parallel_loop3A_297, %parallel_loop3A_298, %parallel_loop3A_299], %broadcast_in_dim3A_37 {strides = array<i32>} : memref<34x8x128xf32, #tpu.memory_space<vmem>>, vector<16xf32>,
      %parallel_loop3A_301 = arith.constant 1 : i32
      %parallel_loop3A_302 = arith.index_cast %parallel_loop3A_260 : i32 to index
      %parallel_loop3A_303 = arith.index_cast %parallel_loop3A_301 : i32 to index
      %parallel_loop3A_304 = arith.constant 0 : index
      %parallel_loop3A_305 = tpu.vector_load %arg14[%parallel_loop3A_302, %parallel_loop3A_303, %parallel_loop3A_304] {strides = array<i32>} : memref<34x8x128xf32, #tpu.memory_space<vmem>>, vector<16xf32>,
      tpu.vector_store %arg14[%parallel_loop3A_302, %parallel_loop3A_303, %parallel_loop3A_304], %broadcast_in_dim3A_37 {strides = array<i32>} : memref<34x8x128xf32, #tpu.memory_space<vmem>>, vector<16xf32>,
      %parallel_loop3A_306 = arith.constant 1 : i32
      %parallel_loop3A_307 = arith.index_cast %parallel_loop3A_260 : i32 to index
      %parallel_loop3A_308 = arith.index_cast %parallel_loop3A_306 : i32 to index
      %parallel_loop3A_309 = arith.constant 16 : index
      %parallel_loop3A_310 = tpu.vector_load %arg14[%parallel_loop3A_307, %parallel_loop3A_308, %parallel_loop3A_309] {strides = array<i32>} : memref<34x8x128xf32, #tpu.memory_space<vmem>>, vector<16xf32>,
      tpu.vector_store %arg14[%parallel_loop3A_307, %parallel_loop3A_308, %parallel_loop3A_309], %broadcast_in_dim3A_37 {strides = array<i32>} : memref<34x8x128xf32, #tpu.memory_space<vmem>>, vector<16xf32>,
      %parallel_loop3A_311 = arith.constant 1 : i32
      %parallel_loop3A_312 = arith.index_cast %parallel_loop3A_260 : i32 to index
      %parallel_loop3A_313 = arith.index_cast %parallel_loop3A_311 : i32 to index
      %parallel_loop3A_314 = arith.constant 32 : index
      %parallel_loop3A_315 = tpu.vector_load %arg14[%parallel_loop3A_312, %parallel_loop3A_313, %parallel_loop3A_314] {strides = array<i32>} : memref<34x8x128xf32, #tpu.memory_space<vmem>>, vector<16xf32>,
      tpu.vector_store %arg14[%parallel_loop3A_312, %parallel_loop3A_313, %parallel_loop3A_314], %broadcast_in_dim3A_37 {strides = array<i32>} : memref<34x8x128xf32, #tpu.memory_space<vmem>>, vector<16xf32>,
      %parallel_loop3A_316 = arith.constant 1 : i32
      %parallel_loop3A_317 = arith.index_cast %parallel_loop3A_260 : i32 to index
      %parallel_loop3A_318 = arith.index_cast %parallel_loop3A_316 : i32 to index
      %parallel_loop3A_319 = arith.constant 48 : index
      %parallel_loop3A_320 = tpu.vector_load %arg14[%parallel_loop3A_317, %parallel_loop3A_318, %parallel_loop3A_319] {strides = array<i32>} : memref<34x8x128xf32, #tpu.memory_space<vmem>>, vector<16xf32>,
      tpu.vector_store %arg14[%parallel_loop3A_317, %parallel_loop3A_318, %parallel_loop3A_319], %broadcast_in_dim3A_37 {strides = array<i32>} : memref<34x8x128xf32, #tpu.memory_space<vmem>>, vector<16xf32>,
      %parallel_loop3A_321 = arith.constant 1 : i32
      %parallel_loop3A_322 = arith.index_cast %parallel_loop3A_260 : i32 to index
      %parallel_loop3A_323 = arith.index_cast %parallel_loop3A_321 : i32 to index
      %parallel_loop3A_324 = arith.constant 64 : index
      %parallel_loop3A_325 = tpu.vector_load %arg14[%parallel_loop3A_322, %parallel_loop3A_323, %parallel_loop3A_324] {strides = array<i32>} : memref<34x8x128xf32, #tpu.memory_space<vmem>>, vector<16xf32>,
      tpu.vector_store %arg14[%parallel_loop3A_322, %parallel_loop3A_323, %parallel_loop3A_324], %broadcast_in_dim3A_37 {strides = array<i32>} : memref<34x8x128xf32, #tpu.memory_space<vmem>>, vector<16xf32>,
      %parallel_loop3A_326 = arith.constant 1 : i32
      %parallel_loop3A_327 = arith.index_cast %parallel_loop3A_260 : i32 to index
      %parallel_loop3A_328 = arith.index_cast %parallel_loop3A_326 : i32 to index
      %parallel_loop3A_329 = arith.constant 80 : index
      %parallel_loop3A_330 = tpu.vector_load %arg14[%parallel_loop3A_327, %parallel_loop3A_328, %parallel_loop3A_329] {strides = array<i32>} : memref<34x8x128xf32, #tpu.memory_space<vmem>>, vector<16xf32>,
      tpu.vector_store %arg14[%parallel_loop3A_327, %parallel_loop3A_328, %parallel_loop3A_329], %broadcast_in_dim3A_37 {strides = array<i32>} : memref<34x8x128xf32, #tpu.memory_space<vmem>>, vector<16xf32>,
      %parallel_loop3A_331 = arith.constant 1 : i32
      %parallel_loop3A_332 = arith.index_cast %parallel_loop3A_260 : i32 to index
      %parallel_loop3A_333 = arith.index_cast %parallel_loop3A_331 : i32 to index
      %parallel_loop3A_334 = arith.constant 96 : index
      %parallel_loop3A_335 = tpu.vector_load %arg14[%parallel_loop3A_332, %parallel_loop3A_333, %parallel_loop3A_334] {strides = array<i32>} : memref<34x8x128xf32, #tpu.memory_space<vmem>>, vector<16xf32>,
      tpu.vector_store %arg14[%parallel_loop3A_332, %parallel_loop3A_333, %parallel_loop3A_334], %broadcast_in_dim3A_37 {strides = array<i32>} : memref<34x8x128xf32, #tpu.memory_space<vmem>>, vector<16xf32>,
      %parallel_loop3A_336 = arith.constant 1 : i32
      %parallel_loop3A_337 = arith.index_cast %parallel_loop3A_260 : i32 to index
      %parallel_loop3A_338 = arith.index_cast %parallel_loop3A_336 : i32 to index
      %parallel_loop3A_339 = arith.constant 112 : index
      %parallel_loop3A_340 = tpu.vector_load %arg14[%parallel_loop3A_337, %parallel_loop3A_338, %parallel_loop3A_339] {strides = array<i32>} : memref<34x8x128xf32, #tpu.memory_space<vmem>>, vector<16xf32>,
      tpu.vector_store %arg14[%parallel_loop3A_337, %parallel_loop3A_338, %parallel_loop3A_339], %broadcast_in_dim3A_37 {strides = array<i32>} : memref<34x8x128xf32, #tpu.memory_space<vmem>>, vector<16xf32>,
      %parallel_loop3A_341 = arith.constant 2 : i32
      %parallel_loop3A_342 = arith.index_cast %parallel_loop3A_260 : i32 to index
      %parallel_loop3A_343 = arith.index_cast %parallel_loop3A_341 : i32 to index
      %parallel_loop3A_344 = arith.constant 0 : index
      %parallel_loop3A_345 = tpu.vector_load %arg14[%parallel_loop3A_342, %parallel_loop3A_343, %parallel_loop3A_344] {strides = array<i32>} : memref<34x8x128xf32, #tpu.memory_space<vmem>>, vector<16xf32>,
      tpu.vector_store %arg14[%parallel_loop3A_342, %parallel_loop3A_343, %parallel_loop3A_344], %broadcast_in_dim3A_37 {strides = array<i32>} : memref<34x8x128xf32, #tpu.memory_space<vmem>>, vector<16xf32>,
      %parallel_loop3A_346 = arith.constant 2 : i32
      %parallel_loop3A_347 = arith.index_cast %parallel_loop3A_260 : i32 to index
      %parallel_loop3A_348 = arith.index_cast %parallel_loop3A_346 : i32 to index
      %parallel_loop3A_349 = arith.constant 16 : index
      %parallel_loop3A_350 = tpu.vector_load %arg14[%parallel_loop3A_347, %parallel_loop3A_348, %parallel_loop3A_349] {strides = array<i32>} : memref<34x8x128xf32, #tpu.memory_space<vmem>>, vector<16xf32>,
      tpu.vector_store %arg14[%parallel_loop3A_347, %parallel_loop3A_348, %parallel_loop3A_349], %broadcast_in_dim3A_37 {strides = array<i32>} : memref<34x8x128xf32, #tpu.memory_space<vmem>>, vector<16xf32>,
      %parallel_loop3A_351 = arith.constant 2 : i32
      %parallel_loop3A_352 = arith.index_cast %parallel_loop3A_260 : i32 to index
      %parallel_loop3A_353 = arith.index_cast %parallel_loop3A_351 : i32 to index
      %parallel_loop3A_354 = arith.constant 32 : index
      %parallel_loop3A_355 = tpu.vector_load %arg14[%parallel_loop3A_352, %parallel_loop3A_353, %parallel_loop3A_354] {strides = array<i32>} : memref<34x8x128xf32, #tpu.memory_space<vmem>>, vector<16xf32>,
      tpu.vector_store %arg14[%parallel_loop3A_352, %parallel_loop3A_353, %parallel_loop3A_354], %broadcast_in_dim3A_37 {strides = array<i32>} : memref<34x8x128xf32, #tpu.memory_space<vmem>>, vector<16xf32>,
      %parallel_loop3A_356 = arith.constant 2 : i32
      %parallel_loop3A_357 = arith.index_cast %parallel_loop3A_260 : i32 to index
      %parallel_loop3A_358 = arith.index_cast %parallel_loop3A_356 : i32 to index
      %parallel_loop3A_359 = arith.constant 48 : index
      %parallel_loop3A_360 = tpu.vector_load %arg14[%parallel_loop3A_357, %parallel_loop3A_358, %parallel_loop3A_359] {strides = array<i32>} : memref<34x8x128xf32, #tpu.memory_space<vmem>>, vector<16xf32>,
      tpu.vector_store %arg14[%parallel_loop3A_357, %parallel_loop3A_358, %parallel_loop3A_359], %broadcast_in_dim3A_37 {strides = array<i32>} : memref<34x8x128xf32, #tpu.memory_space<vmem>>, vector<16xf32>,
      %parallel_loop3A_361 = arith.constant 2 : i32
      %parallel_loop3A_362 = arith.index_cast %parallel_loop3A_260 : i32 to index
      %parallel_loop3A_363 = arith.index_cast %parallel_loop3A_361 : i32 to index
      %parallel_loop3A_364 = arith.constant 64 : index
      %parallel_loop3A_365 = tpu.vector_load %arg14[%parallel_loop3A_362, %parallel_loop3A_363, %parallel_loop3A_364] {strides = array<i32>} : memref<34x8x128xf32, #tpu.memory_space<vmem>>, vector<16xf32>,
      tpu.vector_store %arg14[%parallel_loop3A_362, %parallel_loop3A_363, %parallel_loop3A_364], %broadcast_in_dim3A_37 {strides = array<i32>} : memref<34x8x128xf32, #tpu.memory_space<vmem>>, vector<16xf32>,
      %parallel_loop3A_366 = arith.constant 2 : i32
      %parallel_loop3A_367 = arith.index_cast %parallel_loop3A_260 : i32 to index
      %parallel_loop3A_368 = arith.index_cast %parallel_loop3A_366 : i32 to index
      %parallel_loop3A_369 = arith.constant 80 : index
      %parallel_loop3A_370 = tpu.vector_load %arg14[%parallel_loop3A_367, %parallel_loop3A_368, %parallel_loop3A_369] {strides = array<i32>} : memref<34x8x128xf32, #tpu.memory_space<vmem>>, vector<16xf32>,
      tpu.vector_store %arg14[%parallel_loop3A_367, %parallel_loop3A_368, %parallel_loop3A_369], %broadcast_in_dim3A_37 {strides = array<i32>} : memref<34x8x128xf32, #tpu.memory_space<vmem>>, vector<16xf32>,
      %parallel_loop3A_371 = arith.constant 2 : i32
      %parallel_loop3A_372 = arith.index_cast %parallel_loop3A_260 : i32 to index
      %parallel_loop3A_373 = arith.index_cast %parallel_loop3A_371 : i32 to index
      %parallel_loop3A_374 = arith.constant 96 : index
      %parallel_loop3A_375 = tpu.vector_load %arg14[%parallel_loop3A_372, %parallel_loop3A_373, %parallel_loop3A_374] {strides = array<i32>} : memref<34x8x128xf32, #tpu.memory_space<vmem>>, vector<16xf32>,
      tpu.vector_store %arg14[%parallel_loop3A_372, %parallel_loop3A_373, %parallel_loop3A_374], %broadcast_in_dim3A_37 {strides = array<i32>} : memref<34x8x128xf32, #tpu.memory_space<vmem>>, vector<16xf32>,
      %parallel_loop3A_376 = arith.constant 2 : i32
      %parallel_loop3A_377 = arith.index_cast %parallel_loop3A_260 : i32 to index
      %parallel_loop3A_378 = arith.index_cast %parallel_loop3A_376 : i32 to index
      %parallel_loop3A_379 = arith.constant 112 : index
      %parallel_loop3A_380 = tpu.vector_load %arg14[%parallel_loop3A_377, %parallel_loop3A_378, %parallel_loop3A_379] {strides = array<i32>} : memref<34x8x128xf32, #tpu.memory_space<vmem>>, vector<16xf32>,
      tpu.vector_store %arg14[%parallel_loop3A_377, %parallel_loop3A_378, %parallel_loop3A_379], %broadcast_in_dim3A_37 {strides = array<i32>} : memref<34x8x128xf32, #tpu.memory_space<vmem>>, vector<16xf32>,
      %parallel_loop3A_381 = arith.constant 3 : i32
      %parallel_loop3A_382 = arith.index_cast %parallel_loop3A_260 : i32 to index
      %parallel_loop3A_383 = arith.index_cast %parallel_loop3A_381 : i32 to index
      %parallel_loop3A_384 = arith.constant 0 : index
      %parallel_loop3A_385 = tpu.vector_load %arg14[%parallel_loop3A_382, %parallel_loop3A_383, %parallel_loop3A_384] {strides = array<i32>} : memref<34x8x128xf32, #tpu.memory_space<vmem>>, vector<16xf32>,
      tpu.vector_store %arg14[%parallel_loop3A_382, %parallel_loop3A_383, %parallel_loop3A_384], %broadcast_in_dim3A_37 {strides = array<i32>} : memref<34x8x128xf32, #tpu.memory_space<vmem>>, vector<16xf32>,
      %parallel_loop3A_386 = arith.constant 3 : i32
      %parallel_loop3A_387 = arith.index_cast %parallel_loop3A_260 : i32 to index
      %parallel_loop3A_388 = arith.index_cast %parallel_loop3A_386 : i32 to index
      %parallel_loop3A_389 = arith.constant 16 : index
      %parallel_loop3A_390 = tpu.vector_load %arg14[%parallel_loop3A_387, %parallel_loop3A_388, %parallel_loop3A_389] {strides = array<i32>} : memref<34x8x128xf32, #tpu.memory_space<vmem>>, vector<16xf32>,
      tpu.vector_store %arg14[%parallel_loop3A_387, %parallel_loop3A_388, %parallel_loop3A_389], %broadcast_in_dim3A_37 {strides = array<i32>} : memref<34x8x128xf32, #tpu.memory_space<vmem>>, vector<16xf32>,
      %parallel_loop3A_391 = arith.constant 3 : i32
      %parallel_loop3A_392 = arith.index_cast %parallel_loop3A_260 : i32 to index
      %parallel_loop3A_393 = arith.index_cast %parallel_loop3A_391 : i32 to index
      %parallel_loop3A_394 = arith.constant 32 : index
      %parallel_loop3A_395 = tpu.vector_load %arg14[%parallel_loop3A_392, %parallel_loop3A_393, %parallel_loop3A_394] {strides = array<i32>} : memref<34x8x128xf32, #tpu.memory_space<vmem>>, vector<16xf32>,
      tpu.vector_store %arg14[%parallel_loop3A_392, %parallel_loop3A_393, %parallel_loop3A_394], %broadcast_in_dim3A_37 {strides = array<i32>} : memref<34x8x128xf32, #tpu.memory_space<vmem>>, vector<16xf32>,
      %parallel_loop3A_396 = arith.constant 3 : i32
      %parallel_loop3A_397 = arith.index_cast %parallel_loop3A_260 : i32 to index
      %parallel_loop3A_398 = arith.index_cast %parallel_loop3A_396 : i32 to index
      %parallel_loop3A_399 = arith.constant 48 : index
      %parallel_loop3A_400 = tpu.vector_load %arg14[%parallel_loop3A_397, %parallel_loop3A_398, %parallel_loop3A_399] {strides = array<i32>} : memref<34x8x128xf32, #tpu.memory_space<vmem>>, vector<16xf32>,
      tpu.vector_store %arg14[%parallel_loop3A_397, %parallel_loop3A_398, %parallel_loop3A_399], %broadcast_in_dim3A_37 {strides = array<i32>} : memref<34x8x128xf32, #tpu.memory_space<vmem>>, vector<16xf32>,
      %parallel_loop3A_401 = arith.constant 3 : i32
      %parallel_loop3A_402 = arith.index_cast %parallel_loop3A_260 : i32 to index
      %parallel_loop3A_403 = arith.index_cast %parallel_loop3A_401 : i32 to index
      %parallel_loop3A_404 = arith.constant 64 : index
      %parallel_loop3A_405 = tpu.vector_load %arg14[%parallel_loop3A_402, %parallel_loop3A_403, %parallel_loop3A_404] {strides = array<i32>} : memref<34x8x128xf32, #tpu.memory_space<vmem>>, vector<16xf32>,
      tpu.vector_store %arg14[%parallel_loop3A_402, %parallel_loop3A_403, %parallel_loop3A_404], %broadcast_in_dim3A_37 {strides = array<i32>} : memref<34x8x128xf32, #tpu.memory_space<vmem>>, vector<16xf32>,
      %parallel_loop3A_406 = arith.constant 3 : i32
      %parallel_loop3A_407 = arith.index_cast %parallel_loop3A_260 : i32 to index
      %parallel_loop3A_408 = arith.index_cast %parallel_loop3A_406 : i32 to index
      %parallel_loop3A_409 = arith.constant 80 : index
      %parallel_loop3A_410 = tpu.vector_load %arg14[%parallel_loop3A_407, %parallel_loop3A_408, %parallel_loop3A_409] {strides = array<i32>} : memref<34x8x128xf32, #tpu.memory_space<vmem>>, vector<16xf32>,
      tpu.vector_store %arg14[%parallel_loop3A_407, %parallel_loop3A_408, %parallel_loop3A_409], %broadcast_in_dim3A_37 {strides = array<i32>} : memref<34x8x128xf32, #tpu.memory_space<vmem>>, vector<16xf32>,
      %parallel_loop3A_411 = arith.constant 3 : i32
      %parallel_loop3A_412 = arith.index_cast %parallel_loop3A_260 : i32 to index
      %parallel_loop3A_413 = arith.index_cast %parallel_loop3A_411 : i32 to index
      %parallel_loop3A_414 = arith.constant 96 : index
      %parallel_loop3A_415 = tpu.vector_load %arg14[%parallel_loop3A_412, %parallel_loop3A_413, %parallel_loop3A_414] {strides = array<i32>} : memref<34x8x128xf32, #tpu.memory_space<vmem>>, vector<16xf32>,
      tpu.vector_store %arg14[%parallel_loop3A_412, %parallel_loop3A_413, %parallel_loop3A_414], %broadcast_in_dim3A_37 {strides = array<i32>} : memref<34x8x128xf32, #tpu.memory_space<vmem>>, vector<16xf32>,
      %parallel_loop3A_416 = arith.constant 3 : i32
      %parallel_loop3A_417 = arith.index_cast %parallel_loop3A_260 : i32 to index
      %parallel_loop3A_418 = arith.index_cast %parallel_loop3A_416 : i32 to index
      %parallel_loop3A_419 = arith.constant 112 : index
      %parallel_loop3A_420 = tpu.vector_load %arg14[%parallel_loop3A_417, %parallel_loop3A_418, %parallel_loop3A_419] {strides = array<i32>} : memref<34x8x128xf32, #tpu.memory_space<vmem>>, vector<16xf32>,
      tpu.vector_store %arg14[%parallel_loop3A_417, %parallel_loop3A_418, %parallel_loop3A_419], %broadcast_in_dim3A_37 {strides = array<i32>} : memref<34x8x128xf32, #tpu.memory_space<vmem>>, vector<16xf32>,
      %parallel_loop3A_421 = arith.constant 4 : i32
      %parallel_loop3A_422 = arith.index_cast %parallel_loop3A_260 : i32 to index
      %parallel_loop3A_423 = arith.index_cast %parallel_loop3A_421 : i32 to index
      %parallel_loop3A_424 = arith.constant 0 : index
      %parallel_loop3A_425 = tpu.vector_load %arg14[%parallel_loop3A_422, %parallel_loop3A_423, %parallel_loop3A_424] {strides = array<i32>} : memref<34x8x128xf32, #tpu.memory_space<vmem>>, vector<16xf32>,
      tpu.vector_store %arg14[%parallel_loop3A_422, %parallel_loop3A_423, %parallel_loop3A_424], %broadcast_in_dim3A_37 {strides = array<i32>} : memref<34x8x128xf32, #tpu.memory_space<vmem>>, vector<16xf32>,
      %parallel_loop3A_426 = arith.constant 4 : i32
      %parallel_loop3A_427 = arith.index_cast %parallel_loop3A_260 : i32 to index
      %parallel_loop3A_428 = arith.index_cast %parallel_loop3A_426 : i32 to index
      %parallel_loop3A_429 = arith.constant 16 : index
      %parallel_loop3A_430 = tpu.vector_load %arg14[%parallel_loop3A_427, %parallel_loop3A_428, %parallel_loop3A_429] {strides = array<i32>} : memref<34x8x128xf32, #tpu.memory_space<vmem>>, vector<16xf32>,
      tpu.vector_store %arg14[%parallel_loop3A_427, %parallel_loop3A_428, %parallel_loop3A_429], %broadcast_in_dim3A_37 {strides = array<i32>} : memref<34x8x128xf32, #tpu.memory_space<vmem>>, vector<16xf32>,
      %parallel_loop3A_431 = arith.constant 4 : i32
      %parallel_loop3A_432 = arith.index_cast %parallel_loop3A_260 : i32 to index
      %parallel_loop3A_433 = arith.index_cast %parallel_loop3A_431 : i32 to index
      %parallel_loop3A_434 = arith.constant 32 : index
      %parallel_loop3A_435 = tpu.vector_load %arg14[%parallel_loop3A_432, %parallel_loop3A_433, %parallel_loop3A_434] {strides = array<i32>} : memref<34x8x128xf32, #tpu.memory_space<vmem>>, vector<16xf32>,
      tpu.vector_store %arg14[%parallel_loop3A_432, %parallel_loop3A_433, %parallel_loop3A_434], %broadcast_in_dim3A_37 {strides = array<i32>} : memref<34x8x128xf32, #tpu.memory_space<vmem>>, vector<16xf32>,
      %parallel_loop3A_436 = arith.constant 4 : i32
      %parallel_loop3A_437 = arith.index_cast %parallel_loop3A_260 : i32 to index
      %parallel_loop3A_438 = arith.index_cast %parallel_loop3A_436 : i32 to index
      %parallel_loop3A_439 = arith.constant 48 : index
      %parallel_loop3A_440 = tpu.vector_load %arg14[%parallel_loop3A_437, %parallel_loop3A_438, %parallel_loop3A_439] {strides = array<i32>} : memref<34x8x128xf32, #tpu.memory_space<vmem>>, vector<16xf32>,
      tpu.vector_store %arg14[%parallel_loop3A_437, %parallel_loop3A_438, %parallel_loop3A_439], %broadcast_in_dim3A_37 {strides = array<i32>} : memref<34x8x128xf32, #tpu.memory_space<vmem>>, vector<16xf32>,
      %parallel_loop3A_441 = arith.constant 4 : i32
      %parallel_loop3A_442 = arith.index_cast %parallel_loop3A_260 : i32 to index
      %parallel_loop3A_443 = arith.index_cast %parallel_loop3A_441 : i32 to index
      %parallel_loop3A_444 = arith.constant 64 : index
      %parallel_loop3A_445 = tpu.vector_load %arg14[%parallel_loop3A_442, %parallel_loop3A_443, %parallel_loop3A_444] {strides = array<i32>} : memref<34x8x128xf32, #tpu.memory_space<vmem>>, vector<16xf32>,
      tpu.vector_store %arg14[%parallel_loop3A_442, %parallel_loop3A_443, %parallel_loop3A_444], %broadcast_in_dim3A_37 {strides = array<i32>} : memref<34x8x128xf32, #tpu.memory_space<vmem>>, vector<16xf32>,
      %parallel_loop3A_446 = arith.constant 4 : i32
      %parallel_loop3A_447 = arith.index_cast %parallel_loop3A_260 : i32 to index
      %parallel_loop3A_448 = arith.index_cast %parallel_loop3A_446 : i32 to index
      %parallel_loop3A_449 = arith.constant 80 : index
      %parallel_loop3A_450 = tpu.vector_load %arg14[%parallel_loop3A_447, %parallel_loop3A_448, %parallel_loop3A_449] {strides = array<i32>} : memref<34x8x128xf32, #tpu.memory_space<vmem>>, vector<16xf32>,
      tpu.vector_store %arg14[%parallel_loop3A_447, %parallel_loop3A_448, %parallel_loop3A_449], %broadcast_in_dim3A_37 {strides = array<i32>} : memref<34x8x128xf32, #tpu.memory_space<vmem>>, vector<16xf32>,
      %parallel_loop3A_451 = arith.constant 4 : i32
      %parallel_loop3A_452 = arith.index_cast %parallel_loop3A_260 : i32 to index
      %parallel_loop3A_453 = arith.index_cast %parallel_loop3A_451 : i32 to index
      %parallel_loop3A_454 = arith.constant 96 : index
      %parallel_loop3A_455 = tpu.vector_load %arg14[%parallel_loop3A_452, %parallel_loop3A_453, %parallel_loop3A_454] {strides = array<i32>} : memref<34x8x128xf32, #tpu.memory_space<vmem>>, vector<16xf32>,
      tpu.vector_store %arg14[%parallel_loop3A_452, %parallel_loop3A_453, %parallel_loop3A_454], %broadcast_in_dim3A_37 {strides = array<i32>} : memref<34x8x128xf32, #tpu.memory_space<vmem>>, vector<16xf32>,
      %parallel_loop3A_456 = arith.constant 4 : i32
      %parallel_loop3A_457 = arith.index_cast %parallel_loop3A_260 : i32 to index
      %parallel_loop3A_458 = arith.index_cast %parallel_loop3A_456 : i32 to index
      %parallel_loop3A_459 = arith.constant 112 : index
      %parallel_loop3A_460 = tpu.vector_load %arg14[%parallel_loop3A_457, %parallel_loop3A_458, %parallel_loop3A_459] {strides = array<i32>} : memref<34x8x128xf32, #tpu.memory_space<vmem>>, vector<16xf32>,
      tpu.vector_store %arg14[%parallel_loop3A_457, %parallel_loop3A_458, %parallel_loop3A_459], %broadcast_in_dim3A_37 {strides = array<i32>} : memref<34x8x128xf32, #tpu.memory_space<vmem>>, vector<16xf32>,
      %parallel_loop3A_461 = arith.constant 5 : i32
      %parallel_loop3A_462 = arith.index_cast %parallel_loop3A_260 : i32 to index
      %parallel_loop3A_463 = arith.index_cast %parallel_loop3A_461 : i32 to index
      %parallel_loop3A_464 = arith.constant 0 : index
      %parallel_loop3A_465 = tpu.vector_load %arg14[%parallel_loop3A_462, %parallel_loop3A_463, %parallel_loop3A_464] {strides = array<i32>} : memref<34x8x128xf32, #tpu.memory_space<vmem>>, vector<16xf32>,
      tpu.vector_store %arg14[%parallel_loop3A_462, %parallel_loop3A_463, %parallel_loop3A_464], %broadcast_in_dim3A_37 {strides = array<i32>} : memref<34x8x128xf32, #tpu.memory_space<vmem>>, vector<16xf32>,
      %parallel_loop3A_466 = arith.constant 5 : i32
      %parallel_loop3A_467 = arith.index_cast %parallel_loop3A_260 : i32 to index
      %parallel_loop3A_468 = arith.index_cast %parallel_loop3A_466 : i32 to index
      %parallel_loop3A_469 = arith.constant 16 : index
      %parallel_loop3A_470 = tpu.vector_load %arg14[%parallel_loop3A_467, %parallel_loop3A_468, %parallel_loop3A_469] {strides = array<i32>} : memref<34x8x128xf32, #tpu.memory_space<vmem>>, vector<16xf32>,
      tpu.vector_store %arg14[%parallel_loop3A_467, %parallel_loop3A_468, %parallel_loop3A_469], %broadcast_in_dim3A_37 {strides = array<i32>} : memref<34x8x128xf32, #tpu.memory_space<vmem>>, vector<16xf32>,
      %parallel_loop3A_471 = arith.constant 5 : i32
      %parallel_loop3A_472 = arith.index_cast %parallel_loop3A_260 : i32 to index
      %parallel_loop3A_473 = arith.index_cast %parallel_loop3A_471 : i32 to index
      %parallel_loop3A_474 = arith.constant 32 : index
      %parallel_loop3A_475 = tpu.vector_load %arg14[%parallel_loop3A_472, %parallel_loop3A_473, %parallel_loop3A_474] {strides = array<i32>} : memref<34x8x128xf32, #tpu.memory_space<vmem>>, vector<16xf32>,
      tpu.vector_store %arg14[%parallel_loop3A_472, %parallel_loop3A_473, %parallel_loop3A_474], %broadcast_in_dim3A_37 {strides = array<i32>} : memref<34x8x128xf32, #tpu.memory_space<vmem>>, vector<16xf32>,
      %parallel_loop3A_476 = arith.constant 5 : i32
      %parallel_loop3A_477 = arith.index_cast %parallel_loop3A_260 : i32 to index
      %parallel_loop3A_478 = arith.index_cast %parallel_loop3A_476 : i32 to index
      %parallel_loop3A_479 = arith.constant 48 : index
      %parallel_loop3A_480 = tpu.vector_load %arg14[%parallel_loop3A_477, %parallel_loop3A_478, %parallel_loop3A_479] {strides = array<i32>} : memref<34x8x128xf32, #tpu.memory_space<vmem>>, vector<16xf32>,
      tpu.vector_store %arg14[%parallel_loop3A_477, %parallel_loop3A_478, %parallel_loop3A_479], %broadcast_in_dim3A_37 {strides = array<i32>} : memref<34x8x128xf32, #tpu.memory_space<vmem>>, vector<16xf32>,
      %parallel_loop3A_481 = arith.constant 5 : i32
      %parallel_loop3A_482 = arith.index_cast %parallel_loop3A_260 : i32 to index
      %parallel_loop3A_483 = arith.index_cast %parallel_loop3A_481 : i32 to index
      %parallel_loop3A_484 = arith.constant 64 : index
      %parallel_loop3A_485 = tpu.vector_load %arg14[%parallel_loop3A_482, %parallel_loop3A_483, %parallel_loop3A_484] {strides = array<i32>} : memref<34x8x128xf32, #tpu.memory_space<vmem>>, vector<16xf32>,
      tpu.vector_store %arg14[%parallel_loop3A_482, %parallel_loop3A_483, %parallel_loop3A_484], %broadcast_in_dim3A_37 {strides = array<i32>} : memref<34x8x128xf32, #tpu.memory_space<vmem>>, vector<16xf32>,
      %parallel_loop3A_486 = arith.constant 5 : i32
      %parallel_loop3A_487 = arith.index_cast %parallel_loop3A_260 : i32 to index
      %parallel_loop3A_488 = arith.index_cast %parallel_loop3A_486 : i32 to index
      %parallel_loop3A_489 = arith.constant 80 : index
      %parallel_loop3A_490 = tpu.vector_load %arg14[%parallel_loop3A_487, %parallel_loop3A_488, %parallel_loop3A_489] {strides = array<i32>} : memref<34x8x128xf32, #tpu.memory_space<vmem>>, vector<16xf32>,
      tpu.vector_store %arg14[%parallel_loop3A_487, %parallel_loop3A_488, %parallel_loop3A_489], %broadcast_in_dim3A_37 {strides = array<i32>} : memref<34x8x128xf32, #tpu.memory_space<vmem>>, vector<16xf32>,
      %parallel_loop3A_491 = arith.constant 5 : i32
      %parallel_loop3A_492 = arith.index_cast %parallel_loop3A_260 : i32 to index
      %parallel_loop3A_493 = arith.index_cast %parallel_loop3A_491 : i32 to index
      %parallel_loop3A_494 = arith.constant 96 : index
      %parallel_loop3A_495 = tpu.vector_load %arg14[%parallel_loop3A_492, %parallel_loop3A_493, %parallel_loop3A_494] {strides = array<i32>} : memref<34x8x128xf32, #tpu.memory_space<vmem>>, vector<16xf32>,
      tpu.vector_store %arg14[%parallel_loop3A_492, %parallel_loop3A_493, %parallel_loop3A_494], %broadcast_in_dim3A_37 {strides = array<i32>} : memref<34x8x128xf32, #tpu.memory_space<vmem>>, vector<16xf32>,
      %parallel_loop3A_496 = arith.constant 5 : i32
      %parallel_loop3A_497 = arith.index_cast %parallel_loop3A_260 : i32 to index
      %parallel_loop3A_498 = arith.index_cast %parallel_loop3A_496 : i32 to index
      %parallel_loop3A_499 = arith.constant 112 : index
      %parallel_loop3A_500 = tpu.vector_load %arg14[%parallel_loop3A_497, %parallel_loop3A_498, %parallel_loop3A_499] {strides = array<i32>} : memref<34x8x128xf32, #tpu.memory_space<vmem>>, vector<16xf32>,
      tpu.vector_store %arg14[%parallel_loop3A_497, %parallel_loop3A_498, %parallel_loop3A_499], %broadcast_in_dim3A_37 {strides = array<i32>} : memref<34x8x128xf32, #tpu.memory_space<vmem>>, vector<16xf32>,
      %parallel_loop3A_501 = arith.constant 6 : i32
      %parallel_loop3A_502 = arith.index_cast %parallel_loop3A_260 : i32 to index
      %parallel_loop3A_503 = arith.index_cast %parallel_loop3A_501 : i32 to index
      %parallel_loop3A_504 = arith.constant 0 : index
      %parallel_loop3A_505 = tpu.vector_load %arg14[%parallel_loop3A_502, %parallel_loop3A_503, %parallel_loop3A_504] {strides = array<i32>} : memref<34x8x128xf32, #tpu.memory_space<vmem>>, vector<16xf32>,
      tpu.vector_store %arg14[%parallel_loop3A_502, %parallel_loop3A_503, %parallel_loop3A_504], %broadcast_in_dim3A_37 {strides = array<i32>} : memref<34x8x128xf32, #tpu.memory_space<vmem>>, vector<16xf32>,
      %parallel_loop3A_506 = arith.constant 6 : i32
      %parallel_loop3A_507 = arith.index_cast %parallel_loop3A_260 : i32 to index
      %parallel_loop3A_508 = arith.index_cast %parallel_loop3A_506 : i32 to index
      %parallel_loop3A_509 = arith.constant 16 : index
      %parallel_loop3A_510 = tpu.vector_load %arg14[%parallel_loop3A_507, %parallel_loop3A_508, %parallel_loop3A_509] {strides = array<i32>} : memref<34x8x128xf32, #tpu.memory_space<vmem>>, vector<16xf32>,
      tpu.vector_store %arg14[%parallel_loop3A_507, %parallel_loop3A_508, %parallel_loop3A_509], %broadcast_in_dim3A_37 {strides = array<i32>} : memref<34x8x128xf32, #tpu.memory_space<vmem>>, vector<16xf32>,
      %parallel_loop3A_511 = arith.constant 6 : i32
      %parallel_loop3A_512 = arith.index_cast %parallel_loop3A_260 : i32 to index
      %parallel_loop3A_513 = arith.index_cast %parallel_loop3A_511 : i32 to index
      %parallel_loop3A_514 = arith.constant 32 : index
      %parallel_loop3A_515 = tpu.vector_load %arg14[%parallel_loop3A_512, %parallel_loop3A_513, %parallel_loop3A_514] {strides = array<i32>} : memref<34x8x128xf32, #tpu.memory_space<vmem>>, vector<16xf32>,
      tpu.vector_store %arg14[%parallel_loop3A_512, %parallel_loop3A_513, %parallel_loop3A_514], %broadcast_in_dim3A_37 {strides = array<i32>} : memref<34x8x128xf32, #tpu.memory_space<vmem>>, vector<16xf32>,
      %parallel_loop3A_516 = arith.constant 6 : i32
      %parallel_loop3A_517 = arith.index_cast %parallel_loop3A_260 : i32 to index
      %parallel_loop3A_518 = arith.index_cast %parallel_loop3A_516 : i32 to index
      %parallel_loop3A_519 = arith.constant 48 : index
      %parallel_loop3A_520 = tpu.vector_load %arg14[%parallel_loop3A_517, %parallel_loop3A_518, %parallel_loop3A_519] {strides = array<i32>} : memref<34x8x128xf32, #tpu.memory_space<vmem>>, vector<16xf32>,
      tpu.vector_store %arg14[%parallel_loop3A_517, %parallel_loop3A_518, %parallel_loop3A_519], %broadcast_in_dim3A_37 {strides = array<i32>} : memref<34x8x128xf32, #tpu.memory_space<vmem>>, vector<16xf32>,
      %parallel_loop3A_521 = arith.constant 6 : i32
      %parallel_loop3A_522 = arith.index_cast %parallel_loop3A_260 : i32 to index
      %parallel_loop3A_523 = arith.index_cast %parallel_loop3A_521 : i32 to index
      %parallel_loop3A_524 = arith.constant 64 : index
      %parallel_loop3A_525 = tpu.vector_load %arg14[%parallel_loop3A_522, %parallel_loop3A_523, %parallel_loop3A_524] {strides = array<i32>} : memref<34x8x128xf32, #tpu.memory_space<vmem>>, vector<16xf32>,
      tpu.vector_store %arg14[%parallel_loop3A_522, %parallel_loop3A_523, %parallel_loop3A_524], %broadcast_in_dim3A_37 {strides = array<i32>} : memref<34x8x128xf32, #tpu.memory_space<vmem>>, vector<16xf32>,
      %parallel_loop3A_526 = arith.constant 6 : i32
      %parallel_loop3A_527 = arith.index_cast %parallel_loop3A_260 : i32 to index
      %parallel_loop3A_528 = arith.index_cast %parallel_loop3A_526 : i32 to index
      %parallel_loop3A_529 = arith.constant 80 : index
      %parallel_loop3A_530 = tpu.vector_load %arg14[%parallel_loop3A_527, %parallel_loop3A_528, %parallel_loop3A_529] {strides = array<i32>} : memref<34x8x128xf32, #tpu.memory_space<vmem>>, vector<16xf32>,
      tpu.vector_store %arg14[%parallel_loop3A_527, %parallel_loop3A_528, %parallel_loop3A_529], %broadcast_in_dim3A_37 {strides = array<i32>} : memref<34x8x128xf32, #tpu.memory_space<vmem>>, vector<16xf32>,
      %parallel_loop3A_531 = arith.constant 6 : i32
      %parallel_loop3A_532 = arith.index_cast %parallel_loop3A_260 : i32 to index
      %parallel_loop3A_533 = arith.index_cast %parallel_loop3A_531 : i32 to index
      %parallel_loop3A_534 = arith.constant 96 : index
      %parallel_loop3A_535 = tpu.vector_load %arg14[%parallel_loop3A_532, %parallel_loop3A_533, %parallel_loop3A_534] {strides = array<i32>} : memref<34x8x128xf32, #tpu.memory_space<vmem>>, vector<16xf32>,
      tpu.vector_store %arg14[%parallel_loop3A_532, %parallel_loop3A_533, %parallel_loop3A_534], %broadcast_in_dim3A_37 {strides = array<i32>} : memref<34x8x128xf32, #tpu.memory_space<vmem>>, vector<16xf32>,
      %parallel_loop3A_536 = arith.constant 6 : i32
      %parallel_loop3A_537 = arith.index_cast %parallel_loop3A_260 : i32 to index
      %parallel_loop3A_538 = arith.index_cast %parallel_loop3A_536 : i32 to index
      %parallel_loop3A_539 = arith.constant 112 : index
      %parallel_loop3A_540 = tpu.vector_load %arg14[%parallel_loop3A_537, %parallel_loop3A_538, %parallel_loop3A_539] {strides = array<i32>} : memref<34x8x128xf32, #tpu.memory_space<vmem>>, vector<16xf32>,
      tpu.vector_store %arg14[%parallel_loop3A_537, %parallel_loop3A_538, %parallel_loop3A_539], %broadcast_in_dim3A_37 {strides = array<i32>} : memref<34x8x128xf32, #tpu.memory_space<vmem>>, vector<16xf32>,
      %parallel_loop3A_541 = arith.constant 7 : i32
      %parallel_loop3A_542 = arith.index_cast %parallel_loop3A_260 : i32 to index
      %parallel_loop3A_543 = arith.index_cast %parallel_loop3A_541 : i32 to index
      %parallel_loop3A_544 = arith.constant 0 : index
      %parallel_loop3A_545 = tpu.vector_load %arg14[%parallel_loop3A_542, %parallel_loop3A_543, %parallel_loop3A_544] {strides = array<i32>} : memref<34x8x128xf32, #tpu.memory_space<vmem>>, vector<16xf32>,
      tpu.vector_store %arg14[%parallel_loop3A_542, %parallel_loop3A_543, %parallel_loop3A_544], %broadcast_in_dim3A_37 {strides = array<i32>} : memref<34x8x128xf32, #tpu.memory_space<vmem>>, vector<16xf32>,
      %parallel_loop3A_546 = arith.constant 7 : i32
      %parallel_loop3A_547 = arith.index_cast %parallel_loop3A_260 : i32 to index
      %parallel_loop3A_548 = arith.index_cast %parallel_loop3A_546 : i32 to index
      %parallel_loop3A_549 = arith.constant 16 : index
      %parallel_loop3A_550 = tpu.vector_load %arg14[%parallel_loop3A_547, %parallel_loop3A_548, %parallel_loop3A_549] {strides = array<i32>} : memref<34x8x128xf32, #tpu.memory_space<vmem>>, vector<16xf32>,
      tpu.vector_store %arg14[%parallel_loop3A_547, %parallel_loop3A_548, %parallel_loop3A_549], %broadcast_in_dim3A_37 {strides = array<i32>} : memref<34x8x128xf32, #tpu.memory_space<vmem>>, vector<16xf32>,
      %parallel_loop3A_551 = arith.constant 7 : i32
      %parallel_loop3A_552 = arith.index_cast %parallel_loop3A_260 : i32 to index
      %parallel_loop3A_553 = arith.index_cast %parallel_loop3A_551 : i32 to index
      %parallel_loop3A_554 = arith.constant 32 : index
      %parallel_loop3A_555 = tpu.vector_load %arg14[%parallel_loop3A_552, %parallel_loop3A_553, %parallel_loop3A_554] {strides = array<i32>} : memref<34x8x128xf32, #tpu.memory_space<vmem>>, vector<16xf32>,
      tpu.vector_store %arg14[%parallel_loop3A_552, %parallel_loop3A_553, %parallel_loop3A_554], %broadcast_in_dim3A_37 {strides = array<i32>} : memref<34x8x128xf32, #tpu.memory_space<vmem>>, vector<16xf32>,
      %parallel_loop3A_556 = arith.constant 7 : i32
      %parallel_loop3A_557 = arith.index_cast %parallel_loop3A_260 : i32 to index
      %parallel_loop3A_558 = arith.index_cast %parallel_loop3A_556 : i32 to index
      %parallel_loop3A_559 = arith.constant 48 : index
      %parallel_loop3A_560 = tpu.vector_load %arg14[%parallel_loop3A_557, %parallel_loop3A_558, %parallel_loop3A_559] {strides = array<i32>} : memref<34x8x128xf32, #tpu.memory_space<vmem>>, vector<16xf32>,
      tpu.vector_store %arg14[%parallel_loop3A_557, %parallel_loop3A_558, %parallel_loop3A_559], %broadcast_in_dim3A_37 {strides = array<i32>} : memref<34x8x128xf32, #tpu.memory_space<vmem>>, vector<16xf32>,
      %parallel_loop3A_561 = arith.constant 7 : i32
      %parallel_loop3A_562 = arith.index_cast %parallel_loop3A_260 : i32 to index
      %parallel_loop3A_563 = arith.index_cast %parallel_loop3A_561 : i32 to index
      %parallel_loop3A_564 = arith.constant 64 : index
      %parallel_loop3A_565 = tpu.vector_load %arg14[%parallel_loop3A_562, %parallel_loop3A_563, %parallel_loop3A_564] {strides = array<i32>} : memref<34x8x128xf32, #tpu.memory_space<vmem>>, vector<16xf32>,
      tpu.vector_store %arg14[%parallel_loop3A_562, %parallel_loop3A_563, %parallel_loop3A_564], %broadcast_in_dim3A_37 {strides = array<i32>} : memref<34x8x128xf32, #tpu.memory_space<vmem>>, vector<16xf32>,
      %parallel_loop3A_566 = arith.constant 7 : i32
      %parallel_loop3A_567 = arith.index_cast %parallel_loop3A_260 : i32 to index
      %parallel_loop3A_568 = arith.index_cast %parallel_loop3A_566 : i32 to index
      %parallel_loop3A_569 = arith.constant 80 : index
      %parallel_loop3A_570 = tpu.vector_load %arg14[%parallel_loop3A_567, %parallel_loop3A_568, %parallel_loop3A_569] {strides = array<i32>} : memref<34x8x128xf32, #tpu.memory_space<vmem>>, vector<16xf32>,
      tpu.vector_store %arg14[%parallel_loop3A_567, %parallel_loop3A_568, %parallel_loop3A_569], %broadcast_in_dim3A_37 {strides = array<i32>} : memref<34x8x128xf32, #tpu.memory_space<vmem>>, vector<16xf32>,
      %parallel_loop3A_571 = arith.constant 7 : i32
      %parallel_loop3A_572 = arith.index_cast %parallel_loop3A_260 : i32 to index
      %parallel_loop3A_573 = arith.index_cast %parallel_loop3A_571 : i32 to index
      %parallel_loop3A_574 = arith.constant 96 : index
      %parallel_loop3A_575 = tpu.vector_load %arg14[%parallel_loop3A_572, %parallel_loop3A_573, %parallel_loop3A_574] {strides = array<i32>} : memref<34x8x128xf32, #tpu.memory_space<vmem>>, vector<16xf32>,
      tpu.vector_store %arg14[%parallel_loop3A_572, %parallel_loop3A_573, %parallel_loop3A_574], %broadcast_in_dim3A_37 {strides = array<i32>} : memref<34x8x128xf32, #tpu.memory_space<vmem>>, vector<16xf32>,
      %parallel_loop3A_576 = arith.constant 7 : i32
      %parallel_loop3A_577 = arith.index_cast %parallel_loop3A_260 : i32 to index
      %parallel_loop3A_578 = arith.index_cast %parallel_loop3A_576 : i32 to index
      %parallel_loop3A_579 = arith.constant 112 : index
      %parallel_loop3A_580 = tpu.vector_load %arg14[%parallel_loop3A_577, %parallel_loop3A_578, %parallel_loop3A_579] {strides = array<i32>} : memref<34x8x128xf32, #tpu.memory_space<vmem>>, vector<16xf32>,
      tpu.vector_store %arg14[%parallel_loop3A_577, %parallel_loop3A_578, %parallel_loop3A_579], %broadcast_in_dim3A_37 {strides = array<i32>} : memref<34x8x128xf32, #tpu.memory_space<vmem>>, vector<16xf32>,
    } {sc.loop_unroll_factor = 3 : i64, sc.parallel_access}
    %dma_wait3A_98 = tpu.memref_slice %arg2[%mul3A_34, %mul3A_79] : memref<128x2048xi32, #tpu.memory_space<hbm>> -> memref<8x128xi32, #tpu.memory_space<hbm>>
    %dma_wait3A_99 = tpu.memref_slice %arg2[%mul3A_34, %mul3A_79] : memref<128x2048xi32, #tpu.memory_space<hbm>> -> memref<8x128xi32, #tpu.memory_space<hbm>>
    tpu.wait_dma2 semaphore(%arg18 : memref<!tpu.dma_semaphore, #tpu.memory_space<semaphore_mem>>) src(%dma_wait3A_99 : memref<8x128xi32, #tpu.memory_space<hbm>>) dst(%arg7 : memref<8x128xi32, #tpu.memory_space<vmem>>)
    %dma_wait3A_100 = tpu.memref_slice %arg3[%mul3A_34, %mul3A_79] : memref<128x2048xf32, #tpu.memory_space<hbm>> -> memref<8x128xf32, #tpu.memory_space<hbm>>
    %dma_wait3A_101 = tpu.memref_slice %arg3[%mul3A_34, %mul3A_79] : memref<128x2048xf32, #tpu.memory_space<hbm>> -> memref<8x128xf32, #tpu.memory_space<hbm>>
    tpu.wait_dma2 semaphore(%arg18 : memref<!tpu.dma_semaphore, #tpu.memory_space<semaphore_mem>>) src(%dma_wait3A_101 : memref<8x128xf32, #tpu.memory_space<hbm>>) dst(%arg10 : memref<8x128xf32, #tpu.memory_space<vmem>>)
    %add3A_102 = arith.constant 3 : i32
    %add3A_103 = arith.addi %mul3A_32, %add3A_102 : i32
    %mul3A_104 = arith.constant 128 : i32
    %mul3A_105 = arith.muli %add3A_103, %mul3A_104 : i32
    %dma_start3A_106 = tpu.memref_slice %arg2[%mul3A_34, %mul3A_105] : memref<128x2048xi32, #tpu.memory_space<hbm>> -> memref<8x128xi32, #tpu.memory_space<hbm>>
    %dma_start3A_107 = tpu.memref_slice %arg2[%mul3A_34, %mul3A_105] : memref<128x2048xi32, #tpu.memory_space<hbm>> -> memref<8x128xi32, #tpu.memory_space<hbm>>
    tpu.enqueue_dma source(%dma_start3A_107 : memref<8x128xi32, #tpu.memory_space<hbm>>) target(%arg8 : memref<8x128xi32, #tpu.memory_space<vmem>>) target_semaphore(%arg19 : memref<!tpu.dma_semaphore, #tpu.memory_space<semaphore_mem>>)
    %dma_start3A_108 = tpu.memref_slice %arg3[%mul3A_34, %mul3A_105] : memref<128x2048xf32, #tpu.memory_space<hbm>> -> memref<8x128xf32, #tpu.memory_space<hbm>>
    %dma_start3A_109 = tpu.memref_slice %arg3[%mul3A_34, %mul3A_105] : memref<128x2048xf32, #tpu.memory_space<hbm>> -> memref<8x128xf32, #tpu.memory_space<hbm>>
    tpu.enqueue_dma source(%dma_start3A_109 : memref<8x128xf32, #tpu.memory_space<hbm>>) target(%arg11 : memref<8x128xf32, #tpu.memory_space<vmem>>) target_semaphore(%arg19 : memref<!tpu.dma_semaphore, #tpu.memory_space<semaphore_mem>>)
    %parallel_loop3A_110 = arith.constant 0 : i32
    %parallel_loop3A_111 = arith.constant 64 : i32
    %parallel_loop3A_112 = arith.constant 1 : i32
    scf.for %parallel_loop3A_260 = %parallel_loop3A_110 to %parallel_loop3A_111 step %parallel_loop3A_112  : i32 {
      %parallel_loop3A_261 = arith.constant 8 : i32
      %parallel_loop3A_262 = arith.divsi %parallel_loop3A_260, %parallel_loop3A_261 : i32
      %parallel_loop3A_263 = arith.constant 0 : i32
      %parallel_loop3A_264 = arith.cmpi sgt, %parallel_loop3A_260, %parallel_loop3A_263 : i32
      %parallel_loop3A_265 = arith.extui %parallel_loop3A_264 : i1 to i32
      %parallel_loop3A_266 = arith.constant 0 : i32
      %parallel_loop3A_267 = arith.cmpi slt, %parallel_loop3A_260, %parallel_loop3A_266 : i32
      %parallel_loop3A_268 = arith.extui %parallel_loop3A_267 : i1 to i32
      %parallel_loop3A_269 = arith.subi %parallel_loop3A_265, %parallel_loop3A_268 : i32
      %parallel_loop3A_270 = arith.constant 0 : i32
      %parallel_loop3A_271 = arith.cmpi sgt, %parallel_loop3A_261, %parallel_loop3A_270 : i32
      %parallel_loop3A_272 = arith.extui %parallel_loop3A_271 : i1 to i32
      %parallel_loop3A_273 = arith.constant 0 : i32
      %parallel_loop3A_274 = arith.cmpi slt, %parallel_loop3A_261, %parallel_loop3A_273 : i32
      %parallel_loop3A_275 = arith.extui %parallel_loop3A_274 : i1 to i32
      %parallel_loop3A_276 = arith.subi %parallel_loop3A_272, %parallel_loop3A_275 : i32
      %parallel_loop3A_277 = arith.cmpi ne, %parallel_loop3A_269, %parallel_loop3A_276 : i32
      %parallel_loop3A_278 = arith.remsi %parallel_loop3A_260, %parallel_loop3A_261 : i32
      %parallel_loop3A_279 = arith.constant 0 : i32
      %parallel_loop3A_280 = arith.cmpi ne, %parallel_loop3A_278, %parallel_loop3A_279 : i32
      %parallel_loop3A_281 = arith.andi %parallel_loop3A_277, %parallel_loop3A_280 : i1
      %parallel_loop3A_282 = arith.constant 1 : i32
      %parallel_loop3A_283 = arith.subi %parallel_loop3A_262, %parallel_loop3A_282 : i32
      %parallel_loop3A_284 = arith.select %parallel_loop3A_281, %parallel_loop3A_283, %parallel_loop3A_262 : i32
      %parallel_loop3A_285 = arith.constant 8 : i32
      %parallel_loop3A_286 = arith.constant 0 : i32
      %parallel_loop3A_287 = arith.cmpi eq, %parallel_loop3A_285, %parallel_loop3A_286 : i32
      %parallel_loop3A_288 = arith.constant 1 : i32
      %parallel_loop3A_289 = arith.select %parallel_loop3A_287, %parallel_loop3A_288, %parallel_loop3A_285 : i32
      %parallel_loop3A_290 = arith.remsi %parallel_loop3A_260, %parallel_loop3A_289 : i32
      %parallel_loop3A_291 = arith.constant 0 : i32
      %parallel_loop3A_292 = arith.cmpi ne, %parallel_loop3A_290, %parallel_loop3A_291 : i32
      %parallel_loop3A_293 = arith.constant 0 : i32
      %parallel_loop3A_294 = arith.cmpi slt, %parallel_loop3A_290, %parallel_loop3A_293 : i32
      %parallel_loop3A_295 = arith.constant 0 : i32
      %parallel_loop3A_296 = arith.cmpi slt, %parallel_loop3A_289, %parallel_loop3A_295 : i32
      %parallel_loop3A_297 = arith.xori %parallel_loop3A_294, %parallel_loop3A_296 : i1
      %parallel_loop3A_298 = arith.andi %parallel_loop3A_297, %parallel_loop3A_292 : i1
      %parallel_loop3A_299 = arith.addi %parallel_loop3A_290, %parallel_loop3A_289 : i32
      %parallel_loop3A_300 = arith.select %parallel_loop3A_298, %parallel_loop3A_299, %parallel_loop3A_290 : i32
      %parallel_loop3A_301 = arith.constant 16 : i32
      %parallel_loop3A_302 = arith.muli %parallel_loop3A_300, %parallel_loop3A_301 : i32
      %parallel_loop3A_303 = arith.constant 1 : i32
      %parallel_loop3A_304 = vector.broadcast %parallel_loop3A_303 : i32 to vector<16xi32>
      %parallel_loop3A_305 = vector.broadcast %parallel_loop3A_284 : i32 to vector<16xi32>
      %parallel_loop3A_306 = arith.muli %parallel_loop3A_304, %parallel_loop3A_305 : vector<16xi32>
      %parallel_loop3A_307 = vector.broadcast %parallel_loop3A_302 : i32 to vector<16xi32>
      %parallel_loop3A_308 = arith.addi %parallel_loop3A_307, %iota3A : vector<16xi32>
      %parallel_loop3A_309 = arith.index_cast %parallel_loop3A_284 : i32 to index
      %parallel_loop3A_310 = arith.index_cast %parallel_loop3A_302 : i32 to index
      %parallel_loop3A_311 = tpu.vector_load %arg7[%parallel_loop3A_309, %parallel_loop3A_310] {strides = array<i32>} : memref<8x128xi32, #tpu.memory_space<vmem>>, vector<16xi32>,
      %parallel_loop3A_312 = arith.constant 0 : i32
      %parallel_loop3A_313 = vector.broadcast %parallel_loop3A_312 : i32 to vector<16xi32>
      %parallel_loop3A_314 = arith.cmpi sge, %parallel_loop3A_311, %parallel_loop3A_313 : vector<16xi32>
      %parallel_loop3A_315 = arith.constant 33 : i32
      %parallel_loop3A_316 = vector.broadcast %parallel_loop3A_315 : i32 to vector<16xi32>
      %parallel_loop3A_317 = arith.cmpi slt, %parallel_loop3A_311, %parallel_loop3A_316 : vector<16xi32>
      %parallel_loop3A_318 = arith.andi %parallel_loop3A_314, %parallel_loop3A_317 : vector<16xi1>
      tpu.vector_store_idx %arg14[%parallel_loop3A_311, %parallel_loop3A_306, %parallel_loop3A_308], %broadcast_in_dim3A_35 masked %parallel_loop3A_318 : memref<34x8x128xf32, #tpu.memory_space<vmem>>[vector<16xi32>, vector<16xi32>, vector<16xi32>], vector<16xf32>, vector<16xi1>
      %parallel_loop3A_319 = arith.index_cast %parallel_loop3A_284 : i32 to index
      %parallel_loop3A_320 = arith.index_cast %parallel_loop3A_302 : i32 to index
      %parallel_loop3A_321 = tpu.vector_load %arg10[%parallel_loop3A_319, %parallel_loop3A_320] {strides = array<i32>} : memref<8x128xf32, #tpu.memory_space<vmem>>, vector<16xf32>,
      %parallel_loop3A_322 = arith.constant -1.000000e+00 : f32
      %parallel_loop3A_323 = vector.broadcast %parallel_loop3A_322 : f32 to vector<16xf32>
      %parallel_loop3A_324 = arith.cmpf ole, %parallel_loop3A_321, %parallel_loop3A_323 : vector<16xf32>
      %parallel_loop3A_325 = arith.constant 1.000000e+00 : f32
      %parallel_loop3A_326 = arith.constant 0.000000e+00 : f32
      %parallel_loop3A_327 = vector.broadcast %parallel_loop3A_325 : f32 to vector<16xf32>
      %parallel_loop3A_328 = vector.broadcast %parallel_loop3A_326 : f32 to vector<16xf32>
      %parallel_loop3A_329 = arith.select %parallel_loop3A_324, %parallel_loop3A_327, %parallel_loop3A_328 : vector<16xi1>, vector<16xf32>
      %parallel_loop3A_330 = arith.constant 33 : i32
      %parallel_loop3A_331 = arith.index_cast %parallel_loop3A_330 : i32 to index
      %parallel_loop3A_332 = arith.index_cast %parallel_loop3A_284 : i32 to index
      %parallel_loop3A_333 = arith.index_cast %parallel_loop3A_302 : i32 to index
      %parallel_loop3A_334 = tpu.vector_load %arg14[%parallel_loop3A_331, %parallel_loop3A_332, %parallel_loop3A_333] {strides = array<i32>} : memref<34x8x128xf32, #tpu.memory_space<vmem>>, vector<16xf32>,
      tpu.vector_store %arg14[%parallel_loop3A_331, %parallel_loop3A_332, %parallel_loop3A_333], %parallel_loop3A_329 {strides = array<i32>} : memref<34x8x128xf32, #tpu.memory_space<vmem>>, vector<16xf32>,
    } {sc.loop_unroll_factor = 4 : i64, sc.parallel_access}
    %add3A_113 = arith.constant 2 : i32
    %add3A_114 = arith.addi %mul3A_32, %add3A_113 : i32
    %mul3A_115 = arith.constant 128 : i32
    %mul3A_116 = arith.muli %add3A_114, %mul3A_115 : i32
    %dma_start3A_117 = arith.constant 0 : i32
    %dma_start3A_118 = tpu.memref_slice %arg4[%dma_start3A_117, %mul3A_34, %mul3A_116] : memref<34x128x2048xf32, #tpu.memory_space<hbm>> -> memref<34x8x128xf32, #tpu.memory_space<hbm>>
    %dma_start3A_119 = arith.constant 0 : i32
    %dma_start3A_120 = tpu.memref_slice %arg4[%dma_start3A_119, %mul3A_34, %mul3A_116] : memref<34x128x2048xf32, #tpu.memory_space<hbm>> -> memref<34x8x128xf32, #tpu.memory_space<hbm>>
    tpu.enqueue_dma source(%arg14 : memref<34x8x128xf32, #tpu.memory_space<vmem>>) target(%dma_start3A_120 : memref<34x8x128xf32, #tpu.memory_space<hbm>>) target_semaphore(%arg17 : memref<!tpu.dma_semaphore, #tpu.memory_space<semaphore_mem>>)
    %dma_wait3A_121 = arith.constant 0 : i32
    %dma_wait3A_122 = tpu.memref_slice %arg4[%dma_wait3A_121, %mul3A_34, %mul3A_64] : memref<34x128x2048xf32, #tpu.memory_space<hbm>> -> memref<34x8x128xf32, #tpu.memory_space<hbm>>
    %dma_wait3A_123 = arith.constant 0 : i32
    %dma_wait3A_124 = tpu.memref_slice %arg4[%dma_wait3A_123, %mul3A_34, %mul3A_64] : memref<34x128x2048xf32, #tpu.memory_space<hbm>> -> memref<34x8x128xf32, #tpu.memory_space<hbm>>
    tpu.wait_dma2 semaphore(%arg15 : memref<!tpu.dma_semaphore, #tpu.memory_space<semaphore_mem>>) src(%arg12 : memref<34x8x128xf32, #tpu.memory_space<vmem>>) dst(%dma_wait3A_124 : memref<34x8x128xf32, #tpu.memory_space<hbm>>)
    %dma_wait3A_125 = tpu.memref_slice %arg2[%mul3A_34, %mul3A_105] : memref<128x2048xi32, #tpu.memory_space<hbm>> -> memref<8x128xi32, #tpu.memory_space<hbm>>
    %dma_wait3A_126 = tpu.memref_slice %arg2[%mul3A_34, %mul3A_105] : memref<128x2048xi32, #tpu.memory_space<hbm>> -> memref<8x128xi32, #tpu.memory_space<hbm>>
    tpu.wait_dma2 semaphore(%arg19 : memref<!tpu.dma_semaphore, #tpu.memory_space<semaphore_mem>>) src(%dma_wait3A_126 : memref<8x128xi32, #tpu.memory_space<hbm>>) dst(%arg8 : memref<8x128xi32, #tpu.memory_space<vmem>>)
    %dma_wait3A_127 = tpu.memref_slice %arg3[%mul3A_34, %mul3A_105] : memref<128x2048xf32, #tpu.memory_space<hbm>> -> memref<8x128xf32, #tpu.memory_space<hbm>>
    %dma_wait3A_128 = tpu.memref_slice %arg3[%mul3A_34, %mul3A_105] : memref<128x2048xf32, #tpu.memory_space<hbm>> -> memref<8x128xf32, #tpu.memory_space<hbm>>
    tpu.wait_dma2 semaphore(%arg19 : memref<!tpu.dma_semaphore, #tpu.memory_space<semaphore_mem>>) src(%dma_wait3A_128 : memref<8x128xf32, #tpu.memory_space<hbm>>) dst(%arg11 : memref<8x128xf32, #tpu.memory_space<vmem>>)
    %add3A_129 = arith.constant 4 : i32
    %add3A_130 = arith.addi %mul3A_32, %add3A_129 : i32
    %mul3A_131 = arith.constant 128 : i32
    %mul3A_132 = arith.muli %add3A_130, %mul3A_131 : i32
    %dma_start3A_133 = tpu.memref_slice %arg2[%mul3A_34, %mul3A_132] : memref<128x2048xi32, #tpu.memory_space<hbm>> -> memref<8x128xi32, #tpu.memory_space<hbm>>
    %dma_start3A_134 = tpu.memref_slice %arg2[%mul3A_34, %mul3A_132] : memref<128x2048xi32, #tpu.memory_space<hbm>> -> memref<8x128xi32, #tpu.memory_space<hbm>>
    tpu.enqueue_dma source(%dma_start3A_134 : memref<8x128xi32, #tpu.memory_space<hbm>>) target(%arg9 : memref<8x128xi32, #tpu.memory_space<vmem>>) target_semaphore(%arg18 : memref<!tpu.dma_semaphore, #tpu.memory_space<semaphore_mem>>)
    %dma_start3A_135 = tpu.memref_slice %arg3[%mul3A_34, %mul3A_132] : memref<128x2048xf32, #tpu.memory_space<hbm>> -> memref<8x128xf32, #tpu.memory_space<hbm>>
    %dma_start3A_136 = tpu.memref_slice %arg3[%mul3A_34, %mul3A_132] : memref<128x2048xf32, #tpu.memory_space<hbm>> -> memref<8x128xf32, #tpu.memory_space<hbm>>
    tpu.enqueue_dma source(%dma_start3A_136 : memref<8x128xf32, #tpu.memory_space<hbm>>) target(%arg10 : memref<8x128xf32, #tpu.memory_space<vmem>>) target_semaphore(%arg18 : memref<!tpu.dma_semaphore, #tpu.memory_space<semaphore_mem>>)
    %parallel_loop3A_137 = arith.constant 0 : i32
    %parallel_loop3A_138 = arith.constant 64 : i32
    %parallel_loop3A_139 = arith.constant 1 : i32
    scf.for %parallel_loop3A_260 = %parallel_loop3A_137 to %parallel_loop3A_138 step %parallel_loop3A_139  : i32 {
      %parallel_loop3A_261 = arith.constant 8 : i32
      %parallel_loop3A_262 = arith.divsi %parallel_loop3A_260, %parallel_loop3A_261 : i32
      %parallel_loop3A_263 = arith.constant 0 : i32
      %parallel_loop3A_264 = arith.cmpi sgt, %parallel_loop3A_260, %parallel_loop3A_263 : i32
      %parallel_loop3A_265 = arith.extui %parallel_loop3A_264 : i1 to i32
      %parallel_loop3A_266 = arith.constant 0 : i32
      %parallel_loop3A_267 = arith.cmpi slt, %parallel_loop3A_260, %parallel_loop3A_266 : i32
      %parallel_loop3A_268 = arith.extui %parallel_loop3A_267 : i1 to i32
      %parallel_loop3A_269 = arith.subi %parallel_loop3A_265, %parallel_loop3A_268 : i32
      %parallel_loop3A_270 = arith.constant 0 : i32
      %parallel_loop3A_271 = arith.cmpi sgt, %parallel_loop3A_261, %parallel_loop3A_270 : i32
      %parallel_loop3A_272 = arith.extui %parallel_loop3A_271 : i1 to i32
      %parallel_loop3A_273 = arith.constant 0 : i32
      %parallel_loop3A_274 = arith.cmpi slt, %parallel_loop3A_261, %parallel_loop3A_273 : i32
      %parallel_loop3A_275 = arith.extui %parallel_loop3A_274 : i1 to i32
      %parallel_loop3A_276 = arith.subi %parallel_loop3A_272, %parallel_loop3A_275 : i32
      %parallel_loop3A_277 = arith.cmpi ne, %parallel_loop3A_269, %parallel_loop3A_276 : i32
      %parallel_loop3A_278 = arith.remsi %parallel_loop3A_260, %parallel_loop3A_261 : i32
      %parallel_loop3A_279 = arith.constant 0 : i32
      %parallel_loop3A_280 = arith.cmpi ne, %parallel_loop3A_278, %parallel_loop3A_279 : i32
      %parallel_loop3A_281 = arith.andi %parallel_loop3A_277, %parallel_loop3A_280 : i1
      %parallel_loop3A_282 = arith.constant 1 : i32
      %parallel_loop3A_283 = arith.subi %parallel_loop3A_262, %parallel_loop3A_282 : i32
      %parallel_loop3A_284 = arith.select %parallel_loop3A_281, %parallel_loop3A_283, %parallel_loop3A_262 : i32
      %parallel_loop3A_285 = arith.constant 8 : i32
      %parallel_loop3A_286 = arith.constant 0 : i32
      %parallel_loop3A_287 = arith.cmpi eq, %parallel_loop3A_285, %parallel_loop3A_286 : i32
      %parallel_loop3A_288 = arith.constant 1 : i32
      %parallel_loop3A_289 = arith.select %parallel_loop3A_287, %parallel_loop3A_288, %parallel_loop3A_285 : i32
      %parallel_loop3A_290 = arith.remsi %parallel_loop3A_260, %parallel_loop3A_289 : i32
      %parallel_loop3A_291 = arith.constant 0 : i32
      %parallel_loop3A_292 = arith.cmpi ne, %parallel_loop3A_290, %parallel_loop3A_291 : i32
      %parallel_loop3A_293 = arith.constant 0 : i32
      %parallel_loop3A_294 = arith.cmpi slt, %parallel_loop3A_290, %parallel_loop3A_293 : i32
      %parallel_loop3A_295 = arith.constant 0 : i32
      %parallel_loop3A_296 = arith.cmpi slt, %parallel_loop3A_289, %parallel_loop3A_295 : i32
      %parallel_loop3A_297 = arith.xori %parallel_loop3A_294, %parallel_loop3A_296 : i1
      %parallel_loop3A_298 = arith.andi %parallel_loop3A_297, %parallel_loop3A_292 : i1
      %parallel_loop3A_299 = arith.addi %parallel_loop3A_290, %parallel_loop3A_289 : i32
      %parallel_loop3A_300 = arith.select %parallel_loop3A_298, %parallel_loop3A_299, %parallel_loop3A_290 : i32
      %parallel_loop3A_301 = arith.constant 16 : i32
      %parallel_loop3A_302 = arith.muli %parallel_loop3A_300, %parallel_loop3A_301 : i32
      %parallel_loop3A_303 = arith.constant 1 : i32
      %parallel_loop3A_304 = vector.broadcast %parallel_loop3A_303 : i32 to vector<16xi32>
      %parallel_loop3A_305 = vector.broadcast %parallel_loop3A_284 : i32 to vector<16xi32>
      %parallel_loop3A_306 = arith.muli %parallel_loop3A_304, %parallel_loop3A_305 : vector<16xi32>
      %parallel_loop3A_307 = vector.broadcast %parallel_loop3A_302 : i32 to vector<16xi32>
      %parallel_loop3A_308 = arith.addi %parallel_loop3A_307, %iota3A : vector<16xi32>
      %parallel_loop3A_309 = arith.index_cast %parallel_loop3A_284 : i32 to index
      %parallel_loop3A_310 = arith.index_cast %parallel_loop3A_302 : i32 to index
      %parallel_loop3A_311 = tpu.vector_load %arg8[%parallel_loop3A_309, %parallel_loop3A_310] {strides = array<i32>} : memref<8x128xi32, #tpu.memory_space<vmem>>, vector<16xi32>,
      %parallel_loop3A_312 = arith.constant 0 : i32
      %parallel_loop3A_313 = vector.broadcast %parallel_loop3A_312 : i32 to vector<16xi32>
      %parallel_loop3A_314 = arith.cmpi sge, %parallel_loop3A_311, %parallel_loop3A_313 : vector<16xi32>
      %parallel_loop3A_315 = arith.constant 33 : i32
      %parallel_loop3A_316 = vector.broadcast %parallel_loop3A_315 : i32 to vector<16xi32>
      %parallel_loop3A_317 = arith.cmpi slt, %parallel_loop3A_311, %parallel_loop3A_316 : vector<16xi32>
      %parallel_loop3A_318 = arith.andi %parallel_loop3A_314, %parallel_loop3A_317 : vector<16xi1>
      %parallel_loop3A_319 = arith.index_cast %parallel_loop3A_284 : i32 to index
      %parallel_loop3A_320 = arith.index_cast %parallel_loop3A_302 : i32 to index
      %parallel_loop3A_321 = tpu.vector_load %arg5[%parallel_loop3A_319, %parallel_loop3A_320] {strides = array<i32>} : memref<8x128xi32, #tpu.memory_space<vmem>>, vector<16xi32>,
      %parallel_loop3A_322 = arith.constant 0 : i32
      %parallel_loop3A_323 = vector.broadcast %parallel_loop3A_322 : i32 to vector<16xi32>
      %parallel_loop3A_324 = arith.cmpi sge, %parallel_loop3A_321, %parallel_loop3A_323 : vector<16xi32>
      %parallel_loop3A_325 = arith.constant 33 : i32
      %parallel_loop3A_326 = vector.broadcast %parallel_loop3A_325 : i32 to vector<16xi32>
      %parallel_loop3A_327 = arith.cmpi slt, %parallel_loop3A_321, %parallel_loop3A_326 : vector<16xi32>
      %parallel_loop3A_328 = arith.andi %parallel_loop3A_324, %parallel_loop3A_327 : vector<16xi1>
      %parallel_loop3A_329 = arith.cmpi eq, %parallel_loop3A_321, %parallel_loop3A_311 : vector<16xi32>
      %parallel_loop3A_330 = arith.constant 1.000000e+00 : f32
      %parallel_loop3A_331 = arith.constant 0.000000e+00 : f32
      %parallel_loop3A_332 = vector.broadcast %parallel_loop3A_330 : f32 to vector<16xf32>
      %parallel_loop3A_333 = vector.broadcast %parallel_loop3A_331 : f32 to vector<16xf32>
      %parallel_loop3A_334 = arith.select %parallel_loop3A_329, %parallel_loop3A_332, %parallel_loop3A_333 : vector<16xi1>, vector<16xf32>
      tpu.vector_store_idx %arg12[%parallel_loop3A_321, %parallel_loop3A_306, %parallel_loop3A_308], %parallel_loop3A_334 masked %parallel_loop3A_328 : memref<34x8x128xf32, #tpu.memory_space<vmem>>[vector<16xi32>, vector<16xi32>, vector<16xi32>], vector<16xf32>, vector<16xi1>
      tpu.vector_store_idx %arg12[%parallel_loop3A_311, %parallel_loop3A_306, %parallel_loop3A_308], %broadcast_in_dim3A_35 masked %parallel_loop3A_318 : memref<34x8x128xf32, #tpu.memory_space<vmem>>[vector<16xi32>, vector<16xi32>, vector<16xi32>], vector<16xf32>, vector<16xi1>
      %parallel_loop3A_335 = arith.index_cast %parallel_loop3A_284 : i32 to index
      %parallel_loop3A_336 = arith.index_cast %parallel_loop3A_302 : i32 to index
      %parallel_loop3A_337 = tpu.vector_load %arg11[%parallel_loop3A_335, %parallel_loop3A_336] {strides = array<i32>} : memref<8x128xf32, #tpu.memory_space<vmem>>, vector<16xf32>,
      %parallel_loop3A_338 = arith.constant -1.000000e+00 : f32
      %parallel_loop3A_339 = vector.broadcast %parallel_loop3A_338 : f32 to vector<16xf32>
      %parallel_loop3A_340 = arith.cmpf ole, %parallel_loop3A_337, %parallel_loop3A_339 : vector<16xf32>
      %parallel_loop3A_341 = arith.constant 1.000000e+00 : f32
      %parallel_loop3A_342 = arith.constant 0.000000e+00 : f32
      %parallel_loop3A_343 = vector.broadcast %parallel_loop3A_341 : f32 to vector<16xf32>
      %parallel_loop3A_344 = vector.broadcast %parallel_loop3A_342 : f32 to vector<16xf32>
      %parallel_loop3A_345 = arith.select %parallel_loop3A_340, %parallel_loop3A_343, %parallel_loop3A_344 : vector<16xi1>, vector<16xf32>
      %parallel_loop3A_346 = arith.constant 33 : i32
      %parallel_loop3A_347 = arith.index_cast %parallel_loop3A_346 : i32 to index
      %parallel_loop3A_348 = arith.index_cast %parallel_loop3A_284 : i32 to index
      %parallel_loop3A_349 = arith.index_cast %parallel_loop3A_302 : i32 to index
      %parallel_loop3A_350 = tpu.vector_load %arg12[%parallel_loop3A_347, %parallel_loop3A_348, %parallel_loop3A_349] {strides = array<i32>} : memref<34x8x128xf32, #tpu.memory_space<vmem>>, vector<16xf32>,
      tpu.vector_store %arg12[%parallel_loop3A_347, %parallel_loop3A_348, %parallel_loop3A_349], %parallel_loop3A_345 {strides = array<i32>} : memref<34x8x128xf32, #tpu.memory_space<vmem>>, vector<16xf32>,
    } {sc.loop_unroll_factor = 4 : i64, sc.parallel_access}
    %add3A_140 = arith.constant 3 : i32
    %add3A_141 = arith.addi %mul3A_32, %add3A_140 : i32
    %mul3A_142 = arith.constant 128 : i32
    %mul3A_143 = arith.muli %add3A_141, %mul3A_142 : i32
    %dma_start3A_144 = arith.constant 0 : i32
    %dma_start3A_145 = tpu.memref_slice %arg4[%dma_start3A_144, %mul3A_34, %mul3A_143] : memref<34x128x2048xf32, #tpu.memory_space<hbm>> -> memref<34x8x128xf32, #tpu.memory_space<hbm>>
    %dma_start3A_146 = arith.constant 0 : i32
    %dma_start3A_147 = tpu.memref_slice %arg4[%dma_start3A_146, %mul3A_34, %mul3A_143] : memref<34x128x2048xf32, #tpu.memory_space<hbm>> -> memref<34x8x128xf32, #tpu.memory_space<hbm>>
    tpu.enqueue_dma source(%arg12 : memref<34x8x128xf32, #tpu.memory_space<vmem>>) target(%dma_start3A_147 : memref<34x8x128xf32, #tpu.memory_space<hbm>>) target_semaphore(%arg15 : memref<!tpu.dma_semaphore, #tpu.memory_space<semaphore_mem>>)
    %dma_wait3A_148 = arith.constant 0 : i32
    %dma_wait3A_149 = tpu.memref_slice %arg4[%dma_wait3A_148, %mul3A_34, %mul3A_90] : memref<34x128x2048xf32, #tpu.memory_space<hbm>> -> memref<34x8x128xf32, #tpu.memory_space<hbm>>
    %dma_wait3A_150 = arith.constant 0 : i32
    %dma_wait3A_151 = tpu.memref_slice %arg4[%dma_wait3A_150, %mul3A_34, %mul3A_90] : memref<34x128x2048xf32, #tpu.memory_space<hbm>> -> memref<34x8x128xf32, #tpu.memory_space<hbm>>
    tpu.wait_dma2 semaphore(%arg16 : memref<!tpu.dma_semaphore, #tpu.memory_space<semaphore_mem>>) src(%arg13 : memref<34x8x128xf32, #tpu.memory_space<vmem>>) dst(%dma_wait3A_151 : memref<34x8x128xf32, #tpu.memory_space<hbm>>)
    %dma_wait3A_152 = tpu.memref_slice %arg2[%mul3A_34, %mul3A_132] : memref<128x2048xi32, #tpu.memory_space<hbm>> -> memref<8x128xi32, #tpu.memory_space<hbm>>
    %dma_wait3A_153 = tpu.memref_slice %arg2[%mul3A_34, %mul3A_132] : memref<128x2048xi32, #tpu.memory_space<hbm>> -> memref<8x128xi32, #tpu.memory_space<hbm>>
    tpu.wait_dma2 semaphore(%arg18 : memref<!tpu.dma_semaphore, #tpu.memory_space<semaphore_mem>>) src(%dma_wait3A_153 : memref<8x128xi32, #tpu.memory_space<hbm>>) dst(%arg9 : memref<8x128xi32, #tpu.memory_space<vmem>>)
    %dma_wait3A_154 = tpu.memref_slice %arg3[%mul3A_34, %mul3A_132] : memref<128x2048xf32, #tpu.memory_space<hbm>> -> memref<8x128xf32, #tpu.memory_space<hbm>>
    %dma_wait3A_155 = tpu.memref_slice %arg3[%mul3A_34, %mul3A_132] : memref<128x2048xf32, #tpu.memory_space<hbm>> -> memref<8x128xf32, #tpu.memory_space<hbm>>
    tpu.wait_dma2 semaphore(%arg18 : memref<!tpu.dma_semaphore, #tpu.memory_space<semaphore_mem>>) src(%dma_wait3A_155 : memref<8x128xf32, #tpu.memory_space<hbm>>) dst(%arg10 : memref<8x128xf32, #tpu.memory_space<vmem>>)
    %add3A_156 = arith.constant 5 : i32
    %add3A_157 = arith.addi %mul3A_32, %add3A_156 : i32
    %mul3A_158 = arith.constant 128 : i32
    %mul3A_159 = arith.muli %add3A_157, %mul3A_158 : i32
    %dma_start3A_160 = tpu.memref_slice %arg2[%mul3A_34, %mul3A_159] : memref<128x2048xi32, #tpu.memory_space<hbm>> -> memref<8x128xi32, #tpu.memory_space<hbm>>
    %dma_start3A_161 = tpu.memref_slice %arg2[%mul3A_34, %mul3A_159] : memref<128x2048xi32, #tpu.memory_space<hbm>> -> memref<8x128xi32, #tpu.memory_space<hbm>>
    tpu.enqueue_dma source(%dma_start3A_161 : memref<8x128xi32, #tpu.memory_space<hbm>>) target(%arg5 : memref<8x128xi32, #tpu.memory_space<vmem>>) target_semaphore(%arg19 : memref<!tpu.dma_semaphore, #tpu.memory_space<semaphore_mem>>)
    %dma_start3A_162 = tpu.memref_slice %arg3[%mul3A_34, %mul3A_159] : memref<128x2048xf32, #tpu.memory_space<hbm>> -> memref<8x128xf32, #tpu.memory_space<hbm>>
    %dma_start3A_163 = tpu.memref_slice %arg3[%mul3A_34, %mul3A_159] : memref<128x2048xf32, #tpu.memory_space<hbm>> -> memref<8x128xf32, #tpu.memory_space<hbm>>
    tpu.enqueue_dma source(%dma_start3A_163 : memref<8x128xf32, #tpu.memory_space<hbm>>) target(%arg11 : memref<8x128xf32, #tpu.memory_space<vmem>>) target_semaphore(%arg19 : memref<!tpu.dma_semaphore, #tpu.memory_space<semaphore_mem>>)
    %parallel_loop3A_164 = arith.constant 0 : i32
    %parallel_loop3A_165 = arith.constant 64 : i32
    %parallel_loop3A_166 = arith.constant 1 : i32
    scf.for %parallel_loop3A_260 = %parallel_loop3A_164 to %parallel_loop3A_165 step %parallel_loop3A_166  : i32 {
      %parallel_loop3A_261 = arith.constant 8 : i32
      %parallel_loop3A_262 = arith.divsi %parallel_loop3A_260, %parallel_loop3A_261 : i32
      %parallel_loop3A_263 = arith.constant 0 : i32
      %parallel_loop3A_264 = arith.cmpi sgt, %parallel_loop3A_260, %parallel_loop3A_263 : i32
      %parallel_loop3A_265 = arith.extui %parallel_loop3A_264 : i1 to i32
      %parallel_loop3A_266 = arith.constant 0 : i32
      %parallel_loop3A_267 = arith.cmpi slt, %parallel_loop3A_260, %parallel_loop3A_266 : i32
      %parallel_loop3A_268 = arith.extui %parallel_loop3A_267 : i1 to i32
      %parallel_loop3A_269 = arith.subi %parallel_loop3A_265, %parallel_loop3A_268 : i32
      %parallel_loop3A_270 = arith.constant 0 : i32
      %parallel_loop3A_271 = arith.cmpi sgt, %parallel_loop3A_261, %parallel_loop3A_270 : i32
      %parallel_loop3A_272 = arith.extui %parallel_loop3A_271 : i1 to i32
      %parallel_loop3A_273 = arith.constant 0 : i32
      %parallel_loop3A_274 = arith.cmpi slt, %parallel_loop3A_261, %parallel_loop3A_273 : i32
      %parallel_loop3A_275 = arith.extui %parallel_loop3A_274 : i1 to i32
      %parallel_loop3A_276 = arith.subi %parallel_loop3A_272, %parallel_loop3A_275 : i32
      %parallel_loop3A_277 = arith.cmpi ne, %parallel_loop3A_269, %parallel_loop3A_276 : i32
      %parallel_loop3A_278 = arith.remsi %parallel_loop3A_260, %parallel_loop3A_261 : i32
      %parallel_loop3A_279 = arith.constant 0 : i32
      %parallel_loop3A_280 = arith.cmpi ne, %parallel_loop3A_278, %parallel_loop3A_279 : i32
      %parallel_loop3A_281 = arith.andi %parallel_loop3A_277, %parallel_loop3A_280 : i1
      %parallel_loop3A_282 = arith.constant 1 : i32
      %parallel_loop3A_283 = arith.subi %parallel_loop3A_262, %parallel_loop3A_282 : i32
      %parallel_loop3A_284 = arith.select %parallel_loop3A_281, %parallel_loop3A_283, %parallel_loop3A_262 : i32
      %parallel_loop3A_285 = arith.constant 8 : i32
      %parallel_loop3A_286 = arith.constant 0 : i32
      %parallel_loop3A_287 = arith.cmpi eq, %parallel_loop3A_285, %parallel_loop3A_286 : i32
      %parallel_loop3A_288 = arith.constant 1 : i32
      %parallel_loop3A_289 = arith.select %parallel_loop3A_287, %parallel_loop3A_288, %parallel_loop3A_285 : i32
      %parallel_loop3A_290 = arith.remsi %parallel_loop3A_260, %parallel_loop3A_289 : i32
      %parallel_loop3A_291 = arith.constant 0 : i32
      %parallel_loop3A_292 = arith.cmpi ne, %parallel_loop3A_290, %parallel_loop3A_291 : i32
      %parallel_loop3A_293 = arith.constant 0 : i32
      %parallel_loop3A_294 = arith.cmpi slt, %parallel_loop3A_290, %parallel_loop3A_293 : i32
      %parallel_loop3A_295 = arith.constant 0 : i32
      %parallel_loop3A_296 = arith.cmpi slt, %parallel_loop3A_289, %parallel_loop3A_295 : i32
      %parallel_loop3A_297 = arith.xori %parallel_loop3A_294, %parallel_loop3A_296 : i1
      %parallel_loop3A_298 = arith.andi %parallel_loop3A_297, %parallel_loop3A_292 : i1
      %parallel_loop3A_299 = arith.addi %parallel_loop3A_290, %parallel_loop3A_289 : i32
      %parallel_loop3A_300 = arith.select %parallel_loop3A_298, %parallel_loop3A_299, %parallel_loop3A_290 : i32
      %parallel_loop3A_301 = arith.constant 16 : i32
      %parallel_loop3A_302 = arith.muli %parallel_loop3A_300, %parallel_loop3A_301 : i32
      %parallel_loop3A_303 = arith.constant 1 : i32
      %parallel_loop3A_304 = vector.broadcast %parallel_loop3A_303 : i32 to vector<16xi32>
      %parallel_loop3A_305 = vector.broadcast %parallel_loop3A_284 : i32 to vector<16xi32>
      %parallel_loop3A_306 = arith.muli %parallel_loop3A_304, %parallel_loop3A_305 : vector<16xi32>
      %parallel_loop3A_307 = vector.broadcast %parallel_loop3A_302 : i32 to vector<16xi32>
      %parallel_loop3A_308 = arith.addi %parallel_loop3A_307, %iota3A : vector<16xi32>
      %parallel_loop3A_309 = arith.index_cast %parallel_loop3A_284 : i32 to index
      %parallel_loop3A_310 = arith.index_cast %parallel_loop3A_302 : i32 to index
      %parallel_loop3A_311 = tpu.vector_load %arg9[%parallel_loop3A_309, %parallel_loop3A_310] {strides = array<i32>} : memref<8x128xi32, #tpu.memory_space<vmem>>, vector<16xi32>,
      %parallel_loop3A_312 = arith.constant 0 : i32
      %parallel_loop3A_313 = vector.broadcast %parallel_loop3A_312 : i32 to vector<16xi32>
      %parallel_loop3A_314 = arith.cmpi sge, %parallel_loop3A_311, %parallel_loop3A_313 : vector<16xi32>
      %parallel_loop3A_315 = arith.constant 33 : i32
      %parallel_loop3A_316 = vector.broadcast %parallel_loop3A_315 : i32 to vector<16xi32>
      %parallel_loop3A_317 = arith.cmpi slt, %parallel_loop3A_311, %parallel_loop3A_316 : vector<16xi32>
      %parallel_loop3A_318 = arith.andi %parallel_loop3A_314, %parallel_loop3A_317 : vector<16xi1>
      %parallel_loop3A_319 = arith.index_cast %parallel_loop3A_284 : i32 to index
      %parallel_loop3A_320 = arith.index_cast %parallel_loop3A_302 : i32 to index
      %parallel_loop3A_321 = tpu.vector_load %arg6[%parallel_loop3A_319, %parallel_loop3A_320] {strides = array<i32>} : memref<8x128xi32, #tpu.memory_space<vmem>>, vector<16xi32>,
      %parallel_loop3A_322 = arith.constant 0 : i32
      %parallel_loop3A_323 = vector.broadcast %parallel_loop3A_322 : i32 to vector<16xi32>
      %parallel_loop3A_324 = arith.cmpi sge, %parallel_loop3A_321, %parallel_loop3A_323 : vector<16xi32>
      %parallel_loop3A_325 = arith.constant 33 : i32
      %parallel_loop3A_326 = vector.broadcast %parallel_loop3A_325 : i32 to vector<16xi32>
      %parallel_loop3A_327 = arith.cmpi slt, %parallel_loop3A_321, %parallel_loop3A_326 : vector<16xi32>
      %parallel_loop3A_328 = arith.andi %parallel_loop3A_324, %parallel_loop3A_327 : vector<16xi1>
      %parallel_loop3A_329 = arith.cmpi eq, %parallel_loop3A_321, %parallel_loop3A_311 : vector<16xi32>
      %parallel_loop3A_330 = arith.constant 1.000000e+00 : f32
      %parallel_loop3A_331 = arith.constant 0.000000e+00 : f32
      %parallel_loop3A_332 = vector.broadcast %parallel_loop3A_330 : f32 to vector<16xf32>
      %parallel_loop3A_333 = vector.broadcast %parallel_loop3A_331 : f32 to vector<16xf32>
      %parallel_loop3A_334 = arith.select %parallel_loop3A_329, %parallel_loop3A_332, %parallel_loop3A_333 : vector<16xi1>, vector<16xf32>
      tpu.vector_store_idx %arg13[%parallel_loop3A_321, %parallel_loop3A_306, %parallel_loop3A_308], %parallel_loop3A_334 masked %parallel_loop3A_328 : memref<34x8x128xf32, #tpu.memory_space<vmem>>[vector<16xi32>, vector<16xi32>, vector<16xi32>], vector<16xf32>, vector<16xi1>
      tpu.vector_store_idx %arg13[%parallel_loop3A_311, %parallel_loop3A_306, %parallel_loop3A_308], %broadcast_in_dim3A_35 masked %parallel_loop3A_318 : memref<34x8x128xf32, #tpu.memory_space<vmem>>[vector<16xi32>, vector<16xi32>, vector<16xi32>], vector<16xf32>, vector<16xi1>
      %parallel_loop3A_335 = arith.index_cast %parallel_loop3A_284 : i32 to index
      %parallel_loop3A_336 = arith.index_cast %parallel_loop3A_302 : i32 to index
      %parallel_loop3A_337 = tpu.vector_load %arg10[%parallel_loop3A_335, %parallel_loop3A_336] {strides = array<i32>} : memref<8x128xf32, #tpu.memory_space<vmem>>, vector<16xf32>,
      %parallel_loop3A_338 = arith.constant -1.000000e+00 : f32
      %parallel_loop3A_339 = vector.broadcast %parallel_loop3A_338 : f32 to vector<16xf32>
      %parallel_loop3A_340 = arith.cmpf ole, %parallel_loop3A_337, %parallel_loop3A_339 : vector<16xf32>
      %parallel_loop3A_341 = arith.constant 1.000000e+00 : f32
      %parallel_loop3A_342 = arith.constant 0.000000e+00 : f32
      %parallel_loop3A_343 = vector.broadcast %parallel_loop3A_341 : f32 to vector<16xf32>
      %parallel_loop3A_344 = vector.broadcast %parallel_loop3A_342 : f32 to vector<16xf32>
      %parallel_loop3A_345 = arith.select %parallel_loop3A_340, %parallel_loop3A_343, %parallel_loop3A_344 : vector<16xi1>, vector<16xf32>
      %parallel_loop3A_346 = arith.constant 33 : i32
      %parallel_loop3A_347 = arith.index_cast %parallel_loop3A_346 : i32 to index
      %parallel_loop3A_348 = arith.index_cast %parallel_loop3A_284 : i32 to index
      %parallel_loop3A_349 = arith.index_cast %parallel_loop3A_302 : i32 to index
      %parallel_loop3A_350 = tpu.vector_load %arg13[%parallel_loop3A_347, %parallel_loop3A_348, %parallel_loop3A_349] {strides = array<i32>} : memref<34x8x128xf32, #tpu.memory_space<vmem>>, vector<16xf32>,
      tpu.vector_store %arg13[%parallel_loop3A_347, %parallel_loop3A_348, %parallel_loop3A_349], %parallel_loop3A_345 {strides = array<i32>} : memref<34x8x128xf32, #tpu.memory_space<vmem>>, vector<16xf32>,
    } {sc.loop_unroll_factor = 4 : i64, sc.parallel_access}
    %add3A_167 = arith.constant 4 : i32
    %add3A_168 = arith.addi %mul3A_32, %add3A_167 : i32
    %mul3A_169 = arith.constant 128 : i32
    %mul3A_170 = arith.muli %add3A_168, %mul3A_169 : i32
    %dma_start3A_171 = arith.constant 0 : i32
    %dma_start3A_172 = tpu.memref_slice %arg4[%dma_start3A_171, %mul3A_34, %mul3A_170] : memref<34x128x2048xf32, #tpu.memory_space<hbm>> -> memref<34x8x128xf32, #tpu.memory_space<hbm>>
    %dma_start3A_173 = arith.constant 0 : i32
    %dma_start3A_174 = tpu.memref_slice %arg4[%dma_start3A_173, %mul3A_34, %mul3A_170] : memref<34x128x2048xf32, #tpu.memory_space<hbm>> -> memref<34x8x128xf32, #tpu.memory_space<hbm>>
    tpu.enqueue_dma source(%arg13 : memref<34x8x128xf32, #tpu.memory_space<vmem>>) target(%dma_start3A_174 : memref<34x8x128xf32, #tpu.memory_space<hbm>>) target_semaphore(%arg16 : memref<!tpu.dma_semaphore, #tpu.memory_space<semaphore_mem>>)
    %dma_wait3A_175 = arith.constant 0 : i32
    %dma_wait3A_176 = tpu.memref_slice %arg4[%dma_wait3A_175, %mul3A_34, %mul3A_116] : memref<34x128x2048xf32, #tpu.memory_space<hbm>> -> memref<34x8x128xf32, #tpu.memory_space<hbm>>
    %dma_wait3A_177 = arith.constant 0 : i32
    %dma_wait3A_178 = tpu.memref_slice %arg4[%dma_wait3A_177, %mul3A_34, %mul3A_116] : memref<34x128x2048xf32, #tpu.memory_space<hbm>> -> memref<34x8x128xf32, #tpu.memory_space<hbm>>
    tpu.wait_dma2 semaphore(%arg17 : memref<!tpu.dma_semaphore, #tpu.memory_space<semaphore_mem>>) src(%arg14 : memref<34x8x128xf32, #tpu.memory_space<vmem>>) dst(%dma_wait3A_178 : memref<34x8x128xf32, #tpu.memory_space<hbm>>)
    %dma_wait3A_179 = tpu.memref_slice %arg2[%mul3A_34, %mul3A_159] : memref<128x2048xi32, #tpu.memory_space<hbm>> -> memref<8x128xi32, #tpu.memory_space<hbm>>
    %dma_wait3A_180 = tpu.memref_slice %arg2[%mul3A_34, %mul3A_159] : memref<128x2048xi32, #tpu.memory_space<hbm>> -> memref<8x128xi32, #tpu.memory_space<hbm>>
    tpu.wait_dma2 semaphore(%arg19 : memref<!tpu.dma_semaphore, #tpu.memory_space<semaphore_mem>>) src(%dma_wait3A_180 : memref<8x128xi32, #tpu.memory_space<hbm>>) dst(%arg5 : memref<8x128xi32, #tpu.memory_space<vmem>>)
    %dma_wait3A_181 = tpu.memref_slice %arg3[%mul3A_34, %mul3A_159] : memref<128x2048xf32, #tpu.memory_space<hbm>> -> memref<8x128xf32, #tpu.memory_space<hbm>>
    %dma_wait3A_182 = tpu.memref_slice %arg3[%mul3A_34, %mul3A_159] : memref<128x2048xf32, #tpu.memory_space<hbm>> -> memref<8x128xf32, #tpu.memory_space<hbm>>
    tpu.wait_dma2 semaphore(%arg19 : memref<!tpu.dma_semaphore, #tpu.memory_space<semaphore_mem>>) src(%dma_wait3A_182 : memref<8x128xf32, #tpu.memory_space<hbm>>) dst(%arg11 : memref<8x128xf32, #tpu.memory_space<vmem>>)
    %add3A_183 = arith.constant 6 : i32
    %add3A_184 = arith.addi %mul3A_32, %add3A_183 : i32
    %mul3A_185 = arith.constant 128 : i32
    %mul3A_186 = arith.muli %add3A_184, %mul3A_185 : i32
    %dma_start3A_187 = tpu.memref_slice %arg2[%mul3A_34, %mul3A_186] : memref<128x2048xi32, #tpu.memory_space<hbm>> -> memref<8x128xi32, #tpu.memory_space<hbm>>
    %dma_start3A_188 = tpu.memref_slice %arg2[%mul3A_34, %mul3A_186] : memref<128x2048xi32, #tpu.memory_space<hbm>> -> memref<8x128xi32, #tpu.memory_space<hbm>>
    tpu.enqueue_dma source(%dma_start3A_188 : memref<8x128xi32, #tpu.memory_space<hbm>>) target(%arg6 : memref<8x128xi32, #tpu.memory_space<vmem>>) target_semaphore(%arg18 : memref<!tpu.dma_semaphore, #tpu.memory_space<semaphore_mem>>)
    %dma_start3A_189 = tpu.memref_slice %arg3[%mul3A_34, %mul3A_186] : memref<128x2048xf32, #tpu.memory_space<hbm>> -> memref<8x128xf32, #tpu.memory_space<hbm>>
    %dma_start3A_190 = tpu.memref_slice %arg3[%mul3A_34, %mul3A_186] : memref<128x2048xf32, #tpu.memory_space<hbm>> -> memref<8x128xf32, #tpu.memory_space<hbm>>
    tpu.enqueue_dma source(%dma_start3A_190 : memref<8x128xf32, #tpu.memory_space<hbm>>) target(%arg10 : memref<8x128xf32, #tpu.memory_space<vmem>>) target_semaphore(%arg18 : memref<!tpu.dma_semaphore, #tpu.memory_space<semaphore_mem>>)
    %parallel_loop3A_191 = arith.constant 0 : i32
    %parallel_loop3A_192 = arith.constant 64 : i32
    %parallel_loop3A_193 = arith.constant 1 : i32
    scf.for %parallel_loop3A_260 = %parallel_loop3A_191 to %parallel_loop3A_192 step %parallel_loop3A_193  : i32 {
      %parallel_loop3A_261 = arith.constant 8 : i32
      %parallel_loop3A_262 = arith.divsi %parallel_loop3A_260, %parallel_loop3A_261 : i32
      %parallel_loop3A_263 = arith.constant 0 : i32
      %parallel_loop3A_264 = arith.cmpi sgt, %parallel_loop3A_260, %parallel_loop3A_263 : i32
      %parallel_loop3A_265 = arith.extui %parallel_loop3A_264 : i1 to i32
      %parallel_loop3A_266 = arith.constant 0 : i32
      %parallel_loop3A_267 = arith.cmpi slt, %parallel_loop3A_260, %parallel_loop3A_266 : i32
      %parallel_loop3A_268 = arith.extui %parallel_loop3A_267 : i1 to i32
      %parallel_loop3A_269 = arith.subi %parallel_loop3A_265, %parallel_loop3A_268 : i32
      %parallel_loop3A_270 = arith.constant 0 : i32
      %parallel_loop3A_271 = arith.cmpi sgt, %parallel_loop3A_261, %parallel_loop3A_270 : i32
      %parallel_loop3A_272 = arith.extui %parallel_loop3A_271 : i1 to i32
      %parallel_loop3A_273 = arith.constant 0 : i32
      %parallel_loop3A_274 = arith.cmpi slt, %parallel_loop3A_261, %parallel_loop3A_273 : i32
      %parallel_loop3A_275 = arith.extui %parallel_loop3A_274 : i1 to i32
      %parallel_loop3A_276 = arith.subi %parallel_loop3A_272, %parallel_loop3A_275 : i32
      %parallel_loop3A_277 = arith.cmpi ne, %parallel_loop3A_269, %parallel_loop3A_276 : i32
      %parallel_loop3A_278 = arith.remsi %parallel_loop3A_260, %parallel_loop3A_261 : i32
      %parallel_loop3A_279 = arith.constant 0 : i32
      %parallel_loop3A_280 = arith.cmpi ne, %parallel_loop3A_278, %parallel_loop3A_279 : i32
      %parallel_loop3A_281 = arith.andi %parallel_loop3A_277, %parallel_loop3A_280 : i1
      %parallel_loop3A_282 = arith.constant 1 : i32
      %parallel_loop3A_283 = arith.subi %parallel_loop3A_262, %parallel_loop3A_282 : i32
      %parallel_loop3A_284 = arith.select %parallel_loop3A_281, %parallel_loop3A_283, %parallel_loop3A_262 : i32
      %parallel_loop3A_285 = arith.constant 8 : i32
      %parallel_loop3A_286 = arith.constant 0 : i32
      %parallel_loop3A_287 = arith.cmpi eq, %parallel_loop3A_285, %parallel_loop3A_286 : i32
      %parallel_loop3A_288 = arith.constant 1 : i32
      %parallel_loop3A_289 = arith.select %parallel_loop3A_287, %parallel_loop3A_288, %parallel_loop3A_285 : i32
      %parallel_loop3A_290 = arith.remsi %parallel_loop3A_260, %parallel_loop3A_289 : i32
      %parallel_loop3A_291 = arith.constant 0 : i32
      %parallel_loop3A_292 = arith.cmpi ne, %parallel_loop3A_290, %parallel_loop3A_291 : i32
      %parallel_loop3A_293 = arith.constant 0 : i32
      %parallel_loop3A_294 = arith.cmpi slt, %parallel_loop3A_290, %parallel_loop3A_293 : i32
      %parallel_loop3A_295 = arith.constant 0 : i32
      %parallel_loop3A_296 = arith.cmpi slt, %parallel_loop3A_289, %parallel_loop3A_295 : i32
      %parallel_loop3A_297 = arith.xori %parallel_loop3A_294, %parallel_loop3A_296 : i1
      %parallel_loop3A_298 = arith.andi %parallel_loop3A_297, %parallel_loop3A_292 : i1
      %parallel_loop3A_299 = arith.addi %parallel_loop3A_290, %parallel_loop3A_289 : i32
      %parallel_loop3A_300 = arith.select %parallel_loop3A_298, %parallel_loop3A_299, %parallel_loop3A_290 : i32
      %parallel_loop3A_301 = arith.constant 16 : i32
      %parallel_loop3A_302 = arith.muli %parallel_loop3A_300, %parallel_loop3A_301 : i32
      %parallel_loop3A_303 = arith.constant 1 : i32
      %parallel_loop3A_304 = vector.broadcast %parallel_loop3A_303 : i32 to vector<16xi32>
      %parallel_loop3A_305 = vector.broadcast %parallel_loop3A_284 : i32 to vector<16xi32>
      %parallel_loop3A_306 = arith.muli %parallel_loop3A_304, %parallel_loop3A_305 : vector<16xi32>
      %parallel_loop3A_307 = vector.broadcast %parallel_loop3A_302 : i32 to vector<16xi32>
      %parallel_loop3A_308 = arith.addi %parallel_loop3A_307, %iota3A : vector<16xi32>
      %parallel_loop3A_309 = arith.index_cast %parallel_loop3A_284 : i32 to index
      %parallel_loop3A_310 = arith.index_cast %parallel_loop3A_302 : i32 to index
      %parallel_loop3A_311 = tpu.vector_load %arg5[%parallel_loop3A_309, %parallel_loop3A_310] {strides = array<i32>} : memref<8x128xi32, #tpu.memory_space<vmem>>, vector<16xi32>,
      %parallel_loop3A_312 = arith.constant 0 : i32
      %parallel_loop3A_313 = vector.broadcast %parallel_loop3A_312 : i32 to vector<16xi32>
      %parallel_loop3A_314 = arith.cmpi sge, %parallel_loop3A_311, %parallel_loop3A_313 : vector<16xi32>
      %parallel_loop3A_315 = arith.constant 33 : i32
      %parallel_loop3A_316 = vector.broadcast %parallel_loop3A_315 : i32 to vector<16xi32>
      %parallel_loop3A_317 = arith.cmpi slt, %parallel_loop3A_311, %parallel_loop3A_316 : vector<16xi32>
      %parallel_loop3A_318 = arith.andi %parallel_loop3A_314, %parallel_loop3A_317 : vector<16xi1>
      %parallel_loop3A_319 = arith.index_cast %parallel_loop3A_284 : i32 to index
      %parallel_loop3A_320 = arith.index_cast %parallel_loop3A_302 : i32 to index
      %parallel_loop3A_321 = tpu.vector_load %arg7[%parallel_loop3A_319, %parallel_loop3A_320] {strides = array<i32>} : memref<8x128xi32, #tpu.memory_space<vmem>>, vector<16xi32>,
      %parallel_loop3A_322 = arith.constant 0 : i32
      %parallel_loop3A_323 = vector.broadcast %parallel_loop3A_322 : i32 to vector<16xi32>
      %parallel_loop3A_324 = arith.cmpi sge, %parallel_loop3A_321, %parallel_loop3A_323 : vector<16xi32>
      %parallel_loop3A_325 = arith.constant 33 : i32
      %parallel_loop3A_326 = vector.broadcast %parallel_loop3A_325 : i32 to vector<16xi32>
      %parallel_loop3A_327 = arith.cmpi slt, %parallel_loop3A_321, %parallel_loop3A_326 : vector<16xi32>
      %parallel_loop3A_328 = arith.andi %parallel_loop3A_324, %parallel_loop3A_327 : vector<16xi1>
      %parallel_loop3A_329 = arith.cmpi eq, %parallel_loop3A_321, %parallel_loop3A_311 : vector<16xi32>
      %parallel_loop3A_330 = arith.constant 1.000000e+00 : f32
      %parallel_loop3A_331 = arith.constant 0.000000e+00 : f32
      %parallel_loop3A_332 = vector.broadcast %parallel_loop3A_330 : f32 to vector<16xf32>
      %parallel_loop3A_333 = vector.broadcast %parallel_loop3A_331 : f32 to vector<16xf32>
      %parallel_loop3A_334 = arith.select %parallel_loop3A_329, %parallel_loop3A_332, %parallel_loop3A_333 : vector<16xi1>, vector<16xf32>
      tpu.vector_store_idx %arg14[%parallel_loop3A_321, %parallel_loop3A_306, %parallel_loop3A_308], %parallel_loop3A_334 masked %parallel_loop3A_328 : memref<34x8x128xf32, #tpu.memory_space<vmem>>[vector<16xi32>, vector<16xi32>, vector<16xi32>], vector<16xf32>, vector<16xi1>
      tpu.vector_store_idx %arg14[%parallel_loop3A_311, %parallel_loop3A_306, %parallel_loop3A_308], %broadcast_in_dim3A_35 masked %parallel_loop3A_318 : memref<34x8x128xf32, #tpu.memory_space<vmem>>[vector<16xi32>, vector<16xi32>, vector<16xi32>], vector<16xf32>, vector<16xi1>
      %parallel_loop3A_335 = arith.index_cast %parallel_loop3A_284 : i32 to index
      %parallel_loop3A_336 = arith.index_cast %parallel_loop3A_302 : i32 to index
      %parallel_loop3A_337 = tpu.vector_load %arg11[%parallel_loop3A_335, %parallel_loop3A_336] {strides = array<i32>} : memref<8x128xf32, #tpu.memory_space<vmem>>, vector<16xf32>,
      %parallel_loop3A_338 = arith.constant -1.000000e+00 : f32
      %parallel_loop3A_339 = vector.broadcast %parallel_loop3A_338 : f32 to vector<16xf32>
      %parallel_loop3A_340 = arith.cmpf ole, %parallel_loop3A_337, %parallel_loop3A_339 : vector<16xf32>
      %parallel_loop3A_341 = arith.constant 1.000000e+00 : f32
      %parallel_loop3A_342 = arith.constant 0.000000e+00 : f32
      %parallel_loop3A_343 = vector.broadcast %parallel_loop3A_341 : f32 to vector<16xf32>
      %parallel_loop3A_344 = vector.broadcast %parallel_loop3A_342 : f32 to vector<16xf32>
      %parallel_loop3A_345 = arith.select %parallel_loop3A_340, %parallel_loop3A_343, %parallel_loop3A_344 : vector<16xi1>, vector<16xf32>
      %parallel_loop3A_346 = arith.constant 33 : i32
      %parallel_loop3A_347 = arith.index_cast %parallel_loop3A_346 : i32 to index
      %parallel_loop3A_348 = arith.index_cast %parallel_loop3A_284 : i32 to index
      %parallel_loop3A_349 = arith.index_cast %parallel_loop3A_302 : i32 to index
      %parallel_loop3A_350 = tpu.vector_load %arg14[%parallel_loop3A_347, %parallel_loop3A_348, %parallel_loop3A_349] {strides = array<i32>} : memref<34x8x128xf32, #tpu.memory_space<vmem>>, vector<16xf32>,
      tpu.vector_store %arg14[%parallel_loop3A_347, %parallel_loop3A_348, %parallel_loop3A_349], %parallel_loop3A_345 {strides = array<i32>} : memref<34x8x128xf32, #tpu.memory_space<vmem>>, vector<16xf32>,
    } {sc.loop_unroll_factor = 4 : i64, sc.parallel_access}
    %add3A_194 = arith.constant 5 : i32
    %add3A_195 = arith.addi %mul3A_32, %add3A_194 : i32
    %mul3A_196 = arith.constant 128 : i32
    %mul3A_197 = arith.muli %add3A_195, %mul3A_196 : i32
    %dma_start3A_198 = arith.constant 0 : i32
    %dma_start3A_199 = tpu.memref_slice %arg4[%dma_start3A_198, %mul3A_34, %mul3A_197] : memref<34x128x2048xf32, #tpu.memory_space<hbm>> -> memref<34x8x128xf32, #tpu.memory_space<hbm>>
    %dma_start3A_200 = arith.constant 0 : i32
    %dma_start3A_201 = tpu.memref_slice %arg4[%dma_start3A_200, %mul3A_34, %mul3A_197] : memref<34x128x2048xf32, #tpu.memory_space<hbm>> -> memref<34x8x128xf32, #tpu.memory_space<hbm>>
    tpu.enqueue_dma source(%arg14 : memref<34x8x128xf32, #tpu.memory_space<vmem>>) target(%dma_start3A_201 : memref<34x8x128xf32, #tpu.memory_space<hbm>>) target_semaphore(%arg17 : memref<!tpu.dma_semaphore, #tpu.memory_space<semaphore_mem>>)
    %dma_wait3A_202 = arith.constant 0 : i32
    %dma_wait3A_203 = tpu.memref_slice %arg4[%dma_wait3A_202, %mul3A_34, %mul3A_143] : memref<34x128x2048xf32, #tpu.memory_space<hbm>> -> memref<34x8x128xf32, #tpu.memory_space<hbm>>
    %dma_wait3A_204 = arith.constant 0 : i32
    %dma_wait3A_205 = tpu.memref_slice %arg4[%dma_wait3A_204, %mul3A_34, %mul3A_143] : memref<34x128x2048xf32, #tpu.memory_space<hbm>> -> memref<34x8x128xf32, #tpu.memory_space<hbm>>
    tpu.wait_dma2 semaphore(%arg15 : memref<!tpu.dma_semaphore, #tpu.memory_space<semaphore_mem>>) src(%arg12 : memref<34x8x128xf32, #tpu.memory_space<vmem>>) dst(%dma_wait3A_205 : memref<34x8x128xf32, #tpu.memory_space<hbm>>)
    %dma_wait3A_206 = tpu.memref_slice %arg2[%mul3A_34, %mul3A_186] : memref<128x2048xi32, #tpu.memory_space<hbm>> -> memref<8x128xi32, #tpu.memory_space<hbm>>
    %dma_wait3A_207 = tpu.memref_slice %arg2[%mul3A_34, %mul3A_186] : memref<128x2048xi32, #tpu.memory_space<hbm>> -> memref<8x128xi32, #tpu.memory_space<hbm>>
    tpu.wait_dma2 semaphore(%arg18 : memref<!tpu.dma_semaphore, #tpu.memory_space<semaphore_mem>>) src(%dma_wait3A_207 : memref<8x128xi32, #tpu.memory_space<hbm>>) dst(%arg6 : memref<8x128xi32, #tpu.memory_space<vmem>>)
    %dma_wait3A_208 = tpu.memref_slice %arg3[%mul3A_34, %mul3A_186] : memref<128x2048xf32, #tpu.memory_space<hbm>> -> memref<8x128xf32, #tpu.memory_space<hbm>>
    %dma_wait3A_209 = tpu.memref_slice %arg3[%mul3A_34, %mul3A_186] : memref<128x2048xf32, #tpu.memory_space<hbm>> -> memref<8x128xf32, #tpu.memory_space<hbm>>
    tpu.wait_dma2 semaphore(%arg18 : memref<!tpu.dma_semaphore, #tpu.memory_space<semaphore_mem>>) src(%dma_wait3A_209 : memref<8x128xf32, #tpu.memory_space<hbm>>) dst(%arg10 : memref<8x128xf32, #tpu.memory_space<vmem>>)
    %add3A_210 = arith.constant 7 : i32
    %add3A_211 = arith.addi %mul3A_32, %add3A_210 : i32
    %mul3A_212 = arith.constant 128 : i32
    %mul3A_213 = arith.muli %add3A_211, %mul3A_212 : i32
    %dma_start3A_214 = tpu.memref_slice %arg2[%mul3A_34, %mul3A_213] : memref<128x2048xi32, #tpu.memory_space<hbm>> -> memref<8x128xi32, #tpu.memory_space<hbm>>
    %dma_start3A_215 = tpu.memref_slice %arg2[%mul3A_34, %mul3A_213] : memref<128x2048xi32, #tpu.memory_space<hbm>> -> memref<8x128xi32, #tpu.memory_space<hbm>>
    tpu.enqueue_dma source(%dma_start3A_215 : memref<8x128xi32, #tpu.memory_space<hbm>>) target(%arg7 : memref<8x128xi32, #tpu.memory_space<vmem>>) target_semaphore(%arg19 : memref<!tpu.dma_semaphore, #tpu.memory_space<semaphore_mem>>)
    %dma_start3A_216 = tpu.memref_slice %arg3[%mul3A_34, %mul3A_213] : memref<128x2048xf32, #tpu.memory_space<hbm>> -> memref<8x128xf32, #tpu.memory_space<hbm>>
    %dma_start3A_217 = tpu.memref_slice %arg3[%mul3A_34, %mul3A_213] : memref<128x2048xf32, #tpu.memory_space<hbm>> -> memref<8x128xf32, #tpu.memory_space<hbm>>
    tpu.enqueue_dma source(%dma_start3A_217 : memref<8x128xf32, #tpu.memory_space<hbm>>) target(%arg11 : memref<8x128xf32, #tpu.memory_space<vmem>>) target_semaphore(%arg19 : memref<!tpu.dma_semaphore, #tpu.memory_space<semaphore_mem>>)
    %parallel_loop3A_218 = arith.constant 0 : i32
    %parallel_loop3A_219 = arith.constant 64 : i32
    %parallel_loop3A_220 = arith.constant 1 : i32
    scf.for %parallel_loop3A_260 = %parallel_loop3A_218 to %parallel_loop3A_219 step %parallel_loop3A_220  : i32 {
      %parallel_loop3A_261 = arith.constant 8 : i32
      %parallel_loop3A_262 = arith.divsi %parallel_loop3A_260, %parallel_loop3A_261 : i32
      %parallel_loop3A_263 = arith.constant 0 : i32
      %parallel_loop3A_264 = arith.cmpi sgt, %parallel_loop3A_260, %parallel_loop3A_263 : i32
      %parallel_loop3A_265 = arith.extui %parallel_loop3A_264 : i1 to i32
      %parallel_loop3A_266 = arith.constant 0 : i32
      %parallel_loop3A_267 = arith.cmpi slt, %parallel_loop3A_260, %parallel_loop3A_266 : i32
      %parallel_loop3A_268 = arith.extui %parallel_loop3A_267 : i1 to i32
      %parallel_loop3A_269 = arith.subi %parallel_loop3A_265, %parallel_loop3A_268 : i32
      %parallel_loop3A_270 = arith.constant 0 : i32
      %parallel_loop3A_271 = arith.cmpi sgt, %parallel_loop3A_261, %parallel_loop3A_270 : i32
      %parallel_loop3A_272 = arith.extui %parallel_loop3A_271 : i1 to i32
      %parallel_loop3A_273 = arith.constant 0 : i32
      %parallel_loop3A_274 = arith.cmpi slt, %parallel_loop3A_261, %parallel_loop3A_273 : i32
      %parallel_loop3A_275 = arith.extui %parallel_loop3A_274 : i1 to i32
      %parallel_loop3A_276 = arith.subi %parallel_loop3A_272, %parallel_loop3A_275 : i32
      %parallel_loop3A_277 = arith.cmpi ne, %parallel_loop3A_269, %parallel_loop3A_276 : i32
      %parallel_loop3A_278 = arith.remsi %parallel_loop3A_260, %parallel_loop3A_261 : i32
      %parallel_loop3A_279 = arith.constant 0 : i32
      %parallel_loop3A_280 = arith.cmpi ne, %parallel_loop3A_278, %parallel_loop3A_279 : i32
      %parallel_loop3A_281 = arith.andi %parallel_loop3A_277, %parallel_loop3A_280 : i1
      %parallel_loop3A_282 = arith.constant 1 : i32
      %parallel_loop3A_283 = arith.subi %parallel_loop3A_262, %parallel_loop3A_282 : i32
      %parallel_loop3A_284 = arith.select %parallel_loop3A_281, %parallel_loop3A_283, %parallel_loop3A_262 : i32
      %parallel_loop3A_285 = arith.constant 8 : i32
      %parallel_loop3A_286 = arith.constant 0 : i32
      %parallel_loop3A_287 = arith.cmpi eq, %parallel_loop3A_285, %parallel_loop3A_286 : i32
      %parallel_loop3A_288 = arith.constant 1 : i32
      %parallel_loop3A_289 = arith.select %parallel_loop3A_287, %parallel_loop3A_288, %parallel_loop3A_285 : i32
      %parallel_loop3A_290 = arith.remsi %parallel_loop3A_260, %parallel_loop3A_289 : i32
      %parallel_loop3A_291 = arith.constant 0 : i32
      %parallel_loop3A_292 = arith.cmpi ne, %parallel_loop3A_290, %parallel_loop3A_291 : i32
      %parallel_loop3A_293 = arith.constant 0 : i32
      %parallel_loop3A_294 = arith.cmpi slt, %parallel_loop3A_290, %parallel_loop3A_293 : i32
      %parallel_loop3A_295 = arith.constant 0 : i32
      %parallel_loop3A_296 = arith.cmpi slt, %parallel_loop3A_289, %parallel_loop3A_295 : i32
      %parallel_loop3A_297 = arith.xori %parallel_loop3A_294, %parallel_loop3A_296 : i1
      %parallel_loop3A_298 = arith.andi %parallel_loop3A_297, %parallel_loop3A_292 : i1
      %parallel_loop3A_299 = arith.addi %parallel_loop3A_290, %parallel_loop3A_289 : i32
      %parallel_loop3A_300 = arith.select %parallel_loop3A_298, %parallel_loop3A_299, %parallel_loop3A_290 : i32
      %parallel_loop3A_301 = arith.constant 16 : i32
      %parallel_loop3A_302 = arith.muli %parallel_loop3A_300, %parallel_loop3A_301 : i32
      %parallel_loop3A_303 = arith.constant 1 : i32
      %parallel_loop3A_304 = vector.broadcast %parallel_loop3A_303 : i32 to vector<16xi32>
      %parallel_loop3A_305 = vector.broadcast %parallel_loop3A_284 : i32 to vector<16xi32>
      %parallel_loop3A_306 = arith.muli %parallel_loop3A_304, %parallel_loop3A_305 : vector<16xi32>
      %parallel_loop3A_307 = vector.broadcast %parallel_loop3A_302 : i32 to vector<16xi32>
      %parallel_loop3A_308 = arith.addi %parallel_loop3A_307, %iota3A : vector<16xi32>
      %parallel_loop3A_309 = arith.index_cast %parallel_loop3A_284 : i32 to index
      %parallel_loop3A_310 = arith.index_cast %parallel_loop3A_302 : i32 to index
      %parallel_loop3A_311 = tpu.vector_load %arg6[%parallel_loop3A_309, %parallel_loop3A_310] {strides = array<i32>} : memref<8x128xi32, #tpu.memory_space<vmem>>, vector<16xi32>,
      %parallel_loop3A_312 = arith.constant 0 : i32
      %parallel_loop3A_313 = vector.broadcast %parallel_loop3A_312 : i32 to vector<16xi32>
      %parallel_loop3A_314 = arith.cmpi sge, %parallel_loop3A_311, %parallel_loop3A_313 : vector<16xi32>
      %parallel_loop3A_315 = arith.constant 33 : i32
      %parallel_loop3A_316 = vector.broadcast %parallel_loop3A_315 : i32 to vector<16xi32>
      %parallel_loop3A_317 = arith.cmpi slt, %parallel_loop3A_311, %parallel_loop3A_316 : vector<16xi32>
      %parallel_loop3A_318 = arith.andi %parallel_loop3A_314, %parallel_loop3A_317 : vector<16xi1>
      %parallel_loop3A_319 = arith.index_cast %parallel_loop3A_284 : i32 to index
      %parallel_loop3A_320 = arith.index_cast %parallel_loop3A_302 : i32 to index
      %parallel_loop3A_321 = tpu.vector_load %arg8[%parallel_loop3A_319, %parallel_loop3A_320] {strides = array<i32>} : memref<8x128xi32, #tpu.memory_space<vmem>>, vector<16xi32>,
      %parallel_loop3A_322 = arith.constant 0 : i32
      %parallel_loop3A_323 = vector.broadcast %parallel_loop3A_322 : i32 to vector<16xi32>
      %parallel_loop3A_324 = arith.cmpi sge, %parallel_loop3A_321, %parallel_loop3A_323 : vector<16xi32>
      %parallel_loop3A_325 = arith.constant 33 : i32
      %parallel_loop3A_326 = vector.broadcast %parallel_loop3A_325 : i32 to vector<16xi32>
      %parallel_loop3A_327 = arith.cmpi slt, %parallel_loop3A_321, %parallel_loop3A_326 : vector<16xi32>
      %parallel_loop3A_328 = arith.andi %parallel_loop3A_324, %parallel_loop3A_327 : vector<16xi1>
      %parallel_loop3A_329 = arith.cmpi eq, %parallel_loop3A_321, %parallel_loop3A_311 : vector<16xi32>
      %parallel_loop3A_330 = arith.constant 1.000000e+00 : f32
      %parallel_loop3A_331 = arith.constant 0.000000e+00 : f32
      %parallel_loop3A_332 = vector.broadcast %parallel_loop3A_330 : f32 to vector<16xf32>
      %parallel_loop3A_333 = vector.broadcast %parallel_loop3A_331 : f32 to vector<16xf32>
      %parallel_loop3A_334 = arith.select %parallel_loop3A_329, %parallel_loop3A_332, %parallel_loop3A_333 : vector<16xi1>, vector<16xf32>
      tpu.vector_store_idx %arg12[%parallel_loop3A_321, %parallel_loop3A_306, %parallel_loop3A_308], %parallel_loop3A_334 masked %parallel_loop3A_328 : memref<34x8x128xf32, #tpu.memory_space<vmem>>[vector<16xi32>, vector<16xi32>, vector<16xi32>], vector<16xf32>, vector<16xi1>
      tpu.vector_store_idx %arg12[%parallel_loop3A_311, %parallel_loop3A_306, %parallel_loop3A_308], %broadcast_in_dim3A_35 masked %parallel_loop3A_318 : memref<34x8x128xf32, #tpu.memory_space<vmem>>[vector<16xi32>, vector<16xi32>, vector<16xi32>], vector<16xf32>, vector<16xi1>
      %parallel_loop3A_335 = arith.index_cast %parallel_loop3A_284 : i32 to index
      %parallel_loop3A_336 = arith.index_cast %parallel_loop3A_302 : i32 to index
      %parallel_loop3A_337 = tpu.vector_load %arg10[%parallel_loop3A_335, %parallel_loop3A_336] {strides = array<i32>} : memref<8x128xf32, #tpu.memory_space<vmem>>, vector<16xf32>,
      %parallel_loop3A_338 = arith.constant -1.000000e+00 : f32
      %parallel_loop3A_339 = vector.broadcast %parallel_loop3A_338 : f32 to vector<16xf32>
      %parallel_loop3A_340 = arith.cmpf ole, %parallel_loop3A_337, %parallel_loop3A_339 : vector<16xf32>
      %parallel_loop3A_341 = arith.constant 1.000000e+00 : f32
      %parallel_loop3A_342 = arith.constant 0.000000e+00 : f32
      %parallel_loop3A_343 = vector.broadcast %parallel_loop3A_341 : f32 to vector<16xf32>
      %parallel_loop3A_344 = vector.broadcast %parallel_loop3A_342 : f32 to vector<16xf32>
      %parallel_loop3A_345 = arith.select %parallel_loop3A_340, %parallel_loop3A_343, %parallel_loop3A_344 : vector<16xi1>, vector<16xf32>
      %parallel_loop3A_346 = arith.constant 33 : i32
      %parallel_loop3A_347 = arith.index_cast %parallel_loop3A_346 : i32 to index
      %parallel_loop3A_348 = arith.index_cast %parallel_loop3A_284 : i32 to index
      %parallel_loop3A_349 = arith.index_cast %parallel_loop3A_302 : i32 to index
      %parallel_loop3A_350 = tpu.vector_load %arg12[%parallel_loop3A_347, %parallel_loop3A_348, %parallel_loop3A_349] {strides = array<i32>} : memref<34x8x128xf32, #tpu.memory_space<vmem>>, vector<16xf32>,
      tpu.vector_store %arg12[%parallel_loop3A_347, %parallel_loop3A_348, %parallel_loop3A_349], %parallel_loop3A_345 {strides = array<i32>} : memref<34x8x128xf32, #tpu.memory_space<vmem>>, vector<16xf32>,
    } {sc.loop_unroll_factor = 4 : i64, sc.parallel_access}
    %add3A_221 = arith.constant 6 : i32
    %add3A_222 = arith.addi %mul3A_32, %add3A_221 : i32
    %mul3A_223 = arith.constant 128 : i32
    %mul3A_224 = arith.muli %add3A_222, %mul3A_223 : i32
    %dma_start3A_225 = arith.constant 0 : i32
    %dma_start3A_226 = tpu.memref_slice %arg4[%dma_start3A_225, %mul3A_34, %mul3A_224] : memref<34x128x2048xf32, #tpu.memory_space<hbm>> -> memref<34x8x128xf32, #tpu.memory_space<hbm>>
    %dma_start3A_227 = arith.constant 0 : i32
    %dma_start3A_228 = tpu.memref_slice %arg4[%dma_start3A_227, %mul3A_34, %mul3A_224] : memref<34x128x2048xf32, #tpu.memory_space<hbm>> -> memref<34x8x128xf32, #tpu.memory_space<hbm>>
    tpu.enqueue_dma source(%arg12 : memref<34x8x128xf32, #tpu.memory_space<vmem>>) target(%dma_start3A_228 : memref<34x8x128xf32, #tpu.memory_space<hbm>>) target_semaphore(%arg15 : memref<!tpu.dma_semaphore, #tpu.memory_space<semaphore_mem>>)
    %dma_wait3A_229 = arith.constant 0 : i32
    %dma_wait3A_230 = tpu.memref_slice %arg4[%dma_wait3A_229, %mul3A_34, %mul3A_170] : memref<34x128x2048xf32, #tpu.memory_space<hbm>> -> memref<34x8x128xf32, #tpu.memory_space<hbm>>
    %dma_wait3A_231 = arith.constant 0 : i32
    %dma_wait3A_232 = tpu.memref_slice %arg4[%dma_wait3A_231, %mul3A_34, %mul3A_170] : memref<34x128x2048xf32, #tpu.memory_space<hbm>> -> memref<34x8x128xf32, #tpu.memory_space<hbm>>
    tpu.wait_dma2 semaphore(%arg16 : memref<!tpu.dma_semaphore, #tpu.memory_space<semaphore_mem>>) src(%arg13 : memref<34x8x128xf32, #tpu.memory_space<vmem>>) dst(%dma_wait3A_232 : memref<34x8x128xf32, #tpu.memory_space<hbm>>)
    %dma_wait3A_233 = tpu.memref_slice %arg2[%mul3A_34, %mul3A_213] : memref<128x2048xi32, #tpu.memory_space<hbm>> -> memref<8x128xi32, #tpu.memory_space<hbm>>
    %dma_wait3A_234 = tpu.memref_slice %arg2[%mul3A_34, %mul3A_213] : memref<128x2048xi32, #tpu.memory_space<hbm>> -> memref<8x128xi32, #tpu.memory_space<hbm>>
    tpu.wait_dma2 semaphore(%arg19 : memref<!tpu.dma_semaphore, #tpu.memory_space<semaphore_mem>>) src(%dma_wait3A_234 : memref<8x128xi32, #tpu.memory_space<hbm>>) dst(%arg7 : memref<8x128xi32, #tpu.memory_space<vmem>>)
    %dma_wait3A_235 = tpu.memref_slice %arg3[%mul3A_34, %mul3A_213] : memref<128x2048xf32, #tpu.memory_space<hbm>> -> memref<8x128xf32, #tpu.memory_space<hbm>>
    %dma_wait3A_236 = tpu.memref_slice %arg3[%mul3A_34, %mul3A_213] : memref<128x2048xf32, #tpu.memory_space<hbm>> -> memref<8x128xf32, #tpu.memory_space<hbm>>
    tpu.wait_dma2 semaphore(%arg19 : memref<!tpu.dma_semaphore, #tpu.memory_space<semaphore_mem>>) src(%dma_wait3A_236 : memref<8x128xf32, #tpu.memory_space<hbm>>) dst(%arg11 : memref<8x128xf32, #tpu.memory_space<vmem>>)
    %parallel_loop3A_237 = arith.constant 0 : i32
    %parallel_loop3A_238 = arith.constant 64 : i32
    %parallel_loop3A_239 = arith.constant 1 : i32
    scf.for %parallel_loop3A_260 = %parallel_loop3A_237 to %parallel_loop3A_238 step %parallel_loop3A_239  : i32 {
      %parallel_loop3A_261 = arith.constant 8 : i32
      %parallel_loop3A_262 = arith.divsi %parallel_loop3A_260, %parallel_loop3A_261 : i32
      %parallel_loop3A_263 = arith.constant 0 : i32
      %parallel_loop3A_264 = arith.cmpi sgt, %parallel_loop3A_260, %parallel_loop3A_263 : i32
      %parallel_loop3A_265 = arith.extui %parallel_loop3A_264 : i1 to i32
      %parallel_loop3A_266 = arith.constant 0 : i32
      %parallel_loop3A_267 = arith.cmpi slt, %parallel_loop3A_260, %parallel_loop3A_266 : i32
      %parallel_loop3A_268 = arith.extui %parallel_loop3A_267 : i1 to i32
      %parallel_loop3A_269 = arith.subi %parallel_loop3A_265, %parallel_loop3A_268 : i32
      %parallel_loop3A_270 = arith.constant 0 : i32
      %parallel_loop3A_271 = arith.cmpi sgt, %parallel_loop3A_261, %parallel_loop3A_270 : i32
      %parallel_loop3A_272 = arith.extui %parallel_loop3A_271 : i1 to i32
      %parallel_loop3A_273 = arith.constant 0 : i32
      %parallel_loop3A_274 = arith.cmpi slt, %parallel_loop3A_261, %parallel_loop3A_273 : i32
      %parallel_loop3A_275 = arith.extui %parallel_loop3A_274 : i1 to i32
      %parallel_loop3A_276 = arith.subi %parallel_loop3A_272, %parallel_loop3A_275 : i32
      %parallel_loop3A_277 = arith.cmpi ne, %parallel_loop3A_269, %parallel_loop3A_276 : i32
      %parallel_loop3A_278 = arith.remsi %parallel_loop3A_260, %parallel_loop3A_261 : i32
      %parallel_loop3A_279 = arith.constant 0 : i32
      %parallel_loop3A_280 = arith.cmpi ne, %parallel_loop3A_278, %parallel_loop3A_279 : i32
      %parallel_loop3A_281 = arith.andi %parallel_loop3A_277, %parallel_loop3A_280 : i1
      %parallel_loop3A_282 = arith.constant 1 : i32
      %parallel_loop3A_283 = arith.subi %parallel_loop3A_262, %parallel_loop3A_282 : i32
      %parallel_loop3A_284 = arith.select %parallel_loop3A_281, %parallel_loop3A_283, %parallel_loop3A_262 : i32
      %parallel_loop3A_285 = arith.constant 8 : i32
      %parallel_loop3A_286 = arith.constant 0 : i32
      %parallel_loop3A_287 = arith.cmpi eq, %parallel_loop3A_285, %parallel_loop3A_286 : i32
      %parallel_loop3A_288 = arith.constant 1 : i32
      %parallel_loop3A_289 = arith.select %parallel_loop3A_287, %parallel_loop3A_288, %parallel_loop3A_285 : i32
      %parallel_loop3A_290 = arith.remsi %parallel_loop3A_260, %parallel_loop3A_289 : i32
      %parallel_loop3A_291 = arith.constant 0 : i32
      %parallel_loop3A_292 = arith.cmpi ne, %parallel_loop3A_290, %parallel_loop3A_291 : i32
      %parallel_loop3A_293 = arith.constant 0 : i32
      %parallel_loop3A_294 = arith.cmpi slt, %parallel_loop3A_290, %parallel_loop3A_293 : i32
      %parallel_loop3A_295 = arith.constant 0 : i32
      %parallel_loop3A_296 = arith.cmpi slt, %parallel_loop3A_289, %parallel_loop3A_295 : i32
      %parallel_loop3A_297 = arith.xori %parallel_loop3A_294, %parallel_loop3A_296 : i1
      %parallel_loop3A_298 = arith.andi %parallel_loop3A_297, %parallel_loop3A_292 : i1
      %parallel_loop3A_299 = arith.addi %parallel_loop3A_290, %parallel_loop3A_289 : i32
      %parallel_loop3A_300 = arith.select %parallel_loop3A_298, %parallel_loop3A_299, %parallel_loop3A_290 : i32
      %parallel_loop3A_301 = arith.constant 16 : i32
      %parallel_loop3A_302 = arith.muli %parallel_loop3A_300, %parallel_loop3A_301 : i32
      %parallel_loop3A_303 = arith.constant 1 : i32
      %parallel_loop3A_304 = vector.broadcast %parallel_loop3A_303 : i32 to vector<16xi32>
      %parallel_loop3A_305 = vector.broadcast %parallel_loop3A_284 : i32 to vector<16xi32>
      %parallel_loop3A_306 = arith.muli %parallel_loop3A_304, %parallel_loop3A_305 : vector<16xi32>
      %parallel_loop3A_307 = vector.broadcast %parallel_loop3A_302 : i32 to vector<16xi32>
      %parallel_loop3A_308 = arith.addi %parallel_loop3A_307, %iota3A : vector<16xi32>
      %parallel_loop3A_309 = arith.index_cast %parallel_loop3A_284 : i32 to index
      %parallel_loop3A_310 = arith.index_cast %parallel_loop3A_302 : i32 to index
      %parallel_loop3A_311 = tpu.vector_load %arg7[%parallel_loop3A_309, %parallel_loop3A_310] {strides = array<i32>} : memref<8x128xi32, #tpu.memory_space<vmem>>, vector<16xi32>,
      %parallel_loop3A_312 = arith.constant 0 : i32
      %parallel_loop3A_313 = vector.broadcast %parallel_loop3A_312 : i32 to vector<16xi32>
      %parallel_loop3A_314 = arith.cmpi sge, %parallel_loop3A_311, %parallel_loop3A_313 : vector<16xi32>
      %parallel_loop3A_315 = arith.constant 33 : i32
      %parallel_loop3A_316 = vector.broadcast %parallel_loop3A_315 : i32 to vector<16xi32>
      %parallel_loop3A_317 = arith.cmpi slt, %parallel_loop3A_311, %parallel_loop3A_316 : vector<16xi32>
      %parallel_loop3A_318 = arith.andi %parallel_loop3A_314, %parallel_loop3A_317 : vector<16xi1>
      %parallel_loop3A_319 = arith.index_cast %parallel_loop3A_284 : i32 to index
      %parallel_loop3A_320 = arith.index_cast %parallel_loop3A_302 : i32 to index
      %parallel_loop3A_321 = tpu.vector_load %arg9[%parallel_loop3A_319, %parallel_loop3A_320] {strides = array<i32>} : memref<8x128xi32, #tpu.memory_space<vmem>>, vector<16xi32>,
      %parallel_loop3A_322 = arith.constant 0 : i32
      %parallel_loop3A_323 = vector.broadcast %parallel_loop3A_322 : i32 to vector<16xi32>
      %parallel_loop3A_324 = arith.cmpi sge, %parallel_loop3A_321, %parallel_loop3A_323 : vector<16xi32>
      %parallel_loop3A_325 = arith.constant 33 : i32
      %parallel_loop3A_326 = vector.broadcast %parallel_loop3A_325 : i32 to vector<16xi32>
      %parallel_loop3A_327 = arith.cmpi slt, %parallel_loop3A_321, %parallel_loop3A_326 : vector<16xi32>
      %parallel_loop3A_328 = arith.andi %parallel_loop3A_324, %parallel_loop3A_327 : vector<16xi1>
      %parallel_loop3A_329 = arith.cmpi eq, %parallel_loop3A_321, %parallel_loop3A_311 : vector<16xi32>
      %parallel_loop3A_330 = arith.constant 1.000000e+00 : f32
      %parallel_loop3A_331 = arith.constant 0.000000e+00 : f32
      %parallel_loop3A_332 = vector.broadcast %parallel_loop3A_330 : f32 to vector<16xf32>
      %parallel_loop3A_333 = vector.broadcast %parallel_loop3A_331 : f32 to vector<16xf32>
      %parallel_loop3A_334 = arith.select %parallel_loop3A_329, %parallel_loop3A_332, %parallel_loop3A_333 : vector<16xi1>, vector<16xf32>
      tpu.vector_store_idx %arg13[%parallel_loop3A_321, %parallel_loop3A_306, %parallel_loop3A_308], %parallel_loop3A_334 masked %parallel_loop3A_328 : memref<34x8x128xf32, #tpu.memory_space<vmem>>[vector<16xi32>, vector<16xi32>, vector<16xi32>], vector<16xf32>, vector<16xi1>
      tpu.vector_store_idx %arg13[%parallel_loop3A_311, %parallel_loop3A_306, %parallel_loop3A_308], %broadcast_in_dim3A_35 masked %parallel_loop3A_318 : memref<34x8x128xf32, #tpu.memory_space<vmem>>[vector<16xi32>, vector<16xi32>, vector<16xi32>], vector<16xf32>, vector<16xi1>
      %parallel_loop3A_335 = arith.index_cast %parallel_loop3A_284 : i32 to index
      %parallel_loop3A_336 = arith.index_cast %parallel_loop3A_302 : i32 to index
      %parallel_loop3A_337 = tpu.vector_load %arg11[%parallel_loop3A_335, %parallel_loop3A_336] {strides = array<i32>} : memref<8x128xf32, #tpu.memory_space<vmem>>, vector<16xf32>,
      %parallel_loop3A_338 = arith.constant -1.000000e+00 : f32
      %parallel_loop3A_339 = vector.broadcast %parallel_loop3A_338 : f32 to vector<16xf32>
      %parallel_loop3A_340 = arith.cmpf ole, %parallel_loop3A_337, %parallel_loop3A_339 : vector<16xf32>
      %parallel_loop3A_341 = arith.constant 1.000000e+00 : f32
      %parallel_loop3A_342 = arith.constant 0.000000e+00 : f32
      %parallel_loop3A_343 = vector.broadcast %parallel_loop3A_341 : f32 to vector<16xf32>
      %parallel_loop3A_344 = vector.broadcast %parallel_loop3A_342 : f32 to vector<16xf32>
      %parallel_loop3A_345 = arith.select %parallel_loop3A_340, %parallel_loop3A_343, %parallel_loop3A_344 : vector<16xi1>, vector<16xf32>
      %parallel_loop3A_346 = arith.constant 33 : i32
      %parallel_loop3A_347 = arith.index_cast %parallel_loop3A_346 : i32 to index
      %parallel_loop3A_348 = arith.index_cast %parallel_loop3A_284 : i32 to index
      %parallel_loop3A_349 = arith.index_cast %parallel_loop3A_302 : i32 to index
      %parallel_loop3A_350 = tpu.vector_load %arg13[%parallel_loop3A_347, %parallel_loop3A_348, %parallel_loop3A_349] {strides = array<i32>} : memref<34x8x128xf32, #tpu.memory_space<vmem>>, vector<16xf32>,
      tpu.vector_store %arg13[%parallel_loop3A_347, %parallel_loop3A_348, %parallel_loop3A_349], %parallel_loop3A_345 {strides = array<i32>} : memref<34x8x128xf32, #tpu.memory_space<vmem>>, vector<16xf32>,
    } {sc.loop_unroll_factor = 4 : i64, sc.parallel_access}
    %add3A_240 = arith.constant 7 : i32
    %add3A_241 = arith.addi %mul3A_32, %add3A_240 : i32
    %mul3A_242 = arith.constant 128 : i32
    %mul3A_243 = arith.muli %add3A_241, %mul3A_242 : i32
    %dma_start3A_244 = arith.constant 0 : i32
    %dma_start3A_245 = tpu.memref_slice %arg4[%dma_start3A_244, %mul3A_34, %mul3A_243] : memref<34x128x2048xf32, #tpu.memory_space<hbm>> -> memref<34x8x128xf32, #tpu.memory_space<hbm>>
    %dma_start3A_246 = arith.constant 0 : i32
    %dma_start3A_247 = tpu.memref_slice %arg4[%dma_start3A_246, %mul3A_34, %mul3A_243] : memref<34x128x2048xf32, #tpu.memory_space<hbm>> -> memref<34x8x128xf32, #tpu.memory_space<hbm>>
    tpu.enqueue_dma source(%arg13 : memref<34x8x128xf32, #tpu.memory_space<vmem>>) target(%dma_start3A_247 : memref<34x8x128xf32, #tpu.memory_space<hbm>>) target_semaphore(%arg16 : memref<!tpu.dma_semaphore, #tpu.memory_space<semaphore_mem>>)
    %dma_wait3A_248 = arith.constant 0 : i32
    %dma_wait3A_249 = tpu.memref_slice %arg4[%dma_wait3A_248, %mul3A_34, %mul3A_224] : memref<34x128x2048xf32, #tpu.memory_space<hbm>> -> memref<34x8x128xf32, #tpu.memory_space<hbm>>
    %dma_wait3A_250 = arith.constant 0 : i32
    %dma_wait3A_251 = tpu.memref_slice %arg4[%dma_wait3A_250, %mul3A_34, %mul3A_224] : memref<34x128x2048xf32, #tpu.memory_space<hbm>> -> memref<34x8x128xf32, #tpu.memory_space<hbm>>
    tpu.wait_dma2 semaphore(%arg15 : memref<!tpu.dma_semaphore, #tpu.memory_space<semaphore_mem>>) src(%arg12 : memref<34x8x128xf32, #tpu.memory_space<vmem>>) dst(%dma_wait3A_251 : memref<34x8x128xf32, #tpu.memory_space<hbm>>)
    %dma_wait3A_252 = arith.constant 0 : i32
    %dma_wait3A_253 = tpu.memref_slice %arg4[%dma_wait3A_252, %mul3A_34, %mul3A_243] : memref<34x128x2048xf32, #tpu.memory_space<hbm>> -> memref<34x8x128xf32, #tpu.memory_space<hbm>>
    %dma_wait3A_254 = arith.constant 0 : i32
    %dma_wait3A_255 = tpu.memref_slice %arg4[%dma_wait3A_254, %mul3A_34, %mul3A_243] : memref<34x128x2048xf32, #tpu.memory_space<hbm>> -> memref<34x8x128xf32, #tpu.memory_space<hbm>>
    tpu.wait_dma2 semaphore(%arg16 : memref<!tpu.dma_semaphore, #tpu.memory_space<semaphore_mem>>) src(%arg13 : memref<34x8x128xf32, #tpu.memory_space<vmem>>) dst(%dma_wait3A_255 : memref<34x8x128xf32, #tpu.memory_space<hbm>>)
    %dma_wait3A_256 = arith.constant 0 : i32
    %dma_wait3A_257 = tpu.memref_slice %arg4[%dma_wait3A_256, %mul3A_34, %mul3A_197] : memref<34x128x2048xf32, #tpu.memory_space<hbm>> -> memref<34x8x128xf32, #tpu.memory_space<hbm>>
    %dma_wait3A_258 = arith.constant 0 : i32
    %dma_wait3A_259 = tpu.memref_slice %arg4[%dma_wait3A_258, %mul3A_34, %mul3A_197] : memref<34x128x2048xf32, #tpu.memory_space<hbm>> -> memref<34x8x128xf32, #tpu.memory_space<hbm>>
    tpu.wait_dma2 semaphore(%arg17 : memref<!tpu.dma_semaphore, #tpu.memory_space<semaphore_mem>>) src(%arg14 : memref<34x8x128xf32, #tpu.memory_space<vmem>>) dst(%dma_wait3A_259 : memref<34x8x128xf32, #tpu.memory_space<hbm>>)
    return
  }
}

</mosaic_0001>

<sc_bundles>
// kernel: kernel.3.cloned.1.call-start
scs
__scs_entry_jumppad:
0x0: {  	(pc) =	sbr.rel $0x88, $3  }
0x1: {  	(tag) =	ssettag $0x0;
	lr =	simm.s32 $0x1  }
0x2: {  	[smem:$0x3F9F] =	sst lr;
	_ =	strace $0xD0000000  }
0x3: {  	_ = 	snop  }
0x4: {  	_ = 	snop  }
0x5: {  	_ = 	snop  }
0x6: {  	_ = 	snop  }
0x7: {  	_ = 	snop  }
__scs_overlays_trampoline_lowered:
0x8: {  	[smem:$0x3FAE] =	sst s0  }
0x9: {  	[smem:$0x3FAF] =	sst s1  }
0xa: {  	[smem:$0x3FB0] =	sst s2  }
0xb: {  	[smem:$0x3FB1] =	sst s3  }
0xc: {  	[smem:$0x3FB2] =	sst s4  }
0xd: {  	[smem:$0x3FB3] =	sst s5  }
0xe: {  	[smem:$0x3FB4] =	sst s6  }
0xf: {  	[smem:$0x3FB5] =	sst s7  }
0x10: {  	[smem:$0x3FB6] =	sst s8  }
0x11: {  	[smem:$0x3FB7] =	sst s9;
	s0 =	simm.s32 @!p0 $0x0  }
0x12: {  	s1 =	sld [smem:$0x3F9D];
	s0 =	simm.s32 @p0 $0x1  }
0x13: {  	[smem:$0x3FB8] =	sst s0;
	s0 =	simm.s32 @!p1 $0x0  }
0x14: {  	s2 =	sld [smem:$0x3F9C];
	s0 =	simm.s32 @p1 $0x1  }
0x15: {  	[smem:$0x3FB9] =	sst s0;
	s0 =	simm.s32 @!p2 $0x0  }
0x16: {  	s3 =	sld [smem:$0x3FDB];
	s0 =	simm.s32 @p2 $0x1  }
0x17: {  	s4 =	simm.s32 $0x1BF5;
	[smem:$0x3FBB] =	sst s0  }
0x18: {  	s0 =	sld [smem:$0x3F9E];
	_ =	swait.ge [sflag:s4], $0x0  }
0x19: {  	s7 =	sld [smem:$0x3F9F]  }
0x1a: {  	s8 =	sadd.s32 $0xFFFFE003, lr  }
0x1b: {  	s9 =	sadd.s32 $0xFFFFFEF7, lr;
	s5 =	simm.s32 $0xFFFFFFFF;
	p2 =	slt.u32 s8, $0xFFFFF086  }
0x1c: {  	p1 =	slt.u32 s9, $0xF7A;
	s5 =	simm.s32 @!p2 $0x0  }
0x1d: {  	s5 =	simm.s32 @p1 $0x1;
	p0 =	seq.s32 s7, s2  }
0x1e: {  	s7 =	smul.u32 @!p0 $0xF7A, s2;
	p2 =	seq.s32 @!p0 s5, $0x0  }
0x1f: {  	s9 =	smul.u32 $0xF7A, s1;
	s8 =	simm.s32 @!p0 $0x1BF5;
	p2 =	por !p2, p0  }
0x20: {  	[sflag:s8] =	ssyncset.s32 @!p0 $0xFFFFF086;
	s6 =	sadd.s32 @!p0 s3, s7;
	s7 =	simm.s32 @!p0 $0x108  }
0x21: {  	s3 =	sadd.s32 s3, s9;
	s6 =	sadd.s32 @!p0 $0x88, s6;
	s7 =	simm.s32 @p2 $0x1082  }
0x22: {  	[simem:s7], [sflag:s8] =	dma.local @!p0 [hbm:s6], $0xF7A  }
0x23: {  	s9 =	sor.u32 $0xD0000000, s2;
	s6 =	simm.s32 $0x108;
	_ =	swait.ge @!p0 [sflag:s8], $0x0  }
0x24: {  	s3 =	sadd.s32 $0x88, s3;
	s6 =	simm.s32 @!p1 $0x1082;
	[sflag:s4] =	ssyncset.s32 $0xFFFFF086  }
0x25: {  	[simem:s6], [sflag:s4] =	dma.local [hbm:s3], $0xF7A  }
0x26: {  	[smem:$0x3F9F] =	sst s1;
	(tag) =	ssettag s2;
	_ =	strace s9  }
0x27: {  	s1 =	sld [smem:$0x3FAF]  }
0x28: {  	s2 =	sld [smem:$0x3FB0]  }
0x29: {  	s4 =	sld [smem:$0x3FB2]  }
0x2a: {  	p0 =	seq.s32 s5, $0x0;
	s5 =	sld [smem:$0x3FB3]  }
0x2b: {  	s6 =	sld [smem:$0x3FB4]  }
0x2c: {  	s7 =	sld [smem:$0x3FB5]  }
0x2d: {  	s3 =	simm.s32 $0x108;
	s8 =	sld [smem:$0x3FB6]  }
0x2e: {  	s3 =	simm.s32 @!p0 $0x1082;
	s9 =	sld [smem:$0x3FB7]  }
0x2f: {  	lr =	sadd.s32 s0, s3;
	s0 =	sld [smem:$0x3FAE]  }
0x30: {  	s3 =	sld [smem:$0x3FB1]  }
0x31: {  	[smem:$0x3FBA] =	sst s10  }
0x32: {  	s10 =	sld [smem:$0x3FB8];
	_ =	sdelay $0x3  }
0x33: {  	p0 =	seq.s32 s10, $0x1;
	s10 =	sld [smem:$0x3FBA];
	_ =	sdelay $0x3  }
0x34: {  	[smem:$0x3FBA] =	sst s10  }
0x35: {  	s10 =	sld [smem:$0x3FB9];
	_ =	sdelay $0x3  }
0x36: {  	p1 =	seq.s32 s10, $0x1;
	s10 =	sld [smem:$0x3FBA];
	_ =	sdelay $0x3  }
0x37: {  	[smem:$0x3FBA] =	sst s10  }
0x38: {  	s10 =	sld [smem:$0x3FBB]  }
0x39: {  	_ = 	snop;
	(pc) =	sbr.ind lr, $3  }
0x3a: {  	_ = 	snop  }
0x3b: {  	_ = 	snop  }
0x3c: {  	p2 =	seq.s32 s10, $0x1;
	s10 =	sld [smem:$0x3FBA]  }
0x3d: {  	_ =	shalt  }
0x3e: {  	_ =	shalt  }
0x3f: {  	_ =	shalt  }
0x40: {  	_ =	shalt  }
0x41: {  	_ =	shalt  }
0x42: {  	_ =	shalt  }
0x43: {  	_ =	shalt  }
0x44: {  	_ =	shalt  }
0x45: {  	_ =	shalt  }
0x46: {  	_ =	shalt  }
0x47: {  	_ =	shalt  }
0x48: {  	_ =	shalt  }
0x49: {  	_ =	shalt  }
0x4a: {  	_ =	shalt  }
0x4b: {  	_ =	shalt  }
0x4c: {  	_ =	shalt  }
0x4d: {  	_ =	shalt  }
0x4e: {  	_ =	shalt  }
0x4f: {  	_ =	shalt  }
0x50: {  	_ =	shalt  }
0x51: {  	_ =	shalt  }
0x52: {  	_ =	shalt  }
0x53: {  	_ =	shalt  }
0x54: {  	_ =	shalt  }
0x55: {  	_ =	shalt  }
0x56: {  	_ =	shalt  }
0x57: {  	_ =	shalt  }
0x58: {  	_ =	shalt  }
0x59: {  	_ =	shalt  }
0x5a: {  	_ =	shalt  }
0x5b: {  	_ =	shalt  }
0x5c: {  	_ =	shalt  }
0x5d: {  	_ =	shalt  }
0x5e: {  	_ =	shalt  }
0x5f: {  	_ =	shalt  }
0x60: {  	_ =	shalt  }
0x61: {  	_ =	shalt  }
0x62: {  	_ =	shalt  }
0x63: {  	_ =	shalt  }
0x64: {  	_ =	shalt  }
0x65: {  	_ =	shalt  }
0x66: {  	_ =	shalt  }
0x67: {  	_ =	shalt  }
0x68: {  	_ =	shalt  }
0x69: {  	_ =	shalt  }
0x6a: {  	_ =	shalt  }
0x6b: {  	_ =	shalt  }
0x6c: {  	_ =	shalt  }
0x6d: {  	_ =	shalt  }
0x6e: {  	_ =	shalt  }
0x6f: {  	_ =	shalt  }
0x70: {  	_ =	shalt  }
0x71: {  	_ =	shalt  }
0x72: {  	_ =	shalt  }
0x73: {  	_ =	shalt  }
0x74: {  	_ =	shalt  }
0x75: {  	_ =	shalt  }
0x76: {  	_ =	shalt  }
0x77: {  	_ =	shalt  }
0x78: {  	_ =	shalt  }
0x79: {  	_ =	shalt  }
0x7a: {  	_ =	shalt  }
0x7b: {  	_ =	shalt  }
0x7c: {  	_ =	shalt  }
0x7d: {  	_ =	shalt  }
0x7e: {  	_ =	shalt  }
0x7f: {  	_ =	shalt  }
0x80: {  	_ =	shalt  }
0x81: {  	_ =	shalt  }
0x82: {  	_ =	shalt  }
0x83: {  	_ =	shalt  }
0x84: {  	_ =	shalt  }
0x85: {  	_ =	shalt  }
0x86: {  	_ =	shalt  }
0x87: {  	_ =	shalt  }
.Lfunc_end0:
.L_simem_size_0:
called_computation_lowered:
.L_overlay_start_0:
0x88: {  	s2 =	sld [smem:$0x3FD9]  }
0x89: {  	s3 =	sld [smem:$0x3FFE];
	_ =	sdelay $0x1  }
0x8a: {  	s1 =	srdreg.scid  }
0x8b: {  	s0 =	sand.u32 $0x1, s1  }
0x8c: {  	s18 =	sshll.u32 s0, $0xA;
	s2 =	sadd.s32 s3, s2  }
0x8d: {  	s2 =	sadd.s32 s2, s18  }
0x8e: {  	[smem:$0x3FC6] =	sst s2  }
0x8f: {  	_ = 	snop  }
0x90: {  	s2 =	sld [smem:$0x3FC9]  }
0x91: {  	s19 =	sld [smem:$0x3FC8]  }
0x92: {  	s4 =	sld [smem:$0x3FD0];
	(tm) =	ssettm $0x1  }
0x93: {  	s5 =	sld [smem:$0x3FFB];
	_ =	sdelay $0x3  }
0x94: {  	_ =	strace s5  }
0x95: {  	s5 =	sld [smem:$0x3FFC];
	_ =	sdelay $0x3  }
0x96: {  	_ =	strace s5  }
0x97: {  	s5 =	sld [smem:$0x3FFD];
	_ =	sdelay $0x3  }
0x98: {  	_ =	strace s5  }
0x99: {  	_ =	strace $0x8FFFFFFF  }
0x9a: {  	s20 =	sld [smem:$0x3FDB];
	_ =	sdelay $0x1  }
0x9b: {  	s6 =	simm.s32 $_scs_section_size  }
0x9c: {  	s7 =	simm.s32 $_size__tile_overlayer_lowered;
	s8 =	simm.s32 $_tile_overlayer_lowered  }
0x9d: {  	s23 =	simm.s32 $0x1BFF;
	s22 =	sshll.u32 s8, $0x1;
	s5 =	sadd.s32 s6, s20  }
0x9e: {  	s9 =	simm.s32 $0x0;
	s21 =	sshll.u32 s7, $0x1;
	s7 =	sadd.s32 s22, s5  }
0x9f: {  	[timem:s9], [sflag:s23] =	dma.local [hbm:s7], s21  }
0xa0: {  	_ =	swait.ge [sflag:s23], s21  }
0xa1: {  	s6 =	ssub.s32 $0x0, s21;
	[sflag:s23] =	ssyncset.done $0x0  }
0xa2: {  	[sflag:s23] =	ssyncadd.s32 s6;
	_ =	sdelay $0x1  }
0xa3: {  	s24 =	simm.s32 $0x1B8B  }
0xa4: {  	_ =	swait.ge [sflag:s24], $0x1  }
0xa5: {  	[sflag:s24] =	ssyncset.done $0x0  }
0xa6: {  	s25 =	simm.s32 $0x1B8E;
	[sflag:s24] =	ssyncadd.s32 $0xFFFFFFFF  }
0xa7: {  	s26 =	simm.s32 $execute0_lowered;
	[smem:$0x3FD2] =	sst s25  }
0xa8: {  	s6 =	sshll.u32 s26, $0x1;
	_ =	strace $0x80000046;
	[dreg:$0x1] =	wrdreg $0xFFFFFFFF  }
0xa9: {  	s28 =	simm.s32 $_size_execute0_lowered;
	s5 =	sadd.s32 s5, s6;
	[dreg:$0x0] =	wrdreg $0x0  }
0xaa: {  	s6 =	sshll.u32 s28, $0x1;
	[dreg:$0x2] =	wrdreg s5  }
0xab: {  	[dreg:$0x3] =	wrdreg s6  }
0xac: {  	[dreg:$0x4] =	wrdreg $0xC0  }
0xad: {  	_ =	task [dreg:s9], $0x5FFFF  }
0xae: {  	[dreg:$0x1] =	wrdreg $0xFFFFFFFF  }
0xaf: {  	[dreg:$0x0] =	wrdreg $0x60  }
0xb0: {  	[dreg:$0x2] =	wrdreg s2  }
0xb1: {  	[dreg:$0x3] =	wrdreg s19  }
0xb2: {  	[dreg:$0x4] =	wrdreg s4  }
0xb3: {  	[dreg:$0x5] =	wrdreg $0x9  }
0xb4: {  	_ =	task.clear_ibuf [dreg:s9], $0x6FFFF;
	_ =	strace $0x90000046  }
0xb5: {  	s29 =	simm.s32 $0x9;
	_ =	strace $0x80000048  }
0xb6: {  	_ =	swait.ge [sflag:s29], $0x1  }
0xb7: {  	[sflag:s29] =	ssyncadd.s32 $0xFFFFFFFF  }
0xb8: {  	_ =	strace $0x90000048  }
0xb9: {  	_ =	sfence  }
0xba: {  	s30 =	sld [smem:$0x0];
	_ =	sdelay $0x2  }
0xbb: {  	s31 =	sshll.u32 s1, $0xD;
	s1 =	sshrl.u32 s1, $0x2  }
0xbc: {  	s3 =	sand.u32 $0x4000, s31;
	s1 =	sadd.s32 s1, s30  }
0xbd: {  	s0 =	sor.u32 s3, s0;
	s1 =	sshll.u32 s1, $0x11  }
0xbe: {  	s0 =	sor.u32 s1, s0  }
0xbf: {  	s0 =	sadd.s32 $0x8F2B, s0  }
0xc0: {  	[sflag:s0] =	ssyncadd.remote.s32 $0x1  }
0xc1: {  	_ =	sfence.sel $0xFFFF  }
0xc2: {  	[dreg:$0x0] =	wrdreg $0xFFFFFFFF;
	(pc) =	sbr.abs _section_cstart, $3  }
0xc3: {  	[dreg:$0x1] =	wrdreg $0xFFFFFFFF  }
0xc4: {  	_ =	task.clear_ibuf [dreg:s9], $0x2FFFF;
	_ =	strace $0x9FFFFFFF  }
0xc5: {  	(tm) =	ssettm $0x7FFFFFFF  }
tec
execute0_lowered:
.L_overlay_start_1:
0x0: {  	(tag) =	ssettag $0x1  }
0x1: {  	s0 =	srdreg.scid  }
0x2: {  	s4 =	stileid.u32;
	s0 =	sand.u32 $0x1, s0  }
0x3: {  	s1 =	sor.u32 s0, s4  }
0x4: {  	p1 =	seq.s32 s0, $0x1;
	p0 =	seq.s32 s1, $0x0  }
0x5: {  	p0 =	por !p0, !p1  }
0x6: {  	s1 =	simm.s32 $0x1;
	p0 =	por !p0, !p0  }
0x7: {  	s1 =	simm.s32 @!p0 $0x0  }
0x8: {  	s1 =	ssub.s32 s4, s1  }
0x9: {  	s2 =	rddreg [dreg:$0x0];
	s5 =	sshll.u32 s0, $0xD;
	s1 =	sshll.u32 s1, $0xE  }
0xa: {  	s3 =	rddreg [dreg:$0x1];
	s6 =	simm.s32 $0x0;
	s1 =	sor.u32 s5, s1  }
0xb: {  	[smem:$0x7FF] =	sst s6;
	s1 =	sshrl.u32 s1, $0x3  }
0xc: {  	s0 =	ssub.s32 $0x2, s0;
	s4 =	rddreg [dreg:$0x2];
	s8 =	sadd.s32 s2, s1  }
0xd: {  	s7 =	sshrl.u32 s0, $0x1;
	s10 =	sadd.s32 s3, s1;
	[dreg:$0x4] =	wrdreg s8  }
0xe: {  	s9 =	sor.u32 $0x80, s1;
	s13 =	sadd.s32 s4, s1;
	[dreg:$0x5] =	wrdreg s10  }
0xf: {  	s0 =	ssub.s32 s0, s7;
	s11 =	sadd.s32 s2, s9;
	[dreg:$0x8] =	wrdreg s13  }
0x10: {  	s12 =	sor.u32 $0x100, s1;
	s7 =	sadd.s32 s3, s9;
	[dreg:$0x6] =	wrdreg s11  }
0x11: {  	s14 =	sadd.s32 s2, s12;
	[dreg:$0x7] =	wrdreg s7  }
0x12: {  	s15 =	sadd.s32 s3, s12;
	[dreg:$0x9] =	wrdreg s14  }
0x13: {  	s16 =	sor.u32 $0x180, s1;
	s5 =	sadd.s32 s4, s9;
	[dreg:$0xa] =	wrdreg s15  }
0x14: {  	s17 =	sadd.s32 s2, s16;
	[dreg:$0xb] =	wrdreg s5  }
0x15: {  	s18 =	sadd.s32 s3, s16;
	[dreg:$0xc] =	wrdreg s17  }
0x16: {  	s19 =	sor.u32 $0x200, s1;
	s6 =	sadd.s32 s4, s12;
	[dreg:$0xd] =	wrdreg s18  }
0x17: {  	s20 =	sadd.s32 s2, s19;
	[dreg:$0xe] =	wrdreg s6  }
0x18: {  	s21 =	sor.u32 $0x280, s1;
	s8 =	sadd.s32 s3, s19;
	[dreg:$0xf] =	wrdreg s20  }
0x19: {  	s22 =	sadd.s32 s2, s21;
	[dreg:$0x10] =	wrdreg s8  }
0x1a: {  	s23 =	sadd.s32 s3, s21;
	[dreg:$0x12] =	wrdreg s22  }
0x1b: {  	s25 =	sor.u32 $0x300, s1;
	s24 =	sadd.s32 s4, s19;
	[dreg:$0x13] =	wrdreg s23  }
0x1c: {  	s1 =	sor.u32 $0x380, s1;
	s26 =	sadd.s32 s2, s25;
	[dreg:$0x14] =	wrdreg s24  }
0x1d: {  	s2 =	sadd.s32 s2, s1;
	[dreg:$0x16] =	wrdreg s26  }
0x1e: {  	s28 =	sadd.s32 s3, s25;
	[dreg:$0x17] =	wrdreg s2  }
0x1f: {  	s29 =	sadd.s32 s3, s1;
	[dreg:$0x18] =	wrdreg s28  }
0x20: {  	s30 =	sadd.s32 s4, s25;
	[dreg:$0x19] =	wrdreg s29  }
0x21: {  	s31 =	simm.s32 $0x1400;
	s1 =	sadd.s32 s4, s1;
	[dreg:$0x1a] =	wrdreg s30  }
0x22: {  	s0 =	smax.u32 s0, $0x1;
	s5 =	sadd.s32 s4, s16;
	[dreg:$0x1b] =	wrdreg s1  }
0x23: {  	s3 =	simm.s32 $0x0;
	s6 =	sadd.s32 s4, s21;
	[dreg:$0x11] =	wrdreg s5  }
0x24: {  	s1 =	simm.s32 $0x1C00;
	s4 =	simm.s32 $0xA400;
	[dreg:$0x15] =	wrdreg s6  }
0x25: {  	v0 =	vimm.f32 $0.0e+00;
	v1 =	vlaneseq.u32;
	v2 =	vimm.f32 $1.000000000e+00;
	s5 =	simm.s32 $0x12C00;
	_ =	strace $0x80000047;
	[dreg:$0x1c] =	wrdreg s0  }
.LBB2_1:
0x26: {  	[dreg:$0x1d] =	wrdreg s3  }
0x27: {  	s0 =	simm.s32 $0x0;
	s2 =	rddreg [dreg:$0x4]  }
0x28: {  	[tilespmem:s0], [sflag:$0x4] =	stream.linear.gather [hbm4b:s2+s0], $0x400, $0x38;
	[tilespmem:$0x1B400] =	vst v63  }
0x29: {  	s30 =	rddreg [dreg:$0x5];
	s9 =	simm.s32 $0x2200  }
0x2a: {  	[tilespmem:s31], [sflag:$0x4] =	stream.linear.gather [hbm4b:s30+s0], $0x400, $0x38;
	[tilespmem:$0x1B400] =	vst v63  }
0x2b: {  	[tilespmem:s9+$0xFFFFFA00] =	vst v0  }
0x2c: {  	[tilespmem:s9+$0x5F0] =	vst v0  }
0x2d: {  	[tilespmem:s9+$0x5E0] =	vst v0  }
0x2e: {  	[tilespmem:s9+$0x5D0] =	vst v0  }
0x2f: {  	[tilespmem:s9+$0x5C0] =	vst v0  }
0x30: {  	[tilespmem:s9+$0x5B0] =	vst v0  }
0x31: {  	[tilespmem:s9+$0x5A0] =	vst v0  }
0x32: {  	[tilespmem:s9+$0x590] =	vst v0  }
0x33: {  	[tilespmem:s9+$0x580] =	vst v0  }
0x34: {  	[tilespmem:s9+$0x570] =	vst v0  }
0x35: {  	[tilespmem:s9+$0x560] =	vst v0  }
0x36: {  	[tilespmem:s9+$0x550] =	vst v0  }
0x37: {  	[tilespmem:s9+$0x540] =	vst v0  }
0x38: {  	[tilespmem:s9+$0x530] =	vst v0  }
0x39: {  	[tilespmem:s9+$0x520] =	vst v0  }
0x3a: {  	[tilespmem:s9+$0x510] =	vst v0  }
0x3b: {  	[tilespmem:s9+$0x500] =	vst v0  }
0x3c: {  	[tilespmem:s9+$0x4F0] =	vst v0  }
0x3d: {  	[tilespmem:s9+$0x4E0] =	vst v0  }
0x3e: {  	[tilespmem:s9+$0x4D0] =	vst v0  }
0x3f: {  	[tilespmem:s9+$0x4C0] =	vst v0  }
0x40: {  	[tilespmem:s9+$0x4B0] =	vst v0  }
0x41: {  	[tilespmem:s9+$0x4A0] =	vst v0  }
0x42: {  	[tilespmem:s9+$0x490] =	vst v0  }
0x43: {  	[tilespmem:s9+$0x480] =	vst v0  }
0x44: {  	[tilespmem:s9+$0x470] =	vst v0  }
0x45: {  	[tilespmem:s9+$0x460] =	vst v0  }
0x46: {  	[tilespmem:s9+$0x450] =	vst v0  }
0x47: {  	[tilespmem:s9+$0x440] =	vst v0  }
0x48: {  	[tilespmem:s9+$0x430] =	vst v0  }
0x49: {  	[tilespmem:s9+$0x420] =	vst v0  }
0x4a: {  	[tilespmem:s9+$0x410] =	vst v0  }
0x4b: {  	[tilespmem:s9+$0x400] =	vst v0  }
0x4c: {  	[tilespmem:s9+$0x3F0] =	vst v0  }
0x4d: {  	[tilespmem:s9+$0x3E0] =	vst v0  }
0x4e: {  	[tilespmem:s9+$0x3D0] =	vst v0  }
0x4f: {  	[tilespmem:s9+$0x3C0] =	vst v0  }
0x50: {  	[tilespmem:s9+$0x3B0] =	vst v0  }
0x51: {  	[tilespmem:s9+$0x3A0] =	vst v0  }
0x52: {  	[tilespmem:s9+$0x390] =	vst v0  }
0x53: {  	[tilespmem:s9+$0x380] =	vst v0  }
0x54: {  	[tilespmem:s9+$0x370] =	vst v0  }
0x55: {  	[tilespmem:s9+$0x360] =	vst v0  }
0x56: {  	[tilespmem:s9+$0x350] =	vst v0  }
0x57: {  	[tilespmem:s9+$0x340] =	vst v0  }
0x58: {  	[tilespmem:s9+$0x330] =	vst v0  }
0x59: {  	[tilespmem:s9+$0x320] =	vst v0  }
0x5a: {  	[tilespmem:s9+$0x310] =	vst v0  }
0x5b: {  	[tilespmem:s9+$0x300] =	vst v0  }
0x5c: {  	[tilespmem:s9+$0x2F0] =	vst v0  }
0x5d: {  	[tilespmem:s9+$0x2E0] =	vst v0  }
0x5e: {  	[tilespmem:s9+$0x2D0] =	vst v0  }
0x5f: {  	[tilespmem:s9+$0x2C0] =	vst v0  }
0x60: {  	[tilespmem:s9+$0x2B0] =	vst v0  }
0x61: {  	[tilespmem:s9+$0x2A0] =	vst v0  }
0x62: {  	[tilespmem:s9+$0x290] =	vst v0  }
0x63: {  	[tilespmem:s9+$0x280] =	vst v0  }
0x64: {  	[tilespmem:s9+$0x270] =	vst v0  }
0x65: {  	[tilespmem:s9+$0x260] =	vst v0  }
0x66: {  	[tilespmem:s9+$0x250] =	vst v0  }
0x67: {  	[tilespmem:s9+$0x240] =	vst v0  }
0x68: {  	[tilespmem:s9+$0x230] =	vst v0  }
0x69: {  	[tilespmem:s9+$0x220] =	vst v0  }
0x6a: {  	[tilespmem:s9+$0x210] =	vst v0  }
0x6b: {  	[tilespmem:s9+$0x200] =	vst v0  }
0x6c: {  	[tilespmem:s9+$0x1F0] =	vst v0  }
0x6d: {  	[tilespmem:s9+$0x1E0] =	vst v0  }
0x6e: {  	[tilespmem:s9+$0x1D0] =	vst v0  }
0x6f: {  	[tilespmem:s9+$0x1C0] =	vst v0  }
0x70: {  	[tilespmem:s9+$0x1B0] =	vst v0  }
0x71: {  	[tilespmem:s9+$0x1A0] =	vst v0  }
0x72: {  	[tilespmem:s9+$0x190] =	vst v0  }
0x73: {  	[tilespmem:s9+$0x180] =	vst v0  }
0x74: {  	[tilespmem:s9+$0x170] =	vst v0  }
0x75: {  	[tilespmem:s9+$0x160] =	vst v0  }
0x76: {  	[tilespmem:s9+$0x150] =	vst v0  }
0x77: {  	[tilespmem:s9+$0x140] =	vst v0  }
0x78: {  	[tilespmem:s9+$0x130] =	vst v0  }
0x79: {  	[tilespmem:s9+$0x120] =	vst v0  }
0x7a: {  	[tilespmem:s9+$0x110] =	vst v0  }
0x7b: {  	[tilespmem:s9+$0x100] =	vst v0  }
0x7c: {  	[tilespmem:s9+$0xF0] =	vst v0  }
0x7d: {  	[tilespmem:s9+$0xE0] =	vst v0  }
0x7e: {  	[tilespmem:s9+$0xD0] =	vst v0  }
0x7f: {  	[tilespmem:s9+$0xC0] =	vst v0  }
0x80: {  	[tilespmem:s9+$0xB0] =	vst v0  }
0x81: {  	[tilespmem:s9+$0xA0] =	vst v0  }
0x82: {  	[tilespmem:s9+$0x90] =	vst v0  }
0x83: {  	[tilespmem:s9+$0x80] =	vst v0  }
0x84: {  	[tilespmem:s9+$0x70] =	vst v0  }
0x85: {  	[tilespmem:s9+$0x60] =	vst v0  }
0x86: {  	[tilespmem:s9+$0x50] =	vst v0  }
0x87: {  	[tilespmem:s9+$0x40] =	vst v0  }
0x88: {  	[tilespmem:s9+$0x30] =	vst v0  }
0x89: {  	[tilespmem:s9+$0x20] =	vst v0  }
0x8a: {  	[tilespmem:s9+$0x10] =	vst v0  }
0x8b: {  	[tilespmem:s9+$0x0] =	vst v0  }
0x8c: {  	[tilespmem:s9+$0xFFFFFFF0] =	vst v0  }
0x8d: {  	[tilespmem:s9+$0xFFFFFFE0] =	vst v0  }
0x8e: {  	[tilespmem:s9+$0xFFFFFFD0] =	vst v0  }
0x8f: {  	[tilespmem:s9+$0xFFFFFFC0] =	vst v0  }
0x90: {  	[tilespmem:s9+$0xFFFFFFB0] =	vst v0  }
0x91: {  	[tilespmem:s9+$0xFFFFFFA0] =	vst v0  }
0x92: {  	[tilespmem:s9+$0xFFFFFF90] =	vst v0  }
0x93: {  	[tilespmem:s9+$0xFFFFFF80] =	vst v0  }
0x94: {  	[tilespmem:s9+$0xFFFFFF70] =	vst v0  }
0x95: {  	[tilespmem:s9+$0xFFFFFF60] =	vst v0  }
0x96: {  	[tilespmem:s9+$0xFFFFFF50] =	vst v0  }
0x97: {  	[tilespmem:s9+$0xFFFFFF40] =	vst v0  }
0x98: {  	[tilespmem:s9+$0xFFFFFF30] =	vst v0  }
0x99: {  	[tilespmem:s9+$0xFFFFFF20] =	vst v0  }
0x9a: {  	[tilespmem:s9+$0xFFFFFF10] =	vst v0  }
0x9b: {  	[tilespmem:s9+$0xFFFFFF00] =	vst v0  }
0x9c: {  	[tilespmem:s9+$0xFFFFFEF0] =	vst v0  }
0x9d: {  	[tilespmem:s9+$0xFFFFFEE0] =	vst v0  }
0x9e: {  	[tilespmem:s9+$0xFFFFFED0] =	vst v0  }
0x9f: {  	[tilespmem:s9+$0xFFFFFEC0] =	vst v0  }
0xa0: {  	[tilespmem:s9+$0xFFFFFEB0] =	vst v0  }
0xa1: {  	[tilespmem:s9+$0xFFFFFEA0] =	vst v0  }
0xa2: {  	[tilespmem:s9+$0xFFFFFE90] =	vst v0  }
0xa3: {  	[tilespmem:s9+$0xFFFFFE80] =	vst v0  }
0xa4: {  	[tilespmem:s9+$0xFFFFFE70] =	vst v0  }
0xa5: {  	[tilespmem:s9+$0xFFFFFE60] =	vst v0  }
0xa6: {  	[tilespmem:s9+$0xFFFFFE50] =	vst v0  }
0xa7: {  	[tilespmem:s9+$0xFFFFFE40] =	vst v0  }
0xa8: {  	[tilespmem:s9+$0xFFFFFE30] =	vst v0  }
0xa9: {  	[tilespmem:s9+$0xFFFFFE20] =	vst v0  }
0xaa: {  	[tilespmem:s9+$0xFFFFFE10] =	vst v0  }
0xab: {  	[tilespmem:s9+$0xFFFFFE00] =	vst v0  }
0xac: {  	[tilespmem:s9+$0xFFFFFDF0] =	vst v0  }
0xad: {  	[tilespmem:s9+$0xFFFFFDE0] =	vst v0  }
0xae: {  	[tilespmem:s9+$0xFFFFFDD0] =	vst v0  }
0xaf: {  	[tilespmem:s9+$0xFFFFFDC0] =	vst v0  }
0xb0: {  	[tilespmem:s9+$0xFFFFFDB0] =	vst v0  }
0xb1: {  	[tilespmem:s9+$0xFFFFFDA0] =	vst v0  }
0xb2: {  	[tilespmem:s9+$0xFFFFFD90] =	vst v0  }
0xb3: {  	[tilespmem:s9+$0xFFFFFD80] =	vst v0  }
0xb4: {  	[tilespmem:s9+$0xFFFFFD70] =	vst v0  }
0xb5: {  	[tilespmem:s9+$0xFFFFFD60] =	vst v0  }
0xb6: {  	[tilespmem:s9+$0xFFFFFD50] =	vst v0  }
0xb7: {  	[tilespmem:s9+$0xFFFFFD40] =	vst v0  }
0xb8: {  	[tilespmem:s9+$0xFFFFFD30] =	vst v0  }
0xb9: {  	[tilespmem:s9+$0xFFFFFD20] =	vst v0  }
0xba: {  	[tilespmem:s9+$0xFFFFFD10] =	vst v0  }
0xbb: {  	[tilespmem:s9+$0xFFFFFD00] =	vst v0  }
0xbc: {  	[tilespmem:s9+$0xFFFFFCF0] =	vst v0  }
0xbd: {  	[tilespmem:s9+$0xFFFFFCE0] =	vst v0  }
0xbe: {  	[tilespmem:s9+$0xFFFFFCD0] =	vst v0  }
0xbf: {  	[tilespmem:s9+$0xFFFFFCC0] =	vst v0  }
0xc0: {  	[tilespmem:s9+$0xFFFFFCB0] =	vst v0  }
0xc1: {  	[tilespmem:s9+$0xFFFFFCA0] =	vst v0  }
0xc2: {  	[tilespmem:s9+$0xFFFFFC90] =	vst v0  }
0xc3: {  	[tilespmem:s9+$0xFFFFFC80] =	vst v0  }
0xc4: {  	[tilespmem:s9+$0xFFFFFC70] =	vst v0  }
0xc5: {  	[tilespmem:s9+$0xFFFFFC60] =	vst v0  }
0xc6: {  	[tilespmem:s9+$0xFFFFFC50] =	vst v0  }
0xc7: {  	[tilespmem:s9+$0xFFFFFC40] =	vst v0  }
0xc8: {  	[tilespmem:s9+$0xFFFFFC30] =	vst v0  }
0xc9: {  	[tilespmem:s9+$0xFFFFFC20] =	vst v0  }
0xca: {  	[tilespmem:s9+$0xFFFFFC10] =	vst v0  }
0xcb: {  	[tilespmem:s9+$0xFFFFFC00] =	vst v0  }
0xcc: {  	[tilespmem:s9+$0xFFFFFBF0] =	vst v0  }
0xcd: {  	[tilespmem:s9+$0xFFFFFBE0] =	vst v0  }
0xce: {  	[tilespmem:s9+$0xFFFFFBD0] =	vst v0  }
0xcf: {  	[tilespmem:s9+$0xFFFFFBC0] =	vst v0  }
0xd0: {  	[tilespmem:s9+$0xFFFFFBB0] =	vst v0  }
0xd1: {  	[tilespmem:s9+$0xFFFFFBA0] =	vst v0  }
0xd2: {  	[tilespmem:s9+$0xFFFFFB90] =	vst v0  }
0xd3: {  	[tilespmem:s9+$0xFFFFFB80] =	vst v0  }
0xd4: {  	[tilespmem:s9+$0xFFFFFB70] =	vst v0  }
0xd5: {  	[tilespmem:s9+$0xFFFFFB60] =	vst v0  }
0xd6: {  	[tilespmem:s9+$0xFFFFFB50] =	vst v0  }
0xd7: {  	[tilespmem:s9+$0xFFFFFB40] =	vst v0  }
0xd8: {  	[tilespmem:s9+$0xFFFFFB30] =	vst v0  }
0xd9: {  	[tilespmem:s9+$0xFFFFFB20] =	vst v0  }
0xda: {  	[tilespmem:s9+$0xFFFFFB10] =	vst v0  }
0xdb: {  	[tilespmem:s9+$0xFFFFFB00] =	vst v0  }
0xdc: {  	[tilespmem:s9+$0xFFFFFAF0] =	vst v0  }
0xdd: {  	[tilespmem:s9+$0xFFFFFAE0] =	vst v0  }
0xde: {  	[tilespmem:s9+$0xFFFFFAD0] =	vst v0  }
0xdf: {  	[tilespmem:s9+$0xFFFFFAC0] =	vst v0  }
0xe0: {  	[tilespmem:s9+$0xFFFFFAB0] =	vst v0  }
0xe1: {  	[tilespmem:s9+$0xFFFFFAA0] =	vst v0  }
0xe2: {  	[tilespmem:s9+$0xFFFFFA90] =	vst v0  }
0xe3: {  	[tilespmem:s9+$0xFFFFFA80] =	vst v0  }
0xe4: {  	[tilespmem:s9+$0xFFFFFA70] =	vst v0  }
0xe5: {  	[tilespmem:s9+$0xFFFFFA60] =	vst v0  }
0xe6: {  	[tilespmem:s9+$0xFFFFFA50] =	vst v0  }
0xe7: {  	[tilespmem:s9+$0xFFFFFA40] =	vst v0  }
0xe8: {  	[tilespmem:s9+$0xFFFFFA30] =	vst v0  }
0xe9: {  	s3 =	simm.s32 $0x1400;
	s10 =	simm.s32 $0x0;
	[tilespmem:s9+$0xFFFFFA20] =	vst v0  }
.LBB2_2:
0xea: {  	s10 =	sadd.s32 $0x3, s10;
	[tilespmem:s9+$0xFFFFFA10] =	vst v0;
	s9 =	sadd.s32 $0xC00, s9  }
0xeb: {  	[tilespmem:s9+$0xFFFFFA00] =	vst v0;
	p0 =	slt.u32 s10, $0x1E  }
0xec: {  	[tilespmem:s9+$0x5F0] =	vst v0  }
0xed: {  	[tilespmem:s9+$0x5E0] =	vst v0  }
0xee: {  	[tilespmem:s9+$0x5D0] =	vst v0  }
0xef: {  	[tilespmem:s9+$0x5C0] =	vst v0  }
0xf0: {  	[tilespmem:s9+$0x5B0] =	vst v0  }
0xf1: {  	[tilespmem:s9+$0x5A0] =	vst v0  }
0xf2: {  	[tilespmem:s9+$0x590] =	vst v0  }
0xf3: {  	[tilespmem:s9+$0x580] =	vst v0  }
0xf4: {  	[tilespmem:s9+$0x570] =	vst v0  }
0xf5: {  	[tilespmem:s9+$0x560] =	vst v0  }
0xf6: {  	[tilespmem:s9+$0x550] =	vst v0  }
0xf7: {  	[tilespmem:s9+$0x540] =	vst v0  }
0xf8: {  	[tilespmem:s9+$0x530] =	vst v0  }
0xf9: {  	[tilespmem:s9+$0x520] =	vst v0  }
0xfa: {  	[tilespmem:s9+$0x510] =	vst v0  }
0xfb: {  	[tilespmem:s9+$0x500] =	vst v0  }
0xfc: {  	[tilespmem:s9+$0x4F0] =	vst v0  }
0xfd: {  	[tilespmem:s9+$0x4E0] =	vst v0  }
0xfe: {  	[tilespmem:s9+$0x4D0] =	vst v0  }
0xff: {  	[tilespmem:s9+$0x4C0] =	vst v0  }
0x100: {  	[tilespmem:s9+$0x4B0] =	vst v0  }
0x101: {  	[tilespmem:s9+$0x4A0] =	vst v0  }
0x102: {  	[tilespmem:s9+$0x490] =	vst v0  }
0x103: {  	[tilespmem:s9+$0x480] =	vst v0  }
0x104: {  	[tilespmem:s9+$0x470] =	vst v0  }
0x105: {  	[tilespmem:s9+$0x460] =	vst v0  }
0x106: {  	[tilespmem:s9+$0x450] =	vst v0  }
0x107: {  	[tilespmem:s9+$0x440] =	vst v0  }
0x108: {  	[tilespmem:s9+$0x430] =	vst v0  }
0x109: {  	[tilespmem:s9+$0x420] =	vst v0  }
0x10a: {  	[tilespmem:s9+$0x410] =	vst v0  }
0x10b: {  	[tilespmem:s9+$0x400] =	vst v0  }
0x10c: {  	[tilespmem:s9+$0x3F0] =	vst v0  }
0x10d: {  	[tilespmem:s9+$0x3E0] =	vst v0  }
0x10e: {  	[tilespmem:s9+$0x3D0] =	vst v0  }
0x10f: {  	[tilespmem:s9+$0x3C0] =	vst v0  }
0x110: {  	[tilespmem:s9+$0x3B0] =	vst v0  }
0x111: {  	[tilespmem:s9+$0x3A0] =	vst v0  }
0x112: {  	[tilespmem:s9+$0x390] =	vst v0  }
0x113: {  	[tilespmem:s9+$0x380] =	vst v0  }
0x114: {  	[tilespmem:s9+$0x370] =	vst v0  }
0x115: {  	[tilespmem:s9+$0x360] =	vst v0  }
0x116: {  	[tilespmem:s9+$0x350] =	vst v0  }
0x117: {  	[tilespmem:s9+$0x340] =	vst v0  }
0x118: {  	[tilespmem:s9+$0x330] =	vst v0  }
0x119: {  	[tilespmem:s9+$0x320] =	vst v0  }
0x11a: {  	[tilespmem:s9+$0x310] =	vst v0  }
0x11b: {  	[tilespmem:s9+$0x300] =	vst v0  }
0x11c: {  	[tilespmem:s9+$0x2F0] =	vst v0  }
0x11d: {  	[tilespmem:s9+$0x2E0] =	vst v0  }
0x11e: {  	[tilespmem:s9+$0x2D0] =	vst v0  }
0x11f: {  	[tilespmem:s9+$0x2C0] =	vst v0  }
0x120: {  	[tilespmem:s9+$0x2B0] =	vst v0  }
0x121: {  	[tilespmem:s9+$0x2A0] =	vst v0  }
0x122: {  	[tilespmem:s9+$0x290] =	vst v0  }
0x123: {  	[tilespmem:s9+$0x280] =	vst v0  }
0x124: {  	[tilespmem:s9+$0x270] =	vst v0  }
0x125: {  	[tilespmem:s9+$0x260] =	vst v0  }
0x126: {  	[tilespmem:s9+$0x250] =	vst v0  }
0x127: {  	[tilespmem:s9+$0x240] =	vst v0  }
0x128: {  	[tilespmem:s9+$0x230] =	vst v0  }
0x129: {  	[tilespmem:s9+$0x220] =	vst v0  }
0x12a: {  	[tilespmem:s9+$0x210] =	vst v0  }
0x12b: {  	[tilespmem:s9+$0x200] =	vst v0  }
0x12c: {  	[tilespmem:s9+$0x1F0] =	vst v0  }
0x12d: {  	[tilespmem:s9+$0x1E0] =	vst v0  }
0x12e: {  	[tilespmem:s9+$0x1D0] =	vst v0  }
0x12f: {  	[tilespmem:s9+$0x1C0] =	vst v0  }
0x130: {  	[tilespmem:s9+$0x1B0] =	vst v0  }
0x131: {  	[tilespmem:s9+$0x1A0] =	vst v0  }
0x132: {  	[tilespmem:s9+$0x190] =	vst v0  }
0x133: {  	[tilespmem:s9+$0x180] =	vst v0  }
0x134: {  	[tilespmem:s9+$0x170] =	vst v0  }
0x135: {  	[tilespmem:s9+$0x160] =	vst v0  }
0x136: {  	[tilespmem:s9+$0x150] =	vst v0  }
0x137: {  	[tilespmem:s9+$0x140] =	vst v0  }
0x138: {  	[tilespmem:s9+$0x130] =	vst v0  }
0x139: {  	[tilespmem:s9+$0x120] =	vst v0  }
0x13a: {  	[tilespmem:s9+$0x110] =	vst v0  }
0x13b: {  	[tilespmem:s9+$0x100] =	vst v0  }
0x13c: {  	[tilespmem:s9+$0xF0] =	vst v0  }
0x13d: {  	[tilespmem:s9+$0xE0] =	vst v0  }
0x13e: {  	[tilespmem:s9+$0xD0] =	vst v0  }
0x13f: {  	[tilespmem:s9+$0xC0] =	vst v0  }
0x140: {  	[tilespmem:s9+$0xB0] =	vst v0  }
0x141: {  	[tilespmem:s9+$0xA0] =	vst v0  }
0x142: {  	[tilespmem:s9+$0x90] =	vst v0  }
0x143: {  	[tilespmem:s9+$0x80] =	vst v0  }
0x144: {  	[tilespmem:s9+$0x70] =	vst v0  }
0x145: {  	[tilespmem:s9+$0x60] =	vst v0  }
0x146: {  	[tilespmem:s9+$0x50] =	vst v0  }
0x147: {  	[tilespmem:s9+$0x40] =	vst v0  }
0x148: {  	[tilespmem:s9+$0x30] =	vst v0  }
0x149: {  	[tilespmem:s9+$0x20] =	vst v0  }
0x14a: {  	[tilespmem:s9+$0x10] =	vst v0  }
0x14b: {  	[tilespmem:s9+$0x0] =	vst v0  }
0x14c: {  	[tilespmem:s9+$0xFFFFFFF0] =	vst v0  }
0x14d: {  	[tilespmem:s9+$0xFFFFFFE0] =	vst v0  }
0x14e: {  	[tilespmem:s9+$0xFFFFFFD0] =	vst v0  }
0x14f: {  	[tilespmem:s9+$0xFFFFFFC0] =	vst v0  }
0x150: {  	[tilespmem:s9+$0xFFFFFFB0] =	vst v0  }
0x151: {  	[tilespmem:s9+$0xFFFFFFA0] =	vst v0  }
0x152: {  	[tilespmem:s9+$0xFFFFFF90] =	vst v0  }
0x153: {  	[tilespmem:s9+$0xFFFFFF80] =	vst v0  }
0x154: {  	[tilespmem:s9+$0xFFFFFF70] =	vst v0  }
0x155: {  	[tilespmem:s9+$0xFFFFFF60] =	vst v0  }
0x156: {  	[tilespmem:s9+$0xFFFFFF50] =	vst v0  }
0x157: {  	[tilespmem:s9+$0xFFFFFF40] =	vst v0  }
0x158: {  	[tilespmem:s9+$0xFFFFFF30] =	vst v0  }
0x159: {  	[tilespmem:s9+$0xFFFFFF20] =	vst v0  }
0x15a: {  	[tilespmem:s9+$0xFFFFFF10] =	vst v0  }
0x15b: {  	[tilespmem:s9+$0xFFFFFF00] =	vst v0  }
0x15c: {  	[tilespmem:s9+$0xFFFFFEF0] =	vst v0  }
0x15d: {  	[tilespmem:s9+$0xFFFFFEE0] =	vst v0  }
0x15e: {  	[tilespmem:s9+$0xFFFFFED0] =	vst v0  }
0x15f: {  	[tilespmem:s9+$0xFFFFFEC0] =	vst v0  }
0x160: {  	[tilespmem:s9+$0xFFFFFEB0] =	vst v0  }
0x161: {  	[tilespmem:s9+$0xFFFFFEA0] =	vst v0  }
0x162: {  	[tilespmem:s9+$0xFFFFFE90] =	vst v0  }
0x163: {  	[tilespmem:s9+$0xFFFFFE80] =	vst v0  }
0x164: {  	[tilespmem:s9+$0xFFFFFE70] =	vst v0  }
0x165: {  	[tilespmem:s9+$0xFFFFFE60] =	vst v0  }
0x166: {  	[tilespmem:s9+$0xFFFFFE50] =	vst v0  }
0x167: {  	[tilespmem:s9+$0xFFFFFE40] =	vst v0  }
0x168: {  	[tilespmem:s9+$0xFFFFFE30] =	vst v0  }
0x169: {  	[tilespmem:s9+$0xFFFFFE20] =	vst v0  }
0x16a: {  	[tilespmem:s9+$0xFFFFFE10] =	vst v0  }
0x16b: {  	[tilespmem:s9+$0xFFFFFE00] =	vst v0  }
0x16c: {  	[tilespmem:s9+$0xFFFFFDF0] =	vst v0  }
0x16d: {  	[tilespmem:s9+$0xFFFFFDE0] =	vst v0  }
0x16e: {  	[tilespmem:s9+$0xFFFFFDD0] =	vst v0  }
0x16f: {  	[tilespmem:s9+$0xFFFFFDC0] =	vst v0  }
0x170: {  	[tilespmem:s9+$0xFFFFFDB0] =	vst v0  }
0x171: {  	[tilespmem:s9+$0xFFFFFDA0] =	vst v0  }
0x172: {  	[tilespmem:s9+$0xFFFFFD90] =	vst v0  }
0x173: {  	[tilespmem:s9+$0xFFFFFD80] =	vst v0  }
0x174: {  	[tilespmem:s9+$0xFFFFFD70] =	vst v0  }
0x175: {  	[tilespmem:s9+$0xFFFFFD60] =	vst v0  }
0x176: {  	[tilespmem:s9+$0xFFFFFD50] =	vst v0  }
0x177: {  	[tilespmem:s9+$0xFFFFFD40] =	vst v0  }
0x178: {  	[tilespmem:s9+$0xFFFFFD30] =	vst v0  }
0x179: {  	[tilespmem:s9+$0xFFFFFD20] =	vst v0  }
0x17a: {  	[tilespmem:s9+$0xFFFFFD10] =	vst v0  }
0x17b: {  	[tilespmem:s9+$0xFFFFFD00] =	vst v0  }
0x17c: {  	[tilespmem:s9+$0xFFFFFCF0] =	vst v0  }
0x17d: {  	[tilespmem:s9+$0xFFFFFCE0] =	vst v0  }
0x17e: {  	[tilespmem:s9+$0xFFFFFCD0] =	vst v0  }
0x17f: {  	[tilespmem:s9+$0xFFFFFCC0] =	vst v0  }
0x180: {  	[tilespmem:s9+$0xFFFFFCB0] =	vst v0  }
0x181: {  	[tilespmem:s9+$0xFFFFFCA0] =	vst v0  }
0x182: {  	[tilespmem:s9+$0xFFFFFC90] =	vst v0  }
0x183: {  	[tilespmem:s9+$0xFFFFFC80] =	vst v0  }
0x184: {  	[tilespmem:s9+$0xFFFFFC70] =	vst v0  }
0x185: {  	[tilespmem:s9+$0xFFFFFC60] =	vst v0  }
0x186: {  	[tilespmem:s9+$0xFFFFFC50] =	vst v0  }
0x187: {  	[tilespmem:s9+$0xFFFFFC40] =	vst v0  }
0x188: {  	[tilespmem:s9+$0xFFFFFC30] =	vst v0  }
0x189: {  	[tilespmem:s9+$0xFFFFFC20] =	vst v0  }
0x18a: {  	[tilespmem:s9+$0xFFFFFC10] =	vst v0  }
0x18b: {  	[tilespmem:s9+$0xFFFFFC00] =	vst v0  }
0x18c: {  	[tilespmem:s9+$0xFFFFFBF0] =	vst v0  }
0x18d: {  	[tilespmem:s9+$0xFFFFFBE0] =	vst v0  }
0x18e: {  	[tilespmem:s9+$0xFFFFFBD0] =	vst v0  }
0x18f: {  	[tilespmem:s9+$0xFFFFFBC0] =	vst v0  }
0x190: {  	[tilespmem:s9+$0xFFFFFBB0] =	vst v0  }
0x191: {  	[tilespmem:s9+$0xFFFFFBA0] =	vst v0  }
0x192: {  	[tilespmem:s9+$0xFFFFFB90] =	vst v0  }
0x193: {  	[tilespmem:s9+$0xFFFFFB80] =	vst v0  }
0x194: {  	[tilespmem:s9+$0xFFFFFB70] =	vst v0  }
0x195: {  	[tilespmem:s9+$0xFFFFFB60] =	vst v0  }
0x196: {  	[tilespmem:s9+$0xFFFFFB50] =	vst v0  }
0x197: {  	[tilespmem:s9+$0xFFFFFB40] =	vst v0  }
0x198: {  	[tilespmem:s9+$0xFFFFFB30] =	vst v0  }
0x199: {  	[tilespmem:s9+$0xFFFFFB20] =	vst v0  }
0x19a: {  	[tilespmem:s9+$0xFFFFFB10] =	vst v0  }
0x19b: {  	[tilespmem:s9+$0xFFFFFB00] =	vst v0  }
0x19c: {  	[tilespmem:s9+$0xFFFFFAF0] =	vst v0  }
0x19d: {  	[tilespmem:s9+$0xFFFFFAE0] =	vst v0  }
0x19e: {  	[tilespmem:s9+$0xFFFFFAD0] =	vst v0  }
0x19f: {  	[tilespmem:s9+$0xFFFFFAC0] =	vst v0  }
0x1a0: {  	[tilespmem:s9+$0xFFFFFAB0] =	vst v0  }
0x1a1: {  	[tilespmem:s9+$0xFFFFFAA0] =	vst v0  }
0x1a2: {  	[tilespmem:s9+$0xFFFFFA90] =	vst v0  }
0x1a3: {  	[tilespmem:s9+$0xFFFFFA80] =	vst v0  }
0x1a4: {  	[tilespmem:s9+$0xFFFFFA70] =	vst v0  }
.Ltmp0:
0x1a5: {  	[tilespmem:s9+$0xFFFFFA60] =	vst v0;
	(pc) =	sbr.rel @p0 .LBB2_2-.Ltmp0, $4  }
0x1a6: {  	[tilespmem:s9+$0xFFFFFA50] =	vst v0  }
0x1a7: {  	[tilespmem:s9+$0xFFFFFA40] =	vst v0  }
0x1a8: {  	[tilespmem:s9+$0xFFFFFA30] =	vst v0  }
0x1a9: {  	[tilespmem:s9+$0xFFFFFA20] =	vst v0  }
0x1aa: {  	[tilespmem:s9+$0xFFFFFA10] =	vst v0;
	s0 =	simm.s32 $0x4  }
0x1ab: {  	_ =	swait.ge [sflag:s0], $0x400  }
0x1ac: {  	[sflag:s0] =	ssyncset.done $0x0  }
0x1ad: {  	s23 =	simm.s32 $0x0;
	[sflag:s0] =	ssyncadd.s32 $0xFFFFFC00  }
0x1ae: {  	s6 =	simm.s32 $0x400;
	s26 =	simm.s32 $0x0;
	_ =	swait.ge [sflag:s0], $0x400  }
0x1af: {  	s16 =	sand.u32 $0x40, s23;
	s19 =	sand.u32 $0xFFFFFF80, s26;
	[sflag:s0] =	ssyncset.done $0x0  }
0x1b0: {  	s17 =	sor.u32 $0x30, s16;
	s2 =	rddreg [dreg:$0x6];
	[sflag:s0] =	ssyncadd.s32 $0xFFFFFC00  }
0x1b1: {  	[tilespmem:s6], [sflag:$0x5] =	stream.linear.gather [hbm4b:s2+s23], $0x400, $0x38;
	[tilespmem:$0x1B400] =	vst v63  }
0x1b2: {  	s25 =	simm.s32 $0x1800;
	s12 =	sor.u32 s19, s17;
	s24 =	rddreg [dreg:$0x7]  }
0x1b3: {  	[tilespmem:s25], [sflag:$0x5] =	stream.linear.gather [hbm4b:s24+s23], $0x400, $0x38;
	[tilespmem:$0x1B400] =	vst v63  }
0x1b4: {  	s22 =	sor.u32 $0x10, s16;
	s13 =	sor.u32 s16, s19;
	v3 =	vld [tilespmem:s12+$0x0]  }
0x1b5: {  	s14 =	sor.u32 s19, s22;
	s25 =	sor.u32 $0x20, s16;
	v4 =	vld [tilespmem:s13+$0x0]  }
0x1b6: {  	v5 =	vld [tilespmem:s14+$0x0];
	s21 =	sor.u32 s19, s25  }
0x1b7: {  	v6 =	vld [tilespmem:s21+$0x0];
	_ =	sdelay $0x1  }
0x1b8: {  	s28 =	simm.s32 $0x40  }
0x1b9: {  	s29 =	simm.s32 $0x40;
	s10 =	sand.u32 $0x40, s28;
	v7 =	vshll.u32 v3, $0xA;
	v8 =	vshll.u32 v4, $0xA  }
0x1ba: {  	s15 =	sor.u32 $0x30, s10;
	s0 =	sand.u32 $0xFFFFFF80, s29;
	vm0 =	vlt.u32 v4, $0x21;
	vm1 =	vlt.u32 v3, $0x21;
	vm2 =	vlt.u32 v5, $0x21  }
0x1bb: {  	s23 =	sor.u32 s0, s15;
	v4 =	vor.u32 s17, v7;
	v8 =	vor.u32 s16, v8;
	v9 =	vshll.u32 v6, $0xA  }
0x1bc: {  	s9 =	sor.u32 $0x10, s10;
	s28 =	sor.u32 s10, s0;
	v7 =	vld [tilespmem:s23+$0x0];
	vm3 =	vlt.u32 v6, $0x21;
	v3 =	vadd.s32 s19, v4;
	v4 =	vshll.u32 v5, $0xA  }
0x1bd: {  	s26 =	sor.u32 s0, s9;
	v10 =	vld [tilespmem:s28+$0x0];
	v8 =	vadd.s32 s19, v8;
	v9 =	vor.u32 s25, v9;
	v3 =	vor.u32 v1, v3  }
0x1be: {  	v5 =	vld [tilespmem:s26+$0x0];
	v4 =	vor.u32 s22, v4;
	v8 =	vor.u32 v1, v8;
	v9 =	vadd.s32 s19, v9  }
0x1bf: {  	v4 =	vadd.s32 s19, v4;
	v6 =	vor.u32 v1, v9  }
0x1c0: {  	s11 =	sor.u32 $0x20, s10;
	v4 =	vor.u32 v1, v4  }
0x1c1: {  	s24 =	sor.u32 s0, s11;
	v9 =	vshll.u32 v7, $0xA  }
0x1c2: {  	v12 =	vshll.u32 v10, $0xA;
	v9 =	vor.u32 s15, v9;
	[tilespmem:v3+s1+$0x0] =	vst.idx.msk vm1, v2;
	v3 =	vld [tilespmem:s24+$0x0]  }
0x1c3: {  	vm1 =	vlt.u32 v7, $0x21;
	v7 =	vadd.s32 s0, v9;
	[tilespmem:v8+s1+$0x0] =	vst.idx.msk vm0, v2;
	v8 =	vshll.u32 v5, $0xA;
	v11 =	vld [tilespmem:s12+$0x1400]  }
0x1c4: {  	s18 =	simm.s32 $0x80;
	v9 =	vor.u32 s10, v12;
	vm0 =	vlt.u32 v10, $0x21;
	v7 =	vor.u32 v1, v7;
	v63 =	vld [tilespmem:s13+$0x1400];
	[tilespmem:v6+s1+$0x0] =	vst.idx.msk vm3, v2  }
0x1c5: {  	s30 =	simm.s32 $0x80;
	s12 =	sand.u32 $0x40, s18;
	vm3 =	vlt.u32 v5, $0x21;
	[tilespmem:v4+s1+$0x0] =	vst.idx.msk vm2, v2;
	v4 =	vor.u32 s9, v8;
	v8 =	vadd.s32 s0, v9;
	v5 =	vld [tilespmem:s21+$0x1400]  }
0x1c6: {  	s13 =	sor.u32 $0x30, s12;
	v9 =	vld [tilespmem:s14+$0x1400];
	s14 =	sand.u32 $0xFFFFFF80, s30;
	v6 =	vor.u32 v1, v8  }
0x1c7: {  	s21 =	sor.u32 s14, s13  }
0x1c8: {  	v4 =	vadd.s32 s0, v4;
	s30 =	sadd.s32 $0xA000, s19;
	v8 =	vshll.u32 v3, $0xA;
	v10 =	vld [tilespmem:s21+$0x0];
	vm2 =	vle.f32 v11, $-1.000000000e+00  }
0x1c9: {  	v4 =	vor.u32 v1, v4;
	s17 =	sor.u32 s17, s30;
	v8 =	vor.u32 s11, v8;
	[tilespmem:v7+s1+$0x0] =	vst.idx.msk vm1, v2;
	v11 =	vsel vm2, $0x3F800000, v0  }
0x1ca: {  	s19 =	sor.u32 s12, s14;
	vm1 =	vle.f32 v63, $-1.000000000e+00;
	v8 =	vadd.s32 s0, v8;
	vm2 =	vlt.u32 v3, $0x21;
	[tilespmem:s17+$0x0] =	vst v11  }
0x1cb: {  	s31 =	sor.u32 s16, s30;
	s16 =	sor.u32 $0x10, s12;
	v13 =	vld [tilespmem:s19+$0x0];
	vm4 =	vle.f32 v5, $-1.000000000e+00;
	v5 =	vsel vm1, $0x3F800000, v0;
	[tilespmem:v6+s1+$0x0] =	vst.idx.msk vm0, v2;
	vm0 =	vle.f32 v9, $-1.000000000e+00  }
0x1cc: {  	s22 =	sor.u32 s22, s30;
	v11 =	vld [tilespmem:s23+$0x1400];
	v14 =	vor.u32 v1, v8;
	[tilespmem:s31+$0x0] =	vst v5;
	s17 =	sor.u32 $0x20, s12;
	s23 =	sor.u32 s14, s16;
	v5 =	vsel vm0, $0x3F800000, v0  }
0x1cd: {  	v6 =	vshll.u32 v10, $0xA;
	[tilespmem:s22+$0x0] =	vst v5;
	s22 =	sor.u32 s14, s17;
	v5 =	vld [tilespmem:s23+$0x0]  }
0x1ce: {  	v9 =	vor.u32 s13, v6;
	v6 =	vld [tilespmem:s22+$0x0];
	_ =	sdelay $0x1  }
0x1cf: {  	v7 =	vsel vm4, $0x3F800000, v0;
	v3 =	vld [tilespmem:s28+$0x1400];
	[tilespmem:v4+s1+$0x0] =	vst.idx.msk vm3, v2;
	v8 =	vshll.u32 v13, $0xA;
	vm0 =	vlt.u32 v13, $0x21  }
0x1d0: {  	s0 =	sadd.s32 $0xA000, s0;
	v4 =	vld [tilespmem:s26+$0x1400];
	s26 =	sor.u32 s25, s30;
	s25 =	simm.s32 $0x8;
	vm1 =	vlt.u32 v10, $0x21;
	v9 =	vadd.s32 s14, v9;
	[tilespmem:v14+s1+$0x0] =	vst.idx.msk vm2, v2;
	vm2 =	vle.f32 v11, $-1.000000000e+00  }
.LBB2_4:
0x1d1: {  	s25 =	sadd.s32 $0x4, s25;
	v10 =	vshll.u32 v5, $0xA;
	v9 =	vor.u32 v1, v9;
	s18 =	sadd.s32 $0x40, s18;
	v11 =	vld [tilespmem:s24+$0x1400];
	v12 =	vsel vm2, $0x3F800000, v0;
	s15 =	sor.u32 s15, s0;
	[tilespmem:s26+$0x0] =	vst v7  }
0x1d2: {  	v7 =	vor.u32 s12, v8;
	s30 =	sor.u32 s10, s0;
	s24 =	sand.u32 $0x40, s18;
	s26 =	sshll.u32 s25, $0x4;
	v8 =	vor.u32 s16, v10;
	v10 =	vshll.u32 v6, $0xA;
	[tilespmem:s15+$0x0] =	vst v12  }
0x1d3: {  	v7 =	vadd.s32 s14, v7;
	s28 =	sand.u32 $0xFFFFFF80, s26;
	s15 =	sor.u32 $0x10, s24;
	s7 =	sor.u32 $0x30, s24;
	v8 =	vadd.s32 s14, v8;
	v10 =	vor.u32 s17, v10  }
0x1d4: {  	s29 =	sor.u32 $0x20, s24;
	v12 =	vor.u32 v1, v7;
	s2 =	sor.u32 s24, s28;
	s6 =	sor.u32 s28, s7;
	v13 =	vor.u32 v1, v8;
	v7 =	vadd.s32 s14, v10  }
0x1d5: {  	vm3 =	vlt.u32 v5, $0x21;
	s31 =	sor.u32 s9, s0;
	vm2 =	vlt.u32 v6, $0x21;
	s20 =	sor.u32 s28, s15;
	s8 =	sor.u32 s28, s29;
	v10 =	vld [tilespmem:s6+$0x0];
	v14 =	vor.u32 v1, v7  }
0x1d6: {  	s10 =	smov.u32 s12;
	p0 =	slt.u32 s25, $0x3C;
	s26 =	sor.u32 s11, s0;
	vm4 =	vle.f32 v4, $-1.000000000e+00;
	v15 =	vld [tilespmem:s2+$0x0];
	[tilespmem:v9+s1+$0x0] =	vst.idx.msk vm1, v2;
	vm1 =	vle.f32 v3, $-1.000000000e+00;
	vm5 =	vle.f32 v11, $-1.000000000e+00  }
0x1d7: {  	s9 =	smov.u32 s16;
	s12 =	smov.u32 s24;
	s16 =	smov.u32 s15;
	v4 =	vsel vm4, $0x3F800000, v0;
	v11 =	vld [tilespmem:s21+$0x1400];
	v3 =	vsel vm1, $0x3F800000, v0;
	v7 =	vsel vm5, $0x3F800000, v0  }
.Ltmp1:
0x1d8: {  	s15 =	smov.u32 s13;
	s13 =	smov.u32 s7;
	v5 =	vld [tilespmem:s20+$0x0];
	[tilespmem:s30+$0x0] =	vst v3;
	(pc) =	sbr.rel @p0 .LBB2_4-.Ltmp1, $4  }
0x1d9: {  	s11 =	smov.u32 s17;
	s17 =	smov.u32 s29;
	s21 =	smov.u32 s6;
	v6 =	vld [tilespmem:s8+$0x0];
	[tilespmem:v12+s1+$0x0] =	vst.idx.msk vm0, v2  }
0x1da: {  	s24 =	smov.u32 s22;
	s22 =	smov.u32 s8;
	v9 =	vshll.u32 v10, $0xA;
	v3 =	vld [tilespmem:s19+$0x1400];
	[tilespmem:s31+$0x0] =	vst v4;
	s19 =	smov.u32 s2  }
0x1db: {  	v8 =	vshll.u32 v15, $0xA;
	vm0 =	vlt.u32 v15, $0x21;
	v4 =	vor.u32 s13, v9;
	[tilespmem:v13+s1+$0x0] =	vst.idx.msk vm3, v2  }
0x1dc: {  	s0 =	sadd.s32 $0xA000, s14;
	s14 =	smov.u32 s28;
	vm1 =	vlt.u32 v10, $0x21;
	v9 =	vadd.s32 s28, v4;
	v4 =	vld [tilespmem:s23+$0x1400];
	[tilespmem:v14+s1+$0x0] =	vst.idx.msk vm2, v2;
	vm2 =	vle.f32 v11, $-1.000000000e+00;
	s23 =	smov.u32 s20  }
0x1dd: {  	v10 =	vshll.u32 v5, $0xA  }
0x1de: {  	v9 =	vor.u32 v1, v9;
	v8 =	vor.u32 s12, v8;
	vm3 =	vlt.u32 v5, $0x21  }
0x1df: {  	v10 =	vor.u32 s16, v10;
	v11 =	vshll.u32 v6, $0xA;
	v8 =	vadd.s32 s14, v8  }
0x1e0: {  	v10 =	vadd.s32 s14, v10;
	v11 =	vor.u32 s17, v11;
	v8 =	vor.u32 v1, v8  }
0x1e1: {  	vm4 =	vlt.u32 v6, $0x21;
	v53 =	vor.u32 v1, v10;
	v54 =	vadd.s32 s14, v11  }
0x1e2: {  	v55 =	vor.u32 v1, v54  }
0x1e3: {  	[tilespmem:s26+$0x0] =	vst v7;
	v56 =	vld [tilespmem:s24+$0x1400]  }
0x1e4: {  	[tilespmem:v9+s1+$0x0] =	vst.idx.msk vm1, v2  }
0x1e5: {  	v9 =	vld [tilespmem:s21+$0x1400];
	[tilespmem:v8+s1+$0x0] =	vst.idx.msk vm0, v2  }
0x1e6: {  	v8 =	vld [tilespmem:s19+$0x1400];
	[tilespmem:v53+s1+$0x0] =	vst.idx.msk vm3, v2  }
0x1e7: {  	v57 =	vsel vm2, $0x3F800000, v0;
	s2 =	sor.u32 s15, s0;
	vm9 =	vle.f32 v3, $-1.000000000e+00;
	v3 =	vld [tilespmem:s23+$0x1400];
	[tilespmem:v55+s1+$0x0] =	vst.idx.msk vm4, v2  }
0x1e8: {  	s6 =	sor.u32 s10, s0;
	[tilespmem:s2+$0x0] =	vst v57;
	v58 =	vsel vm9, $0x3F800000, v0;
	vm11 =	vle.f32 v56, $-1.000000000e+00;
	v59 =	vld [tilespmem:s22+$0x1400]  }
0x1e9: {  	vm10 =	vle.f32 v4, $-1.000000000e+00;
	[tilespmem:s6+$0x0] =	vst v58;
	v61 =	vsel vm11, $0x3F800000, v0;
	s23 =	sor.u32 s11, s0  }
0x1ea: {  	s24 =	sadd.s32 $0xA000, s14;
	v60 =	vsel vm10, $0x3F800000, v0;
	s22 =	sor.u32 s9, s0;
	[tilespmem:s23+$0x0] =	vst v61;
	vm12 =	vle.f32 v9, $-1.000000000e+00  }
0x1eb: {  	s25 =	sor.u32 s13, s24;
	[tilespmem:s22+$0x0] =	vst v60;
	v62 =	vsel vm12, $0x3F800000, v0;
	vm13 =	vle.f32 v8, $-1.000000000e+00  }
0x1ec: {  	s26 =	sor.u32 s12, s24;
	[tilespmem:s25+$0x0] =	vst v62;
	vm14 =	vle.f32 v3, $-1.000000000e+00;
	v3 =	vsel vm13, $0x3F800000, v0  }
0x1ed: {  	s28 =	sor.u32 s16, s24;
	vm15 =	vle.f32 v59, $-1.000000000e+00;
	v63 =	vsel vm14, $0x3F800000, v0;
	[tilespmem:s26+$0x0] =	vst v3  }
0x1ee: {  	s29 =	sor.u32 s17, s24;
	v3 =	vsel vm15, $0x3F800000, v0;
	[tilespmem:s28+$0x0] =	vst v63  }
0x1ef: {  	s30 =	simm.s32 $0x400;
	[tilespmem:s29+$0x0] =	vst v3  }
0x1f0: {  	s31 =	simm.s32 $0x40000;
	s9 =	simm.s32 $0xAA00;
	s0 =	rddreg [dreg:$0x8]  }
0x1f1: {  	[hbm4b:s0+s30] =	stream.strided.scatter [tilespmem:s1], [sflag:$0x1], $0x8800, s31, s30, $0x38;
	[tilespmem:$0x1B400] =	vst v63  }
0x1f2: {  	[tilespmem:s9+$0xFFFFFA00] =	vst v0  }
0x1f3: {  	[tilespmem:s9+$0x5F0] =	vst v0  }
0x1f4: {  	[tilespmem:s9+$0x5E0] =	vst v0  }
0x1f5: {  	[tilespmem:s9+$0x5D0] =	vst v0  }
0x1f6: {  	[tilespmem:s9+$0x5C0] =	vst v0  }
0x1f7: {  	[tilespmem:s9+$0x5B0] =	vst v0  }
0x1f8: {  	[tilespmem:s9+$0x5A0] =	vst v0  }
0x1f9: {  	[tilespmem:s9+$0x590] =	vst v0  }
0x1fa: {  	[tilespmem:s9+$0x580] =	vst v0  }
0x1fb: {  	[tilespmem:s9+$0x570] =	vst v0  }
0x1fc: {  	[tilespmem:s9+$0x560] =	vst v0  }
0x1fd: {  	[tilespmem:s9+$0x550] =	vst v0  }
0x1fe: {  	[tilespmem:s9+$0x540] =	vst v0  }
0x1ff: {  	[tilespmem:s9+$0x530] =	vst v0  }
0x200: {  	[tilespmem:s9+$0x520] =	vst v0  }
0x201: {  	[tilespmem:s9+$0x510] =	vst v0  }
0x202: {  	[tilespmem:s9+$0x500] =	vst v0  }
0x203: {  	[tilespmem:s9+$0x4F0] =	vst v0  }
0x204: {  	[tilespmem:s9+$0x4E0] =	vst v0  }
0x205: {  	[tilespmem:s9+$0x4D0] =	vst v0  }
0x206: {  	[tilespmem:s9+$0x4C0] =	vst v0  }
0x207: {  	[tilespmem:s9+$0x4B0] =	vst v0  }
0x208: {  	[tilespmem:s9+$0x4A0] =	vst v0  }
0x209: {  	[tilespmem:s9+$0x490] =	vst v0  }
0x20a: {  	[tilespmem:s9+$0x480] =	vst v0  }
0x20b: {  	[tilespmem:s9+$0x470] =	vst v0  }
0x20c: {  	[tilespmem:s9+$0x460] =	vst v0  }
0x20d: {  	[tilespmem:s9+$0x450] =	vst v0  }
0x20e: {  	[tilespmem:s9+$0x440] =	vst v0  }
0x20f: {  	[tilespmem:s9+$0x430] =	vst v0  }
0x210: {  	[tilespmem:s9+$0x420] =	vst v0  }
0x211: {  	[tilespmem:s9+$0x410] =	vst v0  }
0x212: {  	[tilespmem:s9+$0x400] =	vst v0  }
0x213: {  	[tilespmem:s9+$0x3F0] =	vst v0  }
0x214: {  	[tilespmem:s9+$0x3E0] =	vst v0  }
0x215: {  	[tilespmem:s9+$0x3D0] =	vst v0  }
0x216: {  	[tilespmem:s9+$0x3C0] =	vst v0  }
0x217: {  	[tilespmem:s9+$0x3B0] =	vst v0  }
0x218: {  	[tilespmem:s9+$0x3A0] =	vst v0  }
0x219: {  	[tilespmem:s9+$0x390] =	vst v0  }
0x21a: {  	[tilespmem:s9+$0x380] =	vst v0  }
0x21b: {  	[tilespmem:s9+$0x370] =	vst v0  }
0x21c: {  	[tilespmem:s9+$0x360] =	vst v0  }
0x21d: {  	[tilespmem:s9+$0x350] =	vst v0  }
0x21e: {  	[tilespmem:s9+$0x340] =	vst v0  }
0x21f: {  	[tilespmem:s9+$0x330] =	vst v0  }
0x220: {  	[tilespmem:s9+$0x320] =	vst v0  }
0x221: {  	[tilespmem:s9+$0x310] =	vst v0  }
0x222: {  	[tilespmem:s9+$0x300] =	vst v0  }
0x223: {  	[tilespmem:s9+$0x2F0] =	vst v0  }
0x224: {  	[tilespmem:s9+$0x2E0] =	vst v0  }
0x225: {  	[tilespmem:s9+$0x2D0] =	vst v0  }
0x226: {  	[tilespmem:s9+$0x2C0] =	vst v0  }
0x227: {  	[tilespmem:s9+$0x2B0] =	vst v0  }
0x228: {  	[tilespmem:s9+$0x2A0] =	vst v0  }
0x229: {  	[tilespmem:s9+$0x290] =	vst v0  }
0x22a: {  	[tilespmem:s9+$0x280] =	vst v0  }
0x22b: {  	[tilespmem:s9+$0x270] =	vst v0  }
0x22c: {  	[tilespmem:s9+$0x260] =	vst v0  }
0x22d: {  	[tilespmem:s9+$0x250] =	vst v0  }
0x22e: {  	[tilespmem:s9+$0x240] =	vst v0  }
0x22f: {  	[tilespmem:s9+$0x230] =	vst v0  }
0x230: {  	[tilespmem:s9+$0x220] =	vst v0  }
0x231: {  	[tilespmem:s9+$0x210] =	vst v0  }
0x232: {  	[tilespmem:s9+$0x200] =	vst v0  }
0x233: {  	[tilespmem:s9+$0x1F0] =	vst v0  }
0x234: {  	[tilespmem:s9+$0x1E0] =	vst v0  }
0x235: {  	[tilespmem:s9+$0x1D0] =	vst v0  }
0x236: {  	[tilespmem:s9+$0x1C0] =	vst v0  }
0x237: {  	[tilespmem:s9+$0x1B0] =	vst v0  }
0x238: {  	[tilespmem:s9+$0x1A0] =	vst v0  }
0x239: {  	[tilespmem:s9+$0x190] =	vst v0  }
0x23a: {  	[tilespmem:s9+$0x180] =	vst v0  }
0x23b: {  	[tilespmem:s9+$0x170] =	vst v0  }
0x23c: {  	[tilespmem:s9+$0x160] =	vst v0  }
0x23d: {  	[tilespmem:s9+$0x150] =	vst v0  }
0x23e: {  	[tilespmem:s9+$0x140] =	vst v0  }
0x23f: {  	[tilespmem:s9+$0x130] =	vst v0  }
0x240: {  	[tilespmem:s9+$0x120] =	vst v0  }
0x241: {  	[tilespmem:s9+$0x110] =	vst v0  }
0x242: {  	[tilespmem:s9+$0x100] =	vst v0  }
0x243: {  	[tilespmem:s9+$0xF0] =	vst v0  }
0x244: {  	[tilespmem:s9+$0xE0] =	vst v0  }
0x245: {  	[tilespmem:s9+$0xD0] =	vst v0  }
0x246: {  	[tilespmem:s9+$0xC0] =	vst v0  }
0x247: {  	[tilespmem:s9+$0xB0] =	vst v0  }
0x248: {  	[tilespmem:s9+$0xA0] =	vst v0  }
0x249: {  	[tilespmem:s9+$0x90] =	vst v0  }
0x24a: {  	[tilespmem:s9+$0x80] =	vst v0  }
0x24b: {  	[tilespmem:s9+$0x70] =	vst v0  }
0x24c: {  	[tilespmem:s9+$0x60] =	vst v0  }
0x24d: {  	[tilespmem:s9+$0x50] =	vst v0  }
0x24e: {  	[tilespmem:s9+$0x40] =	vst v0  }
0x24f: {  	[tilespmem:s9+$0x30] =	vst v0  }
0x250: {  	[tilespmem:s9+$0x20] =	vst v0  }
0x251: {  	[tilespmem:s9+$0x10] =	vst v0  }
0x252: {  	[tilespmem:s9+$0x0] =	vst v0  }
0x253: {  	[tilespmem:s9+$0xFFFFFFF0] =	vst v0  }
0x254: {  	[tilespmem:s9+$0xFFFFFFE0] =	vst v0  }
0x255: {  	[tilespmem:s9+$0xFFFFFFD0] =	vst v0  }
0x256: {  	[tilespmem:s9+$0xFFFFFFC0] =	vst v0  }
0x257: {  	[tilespmem:s9+$0xFFFFFFB0] =	vst v0  }
0x258: {  	[tilespmem:s9+$0xFFFFFFA0] =	vst v0  }
0x259: {  	[tilespmem:s9+$0xFFFFFF90] =	vst v0  }
0x25a: {  	[tilespmem:s9+$0xFFFFFF80] =	vst v0  }
0x25b: {  	[tilespmem:s9+$0xFFFFFF70] =	vst v0  }
0x25c: {  	[tilespmem:s9+$0xFFFFFF60] =	vst v0  }
0x25d: {  	[tilespmem:s9+$0xFFFFFF50] =	vst v0  }
0x25e: {  	[tilespmem:s9+$0xFFFFFF40] =	vst v0  }
0x25f: {  	[tilespmem:s9+$0xFFFFFF30] =	vst v0  }
0x260: {  	[tilespmem:s9+$0xFFFFFF20] =	vst v0  }
0x261: {  	[tilespmem:s9+$0xFFFFFF10] =	vst v0  }
0x262: {  	[tilespmem:s9+$0xFFFFFF00] =	vst v0  }
0x263: {  	[tilespmem:s9+$0xFFFFFEF0] =	vst v0  }
0x264: {  	[tilespmem:s9+$0xFFFFFEE0] =	vst v0  }
0x265: {  	[tilespmem:s9+$0xFFFFFED0] =	vst v0  }
0x266: {  	[tilespmem:s9+$0xFFFFFEC0] =	vst v0  }
0x267: {  	[tilespmem:s9+$0xFFFFFEB0] =	vst v0  }
0x268: {  	[tilespmem:s9+$0xFFFFFEA0] =	vst v0  }
0x269: {  	[tilespmem:s9+$0xFFFFFE90] =	vst v0  }
0x26a: {  	[tilespmem:s9+$0xFFFFFE80] =	vst v0  }
0x26b: {  	[tilespmem:s9+$0xFFFFFE70] =	vst v0  }
0x26c: {  	[tilespmem:s9+$0xFFFFFE60] =	vst v0  }
0x26d: {  	[tilespmem:s9+$0xFFFFFE50] =	vst v0  }
0x26e: {  	[tilespmem:s9+$0xFFFFFE40] =	vst v0  }
0x26f: {  	[tilespmem:s9+$0xFFFFFE30] =	vst v0  }
0x270: {  	[tilespmem:s9+$0xFFFFFE20] =	vst v0  }
0x271: {  	[tilespmem:s9+$0xFFFFFE10] =	vst v0  }
0x272: {  	[tilespmem:s9+$0xFFFFFE00] =	vst v0  }
0x273: {  	[tilespmem:s9+$0xFFFFFDF0] =	vst v0  }
0x274: {  	[tilespmem:s9+$0xFFFFFDE0] =	vst v0  }
0x275: {  	[tilespmem:s9+$0xFFFFFDD0] =	vst v0  }
0x276: {  	[tilespmem:s9+$0xFFFFFDC0] =	vst v0  }
0x277: {  	[tilespmem:s9+$0xFFFFFDB0] =	vst v0  }
0x278: {  	[tilespmem:s9+$0xFFFFFDA0] =	vst v0  }
0x279: {  	[tilespmem:s9+$0xFFFFFD90] =	vst v0  }
0x27a: {  	[tilespmem:s9+$0xFFFFFD80] =	vst v0  }
0x27b: {  	[tilespmem:s9+$0xFFFFFD70] =	vst v0  }
0x27c: {  	[tilespmem:s9+$0xFFFFFD60] =	vst v0  }
0x27d: {  	[tilespmem:s9+$0xFFFFFD50] =	vst v0  }
0x27e: {  	[tilespmem:s9+$0xFFFFFD40] =	vst v0  }
0x27f: {  	[tilespmem:s9+$0xFFFFFD30] =	vst v0  }
0x280: {  	[tilespmem:s9+$0xFFFFFD20] =	vst v0  }
0x281: {  	[tilespmem:s9+$0xFFFFFD10] =	vst v0  }
0x282: {  	[tilespmem:s9+$0xFFFFFD00] =	vst v0  }
0x283: {  	[tilespmem:s9+$0xFFFFFCF0] =	vst v0  }
0x284: {  	[tilespmem:s9+$0xFFFFFCE0] =	vst v0  }
0x285: {  	[tilespmem:s9+$0xFFFFFCD0] =	vst v0  }
0x286: {  	[tilespmem:s9+$0xFFFFFCC0] =	vst v0  }
0x287: {  	[tilespmem:s9+$0xFFFFFCB0] =	vst v0  }
0x288: {  	[tilespmem:s9+$0xFFFFFCA0] =	vst v0  }
0x289: {  	[tilespmem:s9+$0xFFFFFC90] =	vst v0  }
0x28a: {  	[tilespmem:s9+$0xFFFFFC80] =	vst v0  }
0x28b: {  	[tilespmem:s9+$0xFFFFFC70] =	vst v0  }
0x28c: {  	[tilespmem:s9+$0xFFFFFC60] =	vst v0  }
0x28d: {  	[tilespmem:s9+$0xFFFFFC50] =	vst v0  }
0x28e: {  	[tilespmem:s9+$0xFFFFFC40] =	vst v0  }
0x28f: {  	[tilespmem:s9+$0xFFFFFC30] =	vst v0  }
0x290: {  	[tilespmem:s9+$0xFFFFFC20] =	vst v0  }
0x291: {  	[tilespmem:s9+$0xFFFFFC10] =	vst v0  }
0x292: {  	[tilespmem:s9+$0xFFFFFC00] =	vst v0  }
0x293: {  	[tilespmem:s9+$0xFFFFFBF0] =	vst v0  }
0x294: {  	[tilespmem:s9+$0xFFFFFBE0] =	vst v0  }
0x295: {  	[tilespmem:s9+$0xFFFFFBD0] =	vst v0  }
0x296: {  	[tilespmem:s9+$0xFFFFFBC0] =	vst v0  }
0x297: {  	[tilespmem:s9+$0xFFFFFBB0] =	vst v0  }
0x298: {  	[tilespmem:s9+$0xFFFFFBA0] =	vst v0  }
0x299: {  	[tilespmem:s9+$0xFFFFFB90] =	vst v0  }
0x29a: {  	[tilespmem:s9+$0xFFFFFB80] =	vst v0  }
0x29b: {  	[tilespmem:s9+$0xFFFFFB70] =	vst v0  }
0x29c: {  	[tilespmem:s9+$0xFFFFFB60] =	vst v0  }
0x29d: {  	[tilespmem:s9+$0xFFFFFB50] =	vst v0  }
0x29e: {  	[tilespmem:s9+$0xFFFFFB40] =	vst v0  }
0x29f: {  	[tilespmem:s9+$0xFFFFFB30] =	vst v0  }
0x2a0: {  	[tilespmem:s9+$0xFFFFFB20] =	vst v0  }
0x2a1: {  	[tilespmem:s9+$0xFFFFFB10] =	vst v0  }
0x2a2: {  	[tilespmem:s9+$0xFFFFFB00] =	vst v0  }
0x2a3: {  	[tilespmem:s9+$0xFFFFFAF0] =	vst v0  }
0x2a4: {  	[tilespmem:s9+$0xFFFFFAE0] =	vst v0  }
0x2a5: {  	[tilespmem:s9+$0xFFFFFAD0] =	vst v0  }
0x2a6: {  	[tilespmem:s9+$0xFFFFFAC0] =	vst v0  }
0x2a7: {  	[tilespmem:s9+$0xFFFFFAB0] =	vst v0  }
0x2a8: {  	[tilespmem:s9+$0xFFFFFAA0] =	vst v0  }
0x2a9: {  	[tilespmem:s9+$0xFFFFFA90] =	vst v0  }
0x2aa: {  	[tilespmem:s9+$0xFFFFFA80] =	vst v0  }
0x2ab: {  	[tilespmem:s9+$0xFFFFFA70] =	vst v0  }
0x2ac: {  	[tilespmem:s9+$0xFFFFFA60] =	vst v0  }
0x2ad: {  	[tilespmem:s9+$0xFFFFFA50] =	vst v0  }
0x2ae: {  	[tilespmem:s9+$0xFFFFFA40] =	vst v0  }
0x2af: {  	[tilespmem:s9+$0xFFFFFA30] =	vst v0  }
0x2b0: {  	s10 =	simm.s32 $0x0;
	[tilespmem:s9+$0xFFFFFA20] =	vst v0  }
.LBB2_6:
0x2b1: {  	s10 =	sadd.s32 $0x3, s10;
	[tilespmem:s9+$0xFFFFFA10] =	vst v0;
	s9 =	sadd.s32 $0xC00, s9  }
0x2b2: {  	[tilespmem:s9+$0xFFFFFA00] =	vst v0;
	p0 =	slt.u32 s10, $0x1E  }
0x2b3: {  	[tilespmem:s9+$0x5F0] =	vst v0  }
0x2b4: {  	[tilespmem:s9+$0x5E0] =	vst v0  }
0x2b5: {  	[tilespmem:s9+$0x5D0] =	vst v0  }
0x2b6: {  	[tilespmem:s9+$0x5C0] =	vst v0  }
0x2b7: {  	[tilespmem:s9+$0x5B0] =	vst v0  }
0x2b8: {  	[tilespmem:s9+$0x5A0] =	vst v0  }
0x2b9: {  	[tilespmem:s9+$0x590] =	vst v0  }
0x2ba: {  	[tilespmem:s9+$0x580] =	vst v0  }
0x2bb: {  	[tilespmem:s9+$0x570] =	vst v0  }
0x2bc: {  	[tilespmem:s9+$0x560] =	vst v0  }
0x2bd: {  	[tilespmem:s9+$0x550] =	vst v0  }
0x2be: {  	[tilespmem:s9+$0x540] =	vst v0  }
0x2bf: {  	[tilespmem:s9+$0x530] =	vst v0  }
0x2c0: {  	[tilespmem:s9+$0x520] =	vst v0  }
0x2c1: {  	[tilespmem:s9+$0x510] =	vst v0  }
0x2c2: {  	[tilespmem:s9+$0x500] =	vst v0  }
0x2c3: {  	[tilespmem:s9+$0x4F0] =	vst v0  }
0x2c4: {  	[tilespmem:s9+$0x4E0] =	vst v0  }
0x2c5: {  	[tilespmem:s9+$0x4D0] =	vst v0  }
0x2c6: {  	[tilespmem:s9+$0x4C0] =	vst v0  }
0x2c7: {  	[tilespmem:s9+$0x4B0] =	vst v0  }
0x2c8: {  	[tilespmem:s9+$0x4A0] =	vst v0  }
0x2c9: {  	[tilespmem:s9+$0x490] =	vst v0  }
0x2ca: {  	[tilespmem:s9+$0x480] =	vst v0  }
0x2cb: {  	[tilespmem:s9+$0x470] =	vst v0  }
0x2cc: {  	[tilespmem:s9+$0x460] =	vst v0  }
0x2cd: {  	[tilespmem:s9+$0x450] =	vst v0  }
0x2ce: {  	[tilespmem:s9+$0x440] =	vst v0  }
0x2cf: {  	[tilespmem:s9+$0x430] =	vst v0  }
0x2d0: {  	[tilespmem:s9+$0x420] =	vst v0  }
0x2d1: {  	[tilespmem:s9+$0x410] =	vst v0  }
0x2d2: {  	[tilespmem:s9+$0x400] =	vst v0  }
0x2d3: {  	[tilespmem:s9+$0x3F0] =	vst v0  }
0x2d4: {  	[tilespmem:s9+$0x3E0] =	vst v0  }
0x2d5: {  	[tilespmem:s9+$0x3D0] =	vst v0  }
0x2d6: {  	[tilespmem:s9+$0x3C0] =	vst v0  }
0x2d7: {  	[tilespmem:s9+$0x3B0] =	vst v0  }
0x2d8: {  	[tilespmem:s9+$0x3A0] =	vst v0  }
0x2d9: {  	[tilespmem:s9+$0x390] =	vst v0  }
0x2da: {  	[tilespmem:s9+$0x380] =	vst v0  }
0x2db: {  	[tilespmem:s9+$0x370] =	vst v0  }
0x2dc: {  	[tilespmem:s9+$0x360] =	vst v0  }
0x2dd: {  	[tilespmem:s9+$0x350] =	vst v0  }
0x2de: {  	[tilespmem:s9+$0x340] =	vst v0  }
0x2df: {  	[tilespmem:s9+$0x330] =	vst v0  }
0x2e0: {  	[tilespmem:s9+$0x320] =	vst v0  }
0x2e1: {  	[tilespmem:s9+$0x310] =	vst v0  }
0x2e2: {  	[tilespmem:s9+$0x300] =	vst v0  }
0x2e3: {  	[tilespmem:s9+$0x2F0] =	vst v0  }
0x2e4: {  	[tilespmem:s9+$0x2E0] =	vst v0  }
0x2e5: {  	[tilespmem:s9+$0x2D0] =	vst v0  }
0x2e6: {  	[tilespmem:s9+$0x2C0] =	vst v0  }
0x2e7: {  	[tilespmem:s9+$0x2B0] =	vst v0  }
0x2e8: {  	[tilespmem:s9+$0x2A0] =	vst v0  }
0x2e9: {  	[tilespmem:s9+$0x290] =	vst v0  }
0x2ea: {  	[tilespmem:s9+$0x280] =	vst v0  }
0x2eb: {  	[tilespmem:s9+$0x270] =	vst v0  }
0x2ec: {  	[tilespmem:s9+$0x260] =	vst v0  }
0x2ed: {  	[tilespmem:s9+$0x250] =	vst v0  }
0x2ee: {  	[tilespmem:s9+$0x240] =	vst v0  }
0x2ef: {  	[tilespmem:s9+$0x230] =	vst v0  }
0x2f0: {  	[tilespmem:s9+$0x220] =	vst v0  }
0x2f1: {  	[tilespmem:s9+$0x210] =	vst v0  }
0x2f2: {  	[tilespmem:s9+$0x200] =	vst v0  }
0x2f3: {  	[tilespmem:s9+$0x1F0] =	vst v0  }
0x2f4: {  	[tilespmem:s9+$0x1E0] =	vst v0  }
0x2f5: {  	[tilespmem:s9+$0x1D0] =	vst v0  }
0x2f6: {  	[tilespmem:s9+$0x1C0] =	vst v0  }
0x2f7: {  	[tilespmem:s9+$0x1B0] =	vst v0  }
0x2f8: {  	[tilespmem:s9+$0x1A0] =	vst v0  }
0x2f9: {  	[tilespmem:s9+$0x190] =	vst v0  }
0x2fa: {  	[tilespmem:s9+$0x180] =	vst v0  }
0x2fb: {  	[tilespmem:s9+$0x170] =	vst v0  }
0x2fc: {  	[tilespmem:s9+$0x160] =	vst v0  }
0x2fd: {  	[tilespmem:s9+$0x150] =	vst v0  }
0x2fe: {  	[tilespmem:s9+$0x140] =	vst v0  }
0x2ff: {  	[tilespmem:s9+$0x130] =	vst v0  }
0x300: {  	[tilespmem:s9+$0x120] =	vst v0  }
0x301: {  	[tilespmem:s9+$0x110] =	vst v0  }
0x302: {  	[tilespmem:s9+$0x100] =	vst v0  }
0x303: {  	[tilespmem:s9+$0xF0] =	vst v0  }
0x304: {  	[tilespmem:s9+$0xE0] =	vst v0  }
0x305: {  	[tilespmem:s9+$0xD0] =	vst v0  }
0x306: {  	[tilespmem:s9+$0xC0] =	vst v0  }
0x307: {  	[tilespmem:s9+$0xB0] =	vst v0  }
0x308: {  	[tilespmem:s9+$0xA0] =	vst v0  }
0x309: {  	[tilespmem:s9+$0x90] =	vst v0  }
0x30a: {  	[tilespmem:s9+$0x80] =	vst v0  }
0x30b: {  	[tilespmem:s9+$0x70] =	vst v0  }
0x30c: {  	[tilespmem:s9+$0x60] =	vst v0  }
0x30d: {  	[tilespmem:s9+$0x50] =	vst v0  }
0x30e: {  	[tilespmem:s9+$0x40] =	vst v0  }
0x30f: {  	[tilespmem:s9+$0x30] =	vst v0  }
0x310: {  	[tilespmem:s9+$0x20] =	vst v0  }
0x311: {  	[tilespmem:s9+$0x10] =	vst v0  }
0x312: {  	[tilespmem:s9+$0x0] =	vst v0  }
0x313: {  	[tilespmem:s9+$0xFFFFFFF0] =	vst v0  }
0x314: {  	[tilespmem:s9+$0xFFFFFFE0] =	vst v0  }
0x315: {  	[tilespmem:s9+$0xFFFFFFD0] =	vst v0  }
0x316: {  	[tilespmem:s9+$0xFFFFFFC0] =	vst v0  }
0x317: {  	[tilespmem:s9+$0xFFFFFFB0] =	vst v0  }
0x318: {  	[tilespmem:s9+$0xFFFFFFA0] =	vst v0  }
0x319: {  	[tilespmem:s9+$0xFFFFFF90] =	vst v0  }
0x31a: {  	[tilespmem:s9+$0xFFFFFF80] =	vst v0  }
0x31b: {  	[tilespmem:s9+$0xFFFFFF70] =	vst v0  }
0x31c: {  	[tilespmem:s9+$0xFFFFFF60] =	vst v0  }
0x31d: {  	[tilespmem:s9+$0xFFFFFF50] =	vst v0  }
0x31e: {  	[tilespmem:s9+$0xFFFFFF40] =	vst v0  }
0x31f: {  	[tilespmem:s9+$0xFFFFFF30] =	vst v0  }
0x320: {  	[tilespmem:s9+$0xFFFFFF20] =	vst v0  }
0x321: {  	[tilespmem:s9+$0xFFFFFF10] =	vst v0  }
0x322: {  	[tilespmem:s9+$0xFFFFFF00] =	vst v0  }
0x323: {  	[tilespmem:s9+$0xFFFFFEF0] =	vst v0  }
0x324: {  	[tilespmem:s9+$0xFFFFFEE0] =	vst v0  }
0x325: {  	[tilespmem:s9+$0xFFFFFED0] =	vst v0  }
0x326: {  	[tilespmem:s9+$0xFFFFFEC0] =	vst v0  }
0x327: {  	[tilespmem:s9+$0xFFFFFEB0] =	vst v0  }
0x328: {  	[tilespmem:s9+$0xFFFFFEA0] =	vst v0  }
0x329: {  	[tilespmem:s9+$0xFFFFFE90] =	vst v0  }
0x32a: {  	[tilespmem:s9+$0xFFFFFE80] =	vst v0  }
0x32b: {  	[tilespmem:s9+$0xFFFFFE70] =	vst v0  }
0x32c: {  	[tilespmem:s9+$0xFFFFFE60] =	vst v0  }
0x32d: {  	[tilespmem:s9+$0xFFFFFE50] =	vst v0  }
0x32e: {  	[tilespmem:s9+$0xFFFFFE40] =	vst v0  }
0x32f: {  	[tilespmem:s9+$0xFFFFFE30] =	vst v0  }
0x330: {  	[tilespmem:s9+$0xFFFFFE20] =	vst v0  }
0x331: {  	[tilespmem:s9+$0xFFFFFE10] =	vst v0  }
0x332: {  	[tilespmem:s9+$0xFFFFFE00] =	vst v0  }
0x333: {  	[tilespmem:s9+$0xFFFFFDF0] =	vst v0  }
0x334: {  	[tilespmem:s9+$0xFFFFFDE0] =	vst v0  }
0x335: {  	[tilespmem:s9+$0xFFFFFDD0] =	vst v0  }
0x336: {  	[tilespmem:s9+$0xFFFFFDC0] =	vst v0  }
0x337: {  	[tilespmem:s9+$0xFFFFFDB0] =	vst v0  }
0x338: {  	[tilespmem:s9+$0xFFFFFDA0] =	vst v0  }
0x339: {  	[tilespmem:s9+$0xFFFFFD90] =	vst v0  }
0x33a: {  	[tilespmem:s9+$0xFFFFFD80] =	vst v0  }
0x33b: {  	[tilespmem:s9+$0xFFFFFD70] =	vst v0  }
0x33c: {  	[tilespmem:s9+$0xFFFFFD60] =	vst v0  }
0x33d: {  	[tilespmem:s9+$0xFFFFFD50] =	vst v0  }
0x33e: {  	[tilespmem:s9+$0xFFFFFD40] =	vst v0  }
0x33f: {  	[tilespmem:s9+$0xFFFFFD30] =	vst v0  }
0x340: {  	[tilespmem:s9+$0xFFFFFD20] =	vst v0  }
0x341: {  	[tilespmem:s9+$0xFFFFFD10] =	vst v0  }
0x342: {  	[tilespmem:s9+$0xFFFFFD00] =	vst v0  }
0x343: {  	[tilespmem:s9+$0xFFFFFCF0] =	vst v0  }
0x344: {  	[tilespmem:s9+$0xFFFFFCE0] =	vst v0  }
0x345: {  	[tilespmem:s9+$0xFFFFFCD0] =	vst v0  }
0x346: {  	[tilespmem:s9+$0xFFFFFCC0] =	vst v0  }
0x347: {  	[tilespmem:s9+$0xFFFFFCB0] =	vst v0  }
0x348: {  	[tilespmem:s9+$0xFFFFFCA0] =	vst v0  }
0x349: {  	[tilespmem:s9+$0xFFFFFC90] =	vst v0  }
0x34a: {  	[tilespmem:s9+$0xFFFFFC80] =	vst v0  }
0x34b: {  	[tilespmem:s9+$0xFFFFFC70] =	vst v0  }
0x34c: {  	[tilespmem:s9+$0xFFFFFC60] =	vst v0  }
0x34d: {  	[tilespmem:s9+$0xFFFFFC50] =	vst v0  }
0x34e: {  	[tilespmem:s9+$0xFFFFFC40] =	vst v0  }
0x34f: {  	[tilespmem:s9+$0xFFFFFC30] =	vst v0  }
0x350: {  	[tilespmem:s9+$0xFFFFFC20] =	vst v0  }
0x351: {  	[tilespmem:s9+$0xFFFFFC10] =	vst v0  }
0x352: {  	[tilespmem:s9+$0xFFFFFC00] =	vst v0  }
0x353: {  	[tilespmem:s9+$0xFFFFFBF0] =	vst v0  }
0x354: {  	[tilespmem:s9+$0xFFFFFBE0] =	vst v0  }
0x355: {  	[tilespmem:s9+$0xFFFFFBD0] =	vst v0  }
0x356: {  	[tilespmem:s9+$0xFFFFFBC0] =	vst v0  }
0x357: {  	[tilespmem:s9+$0xFFFFFBB0] =	vst v0  }
0x358: {  	[tilespmem:s9+$0xFFFFFBA0] =	vst v0  }
0x359: {  	[tilespmem:s9+$0xFFFFFB90] =	vst v0  }
0x35a: {  	[tilespmem:s9+$0xFFFFFB80] =	vst v0  }
0x35b: {  	[tilespmem:s9+$0xFFFFFB70] =	vst v0  }
0x35c: {  	[tilespmem:s9+$0xFFFFFB60] =	vst v0  }
0x35d: {  	[tilespmem:s9+$0xFFFFFB50] =	vst v0  }
0x35e: {  	[tilespmem:s9+$0xFFFFFB40] =	vst v0  }
0x35f: {  	[tilespmem:s9+$0xFFFFFB30] =	vst v0  }
0x360: {  	[tilespmem:s9+$0xFFFFFB20] =	vst v0  }
0x361: {  	[tilespmem:s9+$0xFFFFFB10] =	vst v0  }
0x362: {  	[tilespmem:s9+$0xFFFFFB00] =	vst v0  }
0x363: {  	[tilespmem:s9+$0xFFFFFAF0] =	vst v0  }
0x364: {  	[tilespmem:s9+$0xFFFFFAE0] =	vst v0  }
0x365: {  	[tilespmem:s9+$0xFFFFFAD0] =	vst v0  }
0x366: {  	[tilespmem:s9+$0xFFFFFAC0] =	vst v0  }
0x367: {  	[tilespmem:s9+$0xFFFFFAB0] =	vst v0  }
0x368: {  	[tilespmem:s9+$0xFFFFFAA0] =	vst v0  }
0x369: {  	[tilespmem:s9+$0xFFFFFA90] =	vst v0  }
0x36a: {  	[tilespmem:s9+$0xFFFFFA80] =	vst v0  }
0x36b: {  	[tilespmem:s9+$0xFFFFFA70] =	vst v0  }
.Ltmp2:
0x36c: {  	[tilespmem:s9+$0xFFFFFA60] =	vst v0;
	(pc) =	sbr.rel @p0 .LBB2_6-.Ltmp2, $4  }
0x36d: {  	[tilespmem:s9+$0xFFFFFA50] =	vst v0  }
0x36e: {  	[tilespmem:s9+$0xFFFFFA40] =	vst v0  }
0x36f: {  	[tilespmem:s9+$0xFFFFFA30] =	vst v0  }
0x370: {  	[tilespmem:s9+$0xFFFFFA20] =	vst v0  }
0x371: {  	[tilespmem:s9+$0xFFFFFA10] =	vst v0;
	s0 =	simm.s32 $0x5  }
0x372: {  	_ =	swait.ge [sflag:s0], $0x400  }
0x373: {  	[sflag:s0] =	ssyncset.done $0x0  }
0x374: {  	[sflag:s0] =	ssyncadd.s32 $0xFFFFFC00  }
0x375: {  	_ =	swait.ge [sflag:s0], $0x400  }
0x376: {  	s30 =	simm.s32 $0x0;
	[sflag:s0] =	ssyncset.done $0x0  }
0x377: {  	s6 =	simm.s32 $0x800;
	s2 =	rddreg [dreg:$0x9];
	[sflag:s0] =	ssyncadd.s32 $0xFFFFFC00  }
0x378: {  	[tilespmem:s6], [sflag:$0x4] =	stream.linear.gather [hbm4b:s2+s30], $0x400, $0x38;
	[tilespmem:$0x1B400] =	vst v63  }
0x379: {  	s31 =	rddreg [dreg:$0xa]  }
0x37a: {  	[tilespmem:s3], [sflag:$0x4] =	stream.linear.gather [hbm4b:s31+s30], $0x400, $0x38;
	[tilespmem:$0x1B400] =	vst v63  }
0x37b: {  	s16 =	sand.u32 $0x40, s30;
	s3 =	simm.s32 $0x0  }
0x37c: {  	s17 =	sor.u32 $0x30, s16;
	s19 =	sand.u32 $0xFFFFFF80, s3  }
0x37d: {  	s6 =	sor.u32 s19, s17  }
0x37e: {  	s25 =	sor.u32 $0x20, s16;
	s8 =	sor.u32 s16, s19;
	v3 =	vld [tilespmem:s6+$0x400]  }
0x37f: {  	s22 =	sor.u32 $0x10, s16;
	s21 =	sor.u32 s19, s25;
	v4 =	vld [tilespmem:s8+$0x400]  }
0x380: {  	s7 =	sor.u32 s19, s22;
	v6 =	vld [tilespmem:s21+$0x400]  }
0x381: {  	v5 =	vld [tilespmem:s7+$0x400];
	_ =	sdelay $0x1  }
0x382: {  	s12 =	simm.s32 $0x40  }
0x383: {  	s13 =	simm.s32 $0x40;
	s10 =	sand.u32 $0x40, s12;
	v7 =	vshll.u32 v3, $0xA;
	v8 =	vshll.u32 v4, $0xA  }
0x384: {  	s15 =	sor.u32 $0x30, s10;
	s0 =	sand.u32 $0xFFFFFF80, s13;
	vm0 =	vlt.u32 v4, $0x21;
	vm1 =	vlt.u32 v3, $0x21;
	v9 =	vshll.u32 v6, $0xA  }
0x385: {  	s23 =	sor.u32 s0, s15;
	vm2 =	vlt.u32 v5, $0x21;
	vm3 =	vlt.u32 v6, $0x21;
	v4 =	vor.u32 s17, v7  }
0x386: {  	s9 =	sor.u32 $0x10, s10;
	s28 =	sor.u32 s10, s0;
	v7 =	vld [tilespmem:s23+$0x400];
	v8 =	vor.u32 s16, v8;
	v9 =	vor.u32 s25, v9;
	v3 =	vadd.s32 s19, v4  }
0x387: {  	s26 =	sor.u32 s0, s9;
	v10 =	vld [tilespmem:s28+$0x400];
	v4 =	vshll.u32 v5, $0xA;
	v8 =	vadd.s32 s19, v8;
	v3 =	vor.u32 v1, v3  }
0x388: {  	v5 =	vld [tilespmem:s26+$0x400];
	v9 =	vadd.s32 s19, v9;
	v4 =	vor.u32 s22, v4;
	v8 =	vor.u32 v1, v8  }
0x389: {  	v6 =	vor.u32 v1, v9;
	v4 =	vadd.s32 s19, v4  }
0x38a: {  	s11 =	sor.u32 $0x20, s10;
	v4 =	vor.u32 v1, v4  }
0x38b: {  	s24 =	sor.u32 s0, s11;
	v9 =	vshll.u32 v7, $0xA  }
0x38c: {  	v12 =	vshll.u32 v10, $0xA;
	v9 =	vor.u32 s15, v9;
	[tilespmem:v3+s4+$0x0] =	vst.idx.msk vm1, v2;
	v3 =	vld [tilespmem:s24+$0x400]  }
0x38d: {  	vm1 =	vlt.u32 v7, $0x21;
	v7 =	vadd.s32 s0, v9;
	[tilespmem:v8+s4+$0x0] =	vst.idx.msk vm0, v2;
	v8 =	vshll.u32 v5, $0xA;
	v11 =	vld [tilespmem:s6+$0x1800]  }
0x38e: {  	s18 =	simm.s32 $0x80;
	v9 =	vor.u32 s10, v12;
	vm0 =	vlt.u32 v10, $0x21;
	[tilespmem:v6+s4+$0x0] =	vst.idx.msk vm3, v2;
	v7 =	vor.u32 v1, v7;
	v63 =	vld [tilespmem:s8+$0x1800]  }
0x38f: {  	s14 =	simm.s32 $0x80;
	s12 =	sand.u32 $0x40, s18;
	vm3 =	vlt.u32 v5, $0x21;
	v5 =	vld [tilespmem:s21+$0x1800];
	[tilespmem:v4+s4+$0x0] =	vst.idx.msk vm2, v2;
	v4 =	vor.u32 s9, v8;
	v8 =	vadd.s32 s0, v9  }
0x390: {  	s14 =	sand.u32 $0xFFFFFF80, s14;
	s13 =	sor.u32 $0x30, s12;
	v9 =	vld [tilespmem:s7+$0x1800];
	v6 =	vor.u32 v1, v8  }
0x391: {  	s21 =	sor.u32 s14, s13  }
0x392: {  	s20 =	sadd.s32 $0x12800, s19;
	v10 =	vld [tilespmem:s21+$0x400];
	v4 =	vadd.s32 s0, v4;
	v8 =	vshll.u32 v3, $0xA;
	vm2 =	vle.f32 v11, $-1.000000000e+00  }
0x393: {  	s29 =	sor.u32 s17, s20;
	v4 =	vor.u32 v1, v4;
	v8 =	vor.u32 s11, v8;
	[tilespmem:v7+s4+$0x0] =	vst.idx.msk vm1, v2;
	v11 =	vsel vm2, $0x3F800000, v0  }
0x394: {  	s19 =	sor.u32 s12, s14;
	vm1 =	vle.f32 v63, $-1.000000000e+00;
	vm4 =	vle.f32 v5, $-1.000000000e+00;
	v8 =	vadd.s32 s0, v8;
	[tilespmem:s29+$0x0] =	vst v11  }
0x395: {  	s30 =	sor.u32 s16, s20;
	s16 =	sor.u32 $0x10, s12;
	v13 =	vld [tilespmem:s19+$0x400];
	vm2 =	vlt.u32 v3, $0x21;
	v5 =	vsel vm1, $0x3F800000, v0;
	[tilespmem:v6+s4+$0x0] =	vst.idx.msk vm0, v2;
	vm0 =	vle.f32 v9, $-1.000000000e+00  }
0x396: {  	s31 =	sor.u32 s22, s20;
	s17 =	sor.u32 $0x20, s12;
	v11 =	vld [tilespmem:s23+$0x1800];
	v14 =	vor.u32 v1, v8;
	[tilespmem:s30+$0x0] =	vst v5;
	s23 =	sor.u32 s14, s16;
	v5 =	vsel vm0, $0x3F800000, v0  }
0x397: {  	s22 =	sor.u32 s14, s17;
	v6 =	vshll.u32 v10, $0xA;
	[tilespmem:s31+$0x0] =	vst v5;
	v5 =	vld [tilespmem:s23+$0x400]  }
0x398: {  	v9 =	vor.u32 s13, v6;
	v6 =	vld [tilespmem:s22+$0x400];
	_ =	sdelay $0x1  }
0x399: {  	v7 =	vsel vm4, $0x3F800000, v0;
	vm1 =	vlt.u32 v10, $0x21;
	v8 =	vshll.u32 v13, $0xA;
	v3 =	vld [tilespmem:s28+$0x1800];
	[tilespmem:v4+s4+$0x0] =	vst.idx.msk vm3, v2  }
0x39a: {  	s0 =	sadd.s32 $0x12800, s0;
	vm0 =	vlt.u32 v13, $0x21;
	v4 =	vld [tilespmem:s26+$0x1800];
	s26 =	sor.u32 s25, s20;
	s25 =	simm.s32 $0x8;
	v9 =	vadd.s32 s14, v9;
	[tilespmem:v14+s4+$0x0] =	vst.idx.msk vm2, v2;
	vm2 =	vle.f32 v11, $-1.000000000e+00  }
.LBB2_8:
0x39b: {  	s25 =	sadd.s32 $0x4, s25;
	v10 =	vshll.u32 v5, $0xA;
	v9 =	vor.u32 v1, v9;
	s18 =	sadd.s32 $0x40, s18;
	v11 =	vld [tilespmem:s24+$0x1800];
	v12 =	vsel vm2, $0x3F800000, v0;
	s2 =	sor.u32 s15, s0;
	[tilespmem:s26+$0x0] =	vst v7  }
0x39c: {  	v7 =	vor.u32 s12, v8;
	s8 =	sor.u32 s10, s0;
	s6 =	sand.u32 $0x40, s18;
	s7 =	sshll.u32 s25, $0x4;
	v8 =	vor.u32 s16, v10;
	v10 =	vshll.u32 v6, $0xA;
	[tilespmem:s2+$0x0] =	vst v12  }
0x39d: {  	v7 =	vadd.s32 s14, v7;
	s28 =	sand.u32 $0xFFFFFF80, s7;
	s2 =	sor.u32 $0x10, s6;
	s7 =	sor.u32 $0x30, s6;
	v8 =	vadd.s32 s14, v8;
	v10 =	vor.u32 s17, v10  }
0x39e: {  	s24 =	sor.u32 $0x20, s6;
	v12 =	vor.u32 v1, v7;
	s20 =	sor.u32 s6, s28;
	s29 =	sor.u32 s28, s7;
	v13 =	vor.u32 v1, v8;
	v7 =	vadd.s32 s14, v10  }
0x39f: {  	vm3 =	vlt.u32 v5, $0x21;
	s3 =	sor.u32 s9, s0;
	vm2 =	vlt.u32 v6, $0x21;
	s30 =	sor.u32 s28, s2;
	s31 =	sor.u32 s28, s24;
	v10 =	vld [tilespmem:s29+$0x400];
	v14 =	vor.u32 v1, v7  }
0x3a0: {  	s26 =	sor.u32 s11, s0;
	s10 =	smov.u32 s12;
	p0 =	slt.u32 s25, $0x3C;
	vm4 =	vle.f32 v4, $-1.000000000e+00;
	v15 =	vld [tilespmem:s20+$0x400];
	[tilespmem:v9+s4+$0x0] =	vst.idx.msk vm1, v2;
	vm1 =	vle.f32 v3, $-1.000000000e+00;
	vm5 =	vle.f32 v11, $-1.000000000e+00  }
0x3a1: {  	s9 =	smov.u32 s16;
	s12 =	smov.u32 s6;
	s16 =	smov.u32 s2;
	v4 =	vsel vm4, $0x3F800000, v0;
	v11 =	vld [tilespmem:s21+$0x1800];
	v3 =	vsel vm1, $0x3F800000, v0;
	v7 =	vsel vm5, $0x3F800000, v0  }
.Ltmp3:
0x3a2: {  	s15 =	smov.u32 s13;
	s13 =	smov.u32 s7;
	v5 =	vld [tilespmem:s30+$0x400];
	[tilespmem:s8+$0x0] =	vst v3;
	(pc) =	sbr.rel @p0 .LBB2_8-.Ltmp3, $4  }
0x3a3: {  	s11 =	smov.u32 s17;
	s17 =	smov.u32 s24;
	s21 =	smov.u32 s29;
	v6 =	vld [tilespmem:s31+$0x400];
	[tilespmem:v12+s4+$0x0] =	vst.idx.msk vm0, v2  }
0x3a4: {  	s24 =	smov.u32 s22;
	s22 =	smov.u32 s31;
	v9 =	vshll.u32 v10, $0xA;
	v3 =	vld [tilespmem:s19+$0x1800];
	[tilespmem:s3+$0x0] =	vst v4;
	s19 =	smov.u32 s20  }
0x3a5: {  	v8 =	vshll.u32 v15, $0xA;
	vm0 =	vlt.u32 v15, $0x21;
	v4 =	vor.u32 s13, v9;
	[tilespmem:v13+s4+$0x0] =	vst.idx.msk vm3, v2  }
0x3a6: {  	s0 =	sadd.s32 $0x12800, s14;
	s14 =	smov.u32 s28;
	vm1 =	vlt.u32 v10, $0x21;
	v9 =	vadd.s32 s28, v4;
	v4 =	vld [tilespmem:s23+$0x1800];
	[tilespmem:v14+s4+$0x0] =	vst.idx.msk vm2, v2;
	vm2 =	vle.f32 v11, $-1.000000000e+00;
	s23 =	smov.u32 s30  }
0x3a7: {  	v10 =	vshll.u32 v5, $0xA  }
0x3a8: {  	v9 =	vor.u32 v1, v9;
	v8 =	vor.u32 s12, v8;
	vm3 =	vlt.u32 v5, $0x21  }
0x3a9: {  	v10 =	vor.u32 s16, v10;
	v11 =	vshll.u32 v6, $0xA;
	v8 =	vadd.s32 s14, v8  }
0x3aa: {  	v10 =	vadd.s32 s14, v10;
	v11 =	vor.u32 s17, v11;
	v8 =	vor.u32 v1, v8  }
0x3ab: {  	vm4 =	vlt.u32 v6, $0x21;
	v53 =	vor.u32 v1, v10;
	v54 =	vadd.s32 s14, v11  }
0x3ac: {  	v55 =	vor.u32 v1, v54  }
0x3ad: {  	[tilespmem:s26+$0x0] =	vst v7;
	v56 =	vld [tilespmem:s24+$0x1800]  }
0x3ae: {  	[tilespmem:v9+s4+$0x0] =	vst.idx.msk vm1, v2  }
0x3af: {  	v9 =	vld [tilespmem:s21+$0x1800];
	[tilespmem:v8+s4+$0x0] =	vst.idx.msk vm0, v2  }
0x3b0: {  	v8 =	vld [tilespmem:s19+$0x1800];
	[tilespmem:v53+s4+$0x0] =	vst.idx.msk vm3, v2  }
0x3b1: {  	v57 =	vsel vm2, $0x3F800000, v0;
	s2 =	sor.u32 s15, s0;
	vm9 =	vle.f32 v3, $-1.000000000e+00;
	v3 =	vld [tilespmem:s23+$0x1800];
	[tilespmem:v55+s4+$0x0] =	vst.idx.msk vm4, v2  }
0x3b2: {  	s3 =	sor.u32 s10, s0;
	[tilespmem:s2+$0x0] =	vst v57;
	v58 =	vsel vm9, $0x3F800000, v0;
	vm11 =	vle.f32 v56, $-1.000000000e+00;
	v59 =	vld [tilespmem:s22+$0x1800]  }
0x3b3: {  	vm10 =	vle.f32 v4, $-1.000000000e+00;
	[tilespmem:s3+$0x0] =	vst v58;
	v61 =	vsel vm11, $0x3F800000, v0;
	s23 =	sor.u32 s11, s0  }
0x3b4: {  	s24 =	sadd.s32 $0x12800, s14;
	v60 =	vsel vm10, $0x3F800000, v0;
	s22 =	sor.u32 s9, s0;
	[tilespmem:s23+$0x0] =	vst v61;
	vm12 =	vle.f32 v9, $-1.000000000e+00  }
0x3b5: {  	s25 =	sor.u32 s13, s24;
	[tilespmem:s22+$0x0] =	vst v60;
	v62 =	vsel vm12, $0x3F800000, v0;
	vm13 =	vle.f32 v8, $-1.000000000e+00  }
0x3b6: {  	s26 =	sor.u32 s12, s24;
	[tilespmem:s25+$0x0] =	vst v62;
	vm14 =	vle.f32 v3, $-1.000000000e+00;
	v3 =	vsel vm13, $0x3F800000, v0  }
0x3b7: {  	s28 =	sor.u32 s16, s24;
	vm15 =	vle.f32 v59, $-1.000000000e+00;
	v63 =	vsel vm14, $0x3F800000, v0;
	[tilespmem:s26+$0x0] =	vst v3  }
0x3b8: {  	s29 =	sor.u32 s17, s24;
	v3 =	vsel vm15, $0x3F800000, v0;
	[tilespmem:s28+$0x0] =	vst v63  }
0x3b9: {  	s30 =	simm.s32 $0x400;
	[tilespmem:s29+$0x0] =	vst v3  }
0x3ba: {  	s31 =	simm.s32 $0x40000;
	s9 =	simm.s32 $0x13200;
	s0 =	rddreg [dreg:$0xb]  }
0x3bb: {  	[hbm4b:s0+s30] =	stream.strided.scatter [tilespmem:s4], [sflag:$0x2], $0x8800, s31, s30, $0x38;
	[tilespmem:$0x1B400] =	vst v63  }
0x3bc: {  	[tilespmem:s9+$0xFFFFFA00] =	vst v0  }
0x3bd: {  	[tilespmem:s9+$0x5F0] =	vst v0  }
0x3be: {  	[tilespmem:s9+$0x5E0] =	vst v0  }
0x3bf: {  	[tilespmem:s9+$0x5D0] =	vst v0  }
0x3c0: {  	[tilespmem:s9+$0x5C0] =	vst v0  }
0x3c1: {  	[tilespmem:s9+$0x5B0] =	vst v0  }
0x3c2: {  	[tilespmem:s9+$0x5A0] =	vst v0  }
0x3c3: {  	[tilespmem:s9+$0x590] =	vst v0  }
0x3c4: {  	[tilespmem:s9+$0x580] =	vst v0  }
0x3c5: {  	[tilespmem:s9+$0x570] =	vst v0  }
0x3c6: {  	[tilespmem:s9+$0x560] =	vst v0  }
0x3c7: {  	[tilespmem:s9+$0x550] =	vst v0  }
0x3c8: {  	[tilespmem:s9+$0x540] =	vst v0  }
0x3c9: {  	[tilespmem:s9+$0x530] =	vst v0  }
0x3ca: {  	[tilespmem:s9+$0x520] =	vst v0  }
0x3cb: {  	[tilespmem:s9+$0x510] =	vst v0  }
0x3cc: {  	[tilespmem:s9+$0x500] =	vst v0  }
0x3cd: {  	[tilespmem:s9+$0x4F0] =	vst v0  }
0x3ce: {  	[tilespmem:s9+$0x4E0] =	vst v0  }
0x3cf: {  	[tilespmem:s9+$0x4D0] =	vst v0  }
0x3d0: {  	[tilespmem:s9+$0x4C0] =	vst v0  }
0x3d1: {  	[tilespmem:s9+$0x4B0] =	vst v0  }
0x3d2: {  	[tilespmem:s9+$0x4A0] =	vst v0  }
0x3d3: {  	[tilespmem:s9+$0x490] =	vst v0  }
0x3d4: {  	[tilespmem:s9+$0x480] =	vst v0  }
0x3d5: {  	[tilespmem:s9+$0x470] =	vst v0  }
0x3d6: {  	[tilespmem:s9+$0x460] =	vst v0  }
0x3d7: {  	[tilespmem:s9+$0x450] =	vst v0  }
0x3d8: {  	[tilespmem:s9+$0x440] =	vst v0  }
0x3d9: {  	[tilespmem:s9+$0x430] =	vst v0  }
0x3da: {  	[tilespmem:s9+$0x420] =	vst v0  }
0x3db: {  	[tilespmem:s9+$0x410] =	vst v0  }
0x3dc: {  	[tilespmem:s9+$0x400] =	vst v0  }
0x3dd: {  	[tilespmem:s9+$0x3F0] =	vst v0  }
0x3de: {  	[tilespmem:s9+$0x3E0] =	vst v0  }
0x3df: {  	[tilespmem:s9+$0x3D0] =	vst v0  }
0x3e0: {  	[tilespmem:s9+$0x3C0] =	vst v0  }
0x3e1: {  	[tilespmem:s9+$0x3B0] =	vst v0  }
0x3e2: {  	[tilespmem:s9+$0x3A0] =	vst v0  }
0x3e3: {  	[tilespmem:s9+$0x390] =	vst v0  }
0x3e4: {  	[tilespmem:s9+$0x380] =	vst v0  }
0x3e5: {  	[tilespmem:s9+$0x370] =	vst v0  }
0x3e6: {  	[tilespmem:s9+$0x360] =	vst v0  }
0x3e7: {  	[tilespmem:s9+$0x350] =	vst v0  }
0x3e8: {  	[tilespmem:s9+$0x340] =	vst v0  }
0x3e9: {  	[tilespmem:s9+$0x330] =	vst v0  }
0x3ea: {  	[tilespmem:s9+$0x320] =	vst v0  }
0x3eb: {  	[tilespmem:s9+$0x310] =	vst v0  }
0x3ec: {  	[tilespmem:s9+$0x300] =	vst v0  }
0x3ed: {  	[tilespmem:s9+$0x2F0] =	vst v0  }
0x3ee: {  	[tilespmem:s9+$0x2E0] =	vst v0  }
0x3ef: {  	[tilespmem:s9+$0x2D0] =	vst v0  }
0x3f0: {  	[tilespmem:s9+$0x2C0] =	vst v0  }
0x3f1: {  	[tilespmem:s9+$0x2B0] =	vst v0  }
0x3f2: {  	[tilespmem:s9+$0x2A0] =	vst v0  }
0x3f3: {  	[tilespmem:s9+$0x290] =	vst v0  }
0x3f4: {  	[tilespmem:s9+$0x280] =	vst v0  }
0x3f5: {  	[tilespmem:s9+$0x270] =	vst v0  }
0x3f6: {  	[tilespmem:s9+$0x260] =	vst v0  }
0x3f7: {  	[tilespmem:s9+$0x250] =	vst v0  }
0x3f8: {  	[tilespmem:s9+$0x240] =	vst v0  }
0x3f9: {  	[tilespmem:s9+$0x230] =	vst v0  }
0x3fa: {  	[tilespmem:s9+$0x220] =	vst v0  }
0x3fb: {  	[tilespmem:s9+$0x210] =	vst v0  }
0x3fc: {  	[tilespmem:s9+$0x200] =	vst v0  }
0x3fd: {  	[tilespmem:s9+$0x1F0] =	vst v0  }
0x3fe: {  	[tilespmem:s9+$0x1E0] =	vst v0  }
0x3ff: {  	[tilespmem:s9+$0x1D0] =	vst v0  }
0x400: {  	[tilespmem:s9+$0x1C0] =	vst v0  }
0x401: {  	[tilespmem:s9+$0x1B0] =	vst v0  }
0x402: {  	[tilespmem:s9+$0x1A0] =	vst v0  }
0x403: {  	[tilespmem:s9+$0x190] =	vst v0  }
0x404: {  	[tilespmem:s9+$0x180] =	vst v0  }
0x405: {  	[tilespmem:s9+$0x170] =	vst v0  }
0x406: {  	[tilespmem:s9+$0x160] =	vst v0  }
0x407: {  	[tilespmem:s9+$0x150] =	vst v0  }
0x408: {  	[tilespmem:s9+$0x140] =	vst v0  }
0x409: {  	[tilespmem:s9+$0x130] =	vst v0  }
0x40a: {  	[tilespmem:s9+$0x120] =	vst v0  }
0x40b: {  	[tilespmem:s9+$0x110] =	vst v0  }
0x40c: {  	[tilespmem:s9+$0x100] =	vst v0  }
0x40d: {  	[tilespmem:s9+$0xF0] =	vst v0  }
0x40e: {  	[tilespmem:s9+$0xE0] =	vst v0  }
0x40f: {  	[tilespmem:s9+$0xD0] =	vst v0  }
0x410: {  	[tilespmem:s9+$0xC0] =	vst v0  }
0x411: {  	[tilespmem:s9+$0xB0] =	vst v0  }
0x412: {  	[tilespmem:s9+$0xA0] =	vst v0  }
0x413: {  	[tilespmem:s9+$0x90] =	vst v0  }
0x414: {  	[tilespmem:s9+$0x80] =	vst v0  }
0x415: {  	[tilespmem:s9+$0x70] =	vst v0  }
0x416: {  	[tilespmem:s9+$0x60] =	vst v0  }
0x417: {  	[tilespmem:s9+$0x50] =	vst v0  }
0x418: {  	[tilespmem:s9+$0x40] =	vst v0  }
0x419: {  	[tilespmem:s9+$0x30] =	vst v0  }
0x41a: {  	[tilespmem:s9+$0x20] =	vst v0  }
0x41b: {  	[tilespmem:s9+$0x10] =	vst v0  }
0x41c: {  	[tilespmem:s9+$0x0] =	vst v0  }
0x41d: {  	[tilespmem:s9+$0xFFFFFFF0] =	vst v0  }
0x41e: {  	[tilespmem:s9+$0xFFFFFFE0] =	vst v0  }
0x41f: {  	[tilespmem:s9+$0xFFFFFFD0] =	vst v0  }
0x420: {  	[tilespmem:s9+$0xFFFFFFC0] =	vst v0  }
0x421: {  	[tilespmem:s9+$0xFFFFFFB0] =	vst v0  }
0x422: {  	[tilespmem:s9+$0xFFFFFFA0] =	vst v0  }
0x423: {  	[tilespmem:s9+$0xFFFFFF90] =	vst v0  }
0x424: {  	[tilespmem:s9+$0xFFFFFF80] =	vst v0  }
0x425: {  	[tilespmem:s9+$0xFFFFFF70] =	vst v0  }
0x426: {  	[tilespmem:s9+$0xFFFFFF60] =	vst v0  }
0x427: {  	[tilespmem:s9+$0xFFFFFF50] =	vst v0  }
0x428: {  	[tilespmem:s9+$0xFFFFFF40] =	vst v0  }
0x429: {  	[tilespmem:s9+$0xFFFFFF30] =	vst v0  }
0x42a: {  	[tilespmem:s9+$0xFFFFFF20] =	vst v0  }
0x42b: {  	[tilespmem:s9+$0xFFFFFF10] =	vst v0  }
0x42c: {  	[tilespmem:s9+$0xFFFFFF00] =	vst v0  }
0x42d: {  	[tilespmem:s9+$0xFFFFFEF0] =	vst v0  }
0x42e: {  	[tilespmem:s9+$0xFFFFFEE0] =	vst v0  }
0x42f: {  	[tilespmem:s9+$0xFFFFFED0] =	vst v0  }
0x430: {  	[tilespmem:s9+$0xFFFFFEC0] =	vst v0  }
0x431: {  	[tilespmem:s9+$0xFFFFFEB0] =	vst v0  }
0x432: {  	[tilespmem:s9+$0xFFFFFEA0] =	vst v0  }
0x433: {  	[tilespmem:s9+$0xFFFFFE90] =	vst v0  }
0x434: {  	[tilespmem:s9+$0xFFFFFE80] =	vst v0  }
0x435: {  	[tilespmem:s9+$0xFFFFFE70] =	vst v0  }
0x436: {  	[tilespmem:s9+$0xFFFFFE60] =	vst v0  }
0x437: {  	[tilespmem:s9+$0xFFFFFE50] =	vst v0  }
0x438: {  	[tilespmem:s9+$0xFFFFFE40] =	vst v0  }
0x439: {  	[tilespmem:s9+$0xFFFFFE30] =	vst v0  }
0x43a: {  	[tilespmem:s9+$0xFFFFFE20] =	vst v0  }
0x43b: {  	[tilespmem:s9+$0xFFFFFE10] =	vst v0  }
0x43c: {  	[tilespmem:s9+$0xFFFFFE00] =	vst v0  }
0x43d: {  	[tilespmem:s9+$0xFFFFFDF0] =	vst v0  }
0x43e: {  	[tilespmem:s9+$0xFFFFFDE0] =	vst v0  }
0x43f: {  	[tilespmem:s9+$0xFFFFFDD0] =	vst v0  }
0x440: {  	[tilespmem:s9+$0xFFFFFDC0] =	vst v0  }
0x441: {  	[tilespmem:s9+$0xFFFFFDB0] =	vst v0  }
0x442: {  	[tilespmem:s9+$0xFFFFFDA0] =	vst v0  }
0x443: {  	[tilespmem:s9+$0xFFFFFD90] =	vst v0  }
0x444: {  	[tilespmem:s9+$0xFFFFFD80] =	vst v0  }
0x445: {  	[tilespmem:s9+$0xFFFFFD70] =	vst v0  }
0x446: {  	[tilespmem:s9+$0xFFFFFD60] =	vst v0  }
0x447: {  	[tilespmem:s9+$0xFFFFFD50] =	vst v0  }
0x448: {  	[tilespmem:s9+$0xFFFFFD40] =	vst v0  }
0x449: {  	[tilespmem:s9+$0xFFFFFD30] =	vst v0  }
0x44a: {  	[tilespmem:s9+$0xFFFFFD20] =	vst v0  }
0x44b: {  	[tilespmem:s9+$0xFFFFFD10] =	vst v0  }
0x44c: {  	[tilespmem:s9+$0xFFFFFD00] =	vst v0  }
0x44d: {  	[tilespmem:s9+$0xFFFFFCF0] =	vst v0  }
0x44e: {  	[tilespmem:s9+$0xFFFFFCE0] =	vst v0  }
0x44f: {  	[tilespmem:s9+$0xFFFFFCD0] =	vst v0  }
0x450: {  	[tilespmem:s9+$0xFFFFFCC0] =	vst v0  }
0x451: {  	[tilespmem:s9+$0xFFFFFCB0] =	vst v0  }
0x452: {  	[tilespmem:s9+$0xFFFFFCA0] =	vst v0  }
0x453: {  	[tilespmem:s9+$0xFFFFFC90] =	vst v0  }
0x454: {  	[tilespmem:s9+$0xFFFFFC80] =	vst v0  }
0x455: {  	[tilespmem:s9+$0xFFFFFC70] =	vst v0  }
0x456: {  	[tilespmem:s9+$0xFFFFFC60] =	vst v0  }
0x457: {  	[tilespmem:s9+$0xFFFFFC50] =	vst v0  }
0x458: {  	[tilespmem:s9+$0xFFFFFC40] =	vst v0  }
0x459: {  	[tilespmem:s9+$0xFFFFFC30] =	vst v0  }
0x45a: {  	[tilespmem:s9+$0xFFFFFC20] =	vst v0  }
0x45b: {  	[tilespmem:s9+$0xFFFFFC10] =	vst v0  }
0x45c: {  	[tilespmem:s9+$0xFFFFFC00] =	vst v0  }
0x45d: {  	[tilespmem:s9+$0xFFFFFBF0] =	vst v0  }
0x45e: {  	[tilespmem:s9+$0xFFFFFBE0] =	vst v0  }
0x45f: {  	[tilespmem:s9+$0xFFFFFBD0] =	vst v0  }
0x460: {  	[tilespmem:s9+$0xFFFFFBC0] =	vst v0  }
0x461: {  	[tilespmem:s9+$0xFFFFFBB0] =	vst v0  }
0x462: {  	[tilespmem:s9+$0xFFFFFBA0] =	vst v0  }
0x463: {  	[tilespmem:s9+$0xFFFFFB90] =	vst v0  }
0x464: {  	[tilespmem:s9+$0xFFFFFB80] =	vst v0  }
0x465: {  	[tilespmem:s9+$0xFFFFFB70] =	vst v0  }
0x466: {  	[tilespmem:s9+$0xFFFFFB60] =	vst v0  }
0x467: {  	[tilespmem:s9+$0xFFFFFB50] =	vst v0  }
0x468: {  	[tilespmem:s9+$0xFFFFFB40] =	vst v0  }
0x469: {  	[tilespmem:s9+$0xFFFFFB30] =	vst v0  }
0x46a: {  	[tilespmem:s9+$0xFFFFFB20] =	vst v0  }
0x46b: {  	[tilespmem:s9+$0xFFFFFB10] =	vst v0  }
0x46c: {  	[tilespmem:s9+$0xFFFFFB00] =	vst v0  }
0x46d: {  	[tilespmem:s9+$0xFFFFFAF0] =	vst v0  }
0x46e: {  	[tilespmem:s9+$0xFFFFFAE0] =	vst v0  }
0x46f: {  	[tilespmem:s9+$0xFFFFFAD0] =	vst v0  }
0x470: {  	[tilespmem:s9+$0xFFFFFAC0] =	vst v0  }
0x471: {  	[tilespmem:s9+$0xFFFFFAB0] =	vst v0  }
0x472: {  	[tilespmem:s9+$0xFFFFFAA0] =	vst v0  }
0x473: {  	[tilespmem:s9+$0xFFFFFA90] =	vst v0  }
0x474: {  	[tilespmem:s9+$0xFFFFFA80] =	vst v0  }
0x475: {  	[tilespmem:s9+$0xFFFFFA70] =	vst v0  }
0x476: {  	[tilespmem:s9+$0xFFFFFA60] =	vst v0  }
0x477: {  	[tilespmem:s9+$0xFFFFFA50] =	vst v0  }
0x478: {  	[tilespmem:s9+$0xFFFFFA40] =	vst v0  }
0x479: {  	[tilespmem:s9+$0xFFFFFA30] =	vst v0  }
0x47a: {  	s10 =	simm.s32 $0x0;
	[tilespmem:s9+$0xFFFFFA20] =	vst v0  }
.LBB2_10:
0x47b: {  	s10 =	sadd.s32 $0x3, s10;
	[tilespmem:s9+$0xFFFFFA10] =	vst v0;
	s9 =	sadd.s32 $0xC00, s9  }
0x47c: {  	[tilespmem:s9+$0xFFFFFA00] =	vst v0;
	p0 =	slt.u32 s10, $0x1E  }
0x47d: {  	[tilespmem:s9+$0x5F0] =	vst v0  }
0x47e: {  	[tilespmem:s9+$0x5E0] =	vst v0  }
0x47f: {  	[tilespmem:s9+$0x5D0] =	vst v0  }
0x480: {  	[tilespmem:s9+$0x5C0] =	vst v0  }
0x481: {  	[tilespmem:s9+$0x5B0] =	vst v0  }
0x482: {  	[tilespmem:s9+$0x5A0] =	vst v0  }
0x483: {  	[tilespmem:s9+$0x590] =	vst v0  }
0x484: {  	[tilespmem:s9+$0x580] =	vst v0  }
0x485: {  	[tilespmem:s9+$0x570] =	vst v0  }
0x486: {  	[tilespmem:s9+$0x560] =	vst v0  }
0x487: {  	[tilespmem:s9+$0x550] =	vst v0  }
0x488: {  	[tilespmem:s9+$0x540] =	vst v0  }
0x489: {  	[tilespmem:s9+$0x530] =	vst v0  }
0x48a: {  	[tilespmem:s9+$0x520] =	vst v0  }
0x48b: {  	[tilespmem:s9+$0x510] =	vst v0  }
0x48c: {  	[tilespmem:s9+$0x500] =	vst v0  }
0x48d: {  	[tilespmem:s9+$0x4F0] =	vst v0  }
0x48e: {  	[tilespmem:s9+$0x4E0] =	vst v0  }
0x48f: {  	[tilespmem:s9+$0x4D0] =	vst v0  }
0x490: {  	[tilespmem:s9+$0x4C0] =	vst v0  }
0x491: {  	[tilespmem:s9+$0x4B0] =	vst v0  }
0x492: {  	[tilespmem:s9+$0x4A0] =	vst v0  }
0x493: {  	[tilespmem:s9+$0x490] =	vst v0  }
0x494: {  	[tilespmem:s9+$0x480] =	vst v0  }
0x495: {  	[tilespmem:s9+$0x470] =	vst v0  }
0x496: {  	[tilespmem:s9+$0x460] =	vst v0  }
0x497: {  	[tilespmem:s9+$0x450] =	vst v0  }
0x498: {  	[tilespmem:s9+$0x440] =	vst v0  }
0x499: {  	[tilespmem:s9+$0x430] =	vst v0  }
0x49a: {  	[tilespmem:s9+$0x420] =	vst v0  }
0x49b: {  	[tilespmem:s9+$0x410] =	vst v0  }
0x49c: {  	[tilespmem:s9+$0x400] =	vst v0  }
0x49d: {  	[tilespmem:s9+$0x3F0] =	vst v0  }
0x49e: {  	[tilespmem:s9+$0x3E0] =	vst v0  }
0x49f: {  	[tilespmem:s9+$0x3D0] =	vst v0  }
0x4a0: {  	[tilespmem:s9+$0x3C0] =	vst v0  }
0x4a1: {  	[tilespmem:s9+$0x3B0] =	vst v0  }
0x4a2: {  	[tilespmem:s9+$0x3A0] =	vst v0  }
0x4a3: {  	[tilespmem:s9+$0x390] =	vst v0  }
0x4a4: {  	[tilespmem:s9+$0x380] =	vst v0  }
0x4a5: {  	[tilespmem:s9+$0x370] =	vst v0  }
0x4a6: {  	[tilespmem:s9+$0x360] =	vst v0  }
0x4a7: {  	[tilespmem:s9+$0x350] =	vst v0  }
0x4a8: {  	[tilespmem:s9+$0x340] =	vst v0  }
0x4a9: {  	[tilespmem:s9+$0x330] =	vst v0  }
0x4aa: {  	[tilespmem:s9+$0x320] =	vst v0  }
0x4ab: {  	[tilespmem:s9+$0x310] =	vst v0  }
0x4ac: {  	[tilespmem:s9+$0x300] =	vst v0  }
0x4ad: {  	[tilespmem:s9+$0x2F0] =	vst v0  }
0x4ae: {  	[tilespmem:s9+$0x2E0] =	vst v0  }
0x4af: {  	[tilespmem:s9+$0x2D0] =	vst v0  }
0x4b0: {  	[tilespmem:s9+$0x2C0] =	vst v0  }
0x4b1: {  	[tilespmem:s9+$0x2B0] =	vst v0  }
0x4b2: {  	[tilespmem:s9+$0x2A0] =	vst v0  }
0x4b3: {  	[tilespmem:s9+$0x290] =	vst v0  }
0x4b4: {  	[tilespmem:s9+$0x280] =	vst v0  }
0x4b5: {  	[tilespmem:s9+$0x270] =	vst v0  }
0x4b6: {  	[tilespmem:s9+$0x260] =	vst v0  }
0x4b7: {  	[tilespmem:s9+$0x250] =	vst v0  }
0x4b8: {  	[tilespmem:s9+$0x240] =	vst v0  }
0x4b9: {  	[tilespmem:s9+$0x230] =	vst v0  }
0x4ba: {  	[tilespmem:s9+$0x220] =	vst v0  }
0x4bb: {  	[tilespmem:s9+$0x210] =	vst v0  }
0x4bc: {  	[tilespmem:s9+$0x200] =	vst v0  }
0x4bd: {  	[tilespmem:s9+$0x1F0] =	vst v0  }
0x4be: {  	[tilespmem:s9+$0x1E0] =	vst v0  }
0x4bf: {  	[tilespmem:s9+$0x1D0] =	vst v0  }
0x4c0: {  	[tilespmem:s9+$0x1C0] =	vst v0  }
0x4c1: {  	[tilespmem:s9+$0x1B0] =	vst v0  }
0x4c2: {  	[tilespmem:s9+$0x1A0] =	vst v0  }
0x4c3: {  	[tilespmem:s9+$0x190] =	vst v0  }
0x4c4: {  	[tilespmem:s9+$0x180] =	vst v0  }
0x4c5: {  	[tilespmem:s9+$0x170] =	vst v0  }
0x4c6: {  	[tilespmem:s9+$0x160] =	vst v0  }
0x4c7: {  	[tilespmem:s9+$0x150] =	vst v0  }
0x4c8: {  	[tilespmem:s9+$0x140] =	vst v0  }
0x4c9: {  	[tilespmem:s9+$0x130] =	vst v0  }
0x4ca: {  	[tilespmem:s9+$0x120] =	vst v0  }
0x4cb: {  	[tilespmem:s9+$0x110] =	vst v0  }
0x4cc: {  	[tilespmem:s9+$0x100] =	vst v0  }
0x4cd: {  	[tilespmem:s9+$0xF0] =	vst v0  }
0x4ce: {  	[tilespmem:s9+$0xE0] =	vst v0  }
0x4cf: {  	[tilespmem:s9+$0xD0] =	vst v0  }
0x4d0: {  	[tilespmem:s9+$0xC0] =	vst v0  }
0x4d1: {  	[tilespmem:s9+$0xB0] =	vst v0  }
0x4d2: {  	[tilespmem:s9+$0xA0] =	vst v0  }
0x4d3: {  	[tilespmem:s9+$0x90] =	vst v0  }
0x4d4: {  	[tilespmem:s9+$0x80] =	vst v0  }
0x4d5: {  	[tilespmem:s9+$0x70] =	vst v0  }
0x4d6: {  	[tilespmem:s9+$0x60] =	vst v0  }
0x4d7: {  	[tilespmem:s9+$0x50] =	vst v0  }
0x4d8: {  	[tilespmem:s9+$0x40] =	vst v0  }
0x4d9: {  	[tilespmem:s9+$0x30] =	vst v0  }
0x4da: {  	[tilespmem:s9+$0x20] =	vst v0  }
0x4db: {  	[tilespmem:s9+$0x10] =	vst v0  }
0x4dc: {  	[tilespmem:s9+$0x0] =	vst v0  }
0x4dd: {  	[tilespmem:s9+$0xFFFFFFF0] =	vst v0  }
0x4de: {  	[tilespmem:s9+$0xFFFFFFE0] =	vst v0  }
0x4df: {  	[tilespmem:s9+$0xFFFFFFD0] =	vst v0  }
0x4e0: {  	[tilespmem:s9+$0xFFFFFFC0] =	vst v0  }
0x4e1: {  	[tilespmem:s9+$0xFFFFFFB0] =	vst v0  }
0x4e2: {  	[tilespmem:s9+$0xFFFFFFA0] =	vst v0  }
0x4e3: {  	[tilespmem:s9+$0xFFFFFF90] =	vst v0  }
0x4e4: {  	[tilespmem:s9+$0xFFFFFF80] =	vst v0  }
0x4e5: {  	[tilespmem:s9+$0xFFFFFF70] =	vst v0  }
0x4e6: {  	[tilespmem:s9+$0xFFFFFF60] =	vst v0  }
0x4e7: {  	[tilespmem:s9+$0xFFFFFF50] =	vst v0  }
0x4e8: {  	[tilespmem:s9+$0xFFFFFF40] =	vst v0  }
0x4e9: {  	[tilespmem:s9+$0xFFFFFF30] =	vst v0  }
0x4ea: {  	[tilespmem:s9+$0xFFFFFF20] =	vst v0  }
0x4eb: {  	[tilespmem:s9+$0xFFFFFF10] =	vst v0  }
0x4ec: {  	[tilespmem:s9+$0xFFFFFF00] =	vst v0  }
0x4ed: {  	[tilespmem:s9+$0xFFFFFEF0] =	vst v0  }
0x4ee: {  	[tilespmem:s9+$0xFFFFFEE0] =	vst v0  }
0x4ef: {  	[tilespmem:s9+$0xFFFFFED0] =	vst v0  }
0x4f0: {  	[tilespmem:s9+$0xFFFFFEC0] =	vst v0  }
0x4f1: {  	[tilespmem:s9+$0xFFFFFEB0] =	vst v0  }
0x4f2: {  	[tilespmem:s9+$0xFFFFFEA0] =	vst v0  }
0x4f3: {  	[tilespmem:s9+$0xFFFFFE90] =	vst v0  }
0x4f4: {  	[tilespmem:s9+$0xFFFFFE80] =	vst v0  }
0x4f5: {  	[tilespmem:s9+$0xFFFFFE70] =	vst v0  }
0x4f6: {  	[tilespmem:s9+$0xFFFFFE60] =	vst v0  }
0x4f7: {  	[tilespmem:s9+$0xFFFFFE50] =	vst v0  }
0x4f8: {  	[tilespmem:s9+$0xFFFFFE40] =	vst v0  }
0x4f9: {  	[tilespmem:s9+$0xFFFFFE30] =	vst v0  }
0x4fa: {  	[tilespmem:s9+$0xFFFFFE20] =	vst v0  }
0x4fb: {  	[tilespmem:s9+$0xFFFFFE10] =	vst v0  }
0x4fc: {  	[tilespmem:s9+$0xFFFFFE00] =	vst v0  }
0x4fd: {  	[tilespmem:s9+$0xFFFFFDF0] =	vst v0  }
0x4fe: {  	[tilespmem:s9+$0xFFFFFDE0] =	vst v0  }
0x4ff: {  	[tilespmem:s9+$0xFFFFFDD0] =	vst v0  }
0x500: {  	[tilespmem:s9+$0xFFFFFDC0] =	vst v0  }
0x501: {  	[tilespmem:s9+$0xFFFFFDB0] =	vst v0  }
0x502: {  	[tilespmem:s9+$0xFFFFFDA0] =	vst v0  }
0x503: {  	[tilespmem:s9+$0xFFFFFD90] =	vst v0  }
0x504: {  	[tilespmem:s9+$0xFFFFFD80] =	vst v0  }
0x505: {  	[tilespmem:s9+$0xFFFFFD70] =	vst v0  }
0x506: {  	[tilespmem:s9+$0xFFFFFD60] =	vst v0  }
0x507: {  	[tilespmem:s9+$0xFFFFFD50] =	vst v0  }
0x508: {  	[tilespmem:s9+$0xFFFFFD40] =	vst v0  }
0x509: {  	[tilespmem:s9+$0xFFFFFD30] =	vst v0  }
0x50a: {  	[tilespmem:s9+$0xFFFFFD20] =	vst v0  }
0x50b: {  	[tilespmem:s9+$0xFFFFFD10] =	vst v0  }
0x50c: {  	[tilespmem:s9+$0xFFFFFD00] =	vst v0  }
0x50d: {  	[tilespmem:s9+$0xFFFFFCF0] =	vst v0  }
0x50e: {  	[tilespmem:s9+$0xFFFFFCE0] =	vst v0  }
0x50f: {  	[tilespmem:s9+$0xFFFFFCD0] =	vst v0  }
0x510: {  	[tilespmem:s9+$0xFFFFFCC0] =	vst v0  }
0x511: {  	[tilespmem:s9+$0xFFFFFCB0] =	vst v0  }
0x512: {  	[tilespmem:s9+$0xFFFFFCA0] =	vst v0  }
0x513: {  	[tilespmem:s9+$0xFFFFFC90] =	vst v0  }
0x514: {  	[tilespmem:s9+$0xFFFFFC80] =	vst v0  }
0x515: {  	[tilespmem:s9+$0xFFFFFC70] =	vst v0  }
0x516: {  	[tilespmem:s9+$0xFFFFFC60] =	vst v0  }
0x517: {  	[tilespmem:s9+$0xFFFFFC50] =	vst v0  }
0x518: {  	[tilespmem:s9+$0xFFFFFC40] =	vst v0  }
0x519: {  	[tilespmem:s9+$0xFFFFFC30] =	vst v0  }
0x51a: {  	[tilespmem:s9+$0xFFFFFC20] =	vst v0  }
0x51b: {  	[tilespmem:s9+$0xFFFFFC10] =	vst v0  }
0x51c: {  	[tilespmem:s9+$0xFFFFFC00] =	vst v0  }
0x51d: {  	[tilespmem:s9+$0xFFFFFBF0] =	vst v0  }
0x51e: {  	[tilespmem:s9+$0xFFFFFBE0] =	vst v0  }
0x51f: {  	[tilespmem:s9+$0xFFFFFBD0] =	vst v0  }
0x520: {  	[tilespmem:s9+$0xFFFFFBC0] =	vst v0  }
0x521: {  	[tilespmem:s9+$0xFFFFFBB0] =	vst v0  }
0x522: {  	[tilespmem:s9+$0xFFFFFBA0] =	vst v0  }
0x523: {  	[tilespmem:s9+$0xFFFFFB90] =	vst v0  }
0x524: {  	[tilespmem:s9+$0xFFFFFB80] =	vst v0  }
0x525: {  	[tilespmem:s9+$0xFFFFFB70] =	vst v0  }
0x526: {  	[tilespmem:s9+$0xFFFFFB60] =	vst v0  }
0x527: {  	[tilespmem:s9+$0xFFFFFB50] =	vst v0  }
0x528: {  	[tilespmem:s9+$0xFFFFFB40] =	vst v0  }
0x529: {  	[tilespmem:s9+$0xFFFFFB30] =	vst v0  }
0x52a: {  	[tilespmem:s9+$0xFFFFFB20] =	vst v0  }
0x52b: {  	[tilespmem:s9+$0xFFFFFB10] =	vst v0  }
0x52c: {  	[tilespmem:s9+$0xFFFFFB00] =	vst v0  }
0x52d: {  	[tilespmem:s9+$0xFFFFFAF0] =	vst v0  }
0x52e: {  	[tilespmem:s9+$0xFFFFFAE0] =	vst v0  }
0x52f: {  	[tilespmem:s9+$0xFFFFFAD0] =	vst v0  }
0x530: {  	[tilespmem:s9+$0xFFFFFAC0] =	vst v0  }
0x531: {  	[tilespmem:s9+$0xFFFFFAB0] =	vst v0  }
0x532: {  	[tilespmem:s9+$0xFFFFFAA0] =	vst v0  }
0x533: {  	[tilespmem:s9+$0xFFFFFA90] =	vst v0  }
0x534: {  	[tilespmem:s9+$0xFFFFFA80] =	vst v0  }
0x535: {  	[tilespmem:s9+$0xFFFFFA70] =	vst v0  }
.Ltmp4:
0x536: {  	[tilespmem:s9+$0xFFFFFA60] =	vst v0;
	(pc) =	sbr.rel @p0 .LBB2_10-.Ltmp4, $4  }
0x537: {  	[tilespmem:s9+$0xFFFFFA50] =	vst v0  }
0x538: {  	[tilespmem:s9+$0xFFFFFA40] =	vst v0  }
0x539: {  	[tilespmem:s9+$0xFFFFFA30] =	vst v0  }
0x53a: {  	[tilespmem:s9+$0xFFFFFA20] =	vst v0  }
0x53b: {  	[tilespmem:s9+$0xFFFFFA10] =	vst v0;
	s0 =	simm.s32 $0x4  }
0x53c: {  	_ =	swait.ge [sflag:s0], $0x400  }
0x53d: {  	[sflag:s0] =	ssyncset.done $0x0  }
0x53e: {  	s29 =	simm.s32 $0x0;
	[sflag:s0] =	ssyncadd.s32 $0xFFFFFC00  }
0x53f: {  	s3 =	simm.s32 $0xC00;
	s6 =	simm.s32 $0x0;
	_ =	swait.ge [sflag:s0], $0x400  }
0x540: {  	s16 =	sand.u32 $0x40, s29;
	s19 =	sand.u32 $0xFFFFFF80, s6;
	[sflag:s0] =	ssyncset.done $0x0  }
0x541: {  	s17 =	sor.u32 $0x30, s16;
	s2 =	rddreg [dreg:$0xc];
	[sflag:s0] =	ssyncadd.s32 $0xFFFFFC00  }
0x542: {  	[tilespmem:s3], [sflag:$0x5] =	stream.linear.gather [hbm4b:s2+s29], $0x400, $0x38;
	[tilespmem:$0x1B400] =	vst v63  }
0x543: {  	s31 =	simm.s32 $0x1800;
	s7 =	sor.u32 s19, s17;
	s30 =	rddreg [dreg:$0xd]  }
0x544: {  	[tilespmem:s31], [sflag:$0x5] =	stream.linear.gather [hbm4b:s30+s29], $0x400, $0x38;
	[tilespmem:$0x1B400] =	vst v63  }
0x545: {  	s8 =	sor.u32 s16, s19;
	s25 =	sor.u32 $0x20, s16;
	v3 =	vld [tilespmem:s7+$0x800]  }
0x546: {  	s22 =	sor.u32 $0x10, s16;
	s21 =	sor.u32 s19, s25;
	v4 =	vld [tilespmem:s8+$0x800]  }
0x547: {  	s6 =	sor.u32 s19, s22;
	v6 =	vld [tilespmem:s21+$0x800]  }
0x548: {  	v5 =	vld [tilespmem:s6+$0x800];
	_ =	sdelay $0x1  }
0x549: {  	s12 =	simm.s32 $0x40  }
0x54a: {  	s13 =	simm.s32 $0x40;
	s10 =	sand.u32 $0x40, s12;
	v7 =	vshll.u32 v3, $0xA;
	v8 =	vshll.u32 v4, $0xA  }
0x54b: {  	s15 =	sor.u32 $0x30, s10;
	s0 =	sand.u32 $0xFFFFFF80, s13;
	vm0 =	vlt.u32 v4, $0x21;
	vm1 =	vlt.u32 v3, $0x21;
	v9 =	vshll.u32 v6, $0xA  }
0x54c: {  	s23 =	sor.u32 s0, s15;
	vm2 =	vlt.u32 v5, $0x21;
	vm3 =	vlt.u32 v6, $0x21;
	v4 =	vor.u32 s17, v7  }
0x54d: {  	s9 =	sor.u32 $0x10, s10;
	s28 =	sor.u32 s10, s0;
	v7 =	vld [tilespmem:s23+$0x800];
	v8 =	vor.u32 s16, v8;
	v9 =	vor.u32 s25, v9;
	v3 =	vadd.s32 s19, v4  }
0x54e: {  	s26 =	sor.u32 s0, s9;
	v10 =	vld [tilespmem:s28+$0x800];
	v4 =	vshll.u32 v5, $0xA;
	v8 =	vadd.s32 s19, v8;
	v3 =	vor.u32 v1, v3  }
0x54f: {  	v5 =	vld [tilespmem:s26+$0x800];
	v9 =	vadd.s32 s19, v9;
	v4 =	vor.u32 s22, v4;
	v8 =	vor.u32 v1, v8  }
0x550: {  	v6 =	vor.u32 v1, v9;
	v4 =	vadd.s32 s19, v4  }
0x551: {  	s11 =	sor.u32 $0x20, s10;
	v4 =	vor.u32 v1, v4  }
0x552: {  	s24 =	sor.u32 s0, s11;
	v9 =	vshll.u32 v7, $0xA  }
0x553: {  	v12 =	vshll.u32 v10, $0xA;
	v9 =	vor.u32 s15, v9;
	[tilespmem:v3+s5+$0x0] =	vst.idx.msk vm1, v2;
	v3 =	vld [tilespmem:s24+$0x800]  }
0x554: {  	vm1 =	vlt.u32 v7, $0x21;
	v7 =	vadd.s32 s0, v9;
	[tilespmem:v8+s5+$0x0] =	vst.idx.msk vm0, v2;
	v8 =	vshll.u32 v5, $0xA;
	v11 =	vld [tilespmem:s7+$0x1400]  }
0x555: {  	s18 =	simm.s32 $0x80;
	v9 =	vor.u32 s10, v12;
	vm0 =	vlt.u32 v10, $0x21;
	[tilespmem:v6+s5+$0x0] =	vst.idx.msk vm3, v2;
	v7 =	vor.u32 v1, v7;
	v63 =	vld [tilespmem:s8+$0x1400]  }
0x556: {  	s14 =	simm.s32 $0x80;
	s12 =	sand.u32 $0x40, s18;
	vm3 =	vlt.u32 v5, $0x21;
	v5 =	vld [tilespmem:s21+$0x1400];
	[tilespmem:v4+s5+$0x0] =	vst.idx.msk vm2, v2;
	v4 =	vor.u32 s9, v8;
	v8 =	vadd.s32 s0, v9  }
0x557: {  	s14 =	sand.u32 $0xFFFFFF80, s14;
	s13 =	sor.u32 $0x30, s12;
	v9 =	vld [tilespmem:s6+$0x1400];
	v6 =	vor.u32 v1, v8  }
0x558: {  	s21 =	sor.u32 s14, s13  }
0x559: {  	s20 =	sadd.s32 $0x1B000, s19;
	v10 =	vld [tilespmem:s21+$0x800];
	v4 =	vadd.s32 s0, v4;
	v8 =	vshll.u32 v3, $0xA;
	vm2 =	vle.f32 v11, $-1.000000000e+00  }
0x55a: {  	s29 =	sor.u32 s17, s20;
	v4 =	vor.u32 v1, v4;
	v8 =	vor.u32 s11, v8;
	[tilespmem:v7+s5+$0x0] =	vst.idx.msk vm1, v2;
	v11 =	vsel vm2, $0x3F800000, v0  }
0x55b: {  	s19 =	sor.u32 s12, s14;
	vm1 =	vle.f32 v63, $-1.000000000e+00;
	vm4 =	vle.f32 v5, $-1.000000000e+00;
	v8 =	vadd.s32 s0, v8;
	[tilespmem:s29+$0x0] =	vst v11  }
0x55c: {  	s30 =	sor.u32 s16, s20;
	s16 =	sor.u32 $0x10, s12;
	v13 =	vld [tilespmem:s19+$0x800];
	vm2 =	vlt.u32 v3, $0x21;
	v5 =	vsel vm1, $0x3F800000, v0;
	[tilespmem:v6+s5+$0x0] =	vst.idx.msk vm0, v2;
	vm0 =	vle.f32 v9, $-1.000000000e+00  }
0x55d: {  	s31 =	sor.u32 s22, s20;
	s17 =	sor.u32 $0x20, s12;
	v11 =	vld [tilespmem:s23+$0x1400];
	v14 =	vor.u32 v1, v8;
	[tilespmem:s30+$0x0] =	vst v5;
	s23 =	sor.u32 s14, s16;
	v5 =	vsel vm0, $0x3F800000, v0  }
0x55e: {  	s22 =	sor.u32 s14, s17;
	v6 =	vshll.u32 v10, $0xA;
	[tilespmem:s31+$0x0] =	vst v5;
	v5 =	vld [tilespmem:s23+$0x800]  }
0x55f: {  	v9 =	vor.u32 s13, v6;
	v6 =	vld [tilespmem:s22+$0x800];
	_ =	sdelay $0x1  }
0x560: {  	v7 =	vsel vm4, $0x3F800000, v0;
	vm1 =	vlt.u32 v10, $0x21;
	v8 =	vshll.u32 v13, $0xA;
	v3 =	vld [tilespmem:s28+$0x1400];
	[tilespmem:v4+s5+$0x0] =	vst.idx.msk vm3, v2  }
0x561: {  	s0 =	sadd.s32 $0x1B000, s0;
	vm0 =	vlt.u32 v13, $0x21;
	v4 =	vld [tilespmem:s26+$0x1400];
	s26 =	sor.u32 s25, s20;
	s25 =	simm.s32 $0x8;
	v9 =	vadd.s32 s14, v9;
	[tilespmem:v14+s5+$0x0] =	vst.idx.msk vm2, v2;
	vm2 =	vle.f32 v11, $-1.000000000e+00  }
.LBB2_12:
0x562: {  	s25 =	sadd.s32 $0x4, s25;
	v10 =	vshll.u32 v5, $0xA;
	v9 =	vor.u32 v1, v9;
	s18 =	sadd.s32 $0x40, s18;
	v11 =	vld [tilespmem:s24+$0x1400];
	v12 =	vsel vm2, $0x3F800000, v0;
	s2 =	sor.u32 s15, s0;
	[tilespmem:s26+$0x0] =	vst v7  }
0x563: {  	v7 =	vor.u32 s12, v8;
	s7 =	sor.u32 s10, s0;
	s3 =	sand.u32 $0x40, s18;
	s6 =	sshll.u32 s25, $0x4;
	v8 =	vor.u32 s16, v10;
	v10 =	vshll.u32 v6, $0xA;
	[tilespmem:s2+$0x0] =	vst v12  }
0x564: {  	v7 =	vadd.s32 s14, v7;
	s28 =	sand.u32 $0xFFFFFF80, s6;
	s2 =	sor.u32 $0x10, s3;
	s6 =	sor.u32 $0x30, s3;
	v8 =	vadd.s32 s14, v8;
	v10 =	vor.u32 s17, v10  }
0x565: {  	s20 =	sor.u32 $0x20, s3;
	v12 =	vor.u32 v1, v7;
	s8 =	sor.u32 s3, s28;
	s24 =	sor.u32 s28, s6;
	v13 =	vor.u32 v1, v8;
	v7 =	vadd.s32 s14, v10  }
0x566: {  	vm3 =	vlt.u32 v5, $0x21;
	s31 =	sor.u32 s9, s0;
	vm2 =	vlt.u32 v6, $0x21;
	s29 =	sor.u32 s28, s2;
	s30 =	sor.u32 s28, s20;
	v10 =	vld [tilespmem:s24+$0x800];
	v14 =	vor.u32 v1, v7  }
0x567: {  	s26 =	sor.u32 s11, s0;
	s10 =	smov.u32 s12;
	p0 =	slt.u32 s25, $0x3C;
	vm4 =	vle.f32 v4, $-1.000000000e+00;
	v15 =	vld [tilespmem:s8+$0x800];
	[tilespmem:v9+s5+$0x0] =	vst.idx.msk vm1, v2;
	vm1 =	vle.f32 v3, $-1.000000000e+00;
	vm5 =	vle.f32 v11, $-1.000000000e+00  }
0x568: {  	s9 =	smov.u32 s16;
	s12 =	smov.u32 s3;
	s16 =	smov.u32 s2;
	v4 =	vsel vm4, $0x3F800000, v0;
	v11 =	vld [tilespmem:s21+$0x1400];
	v3 =	vsel vm1, $0x3F800000, v0;
	v7 =	vsel vm5, $0x3F800000, v0  }
.Ltmp5:
0x569: {  	s15 =	smov.u32 s13;
	s13 =	smov.u32 s6;
	v5 =	vld [tilespmem:s29+$0x800];
	[tilespmem:s7+$0x0] =	vst v3;
	(pc) =	sbr.rel @p0 .LBB2_12-.Ltmp5, $4  }
0x56a: {  	s11 =	smov.u32 s17;
	s17 =	smov.u32 s20;
	s21 =	smov.u32 s24;
	v6 =	vld [tilespmem:s30+$0x800];
	[tilespmem:v12+s5+$0x0] =	vst.idx.msk vm0, v2  }
0x56b: {  	s24 =	smov.u32 s22;
	s22 =	smov.u32 s30;
	v9 =	vshll.u32 v10, $0xA;
	v3 =	vld [tilespmem:s19+$0x1400];
	[tilespmem:s31+$0x0] =	vst v4;
	s19 =	smov.u32 s8  }
0x56c: {  	v8 =	vshll.u32 v15, $0xA;
	vm0 =	vlt.u32 v15, $0x21;
	v4 =	vor.u32 s13, v9;
	[tilespmem:v13+s5+$0x0] =	vst.idx.msk vm3, v2  }
0x56d: {  	s0 =	sadd.s32 $0x1B000, s14;
	s14 =	smov.u32 s28;
	vm1 =	vlt.u32 v10, $0x21;
	v9 =	vadd.s32 s28, v4;
	v4 =	vld [tilespmem:s23+$0x1400];
	[tilespmem:v14+s5+$0x0] =	vst.idx.msk vm2, v2;
	vm2 =	vle.f32 v11, $-1.000000000e+00;
	s23 =	smov.u32 s29  }
0x56e: {  	v10 =	vshll.u32 v5, $0xA  }
0x56f: {  	v9 =	vor.u32 v1, v9;
	v8 =	vor.u32 s12, v8;
	vm3 =	vlt.u32 v5, $0x21  }
0x570: {  	v10 =	vor.u32 s16, v10;
	v11 =	vshll.u32 v6, $0xA;
	v8 =	vadd.s32 s14, v8  }
0x571: {  	v10 =	vadd.s32 s14, v10;
	v11 =	vor.u32 s17, v11;
	v8 =	vor.u32 v1, v8  }
0x572: {  	vm4 =	vlt.u32 v6, $0x21;
	v5 =	vor.u32 v1, v10;
	v10 =	vadd.s32 s14, v11  }
0x573: {  	v6 =	vor.u32 v1, v10  }
0x574: {  	[tilespmem:s26+$0x0] =	vst v7  }
0x575: {  	v7 =	vld [tilespmem:s24+$0x1400];
	[tilespmem:v9+s5+$0x0] =	vst.idx.msk vm1, v2  }
0x576: {  	v9 =	vld [tilespmem:s21+$0x1400];
	[tilespmem:v8+s5+$0x0] =	vst.idx.msk vm0, v2  }
0x577: {  	v8 =	vld [tilespmem:s19+$0x1400];
	[tilespmem:v5+s5+$0x0] =	vst.idx.msk vm3, v2  }
0x578: {  	s2 =	sor.u32 s15, s0;
	vm0 =	vle.f32 v3, $-1.000000000e+00;
	v5 =	vsel vm2, $0x3F800000, v0;
	v3 =	vld [tilespmem:s23+$0x1400];
	[tilespmem:v6+s5+$0x0] =	vst.idx.msk vm4, v2  }
0x579: {  	s3 =	sor.u32 s10, s0;
	vm1 =	vle.f32 v4, $-1.000000000e+00;
	v4 =	vsel vm0, $0x3F800000, v0;
	[tilespmem:s2+$0x0] =	vst v5;
	v5 =	vld [tilespmem:s22+$0x1400]  }
0x57a: {  	s10 =	sor.u32 s9, s0;
	vm0 =	vle.f32 v7, $-1.000000000e+00;
	v6 =	vsel vm1, $0x3F800000, v0;
	[tilespmem:s3+$0x0] =	vst v4  }
0x57b: {  	s15 =	sor.u32 s11, s0;
	s18 =	sadd.s32 $0x1B000, s14;
	v4 =	vsel vm0, $0x3F800000, v0;
	[tilespmem:s10+$0x0] =	vst v6;
	vm0 =	vle.f32 v9, $-1.000000000e+00  }
0x57c: {  	s19 =	sor.u32 s13, s18;
	[tilespmem:s15+$0x0] =	vst v4;
	v6 =	vsel vm0, $0x3F800000, v0;
	vm0 =	vle.f32 v8, $-1.000000000e+00  }
0x57d: {  	s20 =	sor.u32 s12, s18;
	[tilespmem:s19+$0x0] =	vst v6;
	vm1 =	vle.f32 v3, $-1.000000000e+00;
	v3 =	vsel vm0, $0x3F800000, v0  }
0x57e: {  	s21 =	sor.u32 s16, s18;
	vm0 =	vle.f32 v5, $-1.000000000e+00;
	v4 =	vsel vm1, $0x3F800000, v0;
	[tilespmem:s20+$0x0] =	vst v3  }
0x57f: {  	s22 =	sor.u32 s17, s18;
	v3 =	vsel vm0, $0x3F800000, v0;
	[tilespmem:s21+$0x0] =	vst v4  }
0x580: {  	s24 =	simm.s32 $0x40000;
	[tilespmem:s22+$0x0] =	vst v3  }
0x581: {  	s29 =	simm.s32 $0x1;
	s23 =	simm.s32 $0x400;
	s0 =	rddreg [dreg:$0xe]  }
0x582: {  	[hbm4b:s0+s23] =	stream.strided.scatter [tilespmem:s5], [sflag:$0x3], $0x8800, s24, s23, $0x38;
	[tilespmem:$0x1B400] =	vst v63  }
0x583: {  	_ =	swait.ge [sflag:s29], $0x8800  }
0x584: {  	[sflag:s29] =	ssyncset.done $0x0  }
0x585: {  	s25 =	simm.s32 $0x5;
	[sflag:s29] =	ssyncadd.s32 $0xFFFF7800  }
0x586: {  	_ =	swait.ge [sflag:s25], $0x400  }
0x587: {  	[sflag:s25] =	ssyncset.done $0x0  }
0x588: {  	s26 =	simm.s32 $0x0;
	[sflag:s25] =	ssyncadd.s32 $0xFFFFFC00  }
0x589: {  	s30 =	simm.s32 $0x1000;
	s6 =	simm.s32 $0x0;
	_ =	swait.ge [sflag:s25], $0x400  }
0x58a: {  	s7 =	sand.u32 $0xFFFFFF80, s6;
	s16 =	sand.u32 $0x40, s26;
	[sflag:s25] =	ssyncset.done $0x0  }
0x58b: {  	s8 =	sor.u32 $0x30, s16;
	s28 =	rddreg [dreg:$0xf];
	[sflag:s25] =	ssyncadd.s32 $0xFFFFFC00  }
0x58c: {  	[tilespmem:s30], [sflag:$0x4] =	stream.linear.gather [hbm4b:s28+s26], $0x400, $0x38;
	[tilespmem:$0x1B400] =	vst v63  }
0x58d: {  	s31 =	simm.s32 $0x1400;
	s13 =	sor.u32 s7, s8;
	s3 =	rddreg [dreg:$0x10]  }
0x58e: {  	[tilespmem:s31], [sflag:$0x4] =	stream.linear.gather [hbm4b:s3+s26], $0x400, $0x38;
	[tilespmem:$0x1B400] =	vst v63  }
0x58f: {  	v3 =	vld [tilespmem:s13+$0x0]  }
0x590: {  	s14 =	sor.u32 s16, s7;
	v4 =	vld [tilespmem:s13+$0xC00]  }
0x591: {  	s17 =	sor.u32 $0x10, s16;
	v5 =	vld [tilespmem:s14+$0xC00]  }
0x592: {  	s18 =	sor.u32 s7, s17;
	v6 =	vld [tilespmem:s14+$0x0]  }
0x593: {  	v8 =	vld [tilespmem:s18+$0xC00]  }
0x594: {  	s19 =	sor.u32 $0x20, s16;
	v10 =	vld [tilespmem:s18+$0x0]  }
0x595: {  	v7 =	vor.u32 s16, v1;
	s20 =	sor.u32 s7, s19  }
0x596: {  	v11 =	vor.u32 s8, v1;
	v9 =	vor.u32 s17, v1;
	v15 =	vld [tilespmem:s20+$0x0];
	v12 =	vshll.u32 v3, $0xA  }
0x597: {  	vm0 =	vlt.u32 v3, $0x21;
	v14 =	vshll.u32 v4, $0xA;
	vm2 =	vlt.u32 v4, $0x21  }
0x598: {  	v16 =	vshll.u32 v6, $0xA;
	v17 =	vshll.u32 v5, $0xA;
	v18 =	vshll.u32 v8, $0xA  }
0x599: {  	s28 =	simm.s32 $0x40;
	v19 =	vshll.u32 v10, $0xA;
	vm1 =	veq.s32 v3, v4;
	v12 =	vadd.s32 s7, v12  }
0x59a: {  	s30 =	simm.s32 $0x40;
	s21 =	sand.u32 $0x40, s28;
	v13 =	vld [tilespmem:s20+$0xC00];
	vm12 =	veq.s32 v6, v5;
	v14 =	vadd.s32 s7, v14;
	v12 =	vor.u32 v11, v12  }
0x59b: {  	s0 =	sand.u32 $0xFFFFFF80, s30;
	s30 =	sor.u32 $0x30, s21;
	s23 =	sor.u32 $0x10, s21;
	v20 =	vshll.u32 v15, $0xA;
	vm6 =	veq.s32 v10, v8;
	v11 =	vor.u32 v11, v14  }
0x59c: {  	s24 =	sor.u32 $0x20, s21;
	s3 =	sor.u32 s0, s30;
	vm3 =	vlt.u32 v5, $0x21;
	vm7 =	vlt.u32 v6, $0x21;
	v6 =	vor.u32 s23, v1  }
0x59d: {  	s25 =	sor.u32 s21, s0;
	v5 =	vld [tilespmem:s3+$0xC00];
	vm5 =	vlt.u32 v8, $0x21;
	vm8 =	vlt.u32 v10, $0x21;
	v8 =	vor.u32 s24, v1  }
0x59e: {  	v10 =	vld [tilespmem:s25+$0x0];
	v16 =	vadd.s32 s7, v16;
	v3 =	vadd.s32 s7, v18;
	v18 =	vsel vm1, $0x3F800000, v0  }
0x59f: {  	s26 =	sor.u32 s0, s23;
	v17 =	vadd.s32 s7, v17;
	v4 =	vadd.s32 s7, v19;
	v19 =	vshll.u32 v13, $0xA;
	[tilespmem:v12+s1+$0x0] =	vst.idx.msk vm0, v18  }
0x5a0: {  	v21 =	vld [tilespmem:s26+$0x0];
	vm1 =	veq.s32 v15, v13;
	v14 =	vor.u32 s19, v1;
	v16 =	vor.u32 v7, v16;
	[tilespmem:v11+s1+$0x0] =	vst.idx.msk vm2, v2  }
0x5a1: {  	v7 =	vor.u32 v7, v17;
	v4 =	vor.u32 v9, v4;
	v11 =	vadd.s32 s7, v20;
	v17 =	vld [tilespmem:s13+$0x1800]  }
0x5a2: {  	v3 =	vor.u32 v9, v3;
	v22 =	vshll.u32 v5, $0xA;
	v9 =	vor.u32 v14, v11;
	v11 =	vld [tilespmem:s3+$0x0]  }
0x5a3: {  	vm10 =	vlt.u32 v5, $0x21;
	vm15 =	vlt.u32 v10, $0x21;
	v22 =	vadd.s32 s0, v22  }
0x5a4: {  	v12 =	vadd.s32 s7, v19;
	vm0 =	vlt.u32 v13, $0x21;
	v13 =	vsel vm12, $0x3F800000, v0;
	v18 =	vld [tilespmem:s25+$0xC00]  }
0x5a5: {  	s28 =	sor.u32 s0, s24;
	v19 =	vor.u32 s30, v1;
	vm2 =	vlt.u32 v15, $0x21;
	v15 =	vsel vm6, $0x3F800000, v0;
	[tilespmem:v16+s1+$0x0] =	vst.idx.msk vm7, v13  }
0x5a6: {  	v23 =	vld [tilespmem:s28+$0xC00];
	v12 =	vor.u32 v14, v12;
	v13 =	vsel vm1, $0x3F800000, v0;
	v14 =	vor.u32 s21, v1;
	[tilespmem:v4+s1+$0x0] =	vst.idx.msk vm8, v15  }
0x5a7: {  	[tilespmem:v3+s1+$0x0] =	vst.idx.msk vm5, v2;
	v3 =	vshll.u32 v21, $0xA;
	vm13 =	vle.f32 v17, $-1.000000000e+00;
	v17 =	vld [tilespmem:s26+$0xC00];
	v20 =	vshll.u32 v11, $0xA  }
0x5a8: {  	vm5 =	vlt.u32 v21, $0x21;
	vm9 =	vlt.u32 v11, $0x21;
	v20 =	vadd.s32 s0, v20  }
0x5a9: {  	v3 =	vadd.s32 s0, v3;
	v4 =	vshll.u32 v18, $0xA;
	v20 =	vor.u32 v19, v20  }
0x5aa: {  	v16 =	vld [tilespmem:s28+$0x0];
	vm14 =	veq.s32 v10, v18;
	vm4 =	vlt.u32 v18, $0x21;
	v19 =	vor.u32 v19, v22  }
0x5ab: {  	s6 =	simm.s32 $0x80;
	s13 =	simm.s32 $0x80;
	v4 =	vadd.s32 s0, v4;
	vm1 =	veq.s32 v11, v5;
	v22 =	vshll.u32 v10, $0xA  }
0x5ac: {  	s12 =	sand.u32 $0xFFFFFF80, s6;
	[tilespmem:v7+s1+$0x0] =	vst.idx.msk vm3, v2;
	s9 =	sand.u32 $0x40, s13;
	v11 =	vshll.u32 v23, $0xA;
	v22 =	vadd.s32 s0, v22;
	v7 =	vshll.u32 v17, $0xA  }
0x5ad: {  	v24 =	vld [tilespmem:s18+$0x1800];
	s15 =	sor.u32 s9, s12;
	[tilespmem:v9+s1+$0x0] =	vst.idx.msk vm2, v13;
	v13 =	vor.u32 v14, v22;
	v5 =	vadd.s32 s0, v7;
	v7 =	vsel vm1, $0x3F800000, v0  }
0x5ae: {  	v15 =	vsel vm13, $0x3F800000, v0;
	[tilespmem:v20+s1+$0x0] =	vst.idx.msk vm9, v7;
	v20 =	vor.u32 v6, v3;
	v22 =	vor.u32 v6, v5;
	v6 =	vld [tilespmem:s15+$0xC00]  }
0x5af: {  	v11 =	vadd.s32 s0, v11;
	v14 =	vor.u32 v14, v4;
	v7 =	vshll.u32 v16, $0xA;
	[tilespmem:v19+s1+$0x0] =	vst.idx.msk vm10, v2;
	v19 =	vld [tilespmem:s14+$0x1800]  }
0x5b0: {  	s22 =	sadd.s32 $0xA000, s7;
	[tilespmem:v12+s1+$0x0] =	vst.idx.msk vm0, v2;
	vm0 =	vlt.u32 v23, $0x21;
	vm13 =	vlt.u32 v16, $0x21;
	v7 =	vadd.s32 s0, v7;
	s14 =	sor.u32 $0x30, s9;
	v9 =	vld [tilespmem:s3+$0x1800]  }
0x5b1: {  	s7 =	sor.u32 s8, s22;
	s10 =	sor.u32 $0x10, s9;
	v26 =	vor.u32 v8, v11;
	v10 =	vsel vm14, $0x3F800000, v0;
	v25 =	vor.u32 v8, v7;
	v8 =	vld [tilespmem:s20+$0x1800];
	s18 =	sor.u32 s12, s14  }
0x5b2: {  	s11 =	sor.u32 $0x20, s9;
	[tilespmem:s7+$0x0] =	vst v15;
	v4 =	vor.u32 s10, v1;
	vm3 =	veq.s32 v21, v17;
	vm2 =	vlt.u32 v17, $0x21;
	s0 =	sadd.s32 $0xA000, s0;
	v11 =	vld [tilespmem:s18+$0x0]  }
0x5b3: {  	vm1 =	veq.s32 v16, v23;
	v15 =	vsel vm3, $0x3F800000, v0;
	vm3 =	vle.f32 v24, $-1.000000000e+00;
	s8 =	sor.u32 s30, s0;
	s30 =	sor.u32 s17, s22;
	s17 =	sor.u32 s12, s11;
	[tilespmem:v13+s1+$0x0] =	vst.idx.msk vm15, v10;
	v21 =	vld [tilespmem:s18+$0xC00]  }
0x5b4: {  	v3 =	vor.u32 s9, v1;
	v5 =	vor.u32 s11, v1;
	v10 =	vld [tilespmem:s17+$0xC00];
	[tilespmem:v14+s1+$0x0] =	vst.idx.msk vm4, v2;
	vm14 =	vle.f32 v19, $-1.000000000e+00  }
0x5b5: {  	v16 =	vsel vm1, $0x3F800000, v0;
	s20 =	sor.u32 s16, s22;
	s16 =	sor.u32 s12, s10;
	v14 =	vld [tilespmem:s17+$0x0];
	[tilespmem:v20+s1+$0x0] =	vst.idx.msk vm5, v15;
	vm12 =	vle.f32 v9, $-1.000000000e+00;
	v9 =	vsel vm14, $0x3F800000, v0  }
0x5b6: {  	v17 =	vor.u32 s14, v1;
	vm1 =	vle.f32 v8, $-1.000000000e+00;
	v8 =	vld [tilespmem:s16+$0xC00];
	v7 =	vsel vm12, $0x3F800000, v0;
	[tilespmem:s20+$0x0] =	vst v9  }
0x5b7: {  	v19 =	vshll.u32 v6, $0xA;
	v9 =	vsel vm3, $0x3F800000, v0;
	v18 =	vshll.u32 v11, $0xA;
	[tilespmem:s8+$0x0] =	vst v7;
	v7 =	vld [tilespmem:s15+$0x0]  }
0x5b8: {  	v12 =	vld [tilespmem:s16+$0x0];
	[tilespmem:v22+s1+$0x0] =	vst.idx.msk vm2, v2;
	vm15 =	vlt.u32 v11, $0x21;
	v13 =	vadd.s32 s12, v18;
	v18 =	vshll.u32 v21, $0xA  }
0x5b9: {  	[tilespmem:v25+s1+$0x0] =	vst.idx.msk vm13, v16;
	vm3 =	vlt.u32 v21, $0x21;
	v23 =	vor.u32 v17, v13;
	v13 =	vadd.s32 s12, v18  }
0x5ba: {  	[tilespmem:s30+$0x0] =	vst v9;
	v9 =	vsel vm1, $0x3F800000, v0;
	vm1 =	veq.s32 v11, v21;
	v63 =	vor.u32 v17, v13  }
0x5bb: {  	[tilespmem:v26+s1+$0x0] =	vst.idx.msk vm0, v2;
	v22 =	vshll.u32 v14, $0xA;
	vm0 =	veq.s32 v14, v10;
	v21 =	vsel vm1, $0x3F800000, v0  }
0x5bc: {  	v17 =	vadd.s32 s12, v19;
	v13 =	vshll.u32 v8, $0xA;
	v15 =	vshll.u32 v7, $0xA  }
0x5bd: {  	v11 =	vld [tilespmem:s25+$0x1800];
	vm2 =	veq.s32 v12, v8;
	v18 =	vadd.s32 s12, v15;
	v15 =	vshll.u32 v12, $0xA  }
0x5be: {  	s22 =	sor.u32 s19, s22;
	s19 =	sor.u32 s21, s0;
	v16 =	vadd.s32 s12, v13;
	v13 =	vld [tilespmem:s26+$0x1800];
	[tilespmem:v23+s1+$0x0] =	vst.idx.msk vm15, v21;
	v20 =	vadd.s32 s12, v15;
	v15 =	vshll.u32 v10, $0xA  }
0x5bf: {  	s21 =	sor.u32 s23, s0;
	s24 =	sor.u32 s24, s0;
	s23 =	simm.s32 $0x8;
	vm1 =	veq.s32 v7, v6;
	v21 =	vadd.s32 s12, v22;
	[tilespmem:v63+s1+$0x0] =	vst.idx.msk vm3, v2;
	v19 =	vadd.s32 s12, v15;
	v15 =	vld [tilespmem:s28+$0x1800]  }
.LBB2_14:
0x5c0: {  	s23 =	sadd.s32 $0x4, s23;
	v18 =	vor.u32 v3, v18;
	v17 =	vor.u32 v3, v17;
	v20 =	vor.u32 v4, v20;
	v22 =	vld [tilespmem:s18+$0x1800];
	s13 =	sadd.s32 $0x40, s13;
	[tilespmem:s22+$0x0] =	vst v9;
	s22 =	smov.u32 s24  }
0x5c1: {  	v16 =	vor.u32 v4, v16;
	v21 =	vor.u32 v5, v21;
	v19 =	vor.u32 v5, v19;
	s2 =	sand.u32 $0x40, s13;
	s0 =	sshll.u32 s23, $0x4;
	p0 =	slt.u32 s23, $0x3C  }
0x5c2: {  	vm6 =	vlt.u32 v6, $0x21;
	vm8 =	vlt.u32 v7, $0x21;
	v3 =	vor.u32 s2, v1;
	s3 =	sand.u32 $0xFFFFFF80, s0;
	s6 =	sor.u32 $0x10, s2;
	s7 =	sor.u32 $0x30, s2  }
0x5c3: {  	vm4 =	vlt.u32 v8, $0x21;
	vm7 =	vlt.u32 v12, $0x21;
	s8 =	sor.u32 $0x20, s2;
	s25 =	sor.u32 s2, s3;
	v4 =	vor.u32 s6, v1;
	s18 =	sor.u32 s3, s7  }
0x5c4: {  	vm3 =	vlt.u32 v10, $0x21;
	vm5 =	vlt.u32 v14, $0x21;
	s26 =	sor.u32 s3, s6;
	v5 =	vor.u32 s8, v1;
	s0 =	sor.u32 s3, s8;
	v23 =	vld [tilespmem:s18+$0x0]  }
0x5c5: {  	v9 =	vsel vm1, $0x3F800000, v0;
	s20 =	sadd.s32 $0xA000, s12;
	v14 =	vsel vm2, $0x3F800000, v0;
	s12 =	smov.u32 s3;
	v24 =	vld [tilespmem:s18+$0xC00];
	vm1 =	vle.f32 v22, $-1.000000000e+00  }
0x5c6: {  	s28 =	sor.u32 s10, s20;
	s3 =	sor.u32 s9, s20;
	s9 =	sor.u32 s14, s20;
	v22 =	vsel vm0, $0x3F800000, v0;
	vm0 =	vle.f32 v11, $-1.000000000e+00;
	v6 =	vld [tilespmem:s25+$0xC00];
	v8 =	vsel vm1, $0x3F800000, v0  }
0x5c7: {  	s24 =	sor.u32 s11, s20;
	s10 =	smov.u32 s6;
	v25 =	vsel vm0, $0x3F800000, v0;
	vm0 =	vle.f32 v13, $-1.000000000e+00;
	vm1 =	vle.f32 v15, $-1.000000000e+00;
	v7 =	vld [tilespmem:s25+$0x0];
	[tilespmem:s9+$0x0] =	vst v8;
	s9 =	smov.u32 s2  }
0x5c8: {  	s14 =	smov.u32 s7;
	s11 =	smov.u32 s8;
	v26 =	vsel vm0, $0x3F800000, v0;
	v8 =	vld [tilespmem:s26+$0xC00];
	[tilespmem:v18+s1+$0x0] =	vst.idx.msk vm8, v9;
	v9 =	vsel vm1, $0x3F800000, v0  }
0x5c9: {  	v11 =	vor.u32 s14, v1;
	v12 =	vld [tilespmem:s26+$0x0];
	v13 =	vshll.u32 v23, $0xA;
	[tilespmem:v17+s1+$0x0] =	vst.idx.msk vm6, v2  }
0x5ca: {  	vm0 =	vlt.u32 v23, $0x21;
	v10 =	vld [tilespmem:s0+$0xC00];
	v13 =	vadd.s32 s12, v13;
	v15 =	vshll.u32 v24, $0xA;
	[tilespmem:v20+s1+$0x0] =	vst.idx.msk vm7, v14  }
0x5cb: {  	vm6 =	vlt.u32 v24, $0x21;
	v14 =	vld [tilespmem:s0+$0x0];
	v27 =	vor.u32 v11, v13;
	v13 =	vadd.s32 s12, v15;
	[tilespmem:v16+s1+$0x0] =	vst.idx.msk vm4, v2  }
0x5cc: {  	v16 =	vshll.u32 v6, $0xA;
	v15 =	vshll.u32 v7, $0xA;
	v28 =	vor.u32 v11, v13;
	v11 =	vld [tilespmem:s15+$0x1800];
	[tilespmem:v21+s1+$0x0] =	vst.idx.msk vm5, v22;
	s15 =	smov.u32 s25  }
.Ltmp6:
0x5cd: {  	v17 =	vadd.s32 s12, v16;
	v18 =	vadd.s32 s12, v15;
	v15 =	vshll.u32 v8, $0xA;
	v13 =	vld [tilespmem:s16+$0x1800];
	[tilespmem:v19+s1+$0x0] =	vst.idx.msk vm3, v2;
	s16 =	smov.u32 s26;
	(pc) =	sbr.rel @p0 .LBB2_14-.Ltmp6, $4  }
0x5ce: {  	vm1 =	veq.s32 v23, v24;
	v19 =	vshll.u32 v12, $0xA;
	v16 =	vadd.s32 s12, v15;
	v15 =	vld [tilespmem:s17+$0x1800];
	[tilespmem:s19+$0x0] =	vst v25;
	s17 =	smov.u32 s0;
	s19 =	smov.u32 s3  }
0x5cf: {  	v21 =	vsel vm1, $0x3F800000, v0;
	v20 =	vadd.s32 s12, v19;
	v19 =	vshll.u32 v10, $0xA;
	[tilespmem:s21+$0x0] =	vst v26;
	s21 =	smov.u32 s28  }
0x5d0: {  	vm1 =	veq.s32 v7, v6;
	v22 =	vshll.u32 v14, $0xA;
	v19 =	vadd.s32 s12, v19;
	[tilespmem:v27+s1+$0x0] =	vst.idx.msk vm0, v21  }
0x5d1: {  	vm2 =	veq.s32 v12, v8;
	vm0 =	veq.s32 v14, v10;
	v21 =	vadd.s32 s12, v22;
	[tilespmem:v28+s1+$0x0] =	vst.idx.msk vm6, v2  }
0x5d2: {  	vm3 =	vlt.u32 v7, $0x21  }
0x5d3: {  	v7 =	vor.u32 v3, v18;
	vm4 =	vlt.u32 v6, $0x21  }
0x5d4: {  	v3 =	vor.u32 v3, v17;
	vm5 =	vlt.u32 v12, $0x21  }
0x5d5: {  	v6 =	vor.u32 v4, v20;
	vm6 =	vlt.u32 v8, $0x21  }
0x5d6: {  	v4 =	vor.u32 v4, v16;
	vm7 =	vlt.u32 v14, $0x21  }
0x5d7: {  	v8 =	vor.u32 v5, v21;
	vm8 =	vlt.u32 v10, $0x21;
	v10 =	vsel vm1, $0x3F800000, v0  }
0x5d8: {  	v12 =	vld [tilespmem:s18+$0x1800];
	v5 =	vor.u32 v5, v19;
	[tilespmem:v7+s1+$0x0] =	vst.idx.msk vm3, v10  }
0x5d9: {  	v7 =	vsel vm2, $0x3F800000, v0;
	[tilespmem:v3+s1+$0x0] =	vst.idx.msk vm4, v2  }
0x5da: {  	[tilespmem:v6+s1+$0x0] =	vst.idx.msk vm5, v7  }
0x5db: {  	v3 =	vsel vm0, $0x3F800000, v0;
	[tilespmem:v4+s1+$0x0] =	vst.idx.msk vm6, v2  }
0x5dc: {  	v4 =	vld [tilespmem:s15+$0x1800];
	[tilespmem:v8+s1+$0x0] =	vst.idx.msk vm7, v3  }
0x5dd: {  	s0 =	sadd.s32 $0xA000, s12;
	vm0 =	vle.f32 v12, $-1.000000000e+00;
	v3 =	vld [tilespmem:s16+$0x1800];
	[tilespmem:v5+s1+$0x0] =	vst.idx.msk vm8, v2  }
0x5de: {  	[tilespmem:s22+$0x0] =	vst v9;
	s2 =	sor.u32 s14, s0;
	v5 =	vsel vm0, $0x3F800000, v0;
	vm0 =	vle.f32 v11, $-1.000000000e+00;
	v6 =	vld [tilespmem:s17+$0x1800]  }
0x5df: {  	[tilespmem:s2+$0x0] =	vst v5;
	v5 =	vsel vm0, $0x3F800000, v0;
	vm0 =	vle.f32 v13, $-1.000000000e+00  }
0x5e0: {  	vm1 =	vle.f32 v15, $-1.000000000e+00;
	v7 =	vsel vm0, $0x3F800000, v0;
	[tilespmem:s19+$0x0] =	vst v5  }
0x5e1: {  	v5 =	vsel vm1, $0x3F800000, v0;
	[tilespmem:s21+$0x0] =	vst v7;
	vm0 =	vle.f32 v4, $-1.000000000e+00  }
0x5e2: {  	s20 =	sor.u32 s9, s0;
	[tilespmem:s24+$0x0] =	vst v5;
	v4 =	vsel vm0, $0x3F800000, v0;
	vm0 =	vle.f32 v3, $-1.000000000e+00  }
0x5e3: {  	s3 =	sor.u32 s10, s0;
	vm1 =	vle.f32 v6, $-1.000000000e+00;
	v3 =	vsel vm0, $0x3F800000, v0;
	[tilespmem:s20+$0x0] =	vst v4  }
0x5e4: {  	s0 =	sor.u32 s11, s0;
	v4 =	vsel vm1, $0x3F800000, v0;
	[tilespmem:s3+$0x0] =	vst v3  }
0x5e5: {  	s22 =	simm.s32 $0x40000;
	[tilespmem:s0+$0x0] =	vst v4  }
0x5e6: {  	s23 =	simm.s32 $0x2;
	s21 =	simm.s32 $0x400;
	s0 =	rddreg [dreg:$0x11]  }
0x5e7: {  	[hbm4b:s0+s21] =	stream.strided.scatter [tilespmem:s1], [sflag:$0x1], $0x8800, s22, s21, $0x38;
	[tilespmem:$0x1B400] =	vst v63  }
0x5e8: {  	_ =	swait.ge [sflag:s23], $0x8800  }
0x5e9: {  	[sflag:s23] =	ssyncset.done $0x0  }
0x5ea: {  	s24 =	simm.s32 $0x4;
	[sflag:s23] =	ssyncadd.s32 $0xFFFF7800  }
0x5eb: {  	_ =	swait.ge [sflag:s24], $0x400  }
0x5ec: {  	[sflag:s24] =	ssyncset.done $0x0  }
0x5ed: {  	[sflag:s24] =	ssyncadd.s32 $0xFFFFFC00  }
0x5ee: {  	s25 =	simm.s32 $0x0;
	s6 =	simm.s32 $0x0;
	_ =	swait.ge [sflag:s24], $0x400  }
0x5ef: {  	s7 =	sand.u32 $0xFFFFFF80, s6;
	s16 =	sand.u32 $0x40, s25;
	[sflag:s24] =	ssyncset.done $0x0  }
0x5f0: {  	s8 =	sor.u32 $0x30, s16;
	s26 =	rddreg [dreg:$0x12];
	[sflag:s24] =	ssyncadd.s32 $0xFFFFFC00  }
0x5f1: {  	[tilespmem:s25], [sflag:$0x5] =	stream.linear.gather [hbm4b:s26+s25], $0x400, $0x38;
	[tilespmem:$0x1B400] =	vst v63  }
0x5f2: {  	s30 =	simm.s32 $0x1800;
	s13 =	sor.u32 s7, s8;
	s28 =	rddreg [dreg:$0x13]  }
0x5f3: {  	[tilespmem:s30], [sflag:$0x5] =	stream.linear.gather [hbm4b:s28+s25], $0x400, $0x38;
	[tilespmem:$0x1B400] =	vst v63  }
0x5f4: {  	v3 =	vld [tilespmem:s13+$0x400]  }
0x5f5: {  	s14 =	sor.u32 s16, s7;
	v4 =	vld [tilespmem:s13+$0x1000]  }
0x5f6: {  	s17 =	sor.u32 $0x10, s16;
	v5 =	vld [tilespmem:s14+$0x1000]  }
0x5f7: {  	s18 =	sor.u32 s7, s17;
	v6 =	vld [tilespmem:s14+$0x400]  }
0x5f8: {  	v8 =	vld [tilespmem:s18+$0x1000]  }
0x5f9: {  	s19 =	sor.u32 $0x20, s16;
	v10 =	vld [tilespmem:s18+$0x400]  }
0x5fa: {  	v9 =	vor.u32 s17, v1;
	s20 =	sor.u32 s7, s19  }
0x5fb: {  	v11 =	vor.u32 s8, v1;
	v7 =	vor.u32 s16, v1;
	v15 =	vld [tilespmem:s20+$0x400];
	v12 =	vshll.u32 v3, $0xA  }
0x5fc: {  	vm0 =	vlt.u32 v3, $0x21;
	v14 =	vshll.u32 v4, $0xA;
	vm2 =	vlt.u32 v4, $0x21  }
0x5fd: {  	v16 =	vshll.u32 v6, $0xA;
	v17 =	vshll.u32 v5, $0xA;
	v18 =	vshll.u32 v8, $0xA  }
0x5fe: {  	s28 =	simm.s32 $0x40;
	v19 =	vshll.u32 v10, $0xA;
	vm1 =	veq.s32 v3, v4;
	v12 =	vadd.s32 s7, v12  }
0x5ff: {  	s30 =	simm.s32 $0x40;
	v13 =	vld [tilespmem:s20+$0x1000];
	s21 =	sand.u32 $0x40, s28;
	vm4 =	veq.s32 v6, v5;
	v14 =	vadd.s32 s7, v14;
	v12 =	vor.u32 v11, v12  }
0x600: {  	s0 =	sand.u32 $0xFFFFFF80, s30;
	s30 =	sor.u32 $0x30, s21;
	s23 =	sor.u32 $0x10, s21;
	v20 =	vshll.u32 v15, $0xA;
	vm13 =	veq.s32 v10, v8;
	v11 =	vor.u32 v11, v14  }
0x601: {  	s24 =	sor.u32 $0x20, s21;
	s3 =	sor.u32 s0, s30;
	vm3 =	vlt.u32 v5, $0x21;
	vm14 =	vlt.u32 v6, $0x21;
	v6 =	vor.u32 s23, v1  }
0x602: {  	s26 =	sor.u32 s0, s23;
	v5 =	vld [tilespmem:s3+$0x1000];
	vm15 =	vlt.u32 v8, $0x21;
	vm12 =	vlt.u32 v10, $0x21;
	v8 =	vor.u32 s24, v1  }
0x603: {  	v21 =	vld [tilespmem:s26+$0x400];
	v16 =	vadd.s32 s7, v16;
	v3 =	vadd.s32 s7, v18;
	v18 =	vsel vm1, $0x3F800000, v0  }
0x604: {  	v17 =	vadd.s32 s7, v17;
	v4 =	vadd.s32 s7, v19;
	v19 =	vshll.u32 v13, $0xA;
	[tilespmem:v12+s4+$0x0] =	vst.idx.msk vm0, v18  }
0x605: {  	vm1 =	veq.s32 v15, v13;
	v14 =	vor.u32 s19, v1;
	v16 =	vor.u32 v7, v16;
	[tilespmem:v11+s4+$0x0] =	vst.idx.msk vm2, v2  }
0x606: {  	v7 =	vor.u32 v7, v17;
	v4 =	vor.u32 v9, v4;
	v11 =	vadd.s32 s7, v20;
	v17 =	vld [tilespmem:s13+$0x1400]  }
0x607: {  	s25 =	sor.u32 s21, s0;
	v3 =	vor.u32 v9, v3;
	v22 =	vshll.u32 v5, $0xA;
	v9 =	vor.u32 v14, v11;
	v11 =	vld [tilespmem:s3+$0x400]  }
0x608: {  	v10 =	vld [tilespmem:s25+$0x400];
	vm5 =	vlt.u32 v21, $0x21;
	vm10 =	vlt.u32 v5, $0x21;
	v22 =	vadd.s32 s0, v22  }
0x609: {  	v12 =	vadd.s32 s7, v19;
	vm0 =	vlt.u32 v13, $0x21;
	v13 =	vsel vm4, $0x3F800000, v0;
	v18 =	vld [tilespmem:s25+$0x1000]  }
0x60a: {  	s28 =	sor.u32 s0, s24;
	v19 =	vor.u32 s30, v1;
	vm2 =	vlt.u32 v15, $0x21;
	v15 =	vsel vm13, $0x3F800000, v0;
	[tilespmem:v16+s4+$0x0] =	vst.idx.msk vm14, v13  }
0x60b: {  	v23 =	vld [tilespmem:s28+$0x1000];
	v12 =	vor.u32 v14, v12;
	v13 =	vsel vm1, $0x3F800000, v0;
	v14 =	vor.u32 s21, v1;
	[tilespmem:v4+s4+$0x0] =	vst.idx.msk vm12, v15  }
0x60c: {  	[tilespmem:v3+s4+$0x0] =	vst.idx.msk vm15, v2;
	v3 =	vshll.u32 v21, $0xA;
	vm13 =	vle.f32 v17, $-1.000000000e+00;
	v17 =	vld [tilespmem:s26+$0x1000];
	v20 =	vshll.u32 v11, $0xA  }
0x60d: {  	vm15 =	vlt.u32 v10, $0x21;
	vm9 =	vlt.u32 v11, $0x21;
	v20 =	vadd.s32 s0, v20  }
0x60e: {  	v3 =	vadd.s32 s0, v3;
	v4 =	vshll.u32 v18, $0xA;
	v20 =	vor.u32 v19, v20  }
0x60f: {  	v16 =	vld [tilespmem:s28+$0x400];
	vm14 =	veq.s32 v10, v18;
	vm4 =	vlt.u32 v18, $0x21;
	v19 =	vor.u32 v19, v22  }
0x610: {  	s6 =	simm.s32 $0x80;
	s13 =	simm.s32 $0x80;
	v4 =	vadd.s32 s0, v4;
	vm1 =	veq.s32 v11, v5;
	v22 =	vshll.u32 v10, $0xA  }
0x611: {  	s12 =	sand.u32 $0xFFFFFF80, s6;
	[tilespmem:v7+s4+$0x0] =	vst.idx.msk vm3, v2;
	s9 =	sand.u32 $0x40, s13;
	v11 =	vshll.u32 v23, $0xA;
	v22 =	vadd.s32 s0, v22;
	v7 =	vshll.u32 v17, $0xA  }
0x612: {  	v24 =	vld [tilespmem:s18+$0x1400];
	s15 =	sor.u32 s9, s12;
	[tilespmem:v9+s4+$0x0] =	vst.idx.msk vm2, v13;
	v13 =	vor.u32 v14, v22;
	v5 =	vadd.s32 s0, v7;
	v7 =	vsel vm1, $0x3F800000, v0  }
0x613: {  	v15 =	vsel vm13, $0x3F800000, v0;
	[tilespmem:v20+s4+$0x0] =	vst.idx.msk vm9, v7;
	v20 =	vor.u32 v6, v3;
	v22 =	vor.u32 v6, v5;
	v6 =	vld [tilespmem:s15+$0x1000]  }
0x614: {  	v11 =	vadd.s32 s0, v11;
	v14 =	vor.u32 v14, v4;
	v7 =	vshll.u32 v16, $0xA;
	[tilespmem:v19+s4+$0x0] =	vst.idx.msk vm10, v2;
	v19 =	vld [tilespmem:s14+$0x1400]  }
0x615: {  	s22 =	sadd.s32 $0x12800, s7;
	[tilespmem:v12+s4+$0x0] =	vst.idx.msk vm0, v2;
	vm0 =	vlt.u32 v23, $0x21;
	vm13 =	vlt.u32 v16, $0x21;
	v7 =	vadd.s32 s0, v7;
	s14 =	sor.u32 $0x30, s9;
	v9 =	vld [tilespmem:s3+$0x1400]  }
0x616: {  	s7 =	sor.u32 s8, s22;
	s10 =	sor.u32 $0x10, s9;
	v26 =	vor.u32 v8, v11;
	v10 =	vsel vm14, $0x3F800000, v0;
	v25 =	vor.u32 v8, v7;
	v8 =	vld [tilespmem:s20+$0x1400];
	s18 =	sor.u32 s12, s14  }
0x617: {  	s11 =	sor.u32 $0x20, s9;
	[tilespmem:s7+$0x0] =	vst v15;
	v4 =	vor.u32 s10, v1;
	vm3 =	veq.s32 v21, v17;
	vm2 =	vlt.u32 v17, $0x21;
	s0 =	sadd.s32 $0x12800, s0;
	v11 =	vld [tilespmem:s18+$0x400]  }
0x618: {  	vm1 =	veq.s32 v16, v23;
	v15 =	vsel vm3, $0x3F800000, v0;
	vm3 =	vle.f32 v24, $-1.000000000e+00;
	s8 =	sor.u32 s30, s0;
	s30 =	sor.u32 s17, s22;
	s17 =	sor.u32 s12, s11;
	[tilespmem:v13+s4+$0x0] =	vst.idx.msk vm15, v10;
	v21 =	vld [tilespmem:s18+$0x1000]  }
0x619: {  	v3 =	vor.u32 s9, v1;
	v5 =	vor.u32 s11, v1;
	v10 =	vld [tilespmem:s17+$0x1000];
	[tilespmem:v14+s4+$0x0] =	vst.idx.msk vm4, v2;
	vm14 =	vle.f32 v19, $-1.000000000e+00  }
0x61a: {  	v16 =	vsel vm1, $0x3F800000, v0;
	s20 =	sor.u32 s16, s22;
	s16 =	sor.u32 s12, s10;
	v14 =	vld [tilespmem:s17+$0x400];
	[tilespmem:v20+s4+$0x0] =	vst.idx.msk vm5, v15;
	vm12 =	vle.f32 v9, $-1.000000000e+00;
	v9 =	vsel vm14, $0x3F800000, v0  }
0x61b: {  	v17 =	vor.u32 s14, v1;
	vm1 =	vle.f32 v8, $-1.000000000e+00;
	v8 =	vld [tilespmem:s16+$0x1000];
	v7 =	vsel vm12, $0x3F800000, v0;
	[tilespmem:s20+$0x0] =	vst v9  }
0x61c: {  	v19 =	vshll.u32 v6, $0xA;
	v9 =	vsel vm3, $0x3F800000, v0;
	v18 =	vshll.u32 v11, $0xA;
	[tilespmem:s8+$0x0] =	vst v7;
	v7 =	vld [tilespmem:s15+$0x400]  }
0x61d: {  	v12 =	vld [tilespmem:s16+$0x400];
	[tilespmem:v22+s4+$0x0] =	vst.idx.msk vm2, v2;
	vm15 =	vlt.u32 v11, $0x21;
	v13 =	vadd.s32 s12, v18;
	v18 =	vshll.u32 v21, $0xA  }
0x61e: {  	[tilespmem:v25+s4+$0x0] =	vst.idx.msk vm13, v16;
	vm3 =	vlt.u32 v21, $0x21;
	v23 =	vor.u32 v17, v13;
	v13 =	vadd.s32 s12, v18  }
0x61f: {  	[tilespmem:s30+$0x0] =	vst v9;
	v9 =	vsel vm1, $0x3F800000, v0;
	vm1 =	veq.s32 v11, v21;
	v63 =	vor.u32 v17, v13  }
0x620: {  	[tilespmem:v26+s4+$0x0] =	vst.idx.msk vm0, v2;
	v22 =	vshll.u32 v14, $0xA;
	vm0 =	veq.s32 v14, v10;
	v21 =	vsel vm1, $0x3F800000, v0  }
0x621: {  	v17 =	vadd.s32 s12, v19;
	v13 =	vshll.u32 v8, $0xA;
	v15 =	vshll.u32 v7, $0xA  }
0x622: {  	v11 =	vld [tilespmem:s25+$0x1400];
	vm2 =	veq.s32 v12, v8;
	v18 =	vadd.s32 s12, v15;
	v15 =	vshll.u32 v12, $0xA  }
0x623: {  	s22 =	sor.u32 s19, s22;
	s19 =	sor.u32 s21, s0;
	v16 =	vadd.s32 s12, v13;
	v13 =	vld [tilespmem:s26+$0x1400];
	[tilespmem:v23+s4+$0x0] =	vst.idx.msk vm15, v21;
	v20 =	vadd.s32 s12, v15;
	v15 =	vshll.u32 v10, $0xA  }
0x624: {  	s21 =	sor.u32 s23, s0;
	s24 =	sor.u32 s24, s0;
	s23 =	simm.s32 $0x8;
	vm1 =	veq.s32 v7, v6;
	v21 =	vadd.s32 s12, v22;
	[tilespmem:v63+s4+$0x0] =	vst.idx.msk vm3, v2;
	v19 =	vadd.s32 s12, v15;
	v15 =	vld [tilespmem:s28+$0x1400]  }
.LBB2_16:
0x625: {  	s23 =	sadd.s32 $0x4, s23;
	v18 =	vor.u32 v3, v18;
	v17 =	vor.u32 v3, v17;
	v20 =	vor.u32 v4, v20;
	v22 =	vld [tilespmem:s18+$0x1400];
	s13 =	sadd.s32 $0x40, s13;
	[tilespmem:s22+$0x0] =	vst v9;
	s22 =	smov.u32 s24  }
0x626: {  	v16 =	vor.u32 v4, v16;
	v21 =	vor.u32 v5, v21;
	v19 =	vor.u32 v5, v19;
	s2 =	sand.u32 $0x40, s13;
	s0 =	sshll.u32 s23, $0x4;
	p0 =	slt.u32 s23, $0x3C  }
0x627: {  	vm6 =	vlt.u32 v6, $0x21;
	vm8 =	vlt.u32 v7, $0x21;
	v3 =	vor.u32 s2, v1;
	s3 =	sand.u32 $0xFFFFFF80, s0;
	s6 =	sor.u32 $0x10, s2;
	s7 =	sor.u32 $0x30, s2  }
0x628: {  	vm4 =	vlt.u32 v8, $0x21;
	vm7 =	vlt.u32 v12, $0x21;
	s8 =	sor.u32 $0x20, s2;
	s25 =	sor.u32 s2, s3;
	v4 =	vor.u32 s6, v1;
	s18 =	sor.u32 s3, s7  }
0x629: {  	vm3 =	vlt.u32 v10, $0x21;
	vm5 =	vlt.u32 v14, $0x21;
	s26 =	sor.u32 s3, s6;
	v5 =	vor.u32 s8, v1;
	s0 =	sor.u32 s3, s8;
	v23 =	vld [tilespmem:s18+$0x400]  }
0x62a: {  	v9 =	vsel vm1, $0x3F800000, v0;
	s20 =	sadd.s32 $0x12800, s12;
	v14 =	vsel vm2, $0x3F800000, v0;
	s12 =	smov.u32 s3;
	v24 =	vld [tilespmem:s18+$0x1000];
	vm1 =	vle.f32 v22, $-1.000000000e+00  }
0x62b: {  	s28 =	sor.u32 s10, s20;
	s3 =	sor.u32 s9, s20;
	s9 =	sor.u32 s14, s20;
	v22 =	vsel vm0, $0x3F800000, v0;
	vm0 =	vle.f32 v11, $-1.000000000e+00;
	v6 =	vld [tilespmem:s25+$0x1000];
	v8 =	vsel vm1, $0x3F800000, v0  }
0x62c: {  	s24 =	sor.u32 s11, s20;
	s10 =	smov.u32 s6;
	v25 =	vsel vm0, $0x3F800000, v0;
	vm0 =	vle.f32 v13, $-1.000000000e+00;
	vm1 =	vle.f32 v15, $-1.000000000e+00;
	v7 =	vld [tilespmem:s25+$0x400];
	[tilespmem:s9+$0x0] =	vst v8;
	s9 =	smov.u32 s2  }
0x62d: {  	s14 =	smov.u32 s7;
	s11 =	smov.u32 s8;
	v26 =	vsel vm0, $0x3F800000, v0;
	v8 =	vld [tilespmem:s26+$0x1000];
	[tilespmem:v18+s4+$0x0] =	vst.idx.msk vm8, v9;
	v9 =	vsel vm1, $0x3F800000, v0  }
0x62e: {  	v11 =	vor.u32 s14, v1;
	v12 =	vld [tilespmem:s26+$0x400];
	v13 =	vshll.u32 v23, $0xA;
	[tilespmem:v17+s4+$0x0] =	vst.idx.msk vm6, v2  }
0x62f: {  	vm0 =	vlt.u32 v23, $0x21;
	v10 =	vld [tilespmem:s0+$0x1000];
	v13 =	vadd.s32 s12, v13;
	v15 =	vshll.u32 v24, $0xA;
	[tilespmem:v20+s4+$0x0] =	vst.idx.msk vm7, v14  }
0x630: {  	vm6 =	vlt.u32 v24, $0x21;
	v14 =	vld [tilespmem:s0+$0x400];
	v27 =	vor.u32 v11, v13;
	v13 =	vadd.s32 s12, v15;
	[tilespmem:v16+s4+$0x0] =	vst.idx.msk vm4, v2  }
0x631: {  	v16 =	vshll.u32 v6, $0xA;
	v15 =	vshll.u32 v7, $0xA;
	v28 =	vor.u32 v11, v13;
	v11 =	vld [tilespmem:s15+$0x1400];
	[tilespmem:v21+s4+$0x0] =	vst.idx.msk vm5, v22;
	s15 =	smov.u32 s25  }
.Ltmp7:
0x632: {  	v17 =	vadd.s32 s12, v16;
	v18 =	vadd.s32 s12, v15;
	v15 =	vshll.u32 v8, $0xA;
	v13 =	vld [tilespmem:s16+$0x1400];
	[tilespmem:v19+s4+$0x0] =	vst.idx.msk vm3, v2;
	s16 =	smov.u32 s26;
	(pc) =	sbr.rel @p0 .LBB2_16-.Ltmp7, $4  }
0x633: {  	vm1 =	veq.s32 v23, v24;
	v19 =	vshll.u32 v12, $0xA;
	v16 =	vadd.s32 s12, v15;
	v15 =	vld [tilespmem:s17+$0x1400];
	[tilespmem:s19+$0x0] =	vst v25;
	s17 =	smov.u32 s0;
	s19 =	smov.u32 s3  }
0x634: {  	v21 =	vsel vm1, $0x3F800000, v0;
	v20 =	vadd.s32 s12, v19;
	v19 =	vshll.u32 v10, $0xA;
	[tilespmem:s21+$0x0] =	vst v26;
	s21 =	smov.u32 s28  }
0x635: {  	vm1 =	veq.s32 v7, v6;
	v22 =	vshll.u32 v14, $0xA;
	v19 =	vadd.s32 s12, v19;
	[tilespmem:v27+s4+$0x0] =	vst.idx.msk vm0, v21  }
0x636: {  	vm2 =	veq.s32 v12, v8;
	vm0 =	veq.s32 v14, v10;
	v21 =	vadd.s32 s12, v22;
	[tilespmem:v28+s4+$0x0] =	vst.idx.msk vm6, v2  }
0x637: {  	vm3 =	vlt.u32 v7, $0x21  }
0x638: {  	v7 =	vor.u32 v3, v18;
	vm4 =	vlt.u32 v6, $0x21  }
0x639: {  	v3 =	vor.u32 v3, v17;
	vm5 =	vlt.u32 v12, $0x21  }
0x63a: {  	v6 =	vor.u32 v4, v20;
	vm6 =	vlt.u32 v8, $0x21  }
0x63b: {  	v4 =	vor.u32 v4, v16;
	vm7 =	vlt.u32 v14, $0x21  }
0x63c: {  	v8 =	vor.u32 v5, v21;
	vm8 =	vlt.u32 v10, $0x21;
	v10 =	vsel vm1, $0x3F800000, v0  }
0x63d: {  	v12 =	vld [tilespmem:s18+$0x1400];
	v5 =	vor.u32 v5, v19;
	[tilespmem:v7+s4+$0x0] =	vst.idx.msk vm3, v10  }
0x63e: {  	v7 =	vsel vm2, $0x3F800000, v0;
	[tilespmem:v3+s4+$0x0] =	vst.idx.msk vm4, v2  }
0x63f: {  	[tilespmem:v6+s4+$0x0] =	vst.idx.msk vm5, v7  }
0x640: {  	v3 =	vsel vm0, $0x3F800000, v0;
	[tilespmem:v4+s4+$0x0] =	vst.idx.msk vm6, v2  }
0x641: {  	v4 =	vld [tilespmem:s15+$0x1400];
	[tilespmem:v8+s4+$0x0] =	vst.idx.msk vm7, v3  }
0x642: {  	s0 =	sadd.s32 $0x12800, s12;
	vm0 =	vle.f32 v12, $-1.000000000e+00;
	v3 =	vld [tilespmem:s16+$0x1400];
	[tilespmem:v5+s4+$0x0] =	vst.idx.msk vm8, v2  }
0x643: {  	[tilespmem:s22+$0x0] =	vst v9;
	s2 =	sor.u32 s14, s0;
	v5 =	vsel vm0, $0x3F800000, v0;
	vm0 =	vle.f32 v11, $-1.000000000e+00;
	v6 =	vld [tilespmem:s17+$0x1400]  }
0x644: {  	[tilespmem:s2+$0x0] =	vst v5;
	v5 =	vsel vm0, $0x3F800000, v0;
	vm0 =	vle.f32 v13, $-1.000000000e+00  }
0x645: {  	vm1 =	vle.f32 v15, $-1.000000000e+00;
	v7 =	vsel vm0, $0x3F800000, v0;
	[tilespmem:s19+$0x0] =	vst v5  }
0x646: {  	v5 =	vsel vm1, $0x3F800000, v0;
	[tilespmem:s21+$0x0] =	vst v7;
	vm0 =	vle.f32 v4, $-1.000000000e+00  }
0x647: {  	s22 =	sor.u32 s9, s0;
	[tilespmem:s24+$0x0] =	vst v5;
	v4 =	vsel vm0, $0x3F800000, v0;
	vm0 =	vle.f32 v3, $-1.000000000e+00  }
0x648: {  	s3 =	sor.u32 s10, s0;
	vm1 =	vle.f32 v6, $-1.000000000e+00;
	v3 =	vsel vm0, $0x3F800000, v0;
	[tilespmem:s22+$0x0] =	vst v4  }
0x649: {  	s0 =	sor.u32 s11, s0;
	v4 =	vsel vm1, $0x3F800000, v0;
	[tilespmem:s3+$0x0] =	vst v3  }
0x64a: {  	s23 =	simm.s32 $0x400;
	[tilespmem:s0+$0x0] =	vst v4  }
0x64b: {  	s25 =	simm.s32 $0x3;
	s24 =	simm.s32 $0x40000;
	s0 =	rddreg [dreg:$0x14]  }
0x64c: {  	[hbm4b:s0+s23] =	stream.strided.scatter [tilespmem:s4], [sflag:$0x2], $0x8800, s24, s23, $0x38;
	[tilespmem:$0x1B400] =	vst v63  }
0x64d: {  	_ =	swait.ge [sflag:s25], $0x8800  }
0x64e: {  	[sflag:s25] =	ssyncset.done $0x0  }
0x64f: {  	s26 =	simm.s32 $0x5;
	[sflag:s25] =	ssyncadd.s32 $0xFFFF7800  }
0x650: {  	_ =	swait.ge [sflag:s26], $0x400  }
0x651: {  	[sflag:s26] =	ssyncset.done $0x0  }
0x652: {  	[sflag:s26] =	ssyncadd.s32 $0xFFFFFC00  }
0x653: {  	s28 =	simm.s32 $0x0;
	s6 =	simm.s32 $0x0;
	_ =	swait.ge [sflag:s26], $0x400  }
0x654: {  	s7 =	sand.u32 $0xFFFFFF80, s6;
	s16 =	sand.u32 $0x40, s28;
	[sflag:s26] =	ssyncset.done $0x0  }
0x655: {  	s8 =	sor.u32 $0x30, s16;
	s30 =	rddreg [dreg:$0x16];
	[sflag:s26] =	ssyncadd.s32 $0xFFFFFC00  }
0x656: {  	[tilespmem:s23], [sflag:$0x4] =	stream.linear.gather [hbm4b:s30+s28], $0x400, $0x38;
	[tilespmem:$0x1B400] =	vst v63  }
0x657: {  	s13 =	sor.u32 s7, s8;
	s3 =	rddreg [dreg:$0x18]  }
0x658: {  	[tilespmem:s31], [sflag:$0x4] =	stream.linear.gather [hbm4b:s3+s28], $0x400, $0x38;
	[tilespmem:$0x1B400] =	vst v63  }
0x659: {  	v3 =	vld [tilespmem:s13+$0x800]  }
0x65a: {  	s14 =	sor.u32 s16, s7;
	v4 =	vld [tilespmem:s13+$0x0]  }
0x65b: {  	s17 =	sor.u32 $0x10, s16;
	v5 =	vld [tilespmem:s14+$0x0]  }
0x65c: {  	s18 =	sor.u32 s7, s17;
	v6 =	vld [tilespmem:s14+$0x800]  }
0x65d: {  	v8 =	vld [tilespmem:s18+$0x0]  }
0x65e: {  	s19 =	sor.u32 $0x20, s16;
	v10 =	vld [tilespmem:s18+$0x800]  }
0x65f: {  	v9 =	vor.u32 s17, v1;
	s20 =	sor.u32 s7, s19  }
0x660: {  	v11 =	vor.u32 s8, v1;
	v7 =	vor.u32 s16, v1;
	v15 =	vld [tilespmem:s20+$0x800];
	v12 =	vshll.u32 v3, $0xA  }
0x661: {  	vm0 =	vlt.u32 v3, $0x21;
	v14 =	vshll.u32 v4, $0xA;
	vm2 =	vlt.u32 v4, $0x21  }
0x662: {  	v16 =	vshll.u32 v6, $0xA;
	v17 =	vshll.u32 v5, $0xA;
	v18 =	vshll.u32 v8, $0xA  }
0x663: {  	s28 =	simm.s32 $0x40;
	v19 =	vshll.u32 v10, $0xA;
	vm1 =	veq.s32 v3, v4;
	v12 =	vadd.s32 s7, v12  }
0x664: {  	s30 =	simm.s32 $0x40;
	v13 =	vld [tilespmem:s20+$0x0];
	s21 =	sand.u32 $0x40, s28;
	vm4 =	veq.s32 v6, v5;
	v14 =	vadd.s32 s7, v14;
	v12 =	vor.u32 v11, v12  }
0x665: {  	s0 =	sand.u32 $0xFFFFFF80, s30;
	s30 =	sor.u32 $0x30, s21;
	s23 =	sor.u32 $0x10, s21;
	v20 =	vshll.u32 v15, $0xA;
	vm13 =	veq.s32 v10, v8;
	v11 =	vor.u32 v11, v14  }
0x666: {  	s24 =	sor.u32 $0x20, s21;
	s3 =	sor.u32 s0, s30;
	vm3 =	vlt.u32 v5, $0x21;
	vm14 =	vlt.u32 v6, $0x21;
	v6 =	vor.u32 s23, v1  }
0x667: {  	s26 =	sor.u32 s0, s23;
	v5 =	vld [tilespmem:s3+$0x0];
	vm15 =	vlt.u32 v8, $0x21;
	vm12 =	vlt.u32 v10, $0x21;
	v8 =	vor.u32 s24, v1  }
0x668: {  	v21 =	vld [tilespmem:s26+$0x800];
	v16 =	vadd.s32 s7, v16;
	v3 =	vadd.s32 s7, v18;
	v18 =	vsel vm1, $0x3F800000, v0  }
0x669: {  	v17 =	vadd.s32 s7, v17;
	v4 =	vadd.s32 s7, v19;
	v19 =	vshll.u32 v13, $0xA;
	[tilespmem:v12+s5+$0x0] =	vst.idx.msk vm0, v18  }
0x66a: {  	vm1 =	veq.s32 v15, v13;
	v14 =	vor.u32 s19, v1;
	v16 =	vor.u32 v7, v16;
	[tilespmem:v11+s5+$0x0] =	vst.idx.msk vm2, v2  }
0x66b: {  	v7 =	vor.u32 v7, v17;
	v4 =	vor.u32 v9, v4;
	v11 =	vadd.s32 s7, v20;
	v17 =	vld [tilespmem:s13+$0x1800]  }
0x66c: {  	s25 =	sor.u32 s21, s0;
	v3 =	vor.u32 v9, v3;
	v22 =	vshll.u32 v5, $0xA;
	v9 =	vor.u32 v14, v11;
	v11 =	vld [tilespmem:s3+$0x800]  }
0x66d: {  	v10 =	vld [tilespmem:s25+$0x800];
	vm5 =	vlt.u32 v21, $0x21;
	vm10 =	vlt.u32 v5, $0x21;
	v22 =	vadd.s32 s0, v22  }
0x66e: {  	v12 =	vadd.s32 s7, v19;
	vm0 =	vlt.u32 v13, $0x21;
	v13 =	vsel vm4, $0x3F800000, v0;
	v18 =	vld [tilespmem:s25+$0x0]  }
0x66f: {  	s28 =	sor.u32 s0, s24;
	v19 =	vor.u32 s30, v1;
	vm2 =	vlt.u32 v15, $0x21;
	v15 =	vsel vm13, $0x3F800000, v0;
	[tilespmem:v16+s5+$0x0] =	vst.idx.msk vm14, v13  }
0x670: {  	v23 =	vld [tilespmem:s28+$0x0];
	v12 =	vor.u32 v14, v12;
	v13 =	vsel vm1, $0x3F800000, v0;
	v14 =	vor.u32 s21, v1;
	[tilespmem:v4+s5+$0x0] =	vst.idx.msk vm12, v15  }
0x671: {  	[tilespmem:v3+s5+$0x0] =	vst.idx.msk vm15, v2;
	v3 =	vshll.u32 v21, $0xA;
	vm13 =	vle.f32 v17, $-1.000000000e+00;
	v17 =	vld [tilespmem:s26+$0x0];
	v20 =	vshll.u32 v11, $0xA  }
0x672: {  	vm15 =	vlt.u32 v10, $0x21;
	vm9 =	vlt.u32 v11, $0x21;
	v20 =	vadd.s32 s0, v20  }
0x673: {  	v3 =	vadd.s32 s0, v3;
	v4 =	vshll.u32 v18, $0xA;
	v20 =	vor.u32 v19, v20  }
0x674: {  	v16 =	vld [tilespmem:s28+$0x800];
	vm14 =	veq.s32 v10, v18;
	vm4 =	vlt.u32 v18, $0x21;
	v19 =	vor.u32 v19, v22  }
0x675: {  	s6 =	simm.s32 $0x80;
	s13 =	simm.s32 $0x80;
	v4 =	vadd.s32 s0, v4;
	vm1 =	veq.s32 v11, v5;
	v22 =	vshll.u32 v10, $0xA  }
0x676: {  	s12 =	sand.u32 $0xFFFFFF80, s6;
	[tilespmem:v7+s5+$0x0] =	vst.idx.msk vm3, v2;
	s9 =	sand.u32 $0x40, s13;
	v11 =	vshll.u32 v23, $0xA;
	v22 =	vadd.s32 s0, v22;
	v7 =	vshll.u32 v17, $0xA  }
0x677: {  	v24 =	vld [tilespmem:s18+$0x1800];
	s15 =	sor.u32 s9, s12;
	[tilespmem:v9+s5+$0x0] =	vst.idx.msk vm2, v13;
	v13 =	vor.u32 v14, v22;
	v5 =	vadd.s32 s0, v7;
	v7 =	vsel vm1, $0x3F800000, v0  }
0x678: {  	v15 =	vsel vm13, $0x3F800000, v0;
	[tilespmem:v20+s5+$0x0] =	vst.idx.msk vm9, v7;
	v20 =	vor.u32 v6, v3;
	v22 =	vor.u32 v6, v5;
	v6 =	vld [tilespmem:s15+$0x0]  }
0x679: {  	v11 =	vadd.s32 s0, v11;
	v14 =	vor.u32 v14, v4;
	v7 =	vshll.u32 v16, $0xA;
	[tilespmem:v19+s5+$0x0] =	vst.idx.msk vm10, v2;
	v19 =	vld [tilespmem:s14+$0x1800]  }
0x67a: {  	s22 =	sadd.s32 $0x1B000, s7;
	[tilespmem:v12+s5+$0x0] =	vst.idx.msk vm0, v2;
	vm0 =	vlt.u32 v23, $0x21;
	vm13 =	vlt.u32 v16, $0x21;
	v7 =	vadd.s32 s0, v7;
	s14 =	sor.u32 $0x30, s9;
	v9 =	vld [tilespmem:s3+$0x1800]  }
0x67b: {  	s7 =	sor.u32 s8, s22;
	s10 =	sor.u32 $0x10, s9;
	v26 =	vor.u32 v8, v11;
	v10 =	vsel vm14, $0x3F800000, v0;
	v25 =	vor.u32 v8, v7;
	v8 =	vld [tilespmem:s20+$0x1800];
	s18 =	sor.u32 s12, s14  }
0x67c: {  	s11 =	sor.u32 $0x20, s9;
	[tilespmem:s7+$0x0] =	vst v15;
	v4 =	vor.u32 s10, v1;
	vm3 =	veq.s32 v21, v17;
	vm2 =	vlt.u32 v17, $0x21;
	s0 =	sadd.s32 $0x1B000, s0;
	v11 =	vld [tilespmem:s18+$0x800]  }
0x67d: {  	vm1 =	veq.s32 v16, v23;
	v15 =	vsel vm3, $0x3F800000, v0;
	vm3 =	vle.f32 v24, $-1.000000000e+00;
	s8 =	sor.u32 s30, s0;
	s30 =	sor.u32 s17, s22;
	s17 =	sor.u32 s12, s11;
	[tilespmem:v13+s5+$0x0] =	vst.idx.msk vm15, v10;
	v21 =	vld [tilespmem:s18+$0x0]  }
0x67e: {  	v3 =	vor.u32 s9, v1;
	v5 =	vor.u32 s11, v1;
	v10 =	vld [tilespmem:s17+$0x0];
	[tilespmem:v14+s5+$0x0] =	vst.idx.msk vm4, v2;
	vm14 =	vle.f32 v19, $-1.000000000e+00  }
0x67f: {  	v16 =	vsel vm1, $0x3F800000, v0;
	s20 =	sor.u32 s16, s22;
	s16 =	sor.u32 s12, s10;
	v14 =	vld [tilespmem:s17+$0x800];
	[tilespmem:v20+s5+$0x0] =	vst.idx.msk vm5, v15;
	vm12 =	vle.f32 v9, $-1.000000000e+00;
	v9 =	vsel vm14, $0x3F800000, v0  }
0x680: {  	v17 =	vor.u32 s14, v1;
	vm1 =	vle.f32 v8, $-1.000000000e+00;
	v8 =	vld [tilespmem:s16+$0x0];
	v7 =	vsel vm12, $0x3F800000, v0;
	[tilespmem:s20+$0x0] =	vst v9  }
0x681: {  	v19 =	vshll.u32 v6, $0xA;
	v9 =	vsel vm3, $0x3F800000, v0;
	v18 =	vshll.u32 v11, $0xA;
	[tilespmem:s8+$0x0] =	vst v7;
	v7 =	vld [tilespmem:s15+$0x800]  }
0x682: {  	v12 =	vld [tilespmem:s16+$0x800];
	[tilespmem:v22+s5+$0x0] =	vst.idx.msk vm2, v2;
	vm15 =	vlt.u32 v11, $0x21;
	v13 =	vadd.s32 s12, v18;
	v18 =	vshll.u32 v21, $0xA  }
0x683: {  	[tilespmem:v25+s5+$0x0] =	vst.idx.msk vm13, v16;
	vm3 =	vlt.u32 v21, $0x21;
	v23 =	vor.u32 v17, v13;
	v13 =	vadd.s32 s12, v18  }
0x684: {  	[tilespmem:s30+$0x0] =	vst v9;
	v9 =	vsel vm1, $0x3F800000, v0;
	vm1 =	veq.s32 v11, v21;
	v63 =	vor.u32 v17, v13  }
0x685: {  	[tilespmem:v26+s5+$0x0] =	vst.idx.msk vm0, v2;
	v22 =	vshll.u32 v14, $0xA;
	vm0 =	veq.s32 v14, v10;
	v21 =	vsel vm1, $0x3F800000, v0  }
0x686: {  	v17 =	vadd.s32 s12, v19;
	v13 =	vshll.u32 v8, $0xA;
	v15 =	vshll.u32 v7, $0xA  }
0x687: {  	v11 =	vld [tilespmem:s25+$0x1800];
	vm2 =	veq.s32 v12, v8;
	v18 =	vadd.s32 s12, v15;
	v15 =	vshll.u32 v12, $0xA  }
0x688: {  	s22 =	sor.u32 s19, s22;
	s19 =	sor.u32 s21, s0;
	v16 =	vadd.s32 s12, v13;
	v13 =	vld [tilespmem:s26+$0x1800];
	[tilespmem:v23+s5+$0x0] =	vst.idx.msk vm15, v21;
	v20 =	vadd.s32 s12, v15;
	v15 =	vshll.u32 v10, $0xA  }
0x689: {  	s21 =	sor.u32 s23, s0;
	s24 =	sor.u32 s24, s0;
	s23 =	simm.s32 $0x8;
	vm1 =	veq.s32 v7, v6;
	v21 =	vadd.s32 s12, v22;
	[tilespmem:v63+s5+$0x0] =	vst.idx.msk vm3, v2;
	v19 =	vadd.s32 s12, v15;
	v15 =	vld [tilespmem:s28+$0x1800]  }
.LBB2_18:
0x68a: {  	s23 =	sadd.s32 $0x4, s23;
	v18 =	vor.u32 v3, v18;
	v17 =	vor.u32 v3, v17;
	v20 =	vor.u32 v4, v20;
	v22 =	vld [tilespmem:s18+$0x1800];
	s13 =	sadd.s32 $0x40, s13;
	[tilespmem:s22+$0x0] =	vst v9;
	s22 =	smov.u32 s24  }
0x68b: {  	v16 =	vor.u32 v4, v16;
	v21 =	vor.u32 v5, v21;
	v19 =	vor.u32 v5, v19;
	s2 =	sand.u32 $0x40, s13;
	s0 =	sshll.u32 s23, $0x4;
	p0 =	slt.u32 s23, $0x3C  }
0x68c: {  	vm6 =	vlt.u32 v6, $0x21;
	vm8 =	vlt.u32 v7, $0x21;
	v3 =	vor.u32 s2, v1;
	s3 =	sand.u32 $0xFFFFFF80, s0;
	s6 =	sor.u32 $0x10, s2;
	s7 =	sor.u32 $0x30, s2  }
0x68d: {  	vm4 =	vlt.u32 v8, $0x21;
	vm7 =	vlt.u32 v12, $0x21;
	s8 =	sor.u32 $0x20, s2;
	s25 =	sor.u32 s2, s3;
	v4 =	vor.u32 s6, v1;
	s18 =	sor.u32 s3, s7  }
0x68e: {  	vm3 =	vlt.u32 v10, $0x21;
	vm5 =	vlt.u32 v14, $0x21;
	s26 =	sor.u32 s3, s6;
	v5 =	vor.u32 s8, v1;
	s0 =	sor.u32 s3, s8;
	v23 =	vld [tilespmem:s18+$0x800]  }
0x68f: {  	v9 =	vsel vm1, $0x3F800000, v0;
	s20 =	sadd.s32 $0x1B000, s12;
	v14 =	vsel vm2, $0x3F800000, v0;
	s12 =	smov.u32 s3;
	v24 =	vld [tilespmem:s18+$0x0];
	vm1 =	vle.f32 v22, $-1.000000000e+00  }
0x690: {  	s28 =	sor.u32 s10, s20;
	s3 =	sor.u32 s9, s20;
	s9 =	sor.u32 s14, s20;
	v22 =	vsel vm0, $0x3F800000, v0;
	vm0 =	vle.f32 v11, $-1.000000000e+00;
	v6 =	vld [tilespmem:s25+$0x0];
	v8 =	vsel vm1, $0x3F800000, v0  }
0x691: {  	s24 =	sor.u32 s11, s20;
	s10 =	smov.u32 s6;
	v25 =	vsel vm0, $0x3F800000, v0;
	vm0 =	vle.f32 v13, $-1.000000000e+00;
	vm1 =	vle.f32 v15, $-1.000000000e+00;
	v7 =	vld [tilespmem:s25+$0x800];
	[tilespmem:s9+$0x0] =	vst v8;
	s9 =	smov.u32 s2  }
0x692: {  	s14 =	smov.u32 s7;
	s11 =	smov.u32 s8;
	v26 =	vsel vm0, $0x3F800000, v0;
	v8 =	vld [tilespmem:s26+$0x0];
	[tilespmem:v18+s5+$0x0] =	vst.idx.msk vm8, v9;
	v9 =	vsel vm1, $0x3F800000, v0  }
0x693: {  	v11 =	vor.u32 s14, v1;
	v12 =	vld [tilespmem:s26+$0x800];
	v13 =	vshll.u32 v23, $0xA;
	[tilespmem:v17+s5+$0x0] =	vst.idx.msk vm6, v2  }
0x694: {  	vm0 =	vlt.u32 v23, $0x21;
	v10 =	vld [tilespmem:s0+$0x0];
	v13 =	vadd.s32 s12, v13;
	v15 =	vshll.u32 v24, $0xA;
	[tilespmem:v20+s5+$0x0] =	vst.idx.msk vm7, v14  }
0x695: {  	vm6 =	vlt.u32 v24, $0x21;
	v14 =	vld [tilespmem:s0+$0x800];
	v27 =	vor.u32 v11, v13;
	v13 =	vadd.s32 s12, v15;
	[tilespmem:v16+s5+$0x0] =	vst.idx.msk vm4, v2  }
0x696: {  	v16 =	vshll.u32 v6, $0xA;
	v15 =	vshll.u32 v7, $0xA;
	v28 =	vor.u32 v11, v13;
	v11 =	vld [tilespmem:s15+$0x1800];
	[tilespmem:v21+s5+$0x0] =	vst.idx.msk vm5, v22;
	s15 =	smov.u32 s25  }
.Ltmp8:
0x697: {  	v17 =	vadd.s32 s12, v16;
	v18 =	vadd.s32 s12, v15;
	v15 =	vshll.u32 v8, $0xA;
	v13 =	vld [tilespmem:s16+$0x1800];
	[tilespmem:v19+s5+$0x0] =	vst.idx.msk vm3, v2;
	s16 =	smov.u32 s26;
	(pc) =	sbr.rel @p0 .LBB2_18-.Ltmp8, $4  }
0x698: {  	vm1 =	veq.s32 v23, v24;
	v19 =	vshll.u32 v12, $0xA;
	v16 =	vadd.s32 s12, v15;
	v15 =	vld [tilespmem:s17+$0x1800];
	[tilespmem:s19+$0x0] =	vst v25;
	s17 =	smov.u32 s0;
	s19 =	smov.u32 s3  }
0x699: {  	v21 =	vsel vm1, $0x3F800000, v0;
	v20 =	vadd.s32 s12, v19;
	v19 =	vshll.u32 v10, $0xA;
	[tilespmem:s21+$0x0] =	vst v26;
	s21 =	smov.u32 s28  }
0x69a: {  	vm1 =	veq.s32 v7, v6;
	v22 =	vshll.u32 v14, $0xA;
	v19 =	vadd.s32 s12, v19;
	[tilespmem:v27+s5+$0x0] =	vst.idx.msk vm0, v21  }
0x69b: {  	vm2 =	veq.s32 v12, v8;
	vm0 =	veq.s32 v14, v10;
	v21 =	vadd.s32 s12, v22;
	[tilespmem:v28+s5+$0x0] =	vst.idx.msk vm6, v2  }
0x69c: {  	vm3 =	vlt.u32 v7, $0x21  }
0x69d: {  	v7 =	vor.u32 v3, v18;
	vm4 =	vlt.u32 v6, $0x21  }
0x69e: {  	v3 =	vor.u32 v3, v17;
	vm5 =	vlt.u32 v12, $0x21  }
0x69f: {  	v6 =	vor.u32 v4, v20;
	vm6 =	vlt.u32 v8, $0x21  }
0x6a0: {  	v4 =	vor.u32 v4, v16;
	vm7 =	vlt.u32 v14, $0x21  }
0x6a1: {  	v8 =	vor.u32 v5, v21;
	vm8 =	vlt.u32 v10, $0x21;
	v10 =	vsel vm1, $0x3F800000, v0  }
0x6a2: {  	v12 =	vld [tilespmem:s18+$0x1800];
	v5 =	vor.u32 v5, v19;
	[tilespmem:v7+s5+$0x0] =	vst.idx.msk vm3, v10  }
0x6a3: {  	v7 =	vsel vm2, $0x3F800000, v0;
	[tilespmem:v3+s5+$0x0] =	vst.idx.msk vm4, v2  }
0x6a4: {  	[tilespmem:v6+s5+$0x0] =	vst.idx.msk vm5, v7  }
0x6a5: {  	v3 =	vsel vm0, $0x3F800000, v0;
	[tilespmem:v4+s5+$0x0] =	vst.idx.msk vm6, v2  }
0x6a6: {  	v4 =	vld [tilespmem:s15+$0x1800];
	[tilespmem:v8+s5+$0x0] =	vst.idx.msk vm7, v3  }
0x6a7: {  	s0 =	sadd.s32 $0x1B000, s12;
	vm0 =	vle.f32 v12, $-1.000000000e+00;
	v3 =	vld [tilespmem:s16+$0x1800];
	[tilespmem:v5+s5+$0x0] =	vst.idx.msk vm8, v2  }
0x6a8: {  	[tilespmem:s22+$0x0] =	vst v9;
	s2 =	sor.u32 s14, s0;
	v5 =	vsel vm0, $0x3F800000, v0;
	vm0 =	vle.f32 v11, $-1.000000000e+00;
	v6 =	vld [tilespmem:s17+$0x1800]  }
0x6a9: {  	[tilespmem:s2+$0x0] =	vst v5;
	v5 =	vsel vm0, $0x3F800000, v0;
	vm0 =	vle.f32 v13, $-1.000000000e+00  }
0x6aa: {  	vm1 =	vle.f32 v15, $-1.000000000e+00;
	v7 =	vsel vm0, $0x3F800000, v0;
	[tilespmem:s19+$0x0] =	vst v5  }
0x6ab: {  	v5 =	vsel vm1, $0x3F800000, v0;
	[tilespmem:s21+$0x0] =	vst v7;
	vm0 =	vle.f32 v4, $-1.000000000e+00  }
0x6ac: {  	s20 =	sor.u32 s9, s0;
	[tilespmem:s24+$0x0] =	vst v5;
	v4 =	vsel vm0, $0x3F800000, v0;
	vm0 =	vle.f32 v3, $-1.000000000e+00  }
0x6ad: {  	s3 =	sor.u32 s10, s0;
	vm1 =	vle.f32 v6, $-1.000000000e+00;
	v3 =	vsel vm0, $0x3F800000, v0;
	[tilespmem:s20+$0x0] =	vst v4  }
0x6ae: {  	s0 =	sor.u32 s11, s0;
	v4 =	vsel vm1, $0x3F800000, v0;
	[tilespmem:s3+$0x0] =	vst v3  }
0x6af: {  	[tilespmem:s0+$0x0] =	vst v4  }
0x6b0: {  	s22 =	simm.s32 $0x40000;
	s21 =	simm.s32 $0x400;
	s0 =	rddreg [dreg:$0x15]  }
0x6b1: {  	[hbm4b:s0+s21] =	stream.strided.scatter [tilespmem:s5], [sflag:$0x3], $0x8800, s22, s21, $0x38;
	[tilespmem:$0x1B400] =	vst v63  }
0x6b2: {  	_ =	swait.ge [sflag:s29], $0x8800  }
0x6b3: {  	[sflag:s29] =	ssyncset.done $0x0  }
0x6b4: {  	s23 =	simm.s32 $0x4;
	[sflag:s29] =	ssyncadd.s32 $0xFFFF7800  }
0x6b5: {  	_ =	swait.ge [sflag:s23], $0x400  }
0x6b6: {  	[sflag:s23] =	ssyncset.done $0x0  }
0x6b7: {  	s26 =	simm.s32 $0x800;
	[sflag:s23] =	ssyncadd.s32 $0xFFFFFC00  }
0x6b8: {  	s6 =	simm.s32 $0x0;
	s24 =	simm.s32 $0x0;
	_ =	swait.ge [sflag:s23], $0x400  }
0x6b9: {  	s7 =	sand.u32 $0xFFFFFF80, s6;
	s16 =	sand.u32 $0x40, s24;
	[sflag:s23] =	ssyncset.done $0x0  }
0x6ba: {  	s8 =	sor.u32 $0x30, s16;
	s25 =	rddreg [dreg:$0x17];
	[sflag:s23] =	ssyncadd.s32 $0xFFFFFC00  }
0x6bb: {  	[tilespmem:s26], [sflag:$0x5] =	stream.linear.gather [hbm4b:s25+s24], $0x400, $0x38;
	[tilespmem:$0x1B400] =	vst v63  }
0x6bc: {  	s30 =	simm.s32 $0x1800;
	s13 =	sor.u32 s7, s8;
	s28 =	rddreg [dreg:$0x19]  }
0x6bd: {  	[tilespmem:s30], [sflag:$0x5] =	stream.linear.gather [hbm4b:s28+s24], $0x400, $0x38;
	[tilespmem:$0x1B400] =	vst v63  }
0x6be: {  	v3 =	vld [tilespmem:s13+$0xC00]  }
0x6bf: {  	s14 =	sor.u32 s16, s7;
	v4 =	vld [tilespmem:s13+$0x400]  }
0x6c0: {  	s17 =	sor.u32 $0x10, s16;
	v5 =	vld [tilespmem:s14+$0x400]  }
0x6c1: {  	s18 =	sor.u32 s7, s17;
	v6 =	vld [tilespmem:s14+$0xC00]  }
0x6c2: {  	v8 =	vld [tilespmem:s18+$0x400]  }
0x6c3: {  	s19 =	sor.u32 $0x20, s16;
	v10 =	vld [tilespmem:s18+$0xC00]  }
0x6c4: {  	v7 =	vor.u32 s16, v1;
	s20 =	sor.u32 s7, s19  }
0x6c5: {  	v9 =	vor.u32 s17, v1;
	v11 =	vor.u32 s8, v1;
	v15 =	vld [tilespmem:s20+$0xC00];
	v12 =	vshll.u32 v3, $0xA  }
0x6c6: {  	vm0 =	vlt.u32 v3, $0x21;
	v14 =	vshll.u32 v4, $0xA;
	vm2 =	vlt.u32 v4, $0x21  }
0x6c7: {  	v16 =	vshll.u32 v6, $0xA;
	v17 =	vshll.u32 v5, $0xA;
	v18 =	vshll.u32 v8, $0xA  }
0x6c8: {  	s28 =	simm.s32 $0x40;
	v19 =	vshll.u32 v10, $0xA;
	vm1 =	veq.s32 v3, v4;
	v12 =	vadd.s32 s7, v12  }
0x6c9: {  	s30 =	simm.s32 $0x40;
	v13 =	vld [tilespmem:s20+$0x400];
	s21 =	sand.u32 $0x40, s28;
	vm4 =	veq.s32 v6, v5;
	v14 =	vadd.s32 s7, v14;
	v12 =	vor.u32 v11, v12  }
0x6ca: {  	s0 =	sand.u32 $0xFFFFFF80, s30;
	s30 =	sor.u32 $0x30, s21;
	s23 =	sor.u32 $0x10, s21;
	v20 =	vshll.u32 v15, $0xA;
	vm13 =	veq.s32 v10, v8;
	v11 =	vor.u32 v11, v14  }
0x6cb: {  	s24 =	sor.u32 $0x20, s21;
	s3 =	sor.u32 s0, s30;
	vm3 =	vlt.u32 v5, $0x21;
	vm14 =	vlt.u32 v6, $0x21;
	v6 =	vor.u32 s23, v1  }
0x6cc: {  	s26 =	sor.u32 s0, s23;
	v5 =	vld [tilespmem:s3+$0x400];
	vm15 =	vlt.u32 v8, $0x21;
	vm12 =	vlt.u32 v10, $0x21;
	v8 =	vor.u32 s24, v1  }
0x6cd: {  	v21 =	vld [tilespmem:s26+$0xC00];
	v16 =	vadd.s32 s7, v16;
	v3 =	vadd.s32 s7, v18;
	v18 =	vsel vm1, $0x3F800000, v0  }
0x6ce: {  	v17 =	vadd.s32 s7, v17;
	v4 =	vadd.s32 s7, v19;
	v19 =	vshll.u32 v13, $0xA;
	[tilespmem:v12+s1+$0x0] =	vst.idx.msk vm0, v18  }
0x6cf: {  	vm1 =	veq.s32 v15, v13;
	v14 =	vor.u32 s19, v1;
	v16 =	vor.u32 v7, v16;
	[tilespmem:v11+s1+$0x0] =	vst.idx.msk vm2, v2  }
0x6d0: {  	v7 =	vor.u32 v7, v17;
	v4 =	vor.u32 v9, v4;
	v11 =	vadd.s32 s7, v20;
	v17 =	vld [tilespmem:s13+$0x1400]  }
0x6d1: {  	s25 =	sor.u32 s21, s0;
	v3 =	vor.u32 v9, v3;
	v22 =	vshll.u32 v5, $0xA;
	v9 =	vor.u32 v14, v11;
	v11 =	vld [tilespmem:s3+$0xC00]  }
0x6d2: {  	v10 =	vld [tilespmem:s25+$0xC00];
	vm5 =	vlt.u32 v21, $0x21;
	vm10 =	vlt.u32 v5, $0x21;
	v22 =	vadd.s32 s0, v22  }
0x6d3: {  	v12 =	vadd.s32 s7, v19;
	vm0 =	vlt.u32 v13, $0x21;
	v13 =	vsel vm4, $0x3F800000, v0;
	v18 =	vld [tilespmem:s25+$0x400]  }
0x6d4: {  	s28 =	sor.u32 s0, s24;
	v19 =	vor.u32 s30, v1;
	vm2 =	vlt.u32 v15, $0x21;
	v15 =	vsel vm13, $0x3F800000, v0;
	[tilespmem:v16+s1+$0x0] =	vst.idx.msk vm14, v13  }
0x6d5: {  	v23 =	vld [tilespmem:s28+$0x400];
	v12 =	vor.u32 v14, v12;
	v13 =	vsel vm1, $0x3F800000, v0;
	v14 =	vor.u32 s21, v1;
	[tilespmem:v4+s1+$0x0] =	vst.idx.msk vm12, v15  }
0x6d6: {  	[tilespmem:v3+s1+$0x0] =	vst.idx.msk vm15, v2;
	v3 =	vshll.u32 v21, $0xA;
	vm13 =	vle.f32 v17, $-1.000000000e+00;
	v17 =	vld [tilespmem:s26+$0x400];
	v20 =	vshll.u32 v11, $0xA  }
0x6d7: {  	vm15 =	vlt.u32 v10, $0x21;
	vm9 =	vlt.u32 v11, $0x21;
	v20 =	vadd.s32 s0, v20  }
0x6d8: {  	v3 =	vadd.s32 s0, v3;
	v4 =	vshll.u32 v18, $0xA;
	v20 =	vor.u32 v19, v20  }
0x6d9: {  	v16 =	vld [tilespmem:s28+$0xC00];
	vm14 =	veq.s32 v10, v18;
	vm4 =	vlt.u32 v18, $0x21;
	v19 =	vor.u32 v19, v22  }
0x6da: {  	s6 =	simm.s32 $0x80;
	s13 =	simm.s32 $0x80;
	v4 =	vadd.s32 s0, v4;
	vm1 =	veq.s32 v11, v5;
	v22 =	vshll.u32 v10, $0xA  }
0x6db: {  	s12 =	sand.u32 $0xFFFFFF80, s6;
	[tilespmem:v7+s1+$0x0] =	vst.idx.msk vm3, v2;
	s9 =	sand.u32 $0x40, s13;
	v11 =	vshll.u32 v23, $0xA;
	v22 =	vadd.s32 s0, v22;
	v7 =	vshll.u32 v17, $0xA  }
0x6dc: {  	v24 =	vld [tilespmem:s18+$0x1400];
	s15 =	sor.u32 s9, s12;
	[tilespmem:v9+s1+$0x0] =	vst.idx.msk vm2, v13;
	v13 =	vor.u32 v14, v22;
	v5 =	vadd.s32 s0, v7;
	v7 =	vsel vm1, $0x3F800000, v0  }
0x6dd: {  	v15 =	vsel vm13, $0x3F800000, v0;
	[tilespmem:v20+s1+$0x0] =	vst.idx.msk vm9, v7;
	v20 =	vor.u32 v6, v3;
	v22 =	vor.u32 v6, v5;
	v6 =	vld [tilespmem:s15+$0x400]  }
0x6de: {  	v11 =	vadd.s32 s0, v11;
	v14 =	vor.u32 v14, v4;
	v7 =	vshll.u32 v16, $0xA;
	[tilespmem:v19+s1+$0x0] =	vst.idx.msk vm10, v2;
	v19 =	vld [tilespmem:s14+$0x1400]  }
0x6df: {  	s22 =	sadd.s32 $0xA000, s7;
	[tilespmem:v12+s1+$0x0] =	vst.idx.msk vm0, v2;
	vm0 =	vlt.u32 v23, $0x21;
	vm13 =	vlt.u32 v16, $0x21;
	v7 =	vadd.s32 s0, v7;
	s14 =	sor.u32 $0x30, s9;
	v9 =	vld [tilespmem:s3+$0x1400]  }
0x6e0: {  	s7 =	sor.u32 s8, s22;
	s10 =	sor.u32 $0x10, s9;
	v26 =	vor.u32 v8, v11;
	v10 =	vsel vm14, $0x3F800000, v0;
	v25 =	vor.u32 v8, v7;
	v8 =	vld [tilespmem:s20+$0x1400];
	s18 =	sor.u32 s12, s14  }
0x6e1: {  	s11 =	sor.u32 $0x20, s9;
	[tilespmem:s7+$0x0] =	vst v15;
	v4 =	vor.u32 s10, v1;
	vm3 =	veq.s32 v21, v17;
	vm2 =	vlt.u32 v17, $0x21;
	s0 =	sadd.s32 $0xA000, s0;
	v11 =	vld [tilespmem:s18+$0xC00]  }
0x6e2: {  	vm1 =	veq.s32 v16, v23;
	v15 =	vsel vm3, $0x3F800000, v0;
	vm3 =	vle.f32 v24, $-1.000000000e+00;
	s8 =	sor.u32 s30, s0;
	s30 =	sor.u32 s17, s22;
	s17 =	sor.u32 s12, s11;
	[tilespmem:v13+s1+$0x0] =	vst.idx.msk vm15, v10;
	v21 =	vld [tilespmem:s18+$0x400]  }
0x6e3: {  	v3 =	vor.u32 s9, v1;
	v5 =	vor.u32 s11, v1;
	v10 =	vld [tilespmem:s17+$0x400];
	[tilespmem:v14+s1+$0x0] =	vst.idx.msk vm4, v2;
	vm14 =	vle.f32 v19, $-1.000000000e+00  }
0x6e4: {  	v16 =	vsel vm1, $0x3F800000, v0;
	s20 =	sor.u32 s16, s22;
	s16 =	sor.u32 s12, s10;
	v14 =	vld [tilespmem:s17+$0xC00];
	[tilespmem:v20+s1+$0x0] =	vst.idx.msk vm5, v15;
	vm12 =	vle.f32 v9, $-1.000000000e+00;
	v9 =	vsel vm14, $0x3F800000, v0  }
0x6e5: {  	v17 =	vor.u32 s14, v1;
	vm1 =	vle.f32 v8, $-1.000000000e+00;
	v8 =	vld [tilespmem:s16+$0x400];
	v7 =	vsel vm12, $0x3F800000, v0;
	[tilespmem:s20+$0x0] =	vst v9  }
0x6e6: {  	v19 =	vshll.u32 v6, $0xA;
	v9 =	vsel vm3, $0x3F800000, v0;
	v18 =	vshll.u32 v11, $0xA;
	[tilespmem:s8+$0x0] =	vst v7;
	v7 =	vld [tilespmem:s15+$0xC00]  }
0x6e7: {  	v12 =	vld [tilespmem:s16+$0xC00];
	[tilespmem:v22+s1+$0x0] =	vst.idx.msk vm2, v2;
	vm15 =	vlt.u32 v11, $0x21;
	v13 =	vadd.s32 s12, v18;
	v18 =	vshll.u32 v21, $0xA  }
0x6e8: {  	[tilespmem:v25+s1+$0x0] =	vst.idx.msk vm13, v16;
	vm3 =	vlt.u32 v21, $0x21;
	v23 =	vor.u32 v17, v13;
	v13 =	vadd.s32 s12, v18  }
0x6e9: {  	[tilespmem:s30+$0x0] =	vst v9;
	v9 =	vsel vm1, $0x3F800000, v0;
	vm1 =	veq.s32 v11, v21;
	v63 =	vor.u32 v17, v13  }
0x6ea: {  	[tilespmem:v26+s1+$0x0] =	vst.idx.msk vm0, v2;
	v22 =	vshll.u32 v14, $0xA;
	vm0 =	veq.s32 v14, v10;
	v21 =	vsel vm1, $0x3F800000, v0  }
0x6eb: {  	v17 =	vadd.s32 s12, v19;
	v13 =	vshll.u32 v8, $0xA;
	v15 =	vshll.u32 v7, $0xA  }
0x6ec: {  	v11 =	vld [tilespmem:s25+$0x1400];
	vm2 =	veq.s32 v12, v8;
	v18 =	vadd.s32 s12, v15;
	v15 =	vshll.u32 v12, $0xA  }
0x6ed: {  	s22 =	sor.u32 s19, s22;
	s19 =	sor.u32 s21, s0;
	v16 =	vadd.s32 s12, v13;
	v13 =	vld [tilespmem:s26+$0x1400];
	[tilespmem:v23+s1+$0x0] =	vst.idx.msk vm15, v21;
	v20 =	vadd.s32 s12, v15;
	v15 =	vshll.u32 v10, $0xA  }
0x6ee: {  	s21 =	sor.u32 s23, s0;
	s24 =	sor.u32 s24, s0;
	s23 =	simm.s32 $0x8;
	vm1 =	veq.s32 v7, v6;
	v21 =	vadd.s32 s12, v22;
	[tilespmem:v63+s1+$0x0] =	vst.idx.msk vm3, v2;
	v19 =	vadd.s32 s12, v15;
	v15 =	vld [tilespmem:s28+$0x1400]  }
.LBB2_20:
0x6ef: {  	s23 =	sadd.s32 $0x4, s23;
	v18 =	vor.u32 v3, v18;
	v17 =	vor.u32 v3, v17;
	v20 =	vor.u32 v4, v20;
	v22 =	vld [tilespmem:s18+$0x1400];
	s13 =	sadd.s32 $0x40, s13;
	[tilespmem:s22+$0x0] =	vst v9;
	s22 =	smov.u32 s24  }
0x6f0: {  	v16 =	vor.u32 v4, v16;
	v21 =	vor.u32 v5, v21;
	v19 =	vor.u32 v5, v19;
	s2 =	sand.u32 $0x40, s13;
	s0 =	sshll.u32 s23, $0x4;
	p0 =	slt.u32 s23, $0x3C  }
0x6f1: {  	vm6 =	vlt.u32 v6, $0x21;
	vm8 =	vlt.u32 v7, $0x21;
	v3 =	vor.u32 s2, v1;
	s3 =	sand.u32 $0xFFFFFF80, s0;
	s6 =	sor.u32 $0x10, s2;
	s7 =	sor.u32 $0x30, s2  }
0x6f2: {  	vm4 =	vlt.u32 v8, $0x21;
	vm7 =	vlt.u32 v12, $0x21;
	s8 =	sor.u32 $0x20, s2;
	s25 =	sor.u32 s2, s3;
	v4 =	vor.u32 s6, v1;
	s18 =	sor.u32 s3, s7  }
0x6f3: {  	vm3 =	vlt.u32 v10, $0x21;
	vm5 =	vlt.u32 v14, $0x21;
	s26 =	sor.u32 s3, s6;
	v5 =	vor.u32 s8, v1;
	s0 =	sor.u32 s3, s8;
	v23 =	vld [tilespmem:s18+$0xC00]  }
0x6f4: {  	v9 =	vsel vm1, $0x3F800000, v0;
	s20 =	sadd.s32 $0xA000, s12;
	v14 =	vsel vm2, $0x3F800000, v0;
	s12 =	smov.u32 s3;
	v24 =	vld [tilespmem:s18+$0x400];
	vm1 =	vle.f32 v22, $-1.000000000e+00  }
0x6f5: {  	s28 =	sor.u32 s10, s20;
	s3 =	sor.u32 s9, s20;
	s9 =	sor.u32 s14, s20;
	v22 =	vsel vm0, $0x3F800000, v0;
	vm0 =	vle.f32 v11, $-1.000000000e+00;
	v6 =	vld [tilespmem:s25+$0x400];
	v8 =	vsel vm1, $0x3F800000, v0  }
0x6f6: {  	s24 =	sor.u32 s11, s20;
	s10 =	smov.u32 s6;
	v25 =	vsel vm0, $0x3F800000, v0;
	vm0 =	vle.f32 v13, $-1.000000000e+00;
	vm1 =	vle.f32 v15, $-1.000000000e+00;
	v7 =	vld [tilespmem:s25+$0xC00];
	[tilespmem:s9+$0x0] =	vst v8;
	s9 =	smov.u32 s2  }
0x6f7: {  	s14 =	smov.u32 s7;
	s11 =	smov.u32 s8;
	v26 =	vsel vm0, $0x3F800000, v0;
	v8 =	vld [tilespmem:s26+$0x400];
	[tilespmem:v18+s1+$0x0] =	vst.idx.msk vm8, v9;
	v9 =	vsel vm1, $0x3F800000, v0  }
0x6f8: {  	v11 =	vor.u32 s14, v1;
	v12 =	vld [tilespmem:s26+$0xC00];
	v13 =	vshll.u32 v23, $0xA;
	[tilespmem:v17+s1+$0x0] =	vst.idx.msk vm6, v2  }
0x6f9: {  	vm0 =	vlt.u32 v23, $0x21;
	v10 =	vld [tilespmem:s0+$0x400];
	v13 =	vadd.s32 s12, v13;
	v15 =	vshll.u32 v24, $0xA;
	[tilespmem:v20+s1+$0x0] =	vst.idx.msk vm7, v14  }
0x6fa: {  	vm6 =	vlt.u32 v24, $0x21;
	v14 =	vld [tilespmem:s0+$0xC00];
	v27 =	vor.u32 v11, v13;
	v13 =	vadd.s32 s12, v15;
	[tilespmem:v16+s1+$0x0] =	vst.idx.msk vm4, v2  }
0x6fb: {  	v16 =	vshll.u32 v6, $0xA;
	v15 =	vshll.u32 v7, $0xA;
	v28 =	vor.u32 v11, v13;
	v11 =	vld [tilespmem:s15+$0x1400];
	[tilespmem:v21+s1+$0x0] =	vst.idx.msk vm5, v22;
	s15 =	smov.u32 s25  }
.Ltmp9:
0x6fc: {  	v17 =	vadd.s32 s12, v16;
	v18 =	vadd.s32 s12, v15;
	v15 =	vshll.u32 v8, $0xA;
	v13 =	vld [tilespmem:s16+$0x1400];
	[tilespmem:v19+s1+$0x0] =	vst.idx.msk vm3, v2;
	s16 =	smov.u32 s26;
	(pc) =	sbr.rel @p0 .LBB2_20-.Ltmp9, $4  }
0x6fd: {  	vm1 =	veq.s32 v23, v24;
	v19 =	vshll.u32 v12, $0xA;
	v16 =	vadd.s32 s12, v15;
	v15 =	vld [tilespmem:s17+$0x1400];
	[tilespmem:s19+$0x0] =	vst v25;
	s17 =	smov.u32 s0;
	s19 =	smov.u32 s3  }
0x6fe: {  	v21 =	vsel vm1, $0x3F800000, v0;
	v20 =	vadd.s32 s12, v19;
	v19 =	vshll.u32 v10, $0xA;
	[tilespmem:s21+$0x0] =	vst v26;
	s21 =	smov.u32 s28  }
0x6ff: {  	vm1 =	veq.s32 v7, v6;
	v22 =	vshll.u32 v14, $0xA;
	v19 =	vadd.s32 s12, v19;
	[tilespmem:v27+s1+$0x0] =	vst.idx.msk vm0, v21  }
0x700: {  	vm2 =	veq.s32 v12, v8;
	vm0 =	veq.s32 v14, v10;
	v21 =	vadd.s32 s12, v22;
	[tilespmem:v28+s1+$0x0] =	vst.idx.msk vm6, v2  }
0x701: {  	vm3 =	vlt.u32 v7, $0x21  }
0x702: {  	v7 =	vor.u32 v3, v18;
	vm4 =	vlt.u32 v6, $0x21  }
0x703: {  	v3 =	vor.u32 v3, v17;
	vm5 =	vlt.u32 v12, $0x21  }
0x704: {  	v6 =	vor.u32 v4, v20;
	vm6 =	vlt.u32 v8, $0x21  }
0x705: {  	v4 =	vor.u32 v4, v16;
	vm7 =	vlt.u32 v14, $0x21  }
0x706: {  	v8 =	vor.u32 v5, v21;
	vm8 =	vlt.u32 v10, $0x21;
	v10 =	vsel vm1, $0x3F800000, v0  }
0x707: {  	v12 =	vld [tilespmem:s18+$0x1400];
	v5 =	vor.u32 v5, v19;
	[tilespmem:v7+s1+$0x0] =	vst.idx.msk vm3, v10  }
0x708: {  	v7 =	vsel vm2, $0x3F800000, v0;
	[tilespmem:v3+s1+$0x0] =	vst.idx.msk vm4, v2  }
0x709: {  	[tilespmem:v6+s1+$0x0] =	vst.idx.msk vm5, v7  }
0x70a: {  	v3 =	vsel vm0, $0x3F800000, v0;
	[tilespmem:v4+s1+$0x0] =	vst.idx.msk vm6, v2  }
0x70b: {  	v4 =	vld [tilespmem:s15+$0x1400];
	[tilespmem:v8+s1+$0x0] =	vst.idx.msk vm7, v3  }
0x70c: {  	s0 =	sadd.s32 $0xA000, s12;
	vm0 =	vle.f32 v12, $-1.000000000e+00;
	v3 =	vld [tilespmem:s16+$0x1400];
	[tilespmem:v5+s1+$0x0] =	vst.idx.msk vm8, v2  }
0x70d: {  	[tilespmem:s22+$0x0] =	vst v9;
	s2 =	sor.u32 s14, s0;
	v5 =	vsel vm0, $0x3F800000, v0;
	vm0 =	vle.f32 v11, $-1.000000000e+00;
	v6 =	vld [tilespmem:s17+$0x1400]  }
0x70e: {  	[tilespmem:s2+$0x0] =	vst v5;
	v5 =	vsel vm0, $0x3F800000, v0;
	vm0 =	vle.f32 v13, $-1.000000000e+00  }
0x70f: {  	vm1 =	vle.f32 v15, $-1.000000000e+00;
	v7 =	vsel vm0, $0x3F800000, v0;
	[tilespmem:s19+$0x0] =	vst v5  }
0x710: {  	v5 =	vsel vm1, $0x3F800000, v0;
	[tilespmem:s21+$0x0] =	vst v7;
	vm0 =	vle.f32 v4, $-1.000000000e+00  }
0x711: {  	s23 =	sor.u32 s9, s0;
	[tilespmem:s24+$0x0] =	vst v5;
	v4 =	vsel vm0, $0x3F800000, v0;
	vm0 =	vle.f32 v3, $-1.000000000e+00  }
0x712: {  	s3 =	sor.u32 s10, s0;
	vm1 =	vle.f32 v6, $-1.000000000e+00;
	v3 =	vsel vm0, $0x3F800000, v0;
	[tilespmem:s23+$0x0] =	vst v4  }
0x713: {  	s0 =	sor.u32 s11, s0;
	v4 =	vsel vm1, $0x3F800000, v0;
	[tilespmem:s3+$0x0] =	vst v3  }
0x714: {  	s25 =	simm.s32 $0x400;
	[tilespmem:s0+$0x0] =	vst v4  }
0x715: {  	s26 =	simm.s32 $0x40000;
	s28 =	simm.s32 $0x2;
	s0 =	rddreg [dreg:$0x1a]  }
0x716: {  	[hbm4b:s0+s25] =	stream.strided.scatter [tilespmem:s1], [sflag:$0x1], $0x8800, s26, s25, $0x38;
	[tilespmem:$0x1B400] =	vst v63  }
0x717: {  	_ =	swait.ge [sflag:s28], $0x8800  }
0x718: {  	[sflag:s28] =	ssyncset.done $0x0  }
0x719: {  	s30 =	simm.s32 $0x5;
	[sflag:s28] =	ssyncadd.s32 $0xFFFF7800  }
0x71a: {  	_ =	swait.ge [sflag:s30], $0x400  }
0x71b: {  	[sflag:s30] =	ssyncset.done $0x0  }
0x71c: {  	s3 =	simm.s32 $0x0;
	[sflag:s30] =	ssyncadd.s32 $0xFFFFFC00  }
0x71d: {  	s6 =	simm.s32 $0x0;
	s16 =	sand.u32 $0x40, s3;
	_ =	swait.ge [sflag:s30], $0x400  }
0x71e: {  	s7 =	sand.u32 $0xFFFFFF80, s6;
	s8 =	sor.u32 $0x30, s16;
	[sflag:s30] =	ssyncset.done $0x0  }
0x71f: {  	s13 =	sor.u32 s7, s8;
	[sflag:s30] =	ssyncadd.s32 $0xFFFFFC00  }
0x720: {  	v3 =	vld [tilespmem:s13+$0x1000]  }
0x721: {  	s14 =	sor.u32 s16, s7;
	v4 =	vld [tilespmem:s13+$0x800]  }
0x722: {  	s17 =	sor.u32 $0x10, s16;
	v5 =	vld [tilespmem:s14+$0x800]  }
0x723: {  	s18 =	sor.u32 s7, s17;
	v6 =	vld [tilespmem:s14+$0x1000]  }
0x724: {  	v8 =	vld [tilespmem:s18+$0x800]  }
0x725: {  	s19 =	sor.u32 $0x20, s16;
	v10 =	vld [tilespmem:s18+$0x1000]  }
0x726: {  	v7 =	vor.u32 s16, v1;
	s20 =	sor.u32 s7, s19  }
0x727: {  	v9 =	vor.u32 s17, v1;
	v11 =	vor.u32 s8, v1;
	v15 =	vld [tilespmem:s20+$0x1000];
	v12 =	vshll.u32 v3, $0xA  }
0x728: {  	vm0 =	vlt.u32 v3, $0x21;
	v14 =	vshll.u32 v4, $0xA;
	vm2 =	vlt.u32 v4, $0x21  }
0x729: {  	v16 =	vshll.u32 v6, $0xA;
	v17 =	vshll.u32 v5, $0xA;
	v18 =	vshll.u32 v8, $0xA  }
0x72a: {  	s28 =	simm.s32 $0x40;
	v19 =	vshll.u32 v10, $0xA;
	vm1 =	veq.s32 v3, v4;
	v12 =	vadd.s32 s7, v12  }
0x72b: {  	s21 =	sand.u32 $0x40, s28;
	s30 =	simm.s32 $0x40;
	v13 =	vld [tilespmem:s20+$0x800];
	vm4 =	veq.s32 v6, v5;
	v14 =	vadd.s32 s7, v14;
	v12 =	vor.u32 v11, v12  }
0x72c: {  	s23 =	sor.u32 $0x10, s21;
	s0 =	sand.u32 $0xFFFFFF80, s30;
	s30 =	sor.u32 $0x30, s21;
	v20 =	vshll.u32 v15, $0xA;
	vm13 =	veq.s32 v10, v8;
	v11 =	vor.u32 v11, v14  }
0x72d: {  	s24 =	sor.u32 $0x20, s21;
	s3 =	sor.u32 s0, s30;
	vm3 =	vlt.u32 v5, $0x21;
	vm14 =	vlt.u32 v6, $0x21;
	v6 =	vor.u32 s23, v1  }
0x72e: {  	s26 =	sor.u32 s0, s23;
	v5 =	vld [tilespmem:s3+$0x800];
	vm15 =	vlt.u32 v8, $0x21;
	vm12 =	vlt.u32 v10, $0x21;
	v8 =	vor.u32 s24, v1  }
0x72f: {  	v21 =	vld [tilespmem:s26+$0x1000];
	v16 =	vadd.s32 s7, v16;
	v3 =	vadd.s32 s7, v18;
	v18 =	vsel vm1, $0x3F800000, v0  }
0x730: {  	v17 =	vadd.s32 s7, v17;
	v4 =	vadd.s32 s7, v19;
	v19 =	vshll.u32 v13, $0xA;
	[tilespmem:v12+s4+$0x0] =	vst.idx.msk vm0, v18  }
0x731: {  	vm1 =	veq.s32 v15, v13;
	v14 =	vor.u32 s19, v1;
	v16 =	vor.u32 v7, v16;
	[tilespmem:v11+s4+$0x0] =	vst.idx.msk vm2, v2  }
0x732: {  	v7 =	vor.u32 v7, v17;
	v4 =	vor.u32 v9, v4;
	v11 =	vadd.s32 s7, v20;
	v17 =	vld [tilespmem:s13+$0x1800]  }
0x733: {  	s25 =	sor.u32 s21, s0;
	v3 =	vor.u32 v9, v3;
	v22 =	vshll.u32 v5, $0xA;
	v9 =	vor.u32 v14, v11;
	v11 =	vld [tilespmem:s3+$0x1000]  }
0x734: {  	v10 =	vld [tilespmem:s25+$0x1000];
	vm5 =	vlt.u32 v21, $0x21;
	vm10 =	vlt.u32 v5, $0x21;
	v22 =	vadd.s32 s0, v22  }
0x735: {  	v12 =	vadd.s32 s7, v19;
	vm0 =	vlt.u32 v13, $0x21;
	v13 =	vsel vm4, $0x3F800000, v0;
	v18 =	vld [tilespmem:s25+$0x800]  }
0x736: {  	s28 =	sor.u32 s0, s24;
	v19 =	vor.u32 s30, v1;
	vm2 =	vlt.u32 v15, $0x21;
	v15 =	vsel vm13, $0x3F800000, v0;
	[tilespmem:v16+s4+$0x0] =	vst.idx.msk vm14, v13  }
0x737: {  	v23 =	vld [tilespmem:s28+$0x800];
	v12 =	vor.u32 v14, v12;
	v13 =	vsel vm1, $0x3F800000, v0;
	v14 =	vor.u32 s21, v1;
	[tilespmem:v4+s4+$0x0] =	vst.idx.msk vm12, v15  }
0x738: {  	[tilespmem:v3+s4+$0x0] =	vst.idx.msk vm15, v2;
	v3 =	vshll.u32 v21, $0xA;
	vm13 =	vle.f32 v17, $-1.000000000e+00;
	v17 =	vld [tilespmem:s26+$0x800];
	v20 =	vshll.u32 v11, $0xA  }
0x739: {  	vm15 =	vlt.u32 v10, $0x21;
	vm9 =	vlt.u32 v11, $0x21;
	v20 =	vadd.s32 s0, v20  }
0x73a: {  	v3 =	vadd.s32 s0, v3;
	v4 =	vshll.u32 v18, $0xA;
	v20 =	vor.u32 v19, v20  }
0x73b: {  	v16 =	vld [tilespmem:s28+$0x1000];
	vm14 =	veq.s32 v10, v18;
	vm4 =	vlt.u32 v18, $0x21;
	v19 =	vor.u32 v19, v22  }
0x73c: {  	s6 =	simm.s32 $0x80;
	s13 =	simm.s32 $0x80;
	v4 =	vadd.s32 s0, v4;
	vm1 =	veq.s32 v11, v5;
	v22 =	vshll.u32 v10, $0xA  }
0x73d: {  	s12 =	sand.u32 $0xFFFFFF80, s6;
	[tilespmem:v7+s4+$0x0] =	vst.idx.msk vm3, v2;
	s9 =	sand.u32 $0x40, s13;
	v11 =	vshll.u32 v23, $0xA;
	v22 =	vadd.s32 s0, v22;
	v7 =	vshll.u32 v17, $0xA  }
0x73e: {  	v24 =	vld [tilespmem:s18+$0x1800];
	s15 =	sor.u32 s9, s12;
	[tilespmem:v9+s4+$0x0] =	vst.idx.msk vm2, v13;
	v13 =	vor.u32 v14, v22;
	v5 =	vadd.s32 s0, v7;
	v7 =	vsel vm1, $0x3F800000, v0  }
0x73f: {  	v15 =	vsel vm13, $0x3F800000, v0;
	[tilespmem:v20+s4+$0x0] =	vst.idx.msk vm9, v7;
	v20 =	vor.u32 v6, v3;
	v22 =	vor.u32 v6, v5;
	v6 =	vld [tilespmem:s15+$0x800]  }
0x740: {  	v11 =	vadd.s32 s0, v11;
	v14 =	vor.u32 v14, v4;
	v7 =	vshll.u32 v16, $0xA;
	[tilespmem:v19+s4+$0x0] =	vst.idx.msk vm10, v2;
	v19 =	vld [tilespmem:s14+$0x1800]  }
0x741: {  	s22 =	sadd.s32 $0x12800, s7;
	[tilespmem:v12+s4+$0x0] =	vst.idx.msk vm0, v2;
	vm0 =	vlt.u32 v23, $0x21;
	vm13 =	vlt.u32 v16, $0x21;
	v7 =	vadd.s32 s0, v7;
	s14 =	sor.u32 $0x30, s9;
	v9 =	vld [tilespmem:s3+$0x1800]  }
0x742: {  	s7 =	sor.u32 s8, s22;
	s10 =	sor.u32 $0x10, s9;
	v26 =	vor.u32 v8, v11;
	v10 =	vsel vm14, $0x3F800000, v0;
	v25 =	vor.u32 v8, v7;
	v8 =	vld [tilespmem:s20+$0x1800];
	s18 =	sor.u32 s12, s14  }
0x743: {  	s11 =	sor.u32 $0x20, s9;
	[tilespmem:s7+$0x0] =	vst v15;
	v4 =	vor.u32 s10, v1;
	vm3 =	veq.s32 v21, v17;
	vm2 =	vlt.u32 v17, $0x21;
	s0 =	sadd.s32 $0x12800, s0;
	v11 =	vld [tilespmem:s18+$0x1000]  }
0x744: {  	vm1 =	veq.s32 v16, v23;
	v15 =	vsel vm3, $0x3F800000, v0;
	vm3 =	vle.f32 v24, $-1.000000000e+00;
	s8 =	sor.u32 s30, s0;
	s30 =	sor.u32 s17, s22;
	s17 =	sor.u32 s12, s11;
	[tilespmem:v13+s4+$0x0] =	vst.idx.msk vm15, v10;
	v21 =	vld [tilespmem:s18+$0x800]  }
0x745: {  	v3 =	vor.u32 s9, v1;
	v5 =	vor.u32 s11, v1;
	v10 =	vld [tilespmem:s17+$0x800];
	[tilespmem:v14+s4+$0x0] =	vst.idx.msk vm4, v2;
	vm14 =	vle.f32 v19, $-1.000000000e+00  }
0x746: {  	v16 =	vsel vm1, $0x3F800000, v0;
	s20 =	sor.u32 s16, s22;
	s16 =	sor.u32 s12, s10;
	v14 =	vld [tilespmem:s17+$0x1000];
	[tilespmem:v20+s4+$0x0] =	vst.idx.msk vm5, v15;
	vm12 =	vle.f32 v9, $-1.000000000e+00;
	v9 =	vsel vm14, $0x3F800000, v0  }
0x747: {  	v17 =	vor.u32 s14, v1;
	vm1 =	vle.f32 v8, $-1.000000000e+00;
	v8 =	vld [tilespmem:s16+$0x800];
	v7 =	vsel vm12, $0x3F800000, v0;
	[tilespmem:s20+$0x0] =	vst v9  }
0x748: {  	v19 =	vshll.u32 v6, $0xA;
	v9 =	vsel vm3, $0x3F800000, v0;
	v18 =	vshll.u32 v11, $0xA;
	[tilespmem:s8+$0x0] =	vst v7;
	v7 =	vld [tilespmem:s15+$0x1000]  }
0x749: {  	v12 =	vld [tilespmem:s16+$0x1000];
	[tilespmem:v22+s4+$0x0] =	vst.idx.msk vm2, v2;
	vm15 =	vlt.u32 v11, $0x21;
	v13 =	vadd.s32 s12, v18;
	v18 =	vshll.u32 v21, $0xA  }
0x74a: {  	[tilespmem:v25+s4+$0x0] =	vst.idx.msk vm13, v16;
	vm3 =	vlt.u32 v21, $0x21;
	v23 =	vor.u32 v17, v13;
	v13 =	vadd.s32 s12, v18  }
0x74b: {  	[tilespmem:s30+$0x0] =	vst v9;
	v9 =	vsel vm1, $0x3F800000, v0;
	vm1 =	veq.s32 v11, v21;
	v63 =	vor.u32 v17, v13  }
0x74c: {  	[tilespmem:v26+s4+$0x0] =	vst.idx.msk vm0, v2;
	v22 =	vshll.u32 v14, $0xA;
	vm0 =	veq.s32 v14, v10;
	v21 =	vsel vm1, $0x3F800000, v0  }
0x74d: {  	v17 =	vadd.s32 s12, v19;
	v13 =	vshll.u32 v8, $0xA;
	v15 =	vshll.u32 v7, $0xA  }
0x74e: {  	v11 =	vld [tilespmem:s25+$0x1800];
	vm2 =	veq.s32 v12, v8;
	v18 =	vadd.s32 s12, v15;
	v15 =	vshll.u32 v12, $0xA  }
0x74f: {  	s22 =	sor.u32 s19, s22;
	s19 =	sor.u32 s21, s0;
	v16 =	vadd.s32 s12, v13;
	v13 =	vld [tilespmem:s26+$0x1800];
	[tilespmem:v23+s4+$0x0] =	vst.idx.msk vm15, v21;
	v20 =	vadd.s32 s12, v15;
	v15 =	vshll.u32 v10, $0xA  }
0x750: {  	s21 =	sor.u32 s23, s0;
	s24 =	sor.u32 s24, s0;
	s23 =	simm.s32 $0x8;
	vm1 =	veq.s32 v7, v6;
	v21 =	vadd.s32 s12, v22;
	[tilespmem:v63+s4+$0x0] =	vst.idx.msk vm3, v2;
	v19 =	vadd.s32 s12, v15;
	v15 =	vld [tilespmem:s28+$0x1800]  }
.LBB2_22:
0x751: {  	s23 =	sadd.s32 $0x4, s23;
	v18 =	vor.u32 v3, v18;
	v17 =	vor.u32 v3, v17;
	v20 =	vor.u32 v4, v20;
	v22 =	vld [tilespmem:s18+$0x1800];
	s13 =	sadd.s32 $0x40, s13;
	[tilespmem:s22+$0x0] =	vst v9;
	s22 =	smov.u32 s24  }
0x752: {  	v16 =	vor.u32 v4, v16;
	v21 =	vor.u32 v5, v21;
	v19 =	vor.u32 v5, v19;
	s2 =	sand.u32 $0x40, s13;
	s0 =	sshll.u32 s23, $0x4;
	p0 =	slt.u32 s23, $0x3C  }
0x753: {  	vm6 =	vlt.u32 v6, $0x21;
	vm8 =	vlt.u32 v7, $0x21;
	v3 =	vor.u32 s2, v1;
	s3 =	sand.u32 $0xFFFFFF80, s0;
	s6 =	sor.u32 $0x10, s2;
	s7 =	sor.u32 $0x30, s2  }
0x754: {  	vm4 =	vlt.u32 v8, $0x21;
	vm7 =	vlt.u32 v12, $0x21;
	s8 =	sor.u32 $0x20, s2;
	s25 =	sor.u32 s2, s3;
	v4 =	vor.u32 s6, v1;
	s18 =	sor.u32 s3, s7  }
0x755: {  	vm3 =	vlt.u32 v10, $0x21;
	vm5 =	vlt.u32 v14, $0x21;
	s26 =	sor.u32 s3, s6;
	v5 =	vor.u32 s8, v1;
	s0 =	sor.u32 s3, s8;
	v23 =	vld [tilespmem:s18+$0x1000]  }
0x756: {  	v9 =	vsel vm1, $0x3F800000, v0;
	s20 =	sadd.s32 $0x12800, s12;
	v14 =	vsel vm2, $0x3F800000, v0;
	s12 =	smov.u32 s3;
	v24 =	vld [tilespmem:s18+$0x800];
	vm1 =	vle.f32 v22, $-1.000000000e+00  }
0x757: {  	s28 =	sor.u32 s10, s20;
	s3 =	sor.u32 s9, s20;
	s9 =	sor.u32 s14, s20;
	v22 =	vsel vm0, $0x3F800000, v0;
	vm0 =	vle.f32 v11, $-1.000000000e+00;
	v6 =	vld [tilespmem:s25+$0x800];
	v8 =	vsel vm1, $0x3F800000, v0  }
0x758: {  	s24 =	sor.u32 s11, s20;
	s10 =	smov.u32 s6;
	v25 =	vsel vm0, $0x3F800000, v0;
	vm0 =	vle.f32 v13, $-1.000000000e+00;
	vm1 =	vle.f32 v15, $-1.000000000e+00;
	v7 =	vld [tilespmem:s25+$0x1000];
	[tilespmem:s9+$0x0] =	vst v8;
	s9 =	smov.u32 s2  }
0x759: {  	s14 =	smov.u32 s7;
	s11 =	smov.u32 s8;
	v26 =	vsel vm0, $0x3F800000, v0;
	v8 =	vld [tilespmem:s26+$0x800];
	[tilespmem:v18+s4+$0x0] =	vst.idx.msk vm8, v9;
	v9 =	vsel vm1, $0x3F800000, v0  }
0x75a: {  	v11 =	vor.u32 s14, v1;
	v12 =	vld [tilespmem:s26+$0x1000];
	v13 =	vshll.u32 v23, $0xA;
	[tilespmem:v17+s4+$0x0] =	vst.idx.msk vm6, v2  }
0x75b: {  	vm0 =	vlt.u32 v23, $0x21;
	v10 =	vld [tilespmem:s0+$0x800];
	v13 =	vadd.s32 s12, v13;
	v15 =	vshll.u32 v24, $0xA;
	[tilespmem:v20+s4+$0x0] =	vst.idx.msk vm7, v14  }
0x75c: {  	vm6 =	vlt.u32 v24, $0x21;
	v14 =	vld [tilespmem:s0+$0x1000];
	v27 =	vor.u32 v11, v13;
	v13 =	vadd.s32 s12, v15;
	[tilespmem:v16+s4+$0x0] =	vst.idx.msk vm4, v2  }
0x75d: {  	v16 =	vshll.u32 v6, $0xA;
	v15 =	vshll.u32 v7, $0xA;
	v28 =	vor.u32 v11, v13;
	v11 =	vld [tilespmem:s15+$0x1800];
	[tilespmem:v21+s4+$0x0] =	vst.idx.msk vm5, v22;
	s15 =	smov.u32 s25  }
.Ltmp10:
0x75e: {  	v17 =	vadd.s32 s12, v16;
	v18 =	vadd.s32 s12, v15;
	v15 =	vshll.u32 v8, $0xA;
	v13 =	vld [tilespmem:s16+$0x1800];
	[tilespmem:v19+s4+$0x0] =	vst.idx.msk vm3, v2;
	s16 =	smov.u32 s26;
	(pc) =	sbr.rel @p0 .LBB2_22-.Ltmp10, $4  }
0x75f: {  	vm1 =	veq.s32 v23, v24;
	v19 =	vshll.u32 v12, $0xA;
	v16 =	vadd.s32 s12, v15;
	v15 =	vld [tilespmem:s17+$0x1800];
	[tilespmem:s19+$0x0] =	vst v25;
	s17 =	smov.u32 s0;
	s19 =	smov.u32 s3  }
0x760: {  	v21 =	vsel vm1, $0x3F800000, v0;
	v20 =	vadd.s32 s12, v19;
	v19 =	vshll.u32 v10, $0xA;
	[tilespmem:s21+$0x0] =	vst v26;
	s21 =	smov.u32 s28  }
0x761: {  	vm1 =	veq.s32 v7, v6;
	v22 =	vshll.u32 v14, $0xA;
	v19 =	vadd.s32 s12, v19;
	[tilespmem:v27+s4+$0x0] =	vst.idx.msk vm0, v21  }
0x762: {  	vm2 =	veq.s32 v12, v8;
	vm0 =	veq.s32 v14, v10;
	v21 =	vadd.s32 s12, v22;
	[tilespmem:v28+s4+$0x0] =	vst.idx.msk vm6, v2  }
0x763: {  	vm3 =	vlt.u32 v7, $0x21  }
0x764: {  	v49 =	vor.u32 v3, v18;
	vm5 =	vlt.u32 v12, $0x21  }
0x765: {  	vm4 =	vlt.u32 v6, $0x21;
	v50 =	vor.u32 v4, v20  }
0x766: {  	v3 =	vor.u32 v3, v17;
	vm6 =	vlt.u32 v8, $0x21  }
0x767: {  	v51 =	vor.u32 v4, v16;
	vm7 =	vlt.u32 v14, $0x21  }
0x768: {  	v52 =	vor.u32 v5, v21;
	vm8 =	vlt.u32 v10, $0x21;
	v53 =	vsel vm1, $0x3F800000, v0  }
0x769: {  	v55 =	vor.u32 v5, v19;
	v56 =	vsel vm2, $0x3F800000, v0;
	[tilespmem:v49+s4+$0x0] =	vst.idx.msk vm3, v53  }
0x76a: {  	[tilespmem:v50+s4+$0x0] =	vst.idx.msk vm5, v56  }
0x76b: {  	[tilespmem:v3+s4+$0x0] =	vst.idx.msk vm4, v2  }
0x76c: {  	v54 =	vld [tilespmem:s18+$0x1800];
	v3 =	vsel vm0, $0x3F800000, v0;
	[tilespmem:v51+s4+$0x0] =	vst.idx.msk vm6, v2  }
0x76d: {  	v57 =	vld [tilespmem:s15+$0x1800];
	[tilespmem:v52+s4+$0x0] =	vst.idx.msk vm7, v3  }
0x76e: {  	vm10 =	vle.f32 v11, $-1.000000000e+00;
	v3 =	vld [tilespmem:s16+$0x1800];
	[tilespmem:v55+s4+$0x0] =	vst.idx.msk vm8, v2  }
0x76f: {  	[tilespmem:s22+$0x0] =	vst v9;
	vm11 =	vle.f32 v13, $-1.000000000e+00;
	v60 =	vsel vm10, $0x3F800000, v0;
	v59 =	vld [tilespmem:s17+$0x1800]  }
0x770: {  	vm12 =	vle.f32 v15, $-1.000000000e+00;
	v61 =	vsel vm11, $0x3F800000, v0;
	[tilespmem:s19+$0x0] =	vst v60  }
0x771: {  	s0 =	sadd.s32 $0x12800, s12;
	v62 =	vsel vm12, $0x3F800000, v0;
	[tilespmem:s21+$0x0] =	vst v61;
	vm9 =	vle.f32 v54, $-1.000000000e+00  }
0x772: {  	s2 =	sor.u32 s14, s0;
	[tilespmem:s24+$0x0] =	vst v62;
	v58 =	vsel vm9, $0x3F800000, v0;
	vm13 =	vle.f32 v57, $-1.000000000e+00  }
0x773: {  	s23 =	sor.u32 s9, s0;
	[tilespmem:s2+$0x0] =	vst v58;
	vm14 =	vle.f32 v3, $-1.000000000e+00;
	v4 =	vsel vm13, $0x3F800000, v0  }
0x774: {  	s3 =	sor.u32 s10, s0;
	v3 =	vsel vm14, $0x3F800000, v0;
	vm15 =	vle.f32 v59, $-1.000000000e+00;
	[tilespmem:s23+$0x0] =	vst v4  }
0x775: {  	s0 =	sor.u32 s11, s0;
	[tilespmem:s3+$0x0] =	vst v3;
	v63 =	vsel vm15, $0x3F800000, v0  }
0x776: {  	[tilespmem:s0+$0x0] =	vst v63  }
0x777: {  	s25 =	simm.s32 $0x40000;
	s24 =	simm.s32 $0x400;
	s0 =	rddreg [dreg:$0x1b]  }
0x778: {  	[hbm4b:s0+s24] =	stream.strided.scatter [tilespmem:s4], [sflag:$0x2], $0x8800, s25, s24, $0x38;
	[tilespmem:$0x1B400] =	vst v63  }
0x779: {  	_ =	swait.ge [sflag:s29], $0x8800  }
0x77a: {  	[sflag:s29] =	ssyncset.done $0x0  }
0x77b: {  	s26 =	simm.s32 $0x2;
	[sflag:s29] =	ssyncadd.s32 $0xFFFF7800  }
0x77c: {  	_ =	swait.ge [sflag:s26], $0x8800  }
0x77d: {  	[sflag:s26] =	ssyncset.done $0x0  }
0x77e: {  	s28 =	simm.s32 $0x3;
	[sflag:s26] =	ssyncadd.s32 $0xFFFF7800  }
0x77f: {  	_ =	swait.ge [sflag:s28], $0x8800  }
0x780: {  	s29 =	rddreg [dreg:$0x1d]  }
0x781: {  	s30 =	rddreg [dreg:$0x1c];
	s3 =	sadd.s32 $0x1, s29  }
0x782: {  	p0 =	sne.s32 s3, s30  }
.Ltmp11:
0x783: {  	_ = 	snop;
	(pc) =	sbr.rel @p0 .LBB2_1-.Ltmp11, $3  }
0x784: {  	_ =	sdelay $0x1  }
0x785: {  	[sflag:s28] =	ssyncset.done $0x0  }
0x786: {  	[sflag:s28] =	ssyncadd.s32 $0xFFFF7800  }
0x787: {  	_ =	sfence.sel $0x180000  }
0x788: {  	[bflag:$0x0] =	sbarrier.arrive $0xFFFF  }
0x789: {  	_ =	strace $0x90000047  }
0x78a: {  	s0 =	stileid.u32;
	[bflag:$0x2] =	sbarrier.arrive $0xFFFF  }
0x78b: {  	p0 =	sne.s32 s0, $0x0;
	s0 =	rddreg [dreg:$0x3]  }
0x78c: {  	s0 =	sadd.s32 @!p0 $0x100000, s0  }
0x78d: {  	[sflag:s0] =	ssyncadd.tile.s32 @!p0 $0x1;
	_ =	shalt  }
.Lfunc_end2:
_tile_overlayer_lowered:
.L_overlay_start_2:
0x78e: {  	(tag) =	ssettag $0x2  }
0x78f: {  	s0 =	rddreg [dreg:$0x0];
	s2 =	stileid.u32  }
0x790: {  	s1 =	rddreg [dreg:$0x1];
	p0 =	sne.s32 s2, $0x0  }
0x791: {  	s3 =	rddreg [dreg:$0x2];
	[bflag:$0x3] =	sbarrier.arrive $0xFFFF;
	s2 =	simm.s32 @!p0 $0x1C06  }
0x792: {  	[timem:s3], [sflag:s2] =	dma.local @!p0 [hbm:s0], s1  }
0x793: {  	s0 =	simm.s32 @!p0 $0x6  }
0x794: {  	_ =	swait.ge @!p0 [sflag:s0], s1  }
0x795: {  	s1 =	ssub.s32 @!p0 $0x0, s1;
	[sflag:s0] =	ssyncset.done @!p0 $0x0  }
0x796: {  	[sflag:s0] =	ssyncadd.s32 @!p0 s1  }
0x797: {  	[bflag:$0x3] =	sbarrier.arrive $0xFFFF  }
0x798: {  	_ =	shalt  }

</sc_bundles>
